<compile_context>
chip_gen: v7x
topology: tpu7x:2x2x1
jax: 0.10.2.dev20260603
libtpu: 0.0.44.dev20260713+nightly
codegen_flags: <defaults>
</compile_context>

<pallas_src>
import functools

import jax
import jax.numpy as jnp
from jax import lax
from jax.experimental import pallas as pl
from jax.experimental.pallas import tpu as pltpu
from jax.experimental.pallas import tpu_sc as plsc

_NUM_ENTITY = 1000000
_DIM = 32
_BATCH = 16384
_EPR = 128 // _DIM
_NROWS = _NUM_ENTITY // _EPR
_NCOL = _NUM_ENTITY // 128
_TAIL = _NUM_ENTITY - _NCOL * 128

_info = plsc.get_sparse_core_info()
_NC = _info.num_cores
_NS = _info.num_subcores
_L = _info.num_lanes
_NW = _NC * _NS
_CPW = (_NCOL + 1 + _NW - 1) // _NW

_BPW = _BATCH // _NW
_HALF = _BPW // 2
_CHUNK = 128
_GROUPS = _HALF // _L

_mesh = plsc.VectorSubcoreMesh(core_axis_name="c", subcore_axis_name="s")
_params = pltpu.CompilerParams(
    needs_layout_passes=False, use_tc_tiling_on_sc=True)


def _shuffle2(src0, dst0, src1, dst1):
    lanes = lax.iota(jnp.int32, _L)

    def body(t, carry):
        for u in range(4):
            tu = t * 4 + u
            be = lax.shift_right_logical(tu, 4)
            k = lax.bitwise_and(tu, _L - 1)
            e_vec = be * _L + lax.bitwise_and(lanes + k, _L - 1)
            j_vec = lax.shift_right_logical(e_vec, 2)
            a32 = lax.bitwise_and(e_vec, 3) * _DIM
            for bd in range(2):
                d_vec = bd * _L + lanes
                l_vec = a32 + d_vec
                v0 = plsc.load_gather(src0, [d_vec, e_vec])
                plsc.store_scatter(dst0, [j_vec, l_vec], v0)
                v1 = plsc.load_gather(src1, [d_vec, e_vec])
                plsc.store_scatter(dst1, [j_vec, l_vec], v1)
        return carry

    lax.fori_loop(0, 2 * _L, body, 0)


@functools.partial(
    pl.kernel,
    mesh=_mesh,
    compiler_params=_params,
    out_type=(jax.ShapeDtypeStruct((_NROWS, 128), jnp.float32),
              jax.ShapeDtypeStruct((_NROWS, 128), jnp.float32)),
    scratch_types=[
        pltpu.VMEM((32, 128), jnp.float32),
        pltpu.VMEM((32, 128), jnp.float32),
        pltpu.VMEM((32, 128), jnp.float32),
        pltpu.VMEM((32, 128), jnp.float32),
        pltpu.VMEM((32, 128), jnp.float32),
        pltpu.VMEM((32, 128), jnp.float32),
        pltpu.VMEM((32, 128), jnp.float32),
        pltpu.VMEM((32, 128), jnp.float32),
        pltpu.VMEM((32, 128), jnp.float32),
        pltpu.VMEM((32, 128), jnp.float32),
        pltpu.VMEM((32, 128), jnp.float32),
        pltpu.VMEM((32, 128), jnp.float32),
        pltpu.SemaphoreType.DMA,
        pltpu.SemaphoreType.DMA,
        pltpu.SemaphoreType.DMA,
        pltpu.SemaphoreType.DMA,
    ],
)
def _sc_relayout(wt_in, wt_out, tail_in, tail_out, g_in, g_out,
                 ia0, ia1, ib0, ib1, ic0, ic1,
                 oa0, oa1, ob0, ob1, oc0, oc1,
                 sin_a, sin_b, sin_c, sout):
    wid = lax.axis_index("s") * _NC + lax.axis_index("c")
    lo = wid * _CPW
    hi = jnp.minimum(lo + _CPW, _NCOL)
    n = hi - lo
    ins = ((ia0, ia1), (ib0, ib1), (ic0, ic1))
    outs = ((oa0, oa1), (ob0, ob1), (oc0, oc1))
    sems = (sin_a, sin_b, sin_c)

    def fetch(q, buf):
        sl = pl.ds(pl.multiple_of(q * 128, 128), 128)
        pltpu.async_copy(wt_in.at[:, sl], ins[buf][0], sems[buf])
        pltpu.async_copy(wt_out.at[:, sl], ins[buf][1], sems[buf])

    def drain_in(buf):
        pltpu.make_async_copy(
            wt_in.at[:, pl.ds(0, 128)], ins[buf][0], sems[buf]).wait()
        pltpu.make_async_copy(
            wt_in.at[:, pl.ds(0, 128)], ins[buf][1], sems[buf]).wait()

    def drain_out():
        pltpu.make_async_copy(
            wt_in.at[:, pl.ds(0, 128)], oa0, sout).wait()
        pltpu.make_async_copy(
            wt_in.at[:, pl.ds(0, 128)], oa1, sout).wait()

    @pl.when(n > 0)
    def _():
        fetch(lo, 0)

        @pl.when(n > 1)
        def _():
            fetch(lo + 1, 1)

        def body(c, carry):
            q = lo + c
            r = lax.rem(c, 3)

            @pl.when(c + 2 < n)
            def _():
                @pl.when(r == 0)
                def _():
                    fetch(q + 2, 2)

                @pl.when(r == 1)
                def _():
                    fetch(q + 2, 0)

                @pl.when(r == 2)
                def _():
                    fetch(q + 2, 1)

            @pl.when(c >= 3)
            def _():
                drain_out()

            dstq = pl.ds(pl.multiple_of(q * 32, 32), 32)

            @pl.when(r == 0)
            def _():
                drain_in(0)
                _shuffle2(ia0, oa0, ia1, oa1)
                pltpu.async_copy(oa0, g_in.at[dstq], sout)
                pltpu.async_copy(oa1, g_out.at[dstq], sout)

            @pl.when(r == 1)
            def _():
                drain_in(1)
                _shuffle2(ib0, ob0, ib1, ob1)
                pltpu.async_copy(ob0, g_in.at[dstq], sout)
                pltpu.async_copy(ob1, g_out.at[dstq], sout)

            @pl.when(r == 2)
            def _():
                drain_in(2)
                _shuffle2(ic0, oc0, ic1, oc1)
                pltpu.async_copy(oc0, g_in.at[dstq], sout)
                pltpu.async_copy(oc1, g_out.at[dstq], sout)

            return carry

        lax.fori_loop(0, n, body, 0)

        @pl.when(n >= 3)
        def _():
            drain_out()

        @pl.when(n >= 2)
        def _():
            drain_out()

        @pl.when(n >= 1)
        def _():
            drain_out()

    @pl.when(wid == _NW - 1)
    def _():
        nr = _TAIL // 4
        rows = pl.ds(_NCOL * 32, nr)
        pltpu.sync_copy(tail_in, ia0.at[pl.ds(0, nr)])
        pltpu.sync_copy(tail_out, ia1.at[pl.ds(0, nr)])
        pltpu.sync_copy(ia0.at[pl.ds(0, nr)], g_in.at[rows])
        pltpu.sync_copy(ia1.at[pl.ds(0, nr)], g_out.at[rows])


@functools.partial(
    pl.kernel,
    mesh=_mesh,
    compiler_params=_params,
    out_type=jax.ShapeDtypeStruct((_BATCH,), jnp.float32),
    scratch_types=[
        pltpu.VMEM((_BPW,), jnp.int32),
        pltpu.VMEM((_BPW,), jnp.int32),
        pltpu.VMEM((_HALF, 128), jnp.float32),
        pltpu.VMEM((_HALF, 128), jnp.float32),
        pltpu.VMEM((_HALF,), jnp.int32),
        pltpu.VMEM((_HALF,), jnp.int32),
        pltpu.VMEM((_BPW,), jnp.float32),
        pltpu.SemaphoreType.DMA,
        pltpu.SemaphoreType.DMA,
    ],
)
def _sc_pair_dot(idx0_hbm, idx1_hbm, win_hbm, wout_hbm, out_hbm,
                 idx0_v, idx1_v, in_bl, out_bl, row0_v, row1_v, res_v,
                 sem_a, sem_b):
    wid = lax.axis_index("s") * _NC + lax.axis_index("c")
    base = wid * _BPW

    pltpu.sync_copy(idx0_hbm.at[pl.ds(base, _BPW)], idx0_v)
    pltpu.sync_copy(idx1_hbm.at[pl.ds(base, _BPW)], idx1_v)

    lanes = lax.iota(jnp.int32, _L)

    for half in range(2):
        hoff = half * _HALF

        def rows_body(g, carry):
            sl = pl.ds(g * _L, _L)
            row0_v[sl] = lax.shift_right_logical(
                idx0_v[pl.ds(hoff + g * _L, _L)], 2)
            row1_v[sl] = lax.shift_right_logical(
                idx1_v[pl.ds(hoff + g * _L, _L)], 2)
            return carry

        lax.fori_loop(0, _GROUPS, rows_body, 0)

        copies = []
        for k in range(_HALF // _CHUNK):
            sl = pl.ds(k * _CHUNK, _CHUNK)
            copies.append(pltpu.async_copy(
                win_hbm.at[row0_v.at[sl]], in_bl.at[sl], sem_a))
            copies.append(pltpu.async_copy(
                wout_hbm.at[row1_v.at[sl]], out_bl.at[sl], sem_b))
        for cp in copies:
            cp.wait()

        def dot_body(g, carry):
            i_vec = g * _L + lanes
            a0 = lax.bitwise_and(idx0_v[pl.ds(hoff + g * _L, _L)], _EPR - 1)
            a1 = lax.bitwise_and(idx1_v[pl.ds(hoff + g * _L, _L)], _EPR - 1)
            col0 = a0 * _DIM
            col1 = a1 * _DIM
            acc = jnp.zeros((_L,), jnp.float32)
            for d in range(_DIM):
                dvar = lax.bitwise_and(lanes + d, _DIM - 1)
                va = plsc.load_gather(in_bl, [i_vec, col0 + dvar])
                vb = plsc.load_gather(out_bl, [i_vec, col1 + dvar])
                acc = acc + va * vb
            res_v[pl.ds(hoff + g * _L, _L)] = acc
            return carry

        lax.fori_loop(0, _GROUPS, dot_body, 0)

    pltpu.sync_copy(res_v, out_hbm.at[pl.ds(base, _BPW)])


def kernel(idxs, W_in, W_out):
    idx0 = idxs[:, 0].astype(jnp.int32)
    idx1 = idxs[:, 1].astype(jnp.int32)
    tail_in = W_in[_NCOL * 128:].reshape(_TAIL // 4, 128)
    tail_out = W_out[_NCOL * 128:].reshape(_TAIL // 4, 128)
    g_in, g_out = _sc_relayout(W_in.T, W_out.T, tail_in, tail_out)
    return _sc_pair_dot(idx0, idx1, g_in, g_out)

# --- scband reference (transcript-rebuilt; emitter-appended) ---
"""Pipeline reference for scband-vector-sim-26036091748950 (READ-ONLY COPY).

The authoritative reference and input builder live on the scoring server;
editing this copy changes nothing except your own understanding.
"""

import jax, jax.numpy as jnp
import numpy as np

NUM_ENTITY = 1000000
DIM = 32
BATCH = 16384

def setup_inputs(seed: int = 0) -> dict:
    key = jax.random.key(seed)
    k1, k2, k3 = jax.random.split(key, 3)
    idxs = jax.random.randint(k1, (BATCH, 2), 0, NUM_ENTITY, dtype=jnp.int64 if jax.config.read('jax_enable_x64') else jnp.int32)
    W_in = jax.random.normal(k2, (NUM_ENTITY, DIM), dtype=jnp.float32)
    W_out = jax.random.normal(k3, (NUM_ENTITY, DIM), dtype=jnp.float32)
    return {"idxs": idxs, "W_in": W_in, "W_out": W_out}

def reference(idxs, W_in, W_out):
    # e1 = embeddings_in(idxs[..., 0]); e2 = embeddings_out(idxs[..., 1])
    e1 = jnp.take(W_in, idxs[..., 0], axis=0)
    e2 = jnp.take(W_out, idxs[..., 1], axis=0)
    # use_bias=False -> bias is the python float 0.0
    logits = jnp.sum(e1 * e2, axis=-1) + 0.0
    return logits

if __name__ == "__main__":
    import jax
    _d = setup_inputs()
    print(jax.jit(kernel)(*tuple(_d.values())))

</pallas_src>

<mosaic_0001>
#map = affine_map<(d0, d1) -> (0, 0)>
module attributes {stable_mosaic.version = 14 : i64} {
  func.func @_sc_relayout(%arg0: i32, %arg1: i32, %arg2: memref<32x1000000xf32, #tpu.memory_space<hbm>>, %arg3: memref<32x1000000xf32, #tpu.memory_space<hbm>>, %arg4: memref<16x128xf32, #tpu.memory_space<hbm>>, %arg5: memref<16x128xf32, #tpu.memory_space<hbm>>, %arg6: memref<250000x128xf32, #tpu.memory_space<hbm>>, %arg7: memref<250000x128xf32, #tpu.memory_space<hbm>>, %arg8: memref<32x128xf32, #tpu.memory_space<vmem>>, %arg9: memref<32x128xf32, #tpu.memory_space<vmem>>, %arg10: memref<32x128xf32, #tpu.memory_space<vmem>>, %arg11: memref<32x128xf32, #tpu.memory_space<vmem>>, %arg12: memref<32x128xf32, #tpu.memory_space<vmem>>, %arg13: memref<32x128xf32, #tpu.memory_space<vmem>>, %arg14: memref<32x128xf32, #tpu.memory_space<vmem>>, %arg15: memref<32x128xf32, #tpu.memory_space<vmem>>, %arg16: memref<32x128xf32, #tpu.memory_space<vmem>>, %arg17: memref<32x128xf32, #tpu.memory_space<vmem>>, %arg18: memref<32x128xf32, #tpu.memory_space<vmem>>, %arg19: memref<32x128xf32, #tpu.memory_space<vmem>>, %arg20: memref<!tpu.dma_semaphore, #tpu.memory_space<semaphore_mem>>, %arg21: memref<!tpu.dma_semaphore, #tpu.memory_space<semaphore_mem>>, %arg22: memref<!tpu.dma_semaphore, #tpu.memory_space<semaphore_mem>>, %arg23: memref<!tpu.dma_semaphore, #tpu.memory_space<semaphore_mem>>) attributes {dimension_semantics = [#tpu.dimension_semantics<core_parallel>, #tpu.dimension_semantics<subcore_parallel>], iteration_bounds = array<i64: 2, 16>, scalar_prefetch = 0 : i64, scratch_operands = 16 : i64, tpu.core_type = #tpu.core_type<sc_vector_subcore>, window_params = [{transform_indices = #map}, {transform_indices = #map}, {transform_indices = #map}, {transform_indices = #map}, {transform_indices = #map}, {transform_indices = #map}]} {
    %mul3A = arith.constant 2 : i32
    %mul3A_0 = arith.muli %arg1, %mul3A : i32
    %add3A = arith.addi %mul3A_0, %arg0 : i32
    %mul3A_1 = arith.constant 245 : i32
    %mul3A_2 = arith.muli %add3A, %mul3A_1 : i32
    %add3A_3 = arith.constant 245 : i32
    %add3A_4 = arith.addi %mul3A_2, %add3A_3 : i32
    %min3A = arith.constant 7812 : i32
    %min3A_5 = arith.minsi %add3A_4, %min3A : i32
    %sub3A = arith.subi %min3A_5, %mul3A_2 : i32
    %gt3A = arith.constant 0 : i32
    %gt3A_6 = arith.cmpi sgt, %sub3A, %gt3A : i32
    %convert_element_type3A = arith.extui %gt3A_6 : i1 to i32
    %cond3A = arith.constant 0 : i32
    %cond3A_7 = arith.cmpi ne, %convert_element_type3A, %cond3A : i32
    scf.if %cond3A_7 {
      %mul3A_12 = arith.constant 128 : i32
      %mul3A_13 = arith.muli %mul3A_2, %mul3A_12 : i32
      %multiple_of3A = tpu.assume_multiple %mul3A_13, 128 : i32
      %dma_start3A = arith.constant 0 : i32
      %dma_start3A_14 = tpu.memref_slice %arg2[%dma_start3A, %multiple_of3A] : memref<32x1000000xf32, #tpu.memory_space<hbm>> -> memref<32x128xf32, #tpu.memory_space<hbm>>
      %dma_start3A_15 = arith.constant 0 : i32
      %dma_start3A_16 = tpu.memref_slice %arg2[%dma_start3A_15, %multiple_of3A] : memref<32x1000000xf32, #tpu.memory_space<hbm>> -> memref<32x128xf32, #tpu.memory_space<hbm>>
      tpu.enqueue_dma source(%dma_start3A_16 : memref<32x128xf32, #tpu.memory_space<hbm>>) target(%arg8 : memref<32x128xf32, #tpu.memory_space<vmem>>) target_semaphore(%arg20 : memref<!tpu.dma_semaphore, #tpu.memory_space<semaphore_mem>>)
      %dma_start3A_17 = arith.constant 0 : i32
      %dma_start3A_18 = tpu.memref_slice %arg3[%dma_start3A_17, %multiple_of3A] : memref<32x1000000xf32, #tpu.memory_space<hbm>> -> memref<32x128xf32, #tpu.memory_space<hbm>>
      %dma_start3A_19 = arith.constant 0 : i32
      %dma_start3A_20 = tpu.memref_slice %arg3[%dma_start3A_19, %multiple_of3A] : memref<32x1000000xf32, #tpu.memory_space<hbm>> -> memref<32x128xf32, #tpu.memory_space<hbm>>
      tpu.enqueue_dma source(%dma_start3A_20 : memref<32x128xf32, #tpu.memory_space<hbm>>) target(%arg9 : memref<32x128xf32, #tpu.memory_space<vmem>>) target_semaphore(%arg20 : memref<!tpu.dma_semaphore, #tpu.memory_space<semaphore_mem>>)
      %gt3A_21 = arith.constant 1 : i32
      %gt3A_22 = arith.cmpi sgt, %sub3A, %gt3A_21 : i32
      %convert_element_type3A_23 = arith.extui %gt3A_22 : i1 to i32
      %cond3A_24 = arith.constant 0 : i32
      %cond3A_25 = arith.cmpi ne, %convert_element_type3A_23, %cond3A_24 : i32
      scf.if %cond3A_25 {
        %add3A_49 = arith.constant 1 : i32
        %add3A_50 = arith.addi %mul3A_2, %add3A_49 : i32
        %mul3A_51 = arith.constant 128 : i32
        %mul3A_52 = arith.muli %add3A_50, %mul3A_51 : i32
        %multiple_of3A_53 = tpu.assume_multiple %mul3A_52, 128 : i32
        %dma_start3A_54 = arith.constant 0 : i32
        %dma_start3A_55 = tpu.memref_slice %arg2[%dma_start3A_54, %multiple_of3A_53] : memref<32x1000000xf32, #tpu.memory_space<hbm>> -> memref<32x128xf32, #tpu.memory_space<hbm>>
        %dma_start3A_56 = arith.constant 0 : i32
        %dma_start3A_57 = tpu.memref_slice %arg2[%dma_start3A_56, %multiple_of3A_53] : memref<32x1000000xf32, #tpu.memory_space<hbm>> -> memref<32x128xf32, #tpu.memory_space<hbm>>
        tpu.enqueue_dma source(%dma_start3A_57 : memref<32x128xf32, #tpu.memory_space<hbm>>) target(%arg10 : memref<32x128xf32, #tpu.memory_space<vmem>>) target_semaphore(%arg21 : memref<!tpu.dma_semaphore, #tpu.memory_space<semaphore_mem>>)
        %dma_start3A_58 = arith.constant 0 : i32
        %dma_start3A_59 = tpu.memref_slice %arg3[%dma_start3A_58, %multiple_of3A_53] : memref<32x1000000xf32, #tpu.memory_space<hbm>> -> memref<32x128xf32, #tpu.memory_space<hbm>>
        %dma_start3A_60 = arith.constant 0 : i32
        %dma_start3A_61 = tpu.memref_slice %arg3[%dma_start3A_60, %multiple_of3A_53] : memref<32x1000000xf32, #tpu.memory_space<hbm>> -> memref<32x128xf32, #tpu.memory_space<hbm>>
        tpu.enqueue_dma source(%dma_start3A_61 : memref<32x128xf32, #tpu.memory_space<hbm>>) target(%arg11 : memref<32x128xf32, #tpu.memory_space<vmem>>) target_semaphore(%arg21 : memref<!tpu.dma_semaphore, #tpu.memory_space<semaphore_mem>>)
      } else {
      }
      %while3A = arith.constant 0 : i32
      %while3A_26 = arith.constant 0 : i32
      %while3A_27 = arith.subi %sub3A, %while3A_26 : i32
      %while3A_28 = arith.addi %while3A_26, %while3A_27 : i32
      %while3A_29 = arith.constant 1 : i32
      %while3A_30 = arith.divsi %while3A_27, %while3A_29 : i32
      %while3A_31 = arith.muli %while3A_30, %while3A_29 : i32
      %while3A_32 = arith.addi %while3A_26, %while3A_31 : i32
      %while3A_33 = arith.constant 1 : i32
      scf.for %while3A_49 = %while3A_26 to %while3A_32 step %while3A_33  : i32 {
        %add3A_50 = arith.addi %mul3A_2, %while3A_49 : i32
        %rem3A = arith.constant 3 : i32
        %rem3A_51 = arith.remsi %while3A_49, %rem3A : i32
        %add3A_52 = arith.constant 2 : i32
        %add3A_53 = arith.addi %while3A_49, %add3A_52 : i32
        %lt3A = arith.cmpi slt, %add3A_53, %sub3A : i32
        %convert_element_type3A_54 = arith.extui %lt3A : i1 to i32
        %cond3A_55 = arith.constant 0 : i32
        %cond3A_56 = arith.cmpi ne, %convert_element_type3A_54, %cond3A_55 : i32
        scf.if %cond3A_56 {
          %eq3A_80 = arith.constant 0 : i32
          %eq3A_81 = arith.cmpi eq, %rem3A_51, %eq3A_80 : i32
          %convert_element_type3A_82 = arith.extui %eq3A_81 : i1 to i32
          %cond3A_83 = arith.constant 0 : i32
          %cond3A_84 = arith.cmpi ne, %convert_element_type3A_82, %cond3A_83 : i32
          scf.if %cond3A_84 {
            %add3A_95 = arith.constant 2 : i32
            %add3A_96 = arith.addi %add3A_50, %add3A_95 : i32
            %mul3A_97 = arith.constant 128 : i32
            %mul3A_98 = arith.muli %add3A_96, %mul3A_97 : i32
            %multiple_of3A_99 = tpu.assume_multiple %mul3A_98, 128 : i32
            %dma_start3A_100 = arith.constant 0 : i32
            %dma_start3A_101 = tpu.memref_slice %arg2[%dma_start3A_100, %multiple_of3A_99] : memref<32x1000000xf32, #tpu.memory_space<hbm>> -> memref<32x128xf32, #tpu.memory_space<hbm>>
            %dma_start3A_102 = arith.constant 0 : i32
            %dma_start3A_103 = tpu.memref_slice %arg2[%dma_start3A_102, %multiple_of3A_99] : memref<32x1000000xf32, #tpu.memory_space<hbm>> -> memref<32x128xf32, #tpu.memory_space<hbm>>
            tpu.enqueue_dma source(%dma_start3A_103 : memref<32x128xf32, #tpu.memory_space<hbm>>) target(%arg12 : memref<32x128xf32, #tpu.memory_space<vmem>>) target_semaphore(%arg22 : memref<!tpu.dma_semaphore, #tpu.memory_space<semaphore_mem>>)
            %dma_start3A_104 = arith.constant 0 : i32
            %dma_start3A_105 = tpu.memref_slice %arg3[%dma_start3A_104, %multiple_of3A_99] : memref<32x1000000xf32, #tpu.memory_space<hbm>> -> memref<32x128xf32, #tpu.memory_space<hbm>>
            %dma_start3A_106 = arith.constant 0 : i32
            %dma_start3A_107 = tpu.memref_slice %arg3[%dma_start3A_106, %multiple_of3A_99] : memref<32x1000000xf32, #tpu.memory_space<hbm>> -> memref<32x128xf32, #tpu.memory_space<hbm>>
            tpu.enqueue_dma source(%dma_start3A_107 : memref<32x128xf32, #tpu.memory_space<hbm>>) target(%arg13 : memref<32x128xf32, #tpu.memory_space<vmem>>) target_semaphore(%arg22 : memref<!tpu.dma_semaphore, #tpu.memory_space<semaphore_mem>>)
          } else {
          }
          %eq3A_85 = arith.constant 1 : i32
          %eq3A_86 = arith.cmpi eq, %rem3A_51, %eq3A_85 : i32
          %convert_element_type3A_87 = arith.extui %eq3A_86 : i1 to i32
          %cond3A_88 = arith.constant 0 : i32
          %cond3A_89 = arith.cmpi ne, %convert_element_type3A_87, %cond3A_88 : i32
          scf.if %cond3A_89 {
            %add3A_95 = arith.constant 2 : i32
            %add3A_96 = arith.addi %add3A_50, %add3A_95 : i32
            %mul3A_97 = arith.constant 128 : i32
            %mul3A_98 = arith.muli %add3A_96, %mul3A_97 : i32
            %multiple_of3A_99 = tpu.assume_multiple %mul3A_98, 128 : i32
            %dma_start3A_100 = arith.constant 0 : i32
            %dma_start3A_101 = tpu.memref_slice %arg2[%dma_start3A_100, %multiple_of3A_99] : memref<32x1000000xf32, #tpu.memory_space<hbm>> -> memref<32x128xf32, #tpu.memory_space<hbm>>
            %dma_start3A_102 = arith.constant 0 : i32
            %dma_start3A_103 = tpu.memref_slice %arg2[%dma_start3A_102, %multiple_of3A_99] : memref<32x1000000xf32, #tpu.memory_space<hbm>> -> memref<32x128xf32, #tpu.memory_space<hbm>>
            tpu.enqueue_dma source(%dma_start3A_103 : memref<32x128xf32, #tpu.memory_space<hbm>>) target(%arg8 : memref<32x128xf32, #tpu.memory_space<vmem>>) target_semaphore(%arg20 : memref<!tpu.dma_semaphore, #tpu.memory_space<semaphore_mem>>)
            %dma_start3A_104 = arith.constant 0 : i32
            %dma_start3A_105 = tpu.memref_slice %arg3[%dma_start3A_104, %multiple_of3A_99] : memref<32x1000000xf32, #tpu.memory_space<hbm>> -> memref<32x128xf32, #tpu.memory_space<hbm>>
            %dma_start3A_106 = arith.constant 0 : i32
            %dma_start3A_107 = tpu.memref_slice %arg3[%dma_start3A_106, %multiple_of3A_99] : memref<32x1000000xf32, #tpu.memory_space<hbm>> -> memref<32x128xf32, #tpu.memory_space<hbm>>
            tpu.enqueue_dma source(%dma_start3A_107 : memref<32x128xf32, #tpu.memory_space<hbm>>) target(%arg9 : memref<32x128xf32, #tpu.memory_space<vmem>>) target_semaphore(%arg20 : memref<!tpu.dma_semaphore, #tpu.memory_space<semaphore_mem>>)
          } else {
          }
          %eq3A_90 = arith.constant 2 : i32
          %eq3A_91 = arith.cmpi eq, %rem3A_51, %eq3A_90 : i32
          %convert_element_type3A_92 = arith.extui %eq3A_91 : i1 to i32
          %cond3A_93 = arith.constant 0 : i32
          %cond3A_94 = arith.cmpi ne, %convert_element_type3A_92, %cond3A_93 : i32
          scf.if %cond3A_94 {
            %add3A_95 = arith.constant 2 : i32
            %add3A_96 = arith.addi %add3A_50, %add3A_95 : i32
            %mul3A_97 = arith.constant 128 : i32
            %mul3A_98 = arith.muli %add3A_96, %mul3A_97 : i32
            %multiple_of3A_99 = tpu.assume_multiple %mul3A_98, 128 : i32
            %dma_start3A_100 = arith.constant 0 : i32
            %dma_start3A_101 = tpu.memref_slice %arg2[%dma_start3A_100, %multiple_of3A_99] : memref<32x1000000xf32, #tpu.memory_space<hbm>> -> memref<32x128xf32, #tpu.memory_space<hbm>>
            %dma_start3A_102 = arith.constant 0 : i32
            %dma_start3A_103 = tpu.memref_slice %arg2[%dma_start3A_102, %multiple_of3A_99] : memref<32x1000000xf32, #tpu.memory_space<hbm>> -> memref<32x128xf32, #tpu.memory_space<hbm>>
            tpu.enqueue_dma source(%dma_start3A_103 : memref<32x128xf32, #tpu.memory_space<hbm>>) target(%arg10 : memref<32x128xf32, #tpu.memory_space<vmem>>) target_semaphore(%arg21 : memref<!tpu.dma_semaphore, #tpu.memory_space<semaphore_mem>>)
            %dma_start3A_104 = arith.constant 0 : i32
            %dma_start3A_105 = tpu.memref_slice %arg3[%dma_start3A_104, %multiple_of3A_99] : memref<32x1000000xf32, #tpu.memory_space<hbm>> -> memref<32x128xf32, #tpu.memory_space<hbm>>
            %dma_start3A_106 = arith.constant 0 : i32
            %dma_start3A_107 = tpu.memref_slice %arg3[%dma_start3A_106, %multiple_of3A_99] : memref<32x1000000xf32, #tpu.memory_space<hbm>> -> memref<32x128xf32, #tpu.memory_space<hbm>>
            tpu.enqueue_dma source(%dma_start3A_107 : memref<32x128xf32, #tpu.memory_space<hbm>>) target(%arg11 : memref<32x128xf32, #tpu.memory_space<vmem>>) target_semaphore(%arg21 : memref<!tpu.dma_semaphore, #tpu.memory_space<semaphore_mem>>)
          } else {
          }
        } else {
        }
        %ge3A_57 = arith.constant 3 : i32
        %ge3A_58 = arith.cmpi sge, %while3A_49, %ge3A_57 : i32
        %convert_element_type3A_59 = arith.extui %ge3A_58 : i1 to i32
        %cond3A_60 = arith.constant 0 : i32
        %cond3A_61 = arith.cmpi ne, %convert_element_type3A_59, %cond3A_60 : i32
        scf.if %cond3A_61 {
          %dma_wait3A = arith.constant 0 : i32
          %dma_wait3A_80 = arith.constant 0 : i32
          %dma_wait3A_81 = tpu.memref_slice %arg2[%dma_wait3A, %dma_wait3A_80] : memref<32x1000000xf32, #tpu.memory_space<hbm>> -> memref<32x128xf32, #tpu.memory_space<hbm>>
          %dma_wait3A_82 = arith.constant 0 : i32
          %dma_wait3A_83 = arith.constant 0 : i32
          %dma_wait3A_84 = tpu.memref_slice %arg2[%dma_wait3A_82, %dma_wait3A_83] : memref<32x1000000xf32, #tpu.memory_space<hbm>> -> memref<32x128xf32, #tpu.memory_space<hbm>>
          tpu.wait_dma2 semaphore(%arg23 : memref<!tpu.dma_semaphore, #tpu.memory_space<semaphore_mem>>) src(%dma_wait3A_84 : memref<32x128xf32, #tpu.memory_space<hbm>>) dst(%arg14 : memref<32x128xf32, #tpu.memory_space<vmem>>)
          %dma_wait3A_85 = arith.constant 0 : i32
          %dma_wait3A_86 = arith.constant 0 : i32
          %dma_wait3A_87 = tpu.memref_slice %arg2[%dma_wait3A_85, %dma_wait3A_86] : memref<32x1000000xf32, #tpu.memory_space<hbm>> -> memref<32x128xf32, #tpu.memory_space<hbm>>
          %dma_wait3A_88 = arith.constant 0 : i32
          %dma_wait3A_89 = arith.constant 0 : i32
          %dma_wait3A_90 = tpu.memref_slice %arg2[%dma_wait3A_88, %dma_wait3A_89] : memref<32x1000000xf32, #tpu.memory_space<hbm>> -> memref<32x128xf32, #tpu.memory_space<hbm>>
          tpu.wait_dma2 semaphore(%arg23 : memref<!tpu.dma_semaphore, #tpu.memory_space<semaphore_mem>>) src(%dma_wait3A_90 : memref<32x128xf32, #tpu.memory_space<hbm>>) dst(%arg15 : memref<32x128xf32, #tpu.memory_space<vmem>>)
        } else {
        }
        %mul3A_62 = arith.constant 32 : i32
        %mul3A_63 = arith.muli %add3A_50, %mul3A_62 : i32
        %multiple_of3A_64 = tpu.assume_multiple %mul3A_63, 32 : i32
        %eq3A_65 = arith.constant 0 : i32
        %eq3A_66 = arith.cmpi eq, %rem3A_51, %eq3A_65 : i32
        %convert_element_type3A_67 = arith.extui %eq3A_66 : i1 to i32
        %cond3A_68 = arith.constant 0 : i32
        %cond3A_69 = arith.cmpi ne, %convert_element_type3A_67, %cond3A_68 : i32
        scf.if %cond3A_69 {
          %dma_wait3A = arith.constant 0 : i32
          %dma_wait3A_80 = arith.constant 0 : i32
          %dma_wait3A_81 = tpu.memref_slice %arg2[%dma_wait3A, %dma_wait3A_80] : memref<32x1000000xf32, #tpu.memory_space<hbm>> -> memref<32x128xf32, #tpu.memory_space<hbm>>
          %dma_wait3A_82 = arith.constant 0 : i32
          %dma_wait3A_83 = arith.constant 0 : i32
          %dma_wait3A_84 = tpu.memref_slice %arg2[%dma_wait3A_82, %dma_wait3A_83] : memref<32x1000000xf32, #tpu.memory_space<hbm>> -> memref<32x128xf32, #tpu.memory_space<hbm>>
          tpu.wait_dma2 semaphore(%arg20 : memref<!tpu.dma_semaphore, #tpu.memory_space<semaphore_mem>>) src(%dma_wait3A_84 : memref<32x128xf32, #tpu.memory_space<hbm>>) dst(%arg8 : memref<32x128xf32, #tpu.memory_space<vmem>>)
          %dma_wait3A_85 = arith.constant 0 : i32
          %dma_wait3A_86 = arith.constant 0 : i32
          %dma_wait3A_87 = tpu.memref_slice %arg2[%dma_wait3A_85, %dma_wait3A_86] : memref<32x1000000xf32, #tpu.memory_space<hbm>> -> memref<32x128xf32, #tpu.memory_space<hbm>>
          %dma_wait3A_88 = arith.constant 0 : i32
          %dma_wait3A_89 = arith.constant 0 : i32
          %dma_wait3A_90 = tpu.memref_slice %arg2[%dma_wait3A_88, %dma_wait3A_89] : memref<32x1000000xf32, #tpu.memory_space<hbm>> -> memref<32x128xf32, #tpu.memory_space<hbm>>
          tpu.wait_dma2 semaphore(%arg20 : memref<!tpu.dma_semaphore, #tpu.memory_space<semaphore_mem>>) src(%dma_wait3A_90 : memref<32x128xf32, #tpu.memory_space<hbm>>) dst(%arg9 : memref<32x128xf32, #tpu.memory_space<vmem>>)
          %iota3A = tpu.iota {dimensions = array<i32: 0>} : vector<16xi32>
          %scan3A = arith.constant 0 : i32
          %scan3A_91 = arith.constant 0 : i32
          %scan3A_92 = arith.constant 32 : i32
          %scan3A_93 = arith.addi %scan3A_91, %scan3A_92 : i32
          %scan3A_94 = arith.constant 1 : i32
          scf.for %scan3A_104 = %scan3A_91 to %scan3A_93 step %scan3A_94  : i32 {
            %mul3A_105 = arith.constant 4 : i32
            %mul3A_106 = arith.muli %scan3A_104, %mul3A_105 : i32
            %add3A_107 = arith.constant 0 : i32
            %add3A_108 = arith.addi %mul3A_106, %add3A_107 : i32
            %shift_right_logical3A = arith.constant 4 : i32
            %shift_right_logical3A_109 = arith.shrui %add3A_108, %shift_right_logical3A : i32
            %and3A = arith.constant 15 : i32
            %and3A_110 = arith.andi %add3A_108, %and3A : i32
            %mul3A_111 = arith.constant 16 : i32
            %mul3A_112 = arith.muli %shift_right_logical3A_109, %mul3A_111 : i32
            %add3A_113 = vector.broadcast %and3A_110 : i32 to vector<16xi32>
            %add3A_114 = arith.addi %iota3A, %add3A_113 : vector<16xi32>
            %and3A_115 = arith.constant 15 : i32
            %and3A_116 = vector.broadcast %and3A_115 : i32 to vector<16xi32>
            %and3A_117 = arith.andi %add3A_114, %and3A_116 : vector<16xi32>
            %add3A_118 = vector.broadcast %mul3A_112 : i32 to vector<16xi32>
            %add3A_119 = arith.addi %add3A_118, %and3A_117 : vector<16xi32>
            %shift_right_logical3A_120 = arith.constant 2 : i32
            %shift_right_logical3A_121 = vector.broadcast %shift_right_logical3A_120 : i32 to vector<16xi32>
            %shift_right_logical3A_122 = arith.shrui %add3A_119, %shift_right_logical3A_121 : vector<16xi32>
            %and3A_123 = arith.constant 3 : i32
            %and3A_124 = vector.broadcast %and3A_123 : i32 to vector<16xi32>
            %and3A_125 = arith.andi %add3A_119, %and3A_124 : vector<16xi32>
            %mul3A_126 = arith.constant 32 : i32
            %mul3A_127 = vector.broadcast %mul3A_126 : i32 to vector<16xi32>
            %mul3A_128 = arith.muli %and3A_125, %mul3A_127 : vector<16xi32>
            %add3A_129 = arith.constant 0 : i32
            %add3A_130 = vector.broadcast %add3A_129 : i32 to vector<16xi32>
            %add3A_131 = arith.addi %add3A_130, %iota3A : vector<16xi32>
            %add3A_132 = arith.addi %mul3A_128, %add3A_131 : vector<16xi32>
            %gather3A = tpu.vector_load_idx %arg8[%add3A_131, %add3A_119] : memref<32x128xf32, #tpu.memory_space<vmem>>[vector<16xi32>, vector<16xi32>], vector<16xf32>,
            tpu.vector_store_idx %arg14[%shift_right_logical3A_122, %add3A_132], %gather3A : memref<32x128xf32, #tpu.memory_space<vmem>>[vector<16xi32>, vector<16xi32>], vector<16xf32>,
            %gather3A_133 = tpu.vector_load_idx %arg9[%add3A_131, %add3A_119] : memref<32x128xf32, #tpu.memory_space<vmem>>[vector<16xi32>, vector<16xi32>], vector<16xf32>,
            tpu.vector_store_idx %arg15[%shift_right_logical3A_122, %add3A_132], %gather3A_133 : memref<32x128xf32, #tpu.memory_space<vmem>>[vector<16xi32>, vector<16xi32>], vector<16xf32>,
            %add3A_134 = arith.constant 16 : i32
            %add3A_135 = vector.broadcast %add3A_134 : i32 to vector<16xi32>
            %add3A_136 = arith.addi %add3A_135, %iota3A : vector<16xi32>
            %add3A_137 = arith.addi %mul3A_128, %add3A_136 : vector<16xi32>
            %gather3A_138 = tpu.vector_load_idx %arg8[%add3A_136, %add3A_119] : memref<32x128xf32, #tpu.memory_space<vmem>>[vector<16xi32>, vector<16xi32>], vector<16xf32>,
            tpu.vector_store_idx %arg14[%shift_right_logical3A_122, %add3A_137], %gather3A_138 : memref<32x128xf32, #tpu.memory_space<vmem>>[vector<16xi32>, vector<16xi32>], vector<16xf32>,
            %gather3A_139 = tpu.vector_load_idx %arg9[%add3A_136, %add3A_119] : memref<32x128xf32, #tpu.memory_space<vmem>>[vector<16xi32>, vector<16xi32>], vector<16xf32>,
            tpu.vector_store_idx %arg15[%shift_right_logical3A_122, %add3A_137], %gather3A_139 : memref<32x128xf32, #tpu.memory_space<vmem>>[vector<16xi32>, vector<16xi32>], vector<16xf32>,
            %mul3A_140 = arith.constant 4 : i32
            %mul3A_141 = arith.muli %scan3A_104, %mul3A_140 : i32
            %add3A_142 = arith.constant 1 : i32
            %add3A_143 = arith.addi %mul3A_141, %add3A_142 : i32
            %shift_right_logical3A_144 = arith.constant 4 : i32
            %shift_right_logical3A_145 = arith.shrui %add3A_143, %shift_right_logical3A_144 : i32
            %and3A_146 = arith.constant 15 : i32
            %and3A_147 = arith.andi %add3A_143, %and3A_146 : i32
            %mul3A_148 = arith.constant 16 : i32
            %mul3A_149 = arith.muli %shift_right_logical3A_145, %mul3A_148 : i32
            %add3A_150 = vector.broadcast %and3A_147 : i32 to vector<16xi32>
            %add3A_151 = arith.addi %iota3A, %add3A_150 : vector<16xi32>
            %and3A_152 = arith.constant 15 : i32
            %and3A_153 = vector.broadcast %and3A_152 : i32 to vector<16xi32>
            %and3A_154 = arith.andi %add3A_151, %and3A_153 : vector<16xi32>
            %add3A_155 = vector.broadcast %mul3A_149 : i32 to vector<16xi32>
            %add3A_156 = arith.addi %add3A_155, %and3A_154 : vector<16xi32>
            %shift_right_logical3A_157 = arith.constant 2 : i32
            %shift_right_logical3A_158 = vector.broadcast %shift_right_logical3A_157 : i32 to vector<16xi32>
            %shift_right_logical3A_159 = arith.shrui %add3A_156, %shift_right_logical3A_158 : vector<16xi32>
            %and3A_160 = arith.constant 3 : i32
            %and3A_161 = vector.broadcast %and3A_160 : i32 to vector<16xi32>
            %and3A_162 = arith.andi %add3A_156, %and3A_161 : vector<16xi32>
            %mul3A_163 = arith.constant 32 : i32
            %mul3A_164 = vector.broadcast %mul3A_163 : i32 to vector<16xi32>
            %mul3A_165 = arith.muli %and3A_162, %mul3A_164 : vector<16xi32>
            %add3A_166 = arith.constant 0 : i32
            %add3A_167 = vector.broadcast %add3A_166 : i32 to vector<16xi32>
            %add3A_168 = arith.addi %add3A_167, %iota3A : vector<16xi32>
            %add3A_169 = arith.addi %mul3A_165, %add3A_168 : vector<16xi32>
            %gather3A_170 = tpu.vector_load_idx %arg8[%add3A_168, %add3A_156] : memref<32x128xf32, #tpu.memory_space<vmem>>[vector<16xi32>, vector<16xi32>], vector<16xf32>,
            tpu.vector_store_idx %arg14[%shift_right_logical3A_159, %add3A_169], %gather3A_170 : memref<32x128xf32, #tpu.memory_space<vmem>>[vector<16xi32>, vector<16xi32>], vector<16xf32>,
            %gather3A_171 = tpu.vector_load_idx %arg9[%add3A_168, %add3A_156] : memref<32x128xf32, #tpu.memory_space<vmem>>[vector<16xi32>, vector<16xi32>], vector<16xf32>,
            tpu.vector_store_idx %arg15[%shift_right_logical3A_159, %add3A_169], %gather3A_171 : memref<32x128xf32, #tpu.memory_space<vmem>>[vector<16xi32>, vector<16xi32>], vector<16xf32>,
            %add3A_172 = arith.constant 16 : i32
            %add3A_173 = vector.broadcast %add3A_172 : i32 to vector<16xi32>
            %add3A_174 = arith.addi %add3A_173, %iota3A : vector<16xi32>
            %add3A_175 = arith.addi %mul3A_165, %add3A_174 : vector<16xi32>
            %gather3A_176 = tpu.vector_load_idx %arg8[%add3A_174, %add3A_156] : memref<32x128xf32, #tpu.memory_space<vmem>>[vector<16xi32>, vector<16xi32>], vector<16xf32>,
            tpu.vector_store_idx %arg14[%shift_right_logical3A_159, %add3A_175], %gather3A_176 : memref<32x128xf32, #tpu.memory_space<vmem>>[vector<16xi32>, vector<16xi32>], vector<16xf32>,
            %gather3A_177 = tpu.vector_load_idx %arg9[%add3A_174, %add3A_156] : memref<32x128xf32, #tpu.memory_space<vmem>>[vector<16xi32>, vector<16xi32>], vector<16xf32>,
            tpu.vector_store_idx %arg15[%shift_right_logical3A_159, %add3A_175], %gather3A_177 : memref<32x128xf32, #tpu.memory_space<vmem>>[vector<16xi32>, vector<16xi32>], vector<16xf32>,
            %mul3A_178 = arith.constant 4 : i32
            %mul3A_179 = arith.muli %scan3A_104, %mul3A_178 : i32
            %add3A_180 = arith.constant 2 : i32
            %add3A_181 = arith.addi %mul3A_179, %add3A_180 : i32
            %shift_right_logical3A_182 = arith.constant 4 : i32
            %shift_right_logical3A_183 = arith.shrui %add3A_181, %shift_right_logical3A_182 : i32
            %and3A_184 = arith.constant 15 : i32
            %and3A_185 = arith.andi %add3A_181, %and3A_184 : i32
            %mul3A_186 = arith.constant 16 : i32
            %mul3A_187 = arith.muli %shift_right_logical3A_183, %mul3A_186 : i32
            %add3A_188 = vector.broadcast %and3A_185 : i32 to vector<16xi32>
            %add3A_189 = arith.addi %iota3A, %add3A_188 : vector<16xi32>
            %and3A_190 = arith.constant 15 : i32
            %and3A_191 = vector.broadcast %and3A_190 : i32 to vector<16xi32>
            %and3A_192 = arith.andi %add3A_189, %and3A_191 : vector<16xi32>
            %add3A_193 = vector.broadcast %mul3A_187 : i32 to vector<16xi32>
            %add3A_194 = arith.addi %add3A_193, %and3A_192 : vector<16xi32>
            %shift_right_logical3A_195 = arith.constant 2 : i32
            %shift_right_logical3A_196 = vector.broadcast %shift_right_logical3A_195 : i32 to vector<16xi32>
            %shift_right_logical3A_197 = arith.shrui %add3A_194, %shift_right_logical3A_196 : vector<16xi32>
            %and3A_198 = arith.constant 3 : i32
            %and3A_199 = vector.broadcast %and3A_198 : i32 to vector<16xi32>
            %and3A_200 = arith.andi %add3A_194, %and3A_199 : vector<16xi32>
            %mul3A_201 = arith.constant 32 : i32
            %mul3A_202 = vector.broadcast %mul3A_201 : i32 to vector<16xi32>
            %mul3A_203 = arith.muli %and3A_200, %mul3A_202 : vector<16xi32>
            %add3A_204 = arith.constant 0 : i32
            %add3A_205 = vector.broadcast %add3A_204 : i32 to vector<16xi32>
            %add3A_206 = arith.addi %add3A_205, %iota3A : vector<16xi32>
            %add3A_207 = arith.addi %mul3A_203, %add3A_206 : vector<16xi32>
            %gather3A_208 = tpu.vector_load_idx %arg8[%add3A_206, %add3A_194] : memref<32x128xf32, #tpu.memory_space<vmem>>[vector<16xi32>, vector<16xi32>], vector<16xf32>,
            tpu.vector_store_idx %arg14[%shift_right_logical3A_197, %add3A_207], %gather3A_208 : memref<32x128xf32, #tpu.memory_space<vmem>>[vector<16xi32>, vector<16xi32>], vector<16xf32>,
            %gather3A_209 = tpu.vector_load_idx %arg9[%add3A_206, %add3A_194] : memref<32x128xf32, #tpu.memory_space<vmem>>[vector<16xi32>, vector<16xi32>], vector<16xf32>,
            tpu.vector_store_idx %arg15[%shift_right_logical3A_197, %add3A_207], %gather3A_209 : memref<32x128xf32, #tpu.memory_space<vmem>>[vector<16xi32>, vector<16xi32>], vector<16xf32>,
            %add3A_210 = arith.constant 16 : i32
            %add3A_211 = vector.broadcast %add3A_210 : i32 to vector<16xi32>
            %add3A_212 = arith.addi %add3A_211, %iota3A : vector<16xi32>
            %add3A_213 = arith.addi %mul3A_203, %add3A_212 : vector<16xi32>
            %gather3A_214 = tpu.vector_load_idx %arg8[%add3A_212, %add3A_194] : memref<32x128xf32, #tpu.memory_space<vmem>>[vector<16xi32>, vector<16xi32>], vector<16xf32>,
            tpu.vector_store_idx %arg14[%shift_right_logical3A_197, %add3A_213], %gather3A_214 : memref<32x128xf32, #tpu.memory_space<vmem>>[vector<16xi32>, vector<16xi32>], vector<16xf32>,
            %gather3A_215 = tpu.vector_load_idx %arg9[%add3A_212, %add3A_194] : memref<32x128xf32, #tpu.memory_space<vmem>>[vector<16xi32>, vector<16xi32>], vector<16xf32>,
            tpu.vector_store_idx %arg15[%shift_right_logical3A_197, %add3A_213], %gather3A_215 : memref<32x128xf32, #tpu.memory_space<vmem>>[vector<16xi32>, vector<16xi32>], vector<16xf32>,
            %mul3A_216 = arith.constant 4 : i32
            %mul3A_217 = arith.muli %scan3A_104, %mul3A_216 : i32
            %add3A_218 = arith.constant 3 : i32
            %add3A_219 = arith.addi %mul3A_217, %add3A_218 : i32
            %shift_right_logical3A_220 = arith.constant 4 : i32
            %shift_right_logical3A_221 = arith.shrui %add3A_219, %shift_right_logical3A_220 : i32
            %and3A_222 = arith.constant 15 : i32
            %and3A_223 = arith.andi %add3A_219, %and3A_222 : i32
            %mul3A_224 = arith.constant 16 : i32
            %mul3A_225 = arith.muli %shift_right_logical3A_221, %mul3A_224 : i32
            %add3A_226 = vector.broadcast %and3A_223 : i32 to vector<16xi32>
            %add3A_227 = arith.addi %iota3A, %add3A_226 : vector<16xi32>
            %and3A_228 = arith.constant 15 : i32
            %and3A_229 = vector.broadcast %and3A_228 : i32 to vector<16xi32>
            %and3A_230 = arith.andi %add3A_227, %and3A_229 : vector<16xi32>
            %add3A_231 = vector.broadcast %mul3A_225 : i32 to vector<16xi32>
            %add3A_232 = arith.addi %add3A_231, %and3A_230 : vector<16xi32>
            %shift_right_logical3A_233 = arith.constant 2 : i32
            %shift_right_logical3A_234 = vector.broadcast %shift_right_logical3A_233 : i32 to vector<16xi32>
            %shift_right_logical3A_235 = arith.shrui %add3A_232, %shift_right_logical3A_234 : vector<16xi32>
            %and3A_236 = arith.constant 3 : i32
            %and3A_237 = vector.broadcast %and3A_236 : i32 to vector<16xi32>
            %and3A_238 = arith.andi %add3A_232, %and3A_237 : vector<16xi32>
            %mul3A_239 = arith.constant 32 : i32
            %mul3A_240 = vector.broadcast %mul3A_239 : i32 to vector<16xi32>
            %mul3A_241 = arith.muli %and3A_238, %mul3A_240 : vector<16xi32>
            %add3A_242 = arith.constant 0 : i32
            %add3A_243 = vector.broadcast %add3A_242 : i32 to vector<16xi32>
            %add3A_244 = arith.addi %add3A_243, %iota3A : vector<16xi32>
            %add3A_245 = arith.addi %mul3A_241, %add3A_244 : vector<16xi32>
            %gather3A_246 = tpu.vector_load_idx %arg8[%add3A_244, %add3A_232] : memref<32x128xf32, #tpu.memory_space<vmem>>[vector<16xi32>, vector<16xi32>], vector<16xf32>,
            tpu.vector_store_idx %arg14[%shift_right_logical3A_235, %add3A_245], %gather3A_246 : memref<32x128xf32, #tpu.memory_space<vmem>>[vector<16xi32>, vector<16xi32>], vector<16xf32>,
            %gather3A_247 = tpu.vector_load_idx %arg9[%add3A_244, %add3A_232] : memref<32x128xf32, #tpu.memory_space<vmem>>[vector<16xi32>, vector<16xi32>], vector<16xf32>,
            tpu.vector_store_idx %arg15[%shift_right_logical3A_235, %add3A_245], %gather3A_247 : memref<32x128xf32, #tpu.memory_space<vmem>>[vector<16xi32>, vector<16xi32>], vector<16xf32>,
            %add3A_248 = arith.constant 16 : i32
            %add3A_249 = vector.broadcast %add3A_248 : i32 to vector<16xi32>
            %add3A_250 = arith.addi %add3A_249, %iota3A : vector<16xi32>
            %add3A_251 = arith.addi %mul3A_241, %add3A_250 : vector<16xi32>
            %gather3A_252 = tpu.vector_load_idx %arg8[%add3A_250, %add3A_232] : memref<32x128xf32, #tpu.memory_space<vmem>>[vector<16xi32>, vector<16xi32>], vector<16xf32>,
            tpu.vector_store_idx %arg14[%shift_right_logical3A_235, %add3A_251], %gather3A_252 : memref<32x128xf32, #tpu.memory_space<vmem>>[vector<16xi32>, vector<16xi32>], vector<16xf32>,
            %gather3A_253 = tpu.vector_load_idx %arg9[%add3A_250, %add3A_232] : memref<32x128xf32, #tpu.memory_space<vmem>>[vector<16xi32>, vector<16xi32>], vector<16xf32>,
            tpu.vector_store_idx %arg15[%shift_right_logical3A_235, %add3A_251], %gather3A_253 : memref<32x128xf32, #tpu.memory_space<vmem>>[vector<16xi32>, vector<16xi32>], vector<16xf32>,
          }
          %scan3A_95 = arith.constant 32 : i32
          %dma_start3A_96 = arith.constant 0 : i32
          %dma_start3A_97 = tpu.memref_slice %arg6[%multiple_of3A_64, %dma_start3A_96] : memref<250000x128xf32, #tpu.memory_space<hbm>> -> memref<32x128xf32, #tpu.memory_space<hbm>>
          %dma_start3A_98 = arith.constant 0 : i32
          %dma_start3A_99 = tpu.memref_slice %arg6[%multiple_of3A_64, %dma_start3A_98] : memref<250000x128xf32, #tpu.memory_space<hbm>> -> memref<32x128xf32, #tpu.memory_space<hbm>>
          tpu.enqueue_dma source(%arg14 : memref<32x128xf32, #tpu.memory_space<vmem>>) target(%dma_start3A_99 : memref<32x128xf32, #tpu.memory_space<hbm>>) target_semaphore(%arg23 : memref<!tpu.dma_semaphore, #tpu.memory_space<semaphore_mem>>)
          %dma_start3A_100 = arith.constant 0 : i32
          %dma_start3A_101 = tpu.memref_slice %arg7[%multiple_of3A_64, %dma_start3A_100] : memref<250000x128xf32, #tpu.memory_space<hbm>> -> memref<32x128xf32, #tpu.memory_space<hbm>>
          %dma_start3A_102 = arith.constant 0 : i32
          %dma_start3A_103 = tpu.memref_slice %arg7[%multiple_of3A_64, %dma_start3A_102] : memref<250000x128xf32, #tpu.memory_space<hbm>> -> memref<32x128xf32, #tpu.memory_space<hbm>>
          tpu.enqueue_dma source(%arg15 : memref<32x128xf32, #tpu.memory_space<vmem>>) target(%dma_start3A_103 : memref<32x128xf32, #tpu.memory_space<hbm>>) target_semaphore(%arg23 : memref<!tpu.dma_semaphore, #tpu.memory_space<semaphore_mem>>)
        } else {
        }
        %eq3A_70 = arith.constant 1 : i32
        %eq3A_71 = arith.cmpi eq, %rem3A_51, %eq3A_70 : i32
        %convert_element_type3A_72 = arith.extui %eq3A_71 : i1 to i32
        %cond3A_73 = arith.constant 0 : i32
        %cond3A_74 = arith.cmpi ne, %convert_element_type3A_72, %cond3A_73 : i32
        scf.if %cond3A_74 {
          %dma_wait3A = arith.constant 0 : i32
          %dma_wait3A_80 = arith.constant 0 : i32
          %dma_wait3A_81 = tpu.memref_slice %arg2[%dma_wait3A, %dma_wait3A_80] : memref<32x1000000xf32, #tpu.memory_space<hbm>> -> memref<32x128xf32, #tpu.memory_space<hbm>>
          %dma_wait3A_82 = arith.constant 0 : i32
          %dma_wait3A_83 = arith.constant 0 : i32
          %dma_wait3A_84 = tpu.memref_slice %arg2[%dma_wait3A_82, %dma_wait3A_83] : memref<32x1000000xf32, #tpu.memory_space<hbm>> -> memref<32x128xf32, #tpu.memory_space<hbm>>
          tpu.wait_dma2 semaphore(%arg21 : memref<!tpu.dma_semaphore, #tpu.memory_space<semaphore_mem>>) src(%dma_wait3A_84 : memref<32x128xf32, #tpu.memory_space<hbm>>) dst(%arg10 : memref<32x128xf32, #tpu.memory_space<vmem>>)
          %dma_wait3A_85 = arith.constant 0 : i32
          %dma_wait3A_86 = arith.constant 0 : i32
          %dma_wait3A_87 = tpu.memref_slice %arg2[%dma_wait3A_85, %dma_wait3A_86] : memref<32x1000000xf32, #tpu.memory_space<hbm>> -> memref<32x128xf32, #tpu.memory_space<hbm>>
          %dma_wait3A_88 = arith.constant 0 : i32
          %dma_wait3A_89 = arith.constant 0 : i32
          %dma_wait3A_90 = tpu.memref_slice %arg2[%dma_wait3A_88, %dma_wait3A_89] : memref<32x1000000xf32, #tpu.memory_space<hbm>> -> memref<32x128xf32, #tpu.memory_space<hbm>>
          tpu.wait_dma2 semaphore(%arg21 : memref<!tpu.dma_semaphore, #tpu.memory_space<semaphore_mem>>) src(%dma_wait3A_90 : memref<32x128xf32, #tpu.memory_space<hbm>>) dst(%arg11 : memref<32x128xf32, #tpu.memory_space<vmem>>)
          %iota3A = tpu.iota {dimensions = array<i32: 0>} : vector<16xi32>
          %scan3A = arith.constant 0 : i32
          %scan3A_91 = arith.constant 0 : i32
          %scan3A_92 = arith.constant 32 : i32
          %scan3A_93 = arith.addi %scan3A_91, %scan3A_92 : i32
          %scan3A_94 = arith.constant 1 : i32
          scf.for %scan3A_104 = %scan3A_91 to %scan3A_93 step %scan3A_94  : i32 {
            %mul3A_105 = arith.constant 4 : i32
            %mul3A_106 = arith.muli %scan3A_104, %mul3A_105 : i32
            %add3A_107 = arith.constant 0 : i32
            %add3A_108 = arith.addi %mul3A_106, %add3A_107 : i32
            %shift_right_logical3A = arith.constant 4 : i32
            %shift_right_logical3A_109 = arith.shrui %add3A_108, %shift_right_logical3A : i32
            %and3A = arith.constant 15 : i32
            %and3A_110 = arith.andi %add3A_108, %and3A : i32
            %mul3A_111 = arith.constant 16 : i32
            %mul3A_112 = arith.muli %shift_right_logical3A_109, %mul3A_111 : i32
            %add3A_113 = vector.broadcast %and3A_110 : i32 to vector<16xi32>
            %add3A_114 = arith.addi %iota3A, %add3A_113 : vector<16xi32>
            %and3A_115 = arith.constant 15 : i32
            %and3A_116 = vector.broadcast %and3A_115 : i32 to vector<16xi32>
            %and3A_117 = arith.andi %add3A_114, %and3A_116 : vector<16xi32>
            %add3A_118 = vector.broadcast %mul3A_112 : i32 to vector<16xi32>
            %add3A_119 = arith.addi %add3A_118, %and3A_117 : vector<16xi32>
            %shift_right_logical3A_120 = arith.constant 2 : i32
            %shift_right_logical3A_121 = vector.broadcast %shift_right_logical3A_120 : i32 to vector<16xi32>
            %shift_right_logical3A_122 = arith.shrui %add3A_119, %shift_right_logical3A_121 : vector<16xi32>
            %and3A_123 = arith.constant 3 : i32
            %and3A_124 = vector.broadcast %and3A_123 : i32 to vector<16xi32>
            %and3A_125 = arith.andi %add3A_119, %and3A_124 : vector<16xi32>
            %mul3A_126 = arith.constant 32 : i32
            %mul3A_127 = vector.broadcast %mul3A_126 : i32 to vector<16xi32>
            %mul3A_128 = arith.muli %and3A_125, %mul3A_127 : vector<16xi32>
            %add3A_129 = arith.constant 0 : i32
            %add3A_130 = vector.broadcast %add3A_129 : i32 to vector<16xi32>
            %add3A_131 = arith.addi %add3A_130, %iota3A : vector<16xi32>
            %add3A_132 = arith.addi %mul3A_128, %add3A_131 : vector<16xi32>
            %gather3A = tpu.vector_load_idx %arg10[%add3A_131, %add3A_119] : memref<32x128xf32, #tpu.memory_space<vmem>>[vector<16xi32>, vector<16xi32>], vector<16xf32>,
            tpu.vector_store_idx %arg16[%shift_right_logical3A_122, %add3A_132], %gather3A : memref<32x128xf32, #tpu.memory_space<vmem>>[vector<16xi32>, vector<16xi32>], vector<16xf32>,
            %gather3A_133 = tpu.vector_load_idx %arg11[%add3A_131, %add3A_119] : memref<32x128xf32, #tpu.memory_space<vmem>>[vector<16xi32>, vector<16xi32>], vector<16xf32>,
            tpu.vector_store_idx %arg17[%shift_right_logical3A_122, %add3A_132], %gather3A_133 : memref<32x128xf32, #tpu.memory_space<vmem>>[vector<16xi32>, vector<16xi32>], vector<16xf32>,
            %add3A_134 = arith.constant 16 : i32
            %add3A_135 = vector.broadcast %add3A_134 : i32 to vector<16xi32>
            %add3A_136 = arith.addi %add3A_135, %iota3A : vector<16xi32>
            %add3A_137 = arith.addi %mul3A_128, %add3A_136 : vector<16xi32>
            %gather3A_138 = tpu.vector_load_idx %arg10[%add3A_136, %add3A_119] : memref<32x128xf32, #tpu.memory_space<vmem>>[vector<16xi32>, vector<16xi32>], vector<16xf32>,
            tpu.vector_store_idx %arg16[%shift_right_logical3A_122, %add3A_137], %gather3A_138 : memref<32x128xf32, #tpu.memory_space<vmem>>[vector<16xi32>, vector<16xi32>], vector<16xf32>,
            %gather3A_139 = tpu.vector_load_idx %arg11[%add3A_136, %add3A_119] : memref<32x128xf32, #tpu.memory_space<vmem>>[vector<16xi32>, vector<16xi32>], vector<16xf32>,
            tpu.vector_store_idx %arg17[%shift_right_logical3A_122, %add3A_137], %gather3A_139 : memref<32x128xf32, #tpu.memory_space<vmem>>[vector<16xi32>, vector<16xi32>], vector<16xf32>,
            %mul3A_140 = arith.constant 4 : i32
            %mul3A_141 = arith.muli %scan3A_104, %mul3A_140 : i32
            %add3A_142 = arith.constant 1 : i32
            %add3A_143 = arith.addi %mul3A_141, %add3A_142 : i32
            %shift_right_logical3A_144 = arith.constant 4 : i32
            %shift_right_logical3A_145 = arith.shrui %add3A_143, %shift_right_logical3A_144 : i32
            %and3A_146 = arith.constant 15 : i32
            %and3A_147 = arith.andi %add3A_143, %and3A_146 : i32
            %mul3A_148 = arith.constant 16 : i32
            %mul3A_149 = arith.muli %shift_right_logical3A_145, %mul3A_148 : i32
            %add3A_150 = vector.broadcast %and3A_147 : i32 to vector<16xi32>
            %add3A_151 = arith.addi %iota3A, %add3A_150 : vector<16xi32>
            %and3A_152 = arith.constant 15 : i32
            %and3A_153 = vector.broadcast %and3A_152 : i32 to vector<16xi32>
            %and3A_154 = arith.andi %add3A_151, %and3A_153 : vector<16xi32>
            %add3A_155 = vector.broadcast %mul3A_149 : i32 to vector<16xi32>
            %add3A_156 = arith.addi %add3A_155, %and3A_154 : vector<16xi32>
            %shift_right_logical3A_157 = arith.constant 2 : i32
            %shift_right_logical3A_158 = vector.broadcast %shift_right_logical3A_157 : i32 to vector<16xi32>
            %shift_right_logical3A_159 = arith.shrui %add3A_156, %shift_right_logical3A_158 : vector<16xi32>
            %and3A_160 = arith.constant 3 : i32
            %and3A_161 = vector.broadcast %and3A_160 : i32 to vector<16xi32>
            %and3A_162 = arith.andi %add3A_156, %and3A_161 : vector<16xi32>
            %mul3A_163 = arith.constant 32 : i32
            %mul3A_164 = vector.broadcast %mul3A_163 : i32 to vector<16xi32>
            %mul3A_165 = arith.muli %and3A_162, %mul3A_164 : vector<16xi32>
            %add3A_166 = arith.constant 0 : i32
            %add3A_167 = vector.broadcast %add3A_166 : i32 to vector<16xi32>
            %add3A_168 = arith.addi %add3A_167, %iota3A : vector<16xi32>
            %add3A_169 = arith.addi %mul3A_165, %add3A_168 : vector<16xi32>
            %gather3A_170 = tpu.vector_load_idx %arg10[%add3A_168, %add3A_156] : memref<32x128xf32, #tpu.memory_space<vmem>>[vector<16xi32>, vector<16xi32>], vector<16xf32>,
            tpu.vector_store_idx %arg16[%shift_right_logical3A_159, %add3A_169], %gather3A_170 : memref<32x128xf32, #tpu.memory_space<vmem>>[vector<16xi32>, vector<16xi32>], vector<16xf32>,
            %gather3A_171 = tpu.vector_load_idx %arg11[%add3A_168, %add3A_156] : memref<32x128xf32, #tpu.memory_space<vmem>>[vector<16xi32>, vector<16xi32>], vector<16xf32>,
            tpu.vector_store_idx %arg17[%shift_right_logical3A_159, %add3A_169], %gather3A_171 : memref<32x128xf32, #tpu.memory_space<vmem>>[vector<16xi32>, vector<16xi32>], vector<16xf32>,
            %add3A_172 = arith.constant 16 : i32
            %add3A_173 = vector.broadcast %add3A_172 : i32 to vector<16xi32>
            %add3A_174 = arith.addi %add3A_173, %iota3A : vector<16xi32>
            %add3A_175 = arith.addi %mul3A_165, %add3A_174 : vector<16xi32>
            %gather3A_176 = tpu.vector_load_idx %arg10[%add3A_174, %add3A_156] : memref<32x128xf32, #tpu.memory_space<vmem>>[vector<16xi32>, vector<16xi32>], vector<16xf32>,
            tpu.vector_store_idx %arg16[%shift_right_logical3A_159, %add3A_175], %gather3A_176 : memref<32x128xf32, #tpu.memory_space<vmem>>[vector<16xi32>, vector<16xi32>], vector<16xf32>,
            %gather3A_177 = tpu.vector_load_idx %arg11[%add3A_174, %add3A_156] : memref<32x128xf32, #tpu.memory_space<vmem>>[vector<16xi32>, vector<16xi32>], vector<16xf32>,
            tpu.vector_store_idx %arg17[%shift_right_logical3A_159, %add3A_175], %gather3A_177 : memref<32x128xf32, #tpu.memory_space<vmem>>[vector<16xi32>, vector<16xi32>], vector<16xf32>,
            %mul3A_178 = arith.constant 4 : i32
            %mul3A_179 = arith.muli %scan3A_104, %mul3A_178 : i32
            %add3A_180 = arith.constant 2 : i32
            %add3A_181 = arith.addi %mul3A_179, %add3A_180 : i32
            %shift_right_logical3A_182 = arith.constant 4 : i32
            %shift_right_logical3A_183 = arith.shrui %add3A_181, %shift_right_logical3A_182 : i32
            %and3A_184 = arith.constant 15 : i32
            %and3A_185 = arith.andi %add3A_181, %and3A_184 : i32
            %mul3A_186 = arith.constant 16 : i32
            %mul3A_187 = arith.muli %shift_right_logical3A_183, %mul3A_186 : i32
            %add3A_188 = vector.broadcast %and3A_185 : i32 to vector<16xi32>
            %add3A_189 = arith.addi %iota3A, %add3A_188 : vector<16xi32>
            %and3A_190 = arith.constant 15 : i32
            %and3A_191 = vector.broadcast %and3A_190 : i32 to vector<16xi32>
            %and3A_192 = arith.andi %add3A_189, %and3A_191 : vector<16xi32>
            %add3A_193 = vector.broadcast %mul3A_187 : i32 to vector<16xi32>
            %add3A_194 = arith.addi %add3A_193, %and3A_192 : vector<16xi32>
            %shift_right_logical3A_195 = arith.constant 2 : i32
            %shift_right_logical3A_196 = vector.broadcast %shift_right_logical3A_195 : i32 to vector<16xi32>
            %shift_right_logical3A_197 = arith.shrui %add3A_194, %shift_right_logical3A_196 : vector<16xi32>
            %and3A_198 = arith.constant 3 : i32
            %and3A_199 = vector.broadcast %and3A_198 : i32 to vector<16xi32>
            %and3A_200 = arith.andi %add3A_194, %and3A_199 : vector<16xi32>
            %mul3A_201 = arith.constant 32 : i32
            %mul3A_202 = vector.broadcast %mul3A_201 : i32 to vector<16xi32>
            %mul3A_203 = arith.muli %and3A_200, %mul3A_202 : vector<16xi32>
            %add3A_204 = arith.constant 0 : i32
            %add3A_205 = vector.broadcast %add3A_204 : i32 to vector<16xi32>
            %add3A_206 = arith.addi %add3A_205, %iota3A : vector<16xi32>
            %add3A_207 = arith.addi %mul3A_203, %add3A_206 : vector<16xi32>
            %gather3A_208 = tpu.vector_load_idx %arg10[%add3A_206, %add3A_194] : memref<32x128xf32, #tpu.memory_space<vmem>>[vector<16xi32>, vector<16xi32>], vector<16xf32>,
            tpu.vector_store_idx %arg16[%shift_right_logical3A_197, %add3A_207], %gather3A_208 : memref<32x128xf32, #tpu.memory_space<vmem>>[vector<16xi32>, vector<16xi32>], vector<16xf32>,
            %gather3A_209 = tpu.vector_load_idx %arg11[%add3A_206, %add3A_194] : memref<32x128xf32, #tpu.memory_space<vmem>>[vector<16xi32>, vector<16xi32>], vector<16xf32>,
            tpu.vector_store_idx %arg17[%shift_right_logical3A_197, %add3A_207], %gather3A_209 : memref<32x128xf32, #tpu.memory_space<vmem>>[vector<16xi32>, vector<16xi32>], vector<16xf32>,
            %add3A_210 = arith.constant 16 : i32
            %add3A_211 = vector.broadcast %add3A_210 : i32 to vector<16xi32>
            %add3A_212 = arith.addi %add3A_211, %iota3A : vector<16xi32>
            %add3A_213 = arith.addi %mul3A_203, %add3A_212 : vector<16xi32>
            %gather3A_214 = tpu.vector_load_idx %arg10[%add3A_212, %add3A_194] : memref<32x128xf32, #tpu.memory_space<vmem>>[vector<16xi32>, vector<16xi32>], vector<16xf32>,
            tpu.vector_store_idx %arg16[%shift_right_logical3A_197, %add3A_213], %gather3A_214 : memref<32x128xf32, #tpu.memory_space<vmem>>[vector<16xi32>, vector<16xi32>], vector<16xf32>,
            %gather3A_215 = tpu.vector_load_idx %arg11[%add3A_212, %add3A_194] : memref<32x128xf32, #tpu.memory_space<vmem>>[vector<16xi32>, vector<16xi32>], vector<16xf32>,
            tpu.vector_store_idx %arg17[%shift_right_logical3A_197, %add3A_213], %gather3A_215 : memref<32x128xf32, #tpu.memory_space<vmem>>[vector<16xi32>, vector<16xi32>], vector<16xf32>,
            %mul3A_216 = arith.constant 4 : i32
            %mul3A_217 = arith.muli %scan3A_104, %mul3A_216 : i32
            %add3A_218 = arith.constant 3 : i32
            %add3A_219 = arith.addi %mul3A_217, %add3A_218 : i32
            %shift_right_logical3A_220 = arith.constant 4 : i32
            %shift_right_logical3A_221 = arith.shrui %add3A_219, %shift_right_logical3A_220 : i32
            %and3A_222 = arith.constant 15 : i32
            %and3A_223 = arith.andi %add3A_219, %and3A_222 : i32
            %mul3A_224 = arith.constant 16 : i32
            %mul3A_225 = arith.muli %shift_right_logical3A_221, %mul3A_224 : i32
            %add3A_226 = vector.broadcast %and3A_223 : i32 to vector<16xi32>
            %add3A_227 = arith.addi %iota3A, %add3A_226 : vector<16xi32>
            %and3A_228 = arith.constant 15 : i32
            %and3A_229 = vector.broadcast %and3A_228 : i32 to vector<16xi32>
            %and3A_230 = arith.andi %add3A_227, %and3A_229 : vector<16xi32>
            %add3A_231 = vector.broadcast %mul3A_225 : i32 to vector<16xi32>
            %add3A_232 = arith.addi %add3A_231, %and3A_230 : vector<16xi32>
            %shift_right_logical3A_233 = arith.constant 2 : i32
            %shift_right_logical3A_234 = vector.broadcast %shift_right_logical3A_233 : i32 to vector<16xi32>
            %shift_right_logical3A_235 = arith.shrui %add3A_232, %shift_right_logical3A_234 : vector<16xi32>
            %and3A_236 = arith.constant 3 : i32
            %and3A_237 = vector.broadcast %and3A_236 : i32 to vector<16xi32>
            %and3A_238 = arith.andi %add3A_232, %and3A_237 : vector<16xi32>
            %mul3A_239 = arith.constant 32 : i32
            %mul3A_240 = vector.broadcast %mul3A_239 : i32 to vector<16xi32>
            %mul3A_241 = arith.muli %and3A_238, %mul3A_240 : vector<16xi32>
            %add3A_242 = arith.constant 0 : i32
            %add3A_243 = vector.broadcast %add3A_242 : i32 to vector<16xi32>
            %add3A_244 = arith.addi %add3A_243, %iota3A : vector<16xi32>
            %add3A_245 = arith.addi %mul3A_241, %add3A_244 : vector<16xi32>
            %gather3A_246 = tpu.vector_load_idx %arg10[%add3A_244, %add3A_232] : memref<32x128xf32, #tpu.memory_space<vmem>>[vector<16xi32>, vector<16xi32>], vector<16xf32>,
            tpu.vector_store_idx %arg16[%shift_right_logical3A_235, %add3A_245], %gather3A_246 : memref<32x128xf32, #tpu.memory_space<vmem>>[vector<16xi32>, vector<16xi32>], vector<16xf32>,
            %gather3A_247 = tpu.vector_load_idx %arg11[%add3A_244, %add3A_232] : memref<32x128xf32, #tpu.memory_space<vmem>>[vector<16xi32>, vector<16xi32>], vector<16xf32>,
            tpu.vector_store_idx %arg17[%shift_right_logical3A_235, %add3A_245], %gather3A_247 : memref<32x128xf32, #tpu.memory_space<vmem>>[vector<16xi32>, vector<16xi32>], vector<16xf32>,
            %add3A_248 = arith.constant 16 : i32
            %add3A_249 = vector.broadcast %add3A_248 : i32 to vector<16xi32>
            %add3A_250 = arith.addi %add3A_249, %iota3A : vector<16xi32>
            %add3A_251 = arith.addi %mul3A_241, %add3A_250 : vector<16xi32>
            %gather3A_252 = tpu.vector_load_idx %arg10[%add3A_250, %add3A_232] : memref<32x128xf32, #tpu.memory_space<vmem>>[vector<16xi32>, vector<16xi32>], vector<16xf32>,
            tpu.vector_store_idx %arg16[%shift_right_logical3A_235, %add3A_251], %gather3A_252 : memref<32x128xf32, #tpu.memory_space<vmem>>[vector<16xi32>, vector<16xi32>], vector<16xf32>,
            %gather3A_253 = tpu.vector_load_idx %arg11[%add3A_250, %add3A_232] : memref<32x128xf32, #tpu.memory_space<vmem>>[vector<16xi32>, vector<16xi32>], vector<16xf32>,
            tpu.vector_store_idx %arg17[%shift_right_logical3A_235, %add3A_251], %gather3A_253 : memref<32x128xf32, #tpu.memory_space<vmem>>[vector<16xi32>, vector<16xi32>], vector<16xf32>,
          }
          %scan3A_95 = arith.constant 32 : i32
          %dma_start3A_96 = arith.constant 0 : i32
          %dma_start3A_97 = tpu.memref_slice %arg6[%multiple_of3A_64, %dma_start3A_96] : memref<250000x128xf32, #tpu.memory_space<hbm>> -> memref<32x128xf32, #tpu.memory_space<hbm>>
          %dma_start3A_98 = arith.constant 0 : i32
          %dma_start3A_99 = tpu.memref_slice %arg6[%multiple_of3A_64, %dma_start3A_98] : memref<250000x128xf32, #tpu.memory_space<hbm>> -> memref<32x128xf32, #tpu.memory_space<hbm>>
          tpu.enqueue_dma source(%arg16 : memref<32x128xf32, #tpu.memory_space<vmem>>) target(%dma_start3A_99 : memref<32x128xf32, #tpu.memory_space<hbm>>) target_semaphore(%arg23 : memref<!tpu.dma_semaphore, #tpu.memory_space<semaphore_mem>>)
          %dma_start3A_100 = arith.constant 0 : i32
          %dma_start3A_101 = tpu.memref_slice %arg7[%multiple_of3A_64, %dma_start3A_100] : memref<250000x128xf32, #tpu.memory_space<hbm>> -> memref<32x128xf32, #tpu.memory_space<hbm>>
          %dma_start3A_102 = arith.constant 0 : i32
          %dma_start3A_103 = tpu.memref_slice %arg7[%multiple_of3A_64, %dma_start3A_102] : memref<250000x128xf32, #tpu.memory_space<hbm>> -> memref<32x128xf32, #tpu.memory_space<hbm>>
          tpu.enqueue_dma source(%arg17 : memref<32x128xf32, #tpu.memory_space<vmem>>) target(%dma_start3A_103 : memref<32x128xf32, #tpu.memory_space<hbm>>) target_semaphore(%arg23 : memref<!tpu.dma_semaphore, #tpu.memory_space<semaphore_mem>>)
        } else {
        }
        %eq3A_75 = arith.constant 2 : i32
        %eq3A_76 = arith.cmpi eq, %rem3A_51, %eq3A_75 : i32
        %convert_element_type3A_77 = arith.extui %eq3A_76 : i1 to i32
        %cond3A_78 = arith.constant 0 : i32
        %cond3A_79 = arith.cmpi ne, %convert_element_type3A_77, %cond3A_78 : i32
        scf.if %cond3A_79 {
          %dma_wait3A = arith.constant 0 : i32
          %dma_wait3A_80 = arith.constant 0 : i32
          %dma_wait3A_81 = tpu.memref_slice %arg2[%dma_wait3A, %dma_wait3A_80] : memref<32x1000000xf32, #tpu.memory_space<hbm>> -> memref<32x128xf32, #tpu.memory_space<hbm>>
          %dma_wait3A_82 = arith.constant 0 : i32
          %dma_wait3A_83 = arith.constant 0 : i32
          %dma_wait3A_84 = tpu.memref_slice %arg2[%dma_wait3A_82, %dma_wait3A_83] : memref<32x1000000xf32, #tpu.memory_space<hbm>> -> memref<32x128xf32, #tpu.memory_space<hbm>>
          tpu.wait_dma2 semaphore(%arg22 : memref<!tpu.dma_semaphore, #tpu.memory_space<semaphore_mem>>) src(%dma_wait3A_84 : memref<32x128xf32, #tpu.memory_space<hbm>>) dst(%arg12 : memref<32x128xf32, #tpu.memory_space<vmem>>)
          %dma_wait3A_85 = arith.constant 0 : i32
          %dma_wait3A_86 = arith.constant 0 : i32
          %dma_wait3A_87 = tpu.memref_slice %arg2[%dma_wait3A_85, %dma_wait3A_86] : memref<32x1000000xf32, #tpu.memory_space<hbm>> -> memref<32x128xf32, #tpu.memory_space<hbm>>
          %dma_wait3A_88 = arith.constant 0 : i32
          %dma_wait3A_89 = arith.constant 0 : i32
          %dma_wait3A_90 = tpu.memref_slice %arg2[%dma_wait3A_88, %dma_wait3A_89] : memref<32x1000000xf32, #tpu.memory_space<hbm>> -> memref<32x128xf32, #tpu.memory_space<hbm>>
          tpu.wait_dma2 semaphore(%arg22 : memref<!tpu.dma_semaphore, #tpu.memory_space<semaphore_mem>>) src(%dma_wait3A_90 : memref<32x128xf32, #tpu.memory_space<hbm>>) dst(%arg13 : memref<32x128xf32, #tpu.memory_space<vmem>>)
          %iota3A = tpu.iota {dimensions = array<i32: 0>} : vector<16xi32>
          %scan3A = arith.constant 0 : i32
          %scan3A_91 = arith.constant 0 : i32
          %scan3A_92 = arith.constant 32 : i32
          %scan3A_93 = arith.addi %scan3A_91, %scan3A_92 : i32
          %scan3A_94 = arith.constant 1 : i32
          scf.for %scan3A_104 = %scan3A_91 to %scan3A_93 step %scan3A_94  : i32 {
            %mul3A_105 = arith.constant 4 : i32
            %mul3A_106 = arith.muli %scan3A_104, %mul3A_105 : i32
            %add3A_107 = arith.constant 0 : i32
            %add3A_108 = arith.addi %mul3A_106, %add3A_107 : i32
            %shift_right_logical3A = arith.constant 4 : i32
            %shift_right_logical3A_109 = arith.shrui %add3A_108, %shift_right_logical3A : i32
            %and3A = arith.constant 15 : i32
            %and3A_110 = arith.andi %add3A_108, %and3A : i32
            %mul3A_111 = arith.constant 16 : i32
            %mul3A_112 = arith.muli %shift_right_logical3A_109, %mul3A_111 : i32
            %add3A_113 = vector.broadcast %and3A_110 : i32 to vector<16xi32>
            %add3A_114 = arith.addi %iota3A, %add3A_113 : vector<16xi32>
            %and3A_115 = arith.constant 15 : i32
            %and3A_116 = vector.broadcast %and3A_115 : i32 to vector<16xi32>
            %and3A_117 = arith.andi %add3A_114, %and3A_116 : vector<16xi32>
            %add3A_118 = vector.broadcast %mul3A_112 : i32 to vector<16xi32>
            %add3A_119 = arith.addi %add3A_118, %and3A_117 : vector<16xi32>
            %shift_right_logical3A_120 = arith.constant 2 : i32
            %shift_right_logical3A_121 = vector.broadcast %shift_right_logical3A_120 : i32 to vector<16xi32>
            %shift_right_logical3A_122 = arith.shrui %add3A_119, %shift_right_logical3A_121 : vector<16xi32>
            %and3A_123 = arith.constant 3 : i32
            %and3A_124 = vector.broadcast %and3A_123 : i32 to vector<16xi32>
            %and3A_125 = arith.andi %add3A_119, %and3A_124 : vector<16xi32>
            %mul3A_126 = arith.constant 32 : i32
            %mul3A_127 = vector.broadcast %mul3A_126 : i32 to vector<16xi32>
            %mul3A_128 = arith.muli %and3A_125, %mul3A_127 : vector<16xi32>
            %add3A_129 = arith.constant 0 : i32
            %add3A_130 = vector.broadcast %add3A_129 : i32 to vector<16xi32>
            %add3A_131 = arith.addi %add3A_130, %iota3A : vector<16xi32>
            %add3A_132 = arith.addi %mul3A_128, %add3A_131 : vector<16xi32>
            %gather3A = tpu.vector_load_idx %arg12[%add3A_131, %add3A_119] : memref<32x128xf32, #tpu.memory_space<vmem>>[vector<16xi32>, vector<16xi32>], vector<16xf32>,
            tpu.vector_store_idx %arg18[%shift_right_logical3A_122, %add3A_132], %gather3A : memref<32x128xf32, #tpu.memory_space<vmem>>[vector<16xi32>, vector<16xi32>], vector<16xf32>,
            %gather3A_133 = tpu.vector_load_idx %arg13[%add3A_131, %add3A_119] : memref<32x128xf32, #tpu.memory_space<vmem>>[vector<16xi32>, vector<16xi32>], vector<16xf32>,
            tpu.vector_store_idx %arg19[%shift_right_logical3A_122, %add3A_132], %gather3A_133 : memref<32x128xf32, #tpu.memory_space<vmem>>[vector<16xi32>, vector<16xi32>], vector<16xf32>,
            %add3A_134 = arith.constant 16 : i32
            %add3A_135 = vector.broadcast %add3A_134 : i32 to vector<16xi32>
            %add3A_136 = arith.addi %add3A_135, %iota3A : vector<16xi32>
            %add3A_137 = arith.addi %mul3A_128, %add3A_136 : vector<16xi32>
            %gather3A_138 = tpu.vector_load_idx %arg12[%add3A_136, %add3A_119] : memref<32x128xf32, #tpu.memory_space<vmem>>[vector<16xi32>, vector<16xi32>], vector<16xf32>,
            tpu.vector_store_idx %arg18[%shift_right_logical3A_122, %add3A_137], %gather3A_138 : memref<32x128xf32, #tpu.memory_space<vmem>>[vector<16xi32>, vector<16xi32>], vector<16xf32>,
            %gather3A_139 = tpu.vector_load_idx %arg13[%add3A_136, %add3A_119] : memref<32x128xf32, #tpu.memory_space<vmem>>[vector<16xi32>, vector<16xi32>], vector<16xf32>,
            tpu.vector_store_idx %arg19[%shift_right_logical3A_122, %add3A_137], %gather3A_139 : memref<32x128xf32, #tpu.memory_space<vmem>>[vector<16xi32>, vector<16xi32>], vector<16xf32>,
            %mul3A_140 = arith.constant 4 : i32
            %mul3A_141 = arith.muli %scan3A_104, %mul3A_140 : i32
            %add3A_142 = arith.constant 1 : i32
            %add3A_143 = arith.addi %mul3A_141, %add3A_142 : i32
            %shift_right_logical3A_144 = arith.constant 4 : i32
            %shift_right_logical3A_145 = arith.shrui %add3A_143, %shift_right_logical3A_144 : i32
            %and3A_146 = arith.constant 15 : i32
            %and3A_147 = arith.andi %add3A_143, %and3A_146 : i32
            %mul3A_148 = arith.constant 16 : i32
            %mul3A_149 = arith.muli %shift_right_logical3A_145, %mul3A_148 : i32
            %add3A_150 = vector.broadcast %and3A_147 : i32 to vector<16xi32>
            %add3A_151 = arith.addi %iota3A, %add3A_150 : vector<16xi32>
            %and3A_152 = arith.constant 15 : i32
            %and3A_153 = vector.broadcast %and3A_152 : i32 to vector<16xi32>
            %and3A_154 = arith.andi %add3A_151, %and3A_153 : vector<16xi32>
            %add3A_155 = vector.broadcast %mul3A_149 : i32 to vector<16xi32>
            %add3A_156 = arith.addi %add3A_155, %and3A_154 : vector<16xi32>
            %shift_right_logical3A_157 = arith.constant 2 : i32
            %shift_right_logical3A_158 = vector.broadcast %shift_right_logical3A_157 : i32 to vector<16xi32>
            %shift_right_logical3A_159 = arith.shrui %add3A_156, %shift_right_logical3A_158 : vector<16xi32>
            %and3A_160 = arith.constant 3 : i32
            %and3A_161 = vector.broadcast %and3A_160 : i32 to vector<16xi32>
            %and3A_162 = arith.andi %add3A_156, %and3A_161 : vector<16xi32>
            %mul3A_163 = arith.constant 32 : i32
            %mul3A_164 = vector.broadcast %mul3A_163 : i32 to vector<16xi32>
            %mul3A_165 = arith.muli %and3A_162, %mul3A_164 : vector<16xi32>
            %add3A_166 = arith.constant 0 : i32
            %add3A_167 = vector.broadcast %add3A_166 : i32 to vector<16xi32>
            %add3A_168 = arith.addi %add3A_167, %iota3A : vector<16xi32>
            %add3A_169 = arith.addi %mul3A_165, %add3A_168 : vector<16xi32>
            %gather3A_170 = tpu.vector_load_idx %arg12[%add3A_168, %add3A_156] : memref<32x128xf32, #tpu.memory_space<vmem>>[vector<16xi32>, vector<16xi32>], vector<16xf32>,
            tpu.vector_store_idx %arg18[%shift_right_logical3A_159, %add3A_169], %gather3A_170 : memref<32x128xf32, #tpu.memory_space<vmem>>[vector<16xi32>, vector<16xi32>], vector<16xf32>,
            %gather3A_171 = tpu.vector_load_idx %arg13[%add3A_168, %add3A_156] : memref<32x128xf32, #tpu.memory_space<vmem>>[vector<16xi32>, vector<16xi32>], vector<16xf32>,
            tpu.vector_store_idx %arg19[%shift_right_logical3A_159, %add3A_169], %gather3A_171 : memref<32x128xf32, #tpu.memory_space<vmem>>[vector<16xi32>, vector<16xi32>], vector<16xf32>,
            %add3A_172 = arith.constant 16 : i32
            %add3A_173 = vector.broadcast %add3A_172 : i32 to vector<16xi32>
            %add3A_174 = arith.addi %add3A_173, %iota3A : vector<16xi32>
            %add3A_175 = arith.addi %mul3A_165, %add3A_174 : vector<16xi32>
            %gather3A_176 = tpu.vector_load_idx %arg12[%add3A_174, %add3A_156] : memref<32x128xf32, #tpu.memory_space<vmem>>[vector<16xi32>, vector<16xi32>], vector<16xf32>,
            tpu.vector_store_idx %arg18[%shift_right_logical3A_159, %add3A_175], %gather3A_176 : memref<32x128xf32, #tpu.memory_space<vmem>>[vector<16xi32>, vector<16xi32>], vector<16xf32>,
            %gather3A_177 = tpu.vector_load_idx %arg13[%add3A_174, %add3A_156] : memref<32x128xf32, #tpu.memory_space<vmem>>[vector<16xi32>, vector<16xi32>], vector<16xf32>,
            tpu.vector_store_idx %arg19[%shift_right_logical3A_159, %add3A_175], %gather3A_177 : memref<32x128xf32, #tpu.memory_space<vmem>>[vector<16xi32>, vector<16xi32>], vector<16xf32>,
            %mul3A_178 = arith.constant 4 : i32
            %mul3A_179 = arith.muli %scan3A_104, %mul3A_178 : i32
            %add3A_180 = arith.constant 2 : i32
            %add3A_181 = arith.addi %mul3A_179, %add3A_180 : i32
            %shift_right_logical3A_182 = arith.constant 4 : i32
            %shift_right_logical3A_183 = arith.shrui %add3A_181, %shift_right_logical3A_182 : i32
            %and3A_184 = arith.constant 15 : i32
            %and3A_185 = arith.andi %add3A_181, %and3A_184 : i32
            %mul3A_186 = arith.constant 16 : i32
            %mul3A_187 = arith.muli %shift_right_logical3A_183, %mul3A_186 : i32
            %add3A_188 = vector.broadcast %and3A_185 : i32 to vector<16xi32>
            %add3A_189 = arith.addi %iota3A, %add3A_188 : vector<16xi32>
            %and3A_190 = arith.constant 15 : i32
            %and3A_191 = vector.broadcast %and3A_190 : i32 to vector<16xi32>
            %and3A_192 = arith.andi %add3A_189, %and3A_191 : vector<16xi32>
            %add3A_193 = vector.broadcast %mul3A_187 : i32 to vector<16xi32>
            %add3A_194 = arith.addi %add3A_193, %and3A_192 : vector<16xi32>
            %shift_right_logical3A_195 = arith.constant 2 : i32
            %shift_right_logical3A_196 = vector.broadcast %shift_right_logical3A_195 : i32 to vector<16xi32>
            %shift_right_logical3A_197 = arith.shrui %add3A_194, %shift_right_logical3A_196 : vector<16xi32>
            %and3A_198 = arith.constant 3 : i32
            %and3A_199 = vector.broadcast %and3A_198 : i32 to vector<16xi32>
            %and3A_200 = arith.andi %add3A_194, %and3A_199 : vector<16xi32>
            %mul3A_201 = arith.constant 32 : i32
            %mul3A_202 = vector.broadcast %mul3A_201 : i32 to vector<16xi32>
            %mul3A_203 = arith.muli %and3A_200, %mul3A_202 : vector<16xi32>
            %add3A_204 = arith.constant 0 : i32
            %add3A_205 = vector.broadcast %add3A_204 : i32 to vector<16xi32>
            %add3A_206 = arith.addi %add3A_205, %iota3A : vector<16xi32>
            %add3A_207 = arith.addi %mul3A_203, %add3A_206 : vector<16xi32>
            %gather3A_208 = tpu.vector_load_idx %arg12[%add3A_206, %add3A_194] : memref<32x128xf32, #tpu.memory_space<vmem>>[vector<16xi32>, vector<16xi32>], vector<16xf32>,
            tpu.vector_store_idx %arg18[%shift_right_logical3A_197, %add3A_207], %gather3A_208 : memref<32x128xf32, #tpu.memory_space<vmem>>[vector<16xi32>, vector<16xi32>], vector<16xf32>,
            %gather3A_209 = tpu.vector_load_idx %arg13[%add3A_206, %add3A_194] : memref<32x128xf32, #tpu.memory_space<vmem>>[vector<16xi32>, vector<16xi32>], vector<16xf32>,
            tpu.vector_store_idx %arg19[%shift_right_logical3A_197, %add3A_207], %gather3A_209 : memref<32x128xf32, #tpu.memory_space<vmem>>[vector<16xi32>, vector<16xi32>], vector<16xf32>,
            %add3A_210 = arith.constant 16 : i32
            %add3A_211 = vector.broadcast %add3A_210 : i32 to vector<16xi32>
            %add3A_212 = arith.addi %add3A_211, %iota3A : vector<16xi32>
            %add3A_213 = arith.addi %mul3A_203, %add3A_212 : vector<16xi32>
            %gather3A_214 = tpu.vector_load_idx %arg12[%add3A_212, %add3A_194] : memref<32x128xf32, #tpu.memory_space<vmem>>[vector<16xi32>, vector<16xi32>], vector<16xf32>,
            tpu.vector_store_idx %arg18[%shift_right_logical3A_197, %add3A_213], %gather3A_214 : memref<32x128xf32, #tpu.memory_space<vmem>>[vector<16xi32>, vector<16xi32>], vector<16xf32>,
            %gather3A_215 = tpu.vector_load_idx %arg13[%add3A_212, %add3A_194] : memref<32x128xf32, #tpu.memory_space<vmem>>[vector<16xi32>, vector<16xi32>], vector<16xf32>,
            tpu.vector_store_idx %arg19[%shift_right_logical3A_197, %add3A_213], %gather3A_215 : memref<32x128xf32, #tpu.memory_space<vmem>>[vector<16xi32>, vector<16xi32>], vector<16xf32>,
            %mul3A_216 = arith.constant 4 : i32
            %mul3A_217 = arith.muli %scan3A_104, %mul3A_216 : i32
            %add3A_218 = arith.constant 3 : i32
            %add3A_219 = arith.addi %mul3A_217, %add3A_218 : i32
            %shift_right_logical3A_220 = arith.constant 4 : i32
            %shift_right_logical3A_221 = arith.shrui %add3A_219, %shift_right_logical3A_220 : i32
            %and3A_222 = arith.constant 15 : i32
            %and3A_223 = arith.andi %add3A_219, %and3A_222 : i32
            %mul3A_224 = arith.constant 16 : i32
            %mul3A_225 = arith.muli %shift_right_logical3A_221, %mul3A_224 : i32
            %add3A_226 = vector.broadcast %and3A_223 : i32 to vector<16xi32>
            %add3A_227 = arith.addi %iota3A, %add3A_226 : vector<16xi32>
            %and3A_228 = arith.constant 15 : i32
            %and3A_229 = vector.broadcast %and3A_228 : i32 to vector<16xi32>
            %and3A_230 = arith.andi %add3A_227, %and3A_229 : vector<16xi32>
            %add3A_231 = vector.broadcast %mul3A_225 : i32 to vector<16xi32>
            %add3A_232 = arith.addi %add3A_231, %and3A_230 : vector<16xi32>
            %shift_right_logical3A_233 = arith.constant 2 : i32
            %shift_right_logical3A_234 = vector.broadcast %shift_right_logical3A_233 : i32 to vector<16xi32>
            %shift_right_logical3A_235 = arith.shrui %add3A_232, %shift_right_logical3A_234 : vector<16xi32>
            %and3A_236 = arith.constant 3 : i32
            %and3A_237 = vector.broadcast %and3A_236 : i32 to vector<16xi32>
            %and3A_238 = arith.andi %add3A_232, %and3A_237 : vector<16xi32>
            %mul3A_239 = arith.constant 32 : i32
            %mul3A_240 = vector.broadcast %mul3A_239 : i32 to vector<16xi32>
            %mul3A_241 = arith.muli %and3A_238, %mul3A_240 : vector<16xi32>
            %add3A_242 = arith.constant 0 : i32
            %add3A_243 = vector.broadcast %add3A_242 : i32 to vector<16xi32>
            %add3A_244 = arith.addi %add3A_243, %iota3A : vector<16xi32>
            %add3A_245 = arith.addi %mul3A_241, %add3A_244 : vector<16xi32>
            %gather3A_246 = tpu.vector_load_idx %arg12[%add3A_244, %add3A_232] : memref<32x128xf32, #tpu.memory_space<vmem>>[vector<16xi32>, vector<16xi32>], vector<16xf32>,
            tpu.vector_store_idx %arg18[%shift_right_logical3A_235, %add3A_245], %gather3A_246 : memref<32x128xf32, #tpu.memory_space<vmem>>[vector<16xi32>, vector<16xi32>], vector<16xf32>,
            %gather3A_247 = tpu.vector_load_idx %arg13[%add3A_244, %add3A_232] : memref<32x128xf32, #tpu.memory_space<vmem>>[vector<16xi32>, vector<16xi32>], vector<16xf32>,
            tpu.vector_store_idx %arg19[%shift_right_logical3A_235, %add3A_245], %gather3A_247 : memref<32x128xf32, #tpu.memory_space<vmem>>[vector<16xi32>, vector<16xi32>], vector<16xf32>,
            %add3A_248 = arith.constant 16 : i32
            %add3A_249 = vector.broadcast %add3A_248 : i32 to vector<16xi32>
            %add3A_250 = arith.addi %add3A_249, %iota3A : vector<16xi32>
            %add3A_251 = arith.addi %mul3A_241, %add3A_250 : vector<16xi32>
            %gather3A_252 = tpu.vector_load_idx %arg12[%add3A_250, %add3A_232] : memref<32x128xf32, #tpu.memory_space<vmem>>[vector<16xi32>, vector<16xi32>], vector<16xf32>,
            tpu.vector_store_idx %arg18[%shift_right_logical3A_235, %add3A_251], %gather3A_252 : memref<32x128xf32, #tpu.memory_space<vmem>>[vector<16xi32>, vector<16xi32>], vector<16xf32>,
            %gather3A_253 = tpu.vector_load_idx %arg13[%add3A_250, %add3A_232] : memref<32x128xf32, #tpu.memory_space<vmem>>[vector<16xi32>, vector<16xi32>], vector<16xf32>,
            tpu.vector_store_idx %arg19[%shift_right_logical3A_235, %add3A_251], %gather3A_253 : memref<32x128xf32, #tpu.memory_space<vmem>>[vector<16xi32>, vector<16xi32>], vector<16xf32>,
          }
          %scan3A_95 = arith.constant 32 : i32
          %dma_start3A_96 = arith.constant 0 : i32
          %dma_start3A_97 = tpu.memref_slice %arg6[%multiple_of3A_64, %dma_start3A_96] : memref<250000x128xf32, #tpu.memory_space<hbm>> -> memref<32x128xf32, #tpu.memory_space<hbm>>
          %dma_start3A_98 = arith.constant 0 : i32
          %dma_start3A_99 = tpu.memref_slice %arg6[%multiple_of3A_64, %dma_start3A_98] : memref<250000x128xf32, #tpu.memory_space<hbm>> -> memref<32x128xf32, #tpu.memory_space<hbm>>
          tpu.enqueue_dma source(%arg18 : memref<32x128xf32, #tpu.memory_space<vmem>>) target(%dma_start3A_99 : memref<32x128xf32, #tpu.memory_space<hbm>>) target_semaphore(%arg23 : memref<!tpu.dma_semaphore, #tpu.memory_space<semaphore_mem>>)
          %dma_start3A_100 = arith.constant 0 : i32
          %dma_start3A_101 = tpu.memref_slice %arg7[%multiple_of3A_64, %dma_start3A_100] : memref<250000x128xf32, #tpu.memory_space<hbm>> -> memref<32x128xf32, #tpu.memory_space<hbm>>
          %dma_start3A_102 = arith.constant 0 : i32
          %dma_start3A_103 = tpu.memref_slice %arg7[%multiple_of3A_64, %dma_start3A_102] : memref<250000x128xf32, #tpu.memory_space<hbm>> -> memref<32x128xf32, #tpu.memory_space<hbm>>
          tpu.enqueue_dma source(%arg19 : memref<32x128xf32, #tpu.memory_space<vmem>>) target(%dma_start3A_103 : memref<32x128xf32, #tpu.memory_space<hbm>>) target_semaphore(%arg23 : memref<!tpu.dma_semaphore, #tpu.memory_space<semaphore_mem>>)
        } else {
        }
      }
      %while3A_34 = arith.constant 1 : i32
      scf.for %while3A_49 = %while3A_32 to %while3A_28 step %while3A_34  : i32 {
        %add3A_50 = arith.addi %mul3A_2, %while3A_49 : i32
        %rem3A = arith.constant 3 : i32
        %rem3A_51 = arith.remsi %while3A_49, %rem3A : i32
        %add3A_52 = arith.constant 2 : i32
        %add3A_53 = arith.addi %while3A_49, %add3A_52 : i32
        %lt3A = arith.cmpi slt, %add3A_53, %sub3A : i32
        %convert_element_type3A_54 = arith.extui %lt3A : i1 to i32
        %cond3A_55 = arith.constant 0 : i32
        %cond3A_56 = arith.cmpi ne, %convert_element_type3A_54, %cond3A_55 : i32
        scf.if %cond3A_56 {
          %eq3A_80 = arith.constant 0 : i32
          %eq3A_81 = arith.cmpi eq, %rem3A_51, %eq3A_80 : i32
          %convert_element_type3A_82 = arith.extui %eq3A_81 : i1 to i32
          %cond3A_83 = arith.constant 0 : i32
          %cond3A_84 = arith.cmpi ne, %convert_element_type3A_82, %cond3A_83 : i32
          scf.if %cond3A_84 {
            %add3A_95 = arith.constant 2 : i32
            %add3A_96 = arith.addi %add3A_50, %add3A_95 : i32
            %mul3A_97 = arith.constant 128 : i32
            %mul3A_98 = arith.muli %add3A_96, %mul3A_97 : i32
            %multiple_of3A_99 = tpu.assume_multiple %mul3A_98, 128 : i32
            %dma_start3A_100 = arith.constant 0 : i32
            %dma_start3A_101 = tpu.memref_slice %arg2[%dma_start3A_100, %multiple_of3A_99] : memref<32x1000000xf32, #tpu.memory_space<hbm>> -> memref<32x128xf32, #tpu.memory_space<hbm>>
            %dma_start3A_102 = arith.constant 0 : i32
            %dma_start3A_103 = tpu.memref_slice %arg2[%dma_start3A_102, %multiple_of3A_99] : memref<32x1000000xf32, #tpu.memory_space<hbm>> -> memref<32x128xf32, #tpu.memory_space<hbm>>
            tpu.enqueue_dma source(%dma_start3A_103 : memref<32x128xf32, #tpu.memory_space<hbm>>) target(%arg12 : memref<32x128xf32, #tpu.memory_space<vmem>>) target_semaphore(%arg22 : memref<!tpu.dma_semaphore, #tpu.memory_space<semaphore_mem>>)
            %dma_start3A_104 = arith.constant 0 : i32
            %dma_start3A_105 = tpu.memref_slice %arg3[%dma_start3A_104, %multiple_of3A_99] : memref<32x1000000xf32, #tpu.memory_space<hbm>> -> memref<32x128xf32, #tpu.memory_space<hbm>>
            %dma_start3A_106 = arith.constant 0 : i32
            %dma_start3A_107 = tpu.memref_slice %arg3[%dma_start3A_106, %multiple_of3A_99] : memref<32x1000000xf32, #tpu.memory_space<hbm>> -> memref<32x128xf32, #tpu.memory_space<hbm>>
            tpu.enqueue_dma source(%dma_start3A_107 : memref<32x128xf32, #tpu.memory_space<hbm>>) target(%arg13 : memref<32x128xf32, #tpu.memory_space<vmem>>) target_semaphore(%arg22 : memref<!tpu.dma_semaphore, #tpu.memory_space<semaphore_mem>>)
          } else {
          }
          %eq3A_85 = arith.constant 1 : i32
          %eq3A_86 = arith.cmpi eq, %rem3A_51, %eq3A_85 : i32
          %convert_element_type3A_87 = arith.extui %eq3A_86 : i1 to i32
          %cond3A_88 = arith.constant 0 : i32
          %cond3A_89 = arith.cmpi ne, %convert_element_type3A_87, %cond3A_88 : i32
          scf.if %cond3A_89 {
            %add3A_95 = arith.constant 2 : i32
            %add3A_96 = arith.addi %add3A_50, %add3A_95 : i32
            %mul3A_97 = arith.constant 128 : i32
            %mul3A_98 = arith.muli %add3A_96, %mul3A_97 : i32
            %multiple_of3A_99 = tpu.assume_multiple %mul3A_98, 128 : i32
            %dma_start3A_100 = arith.constant 0 : i32
            %dma_start3A_101 = tpu.memref_slice %arg2[%dma_start3A_100, %multiple_of3A_99] : memref<32x1000000xf32, #tpu.memory_space<hbm>> -> memref<32x128xf32, #tpu.memory_space<hbm>>
            %dma_start3A_102 = arith.constant 0 : i32
            %dma_start3A_103 = tpu.memref_slice %arg2[%dma_start3A_102, %multiple_of3A_99] : memref<32x1000000xf32, #tpu.memory_space<hbm>> -> memref<32x128xf32, #tpu.memory_space<hbm>>
            tpu.enqueue_dma source(%dma_start3A_103 : memref<32x128xf32, #tpu.memory_space<hbm>>) target(%arg8 : memref<32x128xf32, #tpu.memory_space<vmem>>) target_semaphore(%arg20 : memref<!tpu.dma_semaphore, #tpu.memory_space<semaphore_mem>>)
            %dma_start3A_104 = arith.constant 0 : i32
            %dma_start3A_105 = tpu.memref_slice %arg3[%dma_start3A_104, %multiple_of3A_99] : memref<32x1000000xf32, #tpu.memory_space<hbm>> -> memref<32x128xf32, #tpu.memory_space<hbm>>
            %dma_start3A_106 = arith.constant 0 : i32
            %dma_start3A_107 = tpu.memref_slice %arg3[%dma_start3A_106, %multiple_of3A_99] : memref<32x1000000xf32, #tpu.memory_space<hbm>> -> memref<32x128xf32, #tpu.memory_space<hbm>>
            tpu.enqueue_dma source(%dma_start3A_107 : memref<32x128xf32, #tpu.memory_space<hbm>>) target(%arg9 : memref<32x128xf32, #tpu.memory_space<vmem>>) target_semaphore(%arg20 : memref<!tpu.dma_semaphore, #tpu.memory_space<semaphore_mem>>)
          } else {
          }
          %eq3A_90 = arith.constant 2 : i32
          %eq3A_91 = arith.cmpi eq, %rem3A_51, %eq3A_90 : i32
          %convert_element_type3A_92 = arith.extui %eq3A_91 : i1 to i32
          %cond3A_93 = arith.constant 0 : i32
          %cond3A_94 = arith.cmpi ne, %convert_element_type3A_92, %cond3A_93 : i32
          scf.if %cond3A_94 {
            %add3A_95 = arith.constant 2 : i32
            %add3A_96 = arith.addi %add3A_50, %add3A_95 : i32
            %mul3A_97 = arith.constant 128 : i32
            %mul3A_98 = arith.muli %add3A_96, %mul3A_97 : i32
            %multiple_of3A_99 = tpu.assume_multiple %mul3A_98, 128 : i32
            %dma_start3A_100 = arith.constant 0 : i32
            %dma_start3A_101 = tpu.memref_slice %arg2[%dma_start3A_100, %multiple_of3A_99] : memref<32x1000000xf32, #tpu.memory_space<hbm>> -> memref<32x128xf32, #tpu.memory_space<hbm>>
            %dma_start3A_102 = arith.constant 0 : i32
            %dma_start3A_103 = tpu.memref_slice %arg2[%dma_start3A_102, %multiple_of3A_99] : memref<32x1000000xf32, #tpu.memory_space<hbm>> -> memref<32x128xf32, #tpu.memory_space<hbm>>
            tpu.enqueue_dma source(%dma_start3A_103 : memref<32x128xf32, #tpu.memory_space<hbm>>) target(%arg10 : memref<32x128xf32, #tpu.memory_space<vmem>>) target_semaphore(%arg21 : memref<!tpu.dma_semaphore, #tpu.memory_space<semaphore_mem>>)
            %dma_start3A_104 = arith.constant 0 : i32
            %dma_start3A_105 = tpu.memref_slice %arg3[%dma_start3A_104, %multiple_of3A_99] : memref<32x1000000xf32, #tpu.memory_space<hbm>> -> memref<32x128xf32, #tpu.memory_space<hbm>>
            %dma_start3A_106 = arith.constant 0 : i32
            %dma_start3A_107 = tpu.memref_slice %arg3[%dma_start3A_106, %multiple_of3A_99] : memref<32x1000000xf32, #tpu.memory_space<hbm>> -> memref<32x128xf32, #tpu.memory_space<hbm>>
            tpu.enqueue_dma source(%dma_start3A_107 : memref<32x128xf32, #tpu.memory_space<hbm>>) target(%arg11 : memref<32x128xf32, #tpu.memory_space<vmem>>) target_semaphore(%arg21 : memref<!tpu.dma_semaphore, #tpu.memory_space<semaphore_mem>>)
          } else {
          }
        } else {
        }
        %ge3A_57 = arith.constant 3 : i32
        %ge3A_58 = arith.cmpi sge, %while3A_49, %ge3A_57 : i32
        %convert_element_type3A_59 = arith.extui %ge3A_58 : i1 to i32
        %cond3A_60 = arith.constant 0 : i32
        %cond3A_61 = arith.cmpi ne, %convert_element_type3A_59, %cond3A_60 : i32
        scf.if %cond3A_61 {
          %dma_wait3A = arith.constant 0 : i32
          %dma_wait3A_80 = arith.constant 0 : i32
          %dma_wait3A_81 = tpu.memref_slice %arg2[%dma_wait3A, %dma_wait3A_80] : memref<32x1000000xf32, #tpu.memory_space<hbm>> -> memref<32x128xf32, #tpu.memory_space<hbm>>
          %dma_wait3A_82 = arith.constant 0 : i32
          %dma_wait3A_83 = arith.constant 0 : i32
          %dma_wait3A_84 = tpu.memref_slice %arg2[%dma_wait3A_82, %dma_wait3A_83] : memref<32x1000000xf32, #tpu.memory_space<hbm>> -> memref<32x128xf32, #tpu.memory_space<hbm>>
          tpu.wait_dma2 semaphore(%arg23 : memref<!tpu.dma_semaphore, #tpu.memory_space<semaphore_mem>>) src(%dma_wait3A_84 : memref<32x128xf32, #tpu.memory_space<hbm>>) dst(%arg14 : memref<32x128xf32, #tpu.memory_space<vmem>>)
          %dma_wait3A_85 = arith.constant 0 : i32
          %dma_wait3A_86 = arith.constant 0 : i32
          %dma_wait3A_87 = tpu.memref_slice %arg2[%dma_wait3A_85, %dma_wait3A_86] : memref<32x1000000xf32, #tpu.memory_space<hbm>> -> memref<32x128xf32, #tpu.memory_space<hbm>>
          %dma_wait3A_88 = arith.constant 0 : i32
          %dma_wait3A_89 = arith.constant 0 : i32
          %dma_wait3A_90 = tpu.memref_slice %arg2[%dma_wait3A_88, %dma_wait3A_89] : memref<32x1000000xf32, #tpu.memory_space<hbm>> -> memref<32x128xf32, #tpu.memory_space<hbm>>
          tpu.wait_dma2 semaphore(%arg23 : memref<!tpu.dma_semaphore, #tpu.memory_space<semaphore_mem>>) src(%dma_wait3A_90 : memref<32x128xf32, #tpu.memory_space<hbm>>) dst(%arg15 : memref<32x128xf32, #tpu.memory_space<vmem>>)
        } else {
        }
        %mul3A_62 = arith.constant 32 : i32
        %mul3A_63 = arith.muli %add3A_50, %mul3A_62 : i32
        %multiple_of3A_64 = tpu.assume_multiple %mul3A_63, 32 : i32
        %eq3A_65 = arith.constant 0 : i32
        %eq3A_66 = arith.cmpi eq, %rem3A_51, %eq3A_65 : i32
        %convert_element_type3A_67 = arith.extui %eq3A_66 : i1 to i32
        %cond3A_68 = arith.constant 0 : i32
        %cond3A_69 = arith.cmpi ne, %convert_element_type3A_67, %cond3A_68 : i32
        scf.if %cond3A_69 {
          %dma_wait3A = arith.constant 0 : i32
          %dma_wait3A_80 = arith.constant 0 : i32
          %dma_wait3A_81 = tpu.memref_slice %arg2[%dma_wait3A, %dma_wait3A_80] : memref<32x1000000xf32, #tpu.memory_space<hbm>> -> memref<32x128xf32, #tpu.memory_space<hbm>>
          %dma_wait3A_82 = arith.constant 0 : i32
          %dma_wait3A_83 = arith.constant 0 : i32
          %dma_wait3A_84 = tpu.memref_slice %arg2[%dma_wait3A_82, %dma_wait3A_83] : memref<32x1000000xf32, #tpu.memory_space<hbm>> -> memref<32x128xf32, #tpu.memory_space<hbm>>
          tpu.wait_dma2 semaphore(%arg20 : memref<!tpu.dma_semaphore, #tpu.memory_space<semaphore_mem>>) src(%dma_wait3A_84 : memref<32x128xf32, #tpu.memory_space<hbm>>) dst(%arg8 : memref<32x128xf32, #tpu.memory_space<vmem>>)
          %dma_wait3A_85 = arith.constant 0 : i32
          %dma_wait3A_86 = arith.constant 0 : i32
          %dma_wait3A_87 = tpu.memref_slice %arg2[%dma_wait3A_85, %dma_wait3A_86] : memref<32x1000000xf32, #tpu.memory_space<hbm>> -> memref<32x128xf32, #tpu.memory_space<hbm>>
          %dma_wait3A_88 = arith.constant 0 : i32
          %dma_wait3A_89 = arith.constant 0 : i32
          %dma_wait3A_90 = tpu.memref_slice %arg2[%dma_wait3A_88, %dma_wait3A_89] : memref<32x1000000xf32, #tpu.memory_space<hbm>> -> memref<32x128xf32, #tpu.memory_space<hbm>>
          tpu.wait_dma2 semaphore(%arg20 : memref<!tpu.dma_semaphore, #tpu.memory_space<semaphore_mem>>) src(%dma_wait3A_90 : memref<32x128xf32, #tpu.memory_space<hbm>>) dst(%arg9 : memref<32x128xf32, #tpu.memory_space<vmem>>)
          %iota3A = tpu.iota {dimensions = array<i32: 0>} : vector<16xi32>
          %scan3A = arith.constant 0 : i32
          %scan3A_91 = arith.constant 0 : i32
          %scan3A_92 = arith.constant 32 : i32
          %scan3A_93 = arith.addi %scan3A_91, %scan3A_92 : i32
          %scan3A_94 = arith.constant 1 : i32
          scf.for %scan3A_104 = %scan3A_91 to %scan3A_93 step %scan3A_94  : i32 {
            %mul3A_105 = arith.constant 4 : i32
            %mul3A_106 = arith.muli %scan3A_104, %mul3A_105 : i32
            %add3A_107 = arith.constant 0 : i32
            %add3A_108 = arith.addi %mul3A_106, %add3A_107 : i32
            %shift_right_logical3A = arith.constant 4 : i32
            %shift_right_logical3A_109 = arith.shrui %add3A_108, %shift_right_logical3A : i32
            %and3A = arith.constant 15 : i32
            %and3A_110 = arith.andi %add3A_108, %and3A : i32
            %mul3A_111 = arith.constant 16 : i32
            %mul3A_112 = arith.muli %shift_right_logical3A_109, %mul3A_111 : i32
            %add3A_113 = vector.broadcast %and3A_110 : i32 to vector<16xi32>
            %add3A_114 = arith.addi %iota3A, %add3A_113 : vector<16xi32>
            %and3A_115 = arith.constant 15 : i32
            %and3A_116 = vector.broadcast %and3A_115 : i32 to vector<16xi32>
            %and3A_117 = arith.andi %add3A_114, %and3A_116 : vector<16xi32>
            %add3A_118 = vector.broadcast %mul3A_112 : i32 to vector<16xi32>
            %add3A_119 = arith.addi %add3A_118, %and3A_117 : vector<16xi32>
            %shift_right_logical3A_120 = arith.constant 2 : i32
            %shift_right_logical3A_121 = vector.broadcast %shift_right_logical3A_120 : i32 to vector<16xi32>
            %shift_right_logical3A_122 = arith.shrui %add3A_119, %shift_right_logical3A_121 : vector<16xi32>
            %and3A_123 = arith.constant 3 : i32
            %and3A_124 = vector.broadcast %and3A_123 : i32 to vector<16xi32>
            %and3A_125 = arith.andi %add3A_119, %and3A_124 : vector<16xi32>
            %mul3A_126 = arith.constant 32 : i32
            %mul3A_127 = vector.broadcast %mul3A_126 : i32 to vector<16xi32>
            %mul3A_128 = arith.muli %and3A_125, %mul3A_127 : vector<16xi32>
            %add3A_129 = arith.constant 0 : i32
            %add3A_130 = vector.broadcast %add3A_129 : i32 to vector<16xi32>
            %add3A_131 = arith.addi %add3A_130, %iota3A : vector<16xi32>
            %add3A_132 = arith.addi %mul3A_128, %add3A_131 : vector<16xi32>
            %gather3A = tpu.vector_load_idx %arg8[%add3A_131, %add3A_119] : memref<32x128xf32, #tpu.memory_space<vmem>>[vector<16xi32>, vector<16xi32>], vector<16xf32>,
            tpu.vector_store_idx %arg14[%shift_right_logical3A_122, %add3A_132], %gather3A : memref<32x128xf32, #tpu.memory_space<vmem>>[vector<16xi32>, vector<16xi32>], vector<16xf32>,
            %gather3A_133 = tpu.vector_load_idx %arg9[%add3A_131, %add3A_119] : memref<32x128xf32, #tpu.memory_space<vmem>>[vector<16xi32>, vector<16xi32>], vector<16xf32>,
            tpu.vector_store_idx %arg15[%shift_right_logical3A_122, %add3A_132], %gather3A_133 : memref<32x128xf32, #tpu.memory_space<vmem>>[vector<16xi32>, vector<16xi32>], vector<16xf32>,
            %add3A_134 = arith.constant 16 : i32
            %add3A_135 = vector.broadcast %add3A_134 : i32 to vector<16xi32>
            %add3A_136 = arith.addi %add3A_135, %iota3A : vector<16xi32>
            %add3A_137 = arith.addi %mul3A_128, %add3A_136 : vector<16xi32>
            %gather3A_138 = tpu.vector_load_idx %arg8[%add3A_136, %add3A_119] : memref<32x128xf32, #tpu.memory_space<vmem>>[vector<16xi32>, vector<16xi32>], vector<16xf32>,
            tpu.vector_store_idx %arg14[%shift_right_logical3A_122, %add3A_137], %gather3A_138 : memref<32x128xf32, #tpu.memory_space<vmem>>[vector<16xi32>, vector<16xi32>], vector<16xf32>,
            %gather3A_139 = tpu.vector_load_idx %arg9[%add3A_136, %add3A_119] : memref<32x128xf32, #tpu.memory_space<vmem>>[vector<16xi32>, vector<16xi32>], vector<16xf32>,
            tpu.vector_store_idx %arg15[%shift_right_logical3A_122, %add3A_137], %gather3A_139 : memref<32x128xf32, #tpu.memory_space<vmem>>[vector<16xi32>, vector<16xi32>], vector<16xf32>,
            %mul3A_140 = arith.constant 4 : i32
            %mul3A_141 = arith.muli %scan3A_104, %mul3A_140 : i32
            %add3A_142 = arith.constant 1 : i32
            %add3A_143 = arith.addi %mul3A_141, %add3A_142 : i32
            %shift_right_logical3A_144 = arith.constant 4 : i32
            %shift_right_logical3A_145 = arith.shrui %add3A_143, %shift_right_logical3A_144 : i32
            %and3A_146 = arith.constant 15 : i32
            %and3A_147 = arith.andi %add3A_143, %and3A_146 : i32
            %mul3A_148 = arith.constant 16 : i32
            %mul3A_149 = arith.muli %shift_right_logical3A_145, %mul3A_148 : i32
            %add3A_150 = vector.broadcast %and3A_147 : i32 to vector<16xi32>
            %add3A_151 = arith.addi %iota3A, %add3A_150 : vector<16xi32>
            %and3A_152 = arith.constant 15 : i32
            %and3A_153 = vector.broadcast %and3A_152 : i32 to vector<16xi32>
            %and3A_154 = arith.andi %add3A_151, %and3A_153 : vector<16xi32>
            %add3A_155 = vector.broadcast %mul3A_149 : i32 to vector<16xi32>
            %add3A_156 = arith.addi %add3A_155, %and3A_154 : vector<16xi32>
            %shift_right_logical3A_157 = arith.constant 2 : i32
            %shift_right_logical3A_158 = vector.broadcast %shift_right_logical3A_157 : i32 to vector<16xi32>
            %shift_right_logical3A_159 = arith.shrui %add3A_156, %shift_right_logical3A_158 : vector<16xi32>
            %and3A_160 = arith.constant 3 : i32
            %and3A_161 = vector.broadcast %and3A_160 : i32 to vector<16xi32>
            %and3A_162 = arith.andi %add3A_156, %and3A_161 : vector<16xi32>
            %mul3A_163 = arith.constant 32 : i32
            %mul3A_164 = vector.broadcast %mul3A_163 : i32 to vector<16xi32>
            %mul3A_165 = arith.muli %and3A_162, %mul3A_164 : vector<16xi32>
            %add3A_166 = arith.constant 0 : i32
            %add3A_167 = vector.broadcast %add3A_166 : i32 to vector<16xi32>
            %add3A_168 = arith.addi %add3A_167, %iota3A : vector<16xi32>
            %add3A_169 = arith.addi %mul3A_165, %add3A_168 : vector<16xi32>
            %gather3A_170 = tpu.vector_load_idx %arg8[%add3A_168, %add3A_156] : memref<32x128xf32, #tpu.memory_space<vmem>>[vector<16xi32>, vector<16xi32>], vector<16xf32>,
            tpu.vector_store_idx %arg14[%shift_right_logical3A_159, %add3A_169], %gather3A_170 : memref<32x128xf32, #tpu.memory_space<vmem>>[vector<16xi32>, vector<16xi32>], vector<16xf32>,
            %gather3A_171 = tpu.vector_load_idx %arg9[%add3A_168, %add3A_156] : memref<32x128xf32, #tpu.memory_space<vmem>>[vector<16xi32>, vector<16xi32>], vector<16xf32>,
            tpu.vector_store_idx %arg15[%shift_right_logical3A_159, %add3A_169], %gather3A_171 : memref<32x128xf32, #tpu.memory_space<vmem>>[vector<16xi32>, vector<16xi32>], vector<16xf32>,
            %add3A_172 = arith.constant 16 : i32
            %add3A_173 = vector.broadcast %add3A_172 : i32 to vector<16xi32>
            %add3A_174 = arith.addi %add3A_173, %iota3A : vector<16xi32>
            %add3A_175 = arith.addi %mul3A_165, %add3A_174 : vector<16xi32>
            %gather3A_176 = tpu.vector_load_idx %arg8[%add3A_174, %add3A_156] : memref<32x128xf32, #tpu.memory_space<vmem>>[vector<16xi32>, vector<16xi32>], vector<16xf32>,
            tpu.vector_store_idx %arg14[%shift_right_logical3A_159, %add3A_175], %gather3A_176 : memref<32x128xf32, #tpu.memory_space<vmem>>[vector<16xi32>, vector<16xi32>], vector<16xf32>,
            %gather3A_177 = tpu.vector_load_idx %arg9[%add3A_174, %add3A_156] : memref<32x128xf32, #tpu.memory_space<vmem>>[vector<16xi32>, vector<16xi32>], vector<16xf32>,
            tpu.vector_store_idx %arg15[%shift_right_logical3A_159, %add3A_175], %gather3A_177 : memref<32x128xf32, #tpu.memory_space<vmem>>[vector<16xi32>, vector<16xi32>], vector<16xf32>,
            %mul3A_178 = arith.constant 4 : i32
            %mul3A_179 = arith.muli %scan3A_104, %mul3A_178 : i32
            %add3A_180 = arith.constant 2 : i32
            %add3A_181 = arith.addi %mul3A_179, %add3A_180 : i32
            %shift_right_logical3A_182 = arith.constant 4 : i32
            %shift_right_logical3A_183 = arith.shrui %add3A_181, %shift_right_logical3A_182 : i32
            %and3A_184 = arith.constant 15 : i32
            %and3A_185 = arith.andi %add3A_181, %and3A_184 : i32
            %mul3A_186 = arith.constant 16 : i32
            %mul3A_187 = arith.muli %shift_right_logical3A_183, %mul3A_186 : i32
            %add3A_188 = vector.broadcast %and3A_185 : i32 to vector<16xi32>
            %add3A_189 = arith.addi %iota3A, %add3A_188 : vector<16xi32>
            %and3A_190 = arith.constant 15 : i32
            %and3A_191 = vector.broadcast %and3A_190 : i32 to vector<16xi32>
            %and3A_192 = arith.andi %add3A_189, %and3A_191 : vector<16xi32>
            %add3A_193 = vector.broadcast %mul3A_187 : i32 to vector<16xi32>
            %add3A_194 = arith.addi %add3A_193, %and3A_192 : vector<16xi32>
            %shift_right_logical3A_195 = arith.constant 2 : i32
            %shift_right_logical3A_196 = vector.broadcast %shift_right_logical3A_195 : i32 to vector<16xi32>
            %shift_right_logical3A_197 = arith.shrui %add3A_194, %shift_right_logical3A_196 : vector<16xi32>
            %and3A_198 = arith.constant 3 : i32
            %and3A_199 = vector.broadcast %and3A_198 : i32 to vector<16xi32>
            %and3A_200 = arith.andi %add3A_194, %and3A_199 : vector<16xi32>
            %mul3A_201 = arith.constant 32 : i32
            %mul3A_202 = vector.broadcast %mul3A_201 : i32 to vector<16xi32>
            %mul3A_203 = arith.muli %and3A_200, %mul3A_202 : vector<16xi32>
            %add3A_204 = arith.constant 0 : i32
            %add3A_205 = vector.broadcast %add3A_204 : i32 to vector<16xi32>
            %add3A_206 = arith.addi %add3A_205, %iota3A : vector<16xi32>
            %add3A_207 = arith.addi %mul3A_203, %add3A_206 : vector<16xi32>
            %gather3A_208 = tpu.vector_load_idx %arg8[%add3A_206, %add3A_194] : memref<32x128xf32, #tpu.memory_space<vmem>>[vector<16xi32>, vector<16xi32>], vector<16xf32>,
            tpu.vector_store_idx %arg14[%shift_right_logical3A_197, %add3A_207], %gather3A_208 : memref<32x128xf32, #tpu.memory_space<vmem>>[vector<16xi32>, vector<16xi32>], vector<16xf32>,
            %gather3A_209 = tpu.vector_load_idx %arg9[%add3A_206, %add3A_194] : memref<32x128xf32, #tpu.memory_space<vmem>>[vector<16xi32>, vector<16xi32>], vector<16xf32>,
            tpu.vector_store_idx %arg15[%shift_right_logical3A_197, %add3A_207], %gather3A_209 : memref<32x128xf32, #tpu.memory_space<vmem>>[vector<16xi32>, vector<16xi32>], vector<16xf32>,
            %add3A_210 = arith.constant 16 : i32
            %add3A_211 = vector.broadcast %add3A_210 : i32 to vector<16xi32>
            %add3A_212 = arith.addi %add3A_211, %iota3A : vector<16xi32>
            %add3A_213 = arith.addi %mul3A_203, %add3A_212 : vector<16xi32>
            %gather3A_214 = tpu.vector_load_idx %arg8[%add3A_212, %add3A_194] : memref<32x128xf32, #tpu.memory_space<vmem>>[vector<16xi32>, vector<16xi32>], vector<16xf32>,
            tpu.vector_store_idx %arg14[%shift_right_logical3A_197, %add3A_213], %gather3A_214 : memref<32x128xf32, #tpu.memory_space<vmem>>[vector<16xi32>, vector<16xi32>], vector<16xf32>,
            %gather3A_215 = tpu.vector_load_idx %arg9[%add3A_212, %add3A_194] : memref<32x128xf32, #tpu.memory_space<vmem>>[vector<16xi32>, vector<16xi32>], vector<16xf32>,
            tpu.vector_store_idx %arg15[%shift_right_logical3A_197, %add3A_213], %gather3A_215 : memref<32x128xf32, #tpu.memory_space<vmem>>[vector<16xi32>, vector<16xi32>], vector<16xf32>,
            %mul3A_216 = arith.constant 4 : i32
            %mul3A_217 = arith.muli %scan3A_104, %mul3A_216 : i32
            %add3A_218 = arith.constant 3 : i32
            %add3A_219 = arith.addi %mul3A_217, %add3A_218 : i32
            %shift_right_logical3A_220 = arith.constant 4 : i32
            %shift_right_logical3A_221 = arith.shrui %add3A_219, %shift_right_logical3A_220 : i32
            %and3A_222 = arith.constant 15 : i32
            %and3A_223 = arith.andi %add3A_219, %and3A_222 : i32
            %mul3A_224 = arith.constant 16 : i32
            %mul3A_225 = arith.muli %shift_right_logical3A_221, %mul3A_224 : i32
            %add3A_226 = vector.broadcast %and3A_223 : i32 to vector<16xi32>
            %add3A_227 = arith.addi %iota3A, %add3A_226 : vector<16xi32>
            %and3A_228 = arith.constant 15 : i32
            %and3A_229 = vector.broadcast %and3A_228 : i32 to vector<16xi32>
            %and3A_230 = arith.andi %add3A_227, %and3A_229 : vector<16xi32>
            %add3A_231 = vector.broadcast %mul3A_225 : i32 to vector<16xi32>
            %add3A_232 = arith.addi %add3A_231, %and3A_230 : vector<16xi32>
            %shift_right_logical3A_233 = arith.constant 2 : i32
            %shift_right_logical3A_234 = vector.broadcast %shift_right_logical3A_233 : i32 to vector<16xi32>
            %shift_right_logical3A_235 = arith.shrui %add3A_232, %shift_right_logical3A_234 : vector<16xi32>
            %and3A_236 = arith.constant 3 : i32
            %and3A_237 = vector.broadcast %and3A_236 : i32 to vector<16xi32>
            %and3A_238 = arith.andi %add3A_232, %and3A_237 : vector<16xi32>
            %mul3A_239 = arith.constant 32 : i32
            %mul3A_240 = vector.broadcast %mul3A_239 : i32 to vector<16xi32>
            %mul3A_241 = arith.muli %and3A_238, %mul3A_240 : vector<16xi32>
            %add3A_242 = arith.constant 0 : i32
            %add3A_243 = vector.broadcast %add3A_242 : i32 to vector<16xi32>
            %add3A_244 = arith.addi %add3A_243, %iota3A : vector<16xi32>
            %add3A_245 = arith.addi %mul3A_241, %add3A_244 : vector<16xi32>
            %gather3A_246 = tpu.vector_load_idx %arg8[%add3A_244, %add3A_232] : memref<32x128xf32, #tpu.memory_space<vmem>>[vector<16xi32>, vector<16xi32>], vector<16xf32>,
            tpu.vector_store_idx %arg14[%shift_right_logical3A_235, %add3A_245], %gather3A_246 : memref<32x128xf32, #tpu.memory_space<vmem>>[vector<16xi32>, vector<16xi32>], vector<16xf32>,
            %gather3A_247 = tpu.vector_load_idx %arg9[%add3A_244, %add3A_232] : memref<32x128xf32, #tpu.memory_space<vmem>>[vector<16xi32>, vector<16xi32>], vector<16xf32>,
            tpu.vector_store_idx %arg15[%shift_right_logical3A_235, %add3A_245], %gather3A_247 : memref<32x128xf32, #tpu.memory_space<vmem>>[vector<16xi32>, vector<16xi32>], vector<16xf32>,
            %add3A_248 = arith.constant 16 : i32
            %add3A_249 = vector.broadcast %add3A_248 : i32 to vector<16xi32>
            %add3A_250 = arith.addi %add3A_249, %iota3A : vector<16xi32>
            %add3A_251 = arith.addi %mul3A_241, %add3A_250 : vector<16xi32>
            %gather3A_252 = tpu.vector_load_idx %arg8[%add3A_250, %add3A_232] : memref<32x128xf32, #tpu.memory_space<vmem>>[vector<16xi32>, vector<16xi32>], vector<16xf32>,
            tpu.vector_store_idx %arg14[%shift_right_logical3A_235, %add3A_251], %gather3A_252 : memref<32x128xf32, #tpu.memory_space<vmem>>[vector<16xi32>, vector<16xi32>], vector<16xf32>,
            %gather3A_253 = tpu.vector_load_idx %arg9[%add3A_250, %add3A_232] : memref<32x128xf32, #tpu.memory_space<vmem>>[vector<16xi32>, vector<16xi32>], vector<16xf32>,
            tpu.vector_store_idx %arg15[%shift_right_logical3A_235, %add3A_251], %gather3A_253 : memref<32x128xf32, #tpu.memory_space<vmem>>[vector<16xi32>, vector<16xi32>], vector<16xf32>,
          }
          %scan3A_95 = arith.constant 32 : i32
          %dma_start3A_96 = arith.constant 0 : i32
          %dma_start3A_97 = tpu.memref_slice %arg6[%multiple_of3A_64, %dma_start3A_96] : memref<250000x128xf32, #tpu.memory_space<hbm>> -> memref<32x128xf32, #tpu.memory_space<hbm>>
          %dma_start3A_98 = arith.constant 0 : i32
          %dma_start3A_99 = tpu.memref_slice %arg6[%multiple_of3A_64, %dma_start3A_98] : memref<250000x128xf32, #tpu.memory_space<hbm>> -> memref<32x128xf32, #tpu.memory_space<hbm>>
          tpu.enqueue_dma source(%arg14 : memref<32x128xf32, #tpu.memory_space<vmem>>) target(%dma_start3A_99 : memref<32x128xf32, #tpu.memory_space<hbm>>) target_semaphore(%arg23 : memref<!tpu.dma_semaphore, #tpu.memory_space<semaphore_mem>>)
          %dma_start3A_100 = arith.constant 0 : i32
          %dma_start3A_101 = tpu.memref_slice %arg7[%multiple_of3A_64, %dma_start3A_100] : memref<250000x128xf32, #tpu.memory_space<hbm>> -> memref<32x128xf32, #tpu.memory_space<hbm>>
          %dma_start3A_102 = arith.constant 0 : i32
          %dma_start3A_103 = tpu.memref_slice %arg7[%multiple_of3A_64, %dma_start3A_102] : memref<250000x128xf32, #tpu.memory_space<hbm>> -> memref<32x128xf32, #tpu.memory_space<hbm>>
          tpu.enqueue_dma source(%arg15 : memref<32x128xf32, #tpu.memory_space<vmem>>) target(%dma_start3A_103 : memref<32x128xf32, #tpu.memory_space<hbm>>) target_semaphore(%arg23 : memref<!tpu.dma_semaphore, #tpu.memory_space<semaphore_mem>>)
        } else {
        }
        %eq3A_70 = arith.constant 1 : i32
        %eq3A_71 = arith.cmpi eq, %rem3A_51, %eq3A_70 : i32
        %convert_element_type3A_72 = arith.extui %eq3A_71 : i1 to i32
        %cond3A_73 = arith.constant 0 : i32
        %cond3A_74 = arith.cmpi ne, %convert_element_type3A_72, %cond3A_73 : i32
        scf.if %cond3A_74 {
          %dma_wait3A = arith.constant 0 : i32
          %dma_wait3A_80 = arith.constant 0 : i32
          %dma_wait3A_81 = tpu.memref_slice %arg2[%dma_wait3A, %dma_wait3A_80] : memref<32x1000000xf32, #tpu.memory_space<hbm>> -> memref<32x128xf32, #tpu.memory_space<hbm>>
          %dma_wait3A_82 = arith.constant 0 : i32
          %dma_wait3A_83 = arith.constant 0 : i32
          %dma_wait3A_84 = tpu.memref_slice %arg2[%dma_wait3A_82, %dma_wait3A_83] : memref<32x1000000xf32, #tpu.memory_space<hbm>> -> memref<32x128xf32, #tpu.memory_space<hbm>>
          tpu.wait_dma2 semaphore(%arg21 : memref<!tpu.dma_semaphore, #tpu.memory_space<semaphore_mem>>) src(%dma_wait3A_84 : memref<32x128xf32, #tpu.memory_space<hbm>>) dst(%arg10 : memref<32x128xf32, #tpu.memory_space<vmem>>)
          %dma_wait3A_85 = arith.constant 0 : i32
          %dma_wait3A_86 = arith.constant 0 : i32
          %dma_wait3A_87 = tpu.memref_slice %arg2[%dma_wait3A_85, %dma_wait3A_86] : memref<32x1000000xf32, #tpu.memory_space<hbm>> -> memref<32x128xf32, #tpu.memory_space<hbm>>
          %dma_wait3A_88 = arith.constant 0 : i32
          %dma_wait3A_89 = arith.constant 0 : i32
          %dma_wait3A_90 = tpu.memref_slice %arg2[%dma_wait3A_88, %dma_wait3A_89] : memref<32x1000000xf32, #tpu.memory_space<hbm>> -> memref<32x128xf32, #tpu.memory_space<hbm>>
          tpu.wait_dma2 semaphore(%arg21 : memref<!tpu.dma_semaphore, #tpu.memory_space<semaphore_mem>>) src(%dma_wait3A_90 : memref<32x128xf32, #tpu.memory_space<hbm>>) dst(%arg11 : memref<32x128xf32, #tpu.memory_space<vmem>>)
          %iota3A = tpu.iota {dimensions = array<i32: 0>} : vector<16xi32>
          %scan3A = arith.constant 0 : i32
          %scan3A_91 = arith.constant 0 : i32
          %scan3A_92 = arith.constant 32 : i32
          %scan3A_93 = arith.addi %scan3A_91, %scan3A_92 : i32
          %scan3A_94 = arith.constant 1 : i32
          scf.for %scan3A_104 = %scan3A_91 to %scan3A_93 step %scan3A_94  : i32 {
            %mul3A_105 = arith.constant 4 : i32
            %mul3A_106 = arith.muli %scan3A_104, %mul3A_105 : i32
            %add3A_107 = arith.constant 0 : i32
            %add3A_108 = arith.addi %mul3A_106, %add3A_107 : i32
            %shift_right_logical3A = arith.constant 4 : i32
            %shift_right_logical3A_109 = arith.shrui %add3A_108, %shift_right_logical3A : i32
            %and3A = arith.constant 15 : i32
            %and3A_110 = arith.andi %add3A_108, %and3A : i32
            %mul3A_111 = arith.constant 16 : i32
            %mul3A_112 = arith.muli %shift_right_logical3A_109, %mul3A_111 : i32
            %add3A_113 = vector.broadcast %and3A_110 : i32 to vector<16xi32>
            %add3A_114 = arith.addi %iota3A, %add3A_113 : vector<16xi32>
            %and3A_115 = arith.constant 15 : i32
            %and3A_116 = vector.broadcast %and3A_115 : i32 to vector<16xi32>
            %and3A_117 = arith.andi %add3A_114, %and3A_116 : vector<16xi32>
            %add3A_118 = vector.broadcast %mul3A_112 : i32 to vector<16xi32>
            %add3A_119 = arith.addi %add3A_118, %and3A_117 : vector<16xi32>
            %shift_right_logical3A_120 = arith.constant 2 : i32
            %shift_right_logical3A_121 = vector.broadcast %shift_right_logical3A_120 : i32 to vector<16xi32>
            %shift_right_logical3A_122 = arith.shrui %add3A_119, %shift_right_logical3A_121 : vector<16xi32>
            %and3A_123 = arith.constant 3 : i32
            %and3A_124 = vector.broadcast %and3A_123 : i32 to vector<16xi32>
            %and3A_125 = arith.andi %add3A_119, %and3A_124 : vector<16xi32>
            %mul3A_126 = arith.constant 32 : i32
            %mul3A_127 = vector.broadcast %mul3A_126 : i32 to vector<16xi32>
            %mul3A_128 = arith.muli %and3A_125, %mul3A_127 : vector<16xi32>
            %add3A_129 = arith.constant 0 : i32
            %add3A_130 = vector.broadcast %add3A_129 : i32 to vector<16xi32>
            %add3A_131 = arith.addi %add3A_130, %iota3A : vector<16xi32>
            %add3A_132 = arith.addi %mul3A_128, %add3A_131 : vector<16xi32>
            %gather3A = tpu.vector_load_idx %arg10[%add3A_131, %add3A_119] : memref<32x128xf32, #tpu.memory_space<vmem>>[vector<16xi32>, vector<16xi32>], vector<16xf32>,
            tpu.vector_store_idx %arg16[%shift_right_logical3A_122, %add3A_132], %gather3A : memref<32x128xf32, #tpu.memory_space<vmem>>[vector<16xi32>, vector<16xi32>], vector<16xf32>,
            %gather3A_133 = tpu.vector_load_idx %arg11[%add3A_131, %add3A_119] : memref<32x128xf32, #tpu.memory_space<vmem>>[vector<16xi32>, vector<16xi32>], vector<16xf32>,
            tpu.vector_store_idx %arg17[%shift_right_logical3A_122, %add3A_132], %gather3A_133 : memref<32x128xf32, #tpu.memory_space<vmem>>[vector<16xi32>, vector<16xi32>], vector<16xf32>,
            %add3A_134 = arith.constant 16 : i32
            %add3A_135 = vector.broadcast %add3A_134 : i32 to vector<16xi32>
            %add3A_136 = arith.addi %add3A_135, %iota3A : vector<16xi32>
            %add3A_137 = arith.addi %mul3A_128, %add3A_136 : vector<16xi32>
            %gather3A_138 = tpu.vector_load_idx %arg10[%add3A_136, %add3A_119] : memref<32x128xf32, #tpu.memory_space<vmem>>[vector<16xi32>, vector<16xi32>], vector<16xf32>,
            tpu.vector_store_idx %arg16[%shift_right_logical3A_122, %add3A_137], %gather3A_138 : memref<32x128xf32, #tpu.memory_space<vmem>>[vector<16xi32>, vector<16xi32>], vector<16xf32>,
            %gather3A_139 = tpu.vector_load_idx %arg11[%add3A_136, %add3A_119] : memref<32x128xf32, #tpu.memory_space<vmem>>[vector<16xi32>, vector<16xi32>], vector<16xf32>,
            tpu.vector_store_idx %arg17[%shift_right_logical3A_122, %add3A_137], %gather3A_139 : memref<32x128xf32, #tpu.memory_space<vmem>>[vector<16xi32>, vector<16xi32>], vector<16xf32>,
            %mul3A_140 = arith.constant 4 : i32
            %mul3A_141 = arith.muli %scan3A_104, %mul3A_140 : i32
            %add3A_142 = arith.constant 1 : i32
            %add3A_143 = arith.addi %mul3A_141, %add3A_142 : i32
            %shift_right_logical3A_144 = arith.constant 4 : i32
            %shift_right_logical3A_145 = arith.shrui %add3A_143, %shift_right_logical3A_144 : i32
            %and3A_146 = arith.constant 15 : i32
            %and3A_147 = arith.andi %add3A_143, %and3A_146 : i32
            %mul3A_148 = arith.constant 16 : i32
            %mul3A_149 = arith.muli %shift_right_logical3A_145, %mul3A_148 : i32
            %add3A_150 = vector.broadcast %and3A_147 : i32 to vector<16xi32>
            %add3A_151 = arith.addi %iota3A, %add3A_150 : vector<16xi32>
            %and3A_152 = arith.constant 15 : i32
            %and3A_153 = vector.broadcast %and3A_152 : i32 to vector<16xi32>
            %and3A_154 = arith.andi %add3A_151, %and3A_153 : vector<16xi32>
            %add3A_155 = vector.broadcast %mul3A_149 : i32 to vector<16xi32>
            %add3A_156 = arith.addi %add3A_155, %and3A_154 : vector<16xi32>
            %shift_right_logical3A_157 = arith.constant 2 : i32
            %shift_right_logical3A_158 = vector.broadcast %shift_right_logical3A_157 : i32 to vector<16xi32>
            %shift_right_logical3A_159 = arith.shrui %add3A_156, %shift_right_logical3A_158 : vector<16xi32>
            %and3A_160 = arith.constant 3 : i32
            %and3A_161 = vector.broadcast %and3A_160 : i32 to vector<16xi32>
            %and3A_162 = arith.andi %add3A_156, %and3A_161 : vector<16xi32>
            %mul3A_163 = arith.constant 32 : i32
            %mul3A_164 = vector.broadcast %mul3A_163 : i32 to vector<16xi32>
            %mul3A_165 = arith.muli %and3A_162, %mul3A_164 : vector<16xi32>
            %add3A_166 = arith.constant 0 : i32
            %add3A_167 = vector.broadcast %add3A_166 : i32 to vector<16xi32>
            %add3A_168 = arith.addi %add3A_167, %iota3A : vector<16xi32>
            %add3A_169 = arith.addi %mul3A_165, %add3A_168 : vector<16xi32>
            %gather3A_170 = tpu.vector_load_idx %arg10[%add3A_168, %add3A_156] : memref<32x128xf32, #tpu.memory_space<vmem>>[vector<16xi32>, vector<16xi32>], vector<16xf32>,
            tpu.vector_store_idx %arg16[%shift_right_logical3A_159, %add3A_169], %gather3A_170 : memref<32x128xf32, #tpu.memory_space<vmem>>[vector<16xi32>, vector<16xi32>], vector<16xf32>,
            %gather3A_171 = tpu.vector_load_idx %arg11[%add3A_168, %add3A_156] : memref<32x128xf32, #tpu.memory_space<vmem>>[vector<16xi32>, vector<16xi32>], vector<16xf32>,
            tpu.vector_store_idx %arg17[%shift_right_logical3A_159, %add3A_169], %gather3A_171 : memref<32x128xf32, #tpu.memory_space<vmem>>[vector<16xi32>, vector<16xi32>], vector<16xf32>,
            %add3A_172 = arith.constant 16 : i32
            %add3A_173 = vector.broadcast %add3A_172 : i32 to vector<16xi32>
            %add3A_174 = arith.addi %add3A_173, %iota3A : vector<16xi32>
            %add3A_175 = arith.addi %mul3A_165, %add3A_174 : vector<16xi32>
            %gather3A_176 = tpu.vector_load_idx %arg10[%add3A_174, %add3A_156] : memref<32x128xf32, #tpu.memory_space<vmem>>[vector<16xi32>, vector<16xi32>], vector<16xf32>,
            tpu.vector_store_idx %arg16[%shift_right_logical3A_159, %add3A_175], %gather3A_176 : memref<32x128xf32, #tpu.memory_space<vmem>>[vector<16xi32>, vector<16xi32>], vector<16xf32>,
            %gather3A_177 = tpu.vector_load_idx %arg11[%add3A_174, %add3A_156] : memref<32x128xf32, #tpu.memory_space<vmem>>[vector<16xi32>, vector<16xi32>], vector<16xf32>,
            tpu.vector_store_idx %arg17[%shift_right_logical3A_159, %add3A_175], %gather3A_177 : memref<32x128xf32, #tpu.memory_space<vmem>>[vector<16xi32>, vector<16xi32>], vector<16xf32>,
            %mul3A_178 = arith.constant 4 : i32
            %mul3A_179 = arith.muli %scan3A_104, %mul3A_178 : i32
            %add3A_180 = arith.constant 2 : i32
            %add3A_181 = arith.addi %mul3A_179, %add3A_180 : i32
            %shift_right_logical3A_182 = arith.constant 4 : i32
            %shift_right_logical3A_183 = arith.shrui %add3A_181, %shift_right_logical3A_182 : i32
            %and3A_184 = arith.constant 15 : i32
            %and3A_185 = arith.andi %add3A_181, %and3A_184 : i32
            %mul3A_186 = arith.constant 16 : i32
            %mul3A_187 = arith.muli %shift_right_logical3A_183, %mul3A_186 : i32
            %add3A_188 = vector.broadcast %and3A_185 : i32 to vector<16xi32>
            %add3A_189 = arith.addi %iota3A, %add3A_188 : vector<16xi32>
            %and3A_190 = arith.constant 15 : i32
            %and3A_191 = vector.broadcast %and3A_190 : i32 to vector<16xi32>
            %and3A_192 = arith.andi %add3A_189, %and3A_191 : vector<16xi32>
            %add3A_193 = vector.broadcast %mul3A_187 : i32 to vector<16xi32>
            %add3A_194 = arith.addi %add3A_193, %and3A_192 : vector<16xi32>
            %shift_right_logical3A_195 = arith.constant 2 : i32
            %shift_right_logical3A_196 = vector.broadcast %shift_right_logical3A_195 : i32 to vector<16xi32>
            %shift_right_logical3A_197 = arith.shrui %add3A_194, %shift_right_logical3A_196 : vector<16xi32>
            %and3A_198 = arith.constant 3 : i32
            %and3A_199 = vector.broadcast %and3A_198 : i32 to vector<16xi32>
            %and3A_200 = arith.andi %add3A_194, %and3A_199 : vector<16xi32>
            %mul3A_201 = arith.constant 32 : i32
            %mul3A_202 = vector.broadcast %mul3A_201 : i32 to vector<16xi32>
            %mul3A_203 = arith.muli %and3A_200, %mul3A_202 : vector<16xi32>
            %add3A_204 = arith.constant 0 : i32
            %add3A_205 = vector.broadcast %add3A_204 : i32 to vector<16xi32>
            %add3A_206 = arith.addi %add3A_205, %iota3A : vector<16xi32>
            %add3A_207 = arith.addi %mul3A_203, %add3A_206 : vector<16xi32>
            %gather3A_208 = tpu.vector_load_idx %arg10[%add3A_206, %add3A_194] : memref<32x128xf32, #tpu.memory_space<vmem>>[vector<16xi32>, vector<16xi32>], vector<16xf32>,
            tpu.vector_store_idx %arg16[%shift_right_logical3A_197, %add3A_207], %gather3A_208 : memref<32x128xf32, #tpu.memory_space<vmem>>[vector<16xi32>, vector<16xi32>], vector<16xf32>,
            %gather3A_209 = tpu.vector_load_idx %arg11[%add3A_206, %add3A_194] : memref<32x128xf32, #tpu.memory_space<vmem>>[vector<16xi32>, vector<16xi32>], vector<16xf32>,
            tpu.vector_store_idx %arg17[%shift_right_logical3A_197, %add3A_207], %gather3A_209 : memref<32x128xf32, #tpu.memory_space<vmem>>[vector<16xi32>, vector<16xi32>], vector<16xf32>,
            %add3A_210 = arith.constant 16 : i32
            %add3A_211 = vector.broadcast %add3A_210 : i32 to vector<16xi32>
            %add3A_212 = arith.addi %add3A_211, %iota3A : vector<16xi32>
            %add3A_213 = arith.addi %mul3A_203, %add3A_212 : vector<16xi32>
            %gather3A_214 = tpu.vector_load_idx %arg10[%add3A_212, %add3A_194] : memref<32x128xf32, #tpu.memory_space<vmem>>[vector<16xi32>, vector<16xi32>], vector<16xf32>,
            tpu.vector_store_idx %arg16[%shift_right_logical3A_197, %add3A_213], %gather3A_214 : memref<32x128xf32, #tpu.memory_space<vmem>>[vector<16xi32>, vector<16xi32>], vector<16xf32>,
            %gather3A_215 = tpu.vector_load_idx %arg11[%add3A_212, %add3A_194] : memref<32x128xf32, #tpu.memory_space<vmem>>[vector<16xi32>, vector<16xi32>], vector<16xf32>,
            tpu.vector_store_idx %arg17[%shift_right_logical3A_197, %add3A_213], %gather3A_215 : memref<32x128xf32, #tpu.memory_space<vmem>>[vector<16xi32>, vector<16xi32>], vector<16xf32>,
            %mul3A_216 = arith.constant 4 : i32
            %mul3A_217 = arith.muli %scan3A_104, %mul3A_216 : i32
            %add3A_218 = arith.constant 3 : i32
            %add3A_219 = arith.addi %mul3A_217, %add3A_218 : i32
            %shift_right_logical3A_220 = arith.constant 4 : i32
            %shift_right_logical3A_221 = arith.shrui %add3A_219, %shift_right_logical3A_220 : i32
            %and3A_222 = arith.constant 15 : i32
            %and3A_223 = arith.andi %add3A_219, %and3A_222 : i32
            %mul3A_224 = arith.constant 16 : i32
            %mul3A_225 = arith.muli %shift_right_logical3A_221, %mul3A_224 : i32
            %add3A_226 = vector.broadcast %and3A_223 : i32 to vector<16xi32>
            %add3A_227 = arith.addi %iota3A, %add3A_226 : vector<16xi32>
            %and3A_228 = arith.constant 15 : i32
            %and3A_229 = vector.broadcast %and3A_228 : i32 to vector<16xi32>
            %and3A_230 = arith.andi %add3A_227, %and3A_229 : vector<16xi32>
            %add3A_231 = vector.broadcast %mul3A_225 : i32 to vector<16xi32>
            %add3A_232 = arith.addi %add3A_231, %and3A_230 : vector<16xi32>
            %shift_right_logical3A_233 = arith.constant 2 : i32
            %shift_right_logical3A_234 = vector.broadcast %shift_right_logical3A_233 : i32 to vector<16xi32>
            %shift_right_logical3A_235 = arith.shrui %add3A_232, %shift_right_logical3A_234 : vector<16xi32>
            %and3A_236 = arith.constant 3 : i32
            %and3A_237 = vector.broadcast %and3A_236 : i32 to vector<16xi32>
            %and3A_238 = arith.andi %add3A_232, %and3A_237 : vector<16xi32>
            %mul3A_239 = arith.constant 32 : i32
            %mul3A_240 = vector.broadcast %mul3A_239 : i32 to vector<16xi32>
            %mul3A_241 = arith.muli %and3A_238, %mul3A_240 : vector<16xi32>
            %add3A_242 = arith.constant 0 : i32
            %add3A_243 = vector.broadcast %add3A_242 : i32 to vector<16xi32>
            %add3A_244 = arith.addi %add3A_243, %iota3A : vector<16xi32>
            %add3A_245 = arith.addi %mul3A_241, %add3A_244 : vector<16xi32>
            %gather3A_246 = tpu.vector_load_idx %arg10[%add3A_244, %add3A_232] : memref<32x128xf32, #tpu.memory_space<vmem>>[vector<16xi32>, vector<16xi32>], vector<16xf32>,
            tpu.vector_store_idx %arg16[%shift_right_logical3A_235, %add3A_245], %gather3A_246 : memref<32x128xf32, #tpu.memory_space<vmem>>[vector<16xi32>, vector<16xi32>], vector<16xf32>,
            %gather3A_247 = tpu.vector_load_idx %arg11[%add3A_244, %add3A_232] : memref<32x128xf32, #tpu.memory_space<vmem>>[vector<16xi32>, vector<16xi32>], vector<16xf32>,
            tpu.vector_store_idx %arg17[%shift_right_logical3A_235, %add3A_245], %gather3A_247 : memref<32x128xf32, #tpu.memory_space<vmem>>[vector<16xi32>, vector<16xi32>], vector<16xf32>,
            %add3A_248 = arith.constant 16 : i32
            %add3A_249 = vector.broadcast %add3A_248 : i32 to vector<16xi32>
            %add3A_250 = arith.addi %add3A_249, %iota3A : vector<16xi32>
            %add3A_251 = arith.addi %mul3A_241, %add3A_250 : vector<16xi32>
            %gather3A_252 = tpu.vector_load_idx %arg10[%add3A_250, %add3A_232] : memref<32x128xf32, #tpu.memory_space<vmem>>[vector<16xi32>, vector<16xi32>], vector<16xf32>,
            tpu.vector_store_idx %arg16[%shift_right_logical3A_235, %add3A_251], %gather3A_252 : memref<32x128xf32, #tpu.memory_space<vmem>>[vector<16xi32>, vector<16xi32>], vector<16xf32>,
            %gather3A_253 = tpu.vector_load_idx %arg11[%add3A_250, %add3A_232] : memref<32x128xf32, #tpu.memory_space<vmem>>[vector<16xi32>, vector<16xi32>], vector<16xf32>,
            tpu.vector_store_idx %arg17[%shift_right_logical3A_235, %add3A_251], %gather3A_253 : memref<32x128xf32, #tpu.memory_space<vmem>>[vector<16xi32>, vector<16xi32>], vector<16xf32>,
          }
          %scan3A_95 = arith.constant 32 : i32
          %dma_start3A_96 = arith.constant 0 : i32
          %dma_start3A_97 = tpu.memref_slice %arg6[%multiple_of3A_64, %dma_start3A_96] : memref<250000x128xf32, #tpu.memory_space<hbm>> -> memref<32x128xf32, #tpu.memory_space<hbm>>
          %dma_start3A_98 = arith.constant 0 : i32
          %dma_start3A_99 = tpu.memref_slice %arg6[%multiple_of3A_64, %dma_start3A_98] : memref<250000x128xf32, #tpu.memory_space<hbm>> -> memref<32x128xf32, #tpu.memory_space<hbm>>
          tpu.enqueue_dma source(%arg16 : memref<32x128xf32, #tpu.memory_space<vmem>>) target(%dma_start3A_99 : memref<32x128xf32, #tpu.memory_space<hbm>>) target_semaphore(%arg23 : memref<!tpu.dma_semaphore, #tpu.memory_space<semaphore_mem>>)
          %dma_start3A_100 = arith.constant 0 : i32
          %dma_start3A_101 = tpu.memref_slice %arg7[%multiple_of3A_64, %dma_start3A_100] : memref<250000x128xf32, #tpu.memory_space<hbm>> -> memref<32x128xf32, #tpu.memory_space<hbm>>
          %dma_start3A_102 = arith.constant 0 : i32
          %dma_start3A_103 = tpu.memref_slice %arg7[%multiple_of3A_64, %dma_start3A_102] : memref<250000x128xf32, #tpu.memory_space<hbm>> -> memref<32x128xf32, #tpu.memory_space<hbm>>
          tpu.enqueue_dma source(%arg17 : memref<32x128xf32, #tpu.memory_space<vmem>>) target(%dma_start3A_103 : memref<32x128xf32, #tpu.memory_space<hbm>>) target_semaphore(%arg23 : memref<!tpu.dma_semaphore, #tpu.memory_space<semaphore_mem>>)
        } else {
        }
        %eq3A_75 = arith.constant 2 : i32
        %eq3A_76 = arith.cmpi eq, %rem3A_51, %eq3A_75 : i32
        %convert_element_type3A_77 = arith.extui %eq3A_76 : i1 to i32
        %cond3A_78 = arith.constant 0 : i32
        %cond3A_79 = arith.cmpi ne, %convert_element_type3A_77, %cond3A_78 : i32
        scf.if %cond3A_79 {
          %dma_wait3A = arith.constant 0 : i32
          %dma_wait3A_80 = arith.constant 0 : i32
          %dma_wait3A_81 = tpu.memref_slice %arg2[%dma_wait3A, %dma_wait3A_80] : memref<32x1000000xf32, #tpu.memory_space<hbm>> -> memref<32x128xf32, #tpu.memory_space<hbm>>
          %dma_wait3A_82 = arith.constant 0 : i32
          %dma_wait3A_83 = arith.constant 0 : i32
          %dma_wait3A_84 = tpu.memref_slice %arg2[%dma_wait3A_82, %dma_wait3A_83] : memref<32x1000000xf32, #tpu.memory_space<hbm>> -> memref<32x128xf32, #tpu.memory_space<hbm>>
          tpu.wait_dma2 semaphore(%arg22 : memref<!tpu.dma_semaphore, #tpu.memory_space<semaphore_mem>>) src(%dma_wait3A_84 : memref<32x128xf32, #tpu.memory_space<hbm>>) dst(%arg12 : memref<32x128xf32, #tpu.memory_space<vmem>>)
          %dma_wait3A_85 = arith.constant 0 : i32
          %dma_wait3A_86 = arith.constant 0 : i32
          %dma_wait3A_87 = tpu.memref_slice %arg2[%dma_wait3A_85, %dma_wait3A_86] : memref<32x1000000xf32, #tpu.memory_space<hbm>> -> memref<32x128xf32, #tpu.memory_space<hbm>>
          %dma_wait3A_88 = arith.constant 0 : i32
          %dma_wait3A_89 = arith.constant 0 : i32
          %dma_wait3A_90 = tpu.memref_slice %arg2[%dma_wait3A_88, %dma_wait3A_89] : memref<32x1000000xf32, #tpu.memory_space<hbm>> -> memref<32x128xf32, #tpu.memory_space<hbm>>
          tpu.wait_dma2 semaphore(%arg22 : memref<!tpu.dma_semaphore, #tpu.memory_space<semaphore_mem>>) src(%dma_wait3A_90 : memref<32x128xf32, #tpu.memory_space<hbm>>) dst(%arg13 : memref<32x128xf32, #tpu.memory_space<vmem>>)
          %iota3A = tpu.iota {dimensions = array<i32: 0>} : vector<16xi32>
          %scan3A = arith.constant 0 : i32
          %scan3A_91 = arith.constant 0 : i32
          %scan3A_92 = arith.constant 32 : i32
          %scan3A_93 = arith.addi %scan3A_91, %scan3A_92 : i32
          %scan3A_94 = arith.constant 1 : i32
          scf.for %scan3A_104 = %scan3A_91 to %scan3A_93 step %scan3A_94  : i32 {
            %mul3A_105 = arith.constant 4 : i32
            %mul3A_106 = arith.muli %scan3A_104, %mul3A_105 : i32
            %add3A_107 = arith.constant 0 : i32
            %add3A_108 = arith.addi %mul3A_106, %add3A_107 : i32
            %shift_right_logical3A = arith.constant 4 : i32
            %shift_right_logical3A_109 = arith.shrui %add3A_108, %shift_right_logical3A : i32
            %and3A = arith.constant 15 : i32
            %and3A_110 = arith.andi %add3A_108, %and3A : i32
            %mul3A_111 = arith.constant 16 : i32
            %mul3A_112 = arith.muli %shift_right_logical3A_109, %mul3A_111 : i32
            %add3A_113 = vector.broadcast %and3A_110 : i32 to vector<16xi32>
            %add3A_114 = arith.addi %iota3A, %add3A_113 : vector<16xi32>
            %and3A_115 = arith.constant 15 : i32
            %and3A_116 = vector.broadcast %and3A_115 : i32 to vector<16xi32>
            %and3A_117 = arith.andi %add3A_114, %and3A_116 : vector<16xi32>
            %add3A_118 = vector.broadcast %mul3A_112 : i32 to vector<16xi32>
            %add3A_119 = arith.addi %add3A_118, %and3A_117 : vector<16xi32>
            %shift_right_logical3A_120 = arith.constant 2 : i32
            %shift_right_logical3A_121 = vector.broadcast %shift_right_logical3A_120 : i32 to vector<16xi32>
            %shift_right_logical3A_122 = arith.shrui %add3A_119, %shift_right_logical3A_121 : vector<16xi32>
            %and3A_123 = arith.constant 3 : i32
            %and3A_124 = vector.broadcast %and3A_123 : i32 to vector<16xi32>
            %and3A_125 = arith.andi %add3A_119, %and3A_124 : vector<16xi32>
            %mul3A_126 = arith.constant 32 : i32
            %mul3A_127 = vector.broadcast %mul3A_126 : i32 to vector<16xi32>
            %mul3A_128 = arith.muli %and3A_125, %mul3A_127 : vector<16xi32>
            %add3A_129 = arith.constant 0 : i32
            %add3A_130 = vector.broadcast %add3A_129 : i32 to vector<16xi32>
            %add3A_131 = arith.addi %add3A_130, %iota3A : vector<16xi32>
            %add3A_132 = arith.addi %mul3A_128, %add3A_131 : vector<16xi32>
            %gather3A = tpu.vector_load_idx %arg12[%add3A_131, %add3A_119] : memref<32x128xf32, #tpu.memory_space<vmem>>[vector<16xi32>, vector<16xi32>], vector<16xf32>,
            tpu.vector_store_idx %arg18[%shift_right_logical3A_122, %add3A_132], %gather3A : memref<32x128xf32, #tpu.memory_space<vmem>>[vector<16xi32>, vector<16xi32>], vector<16xf32>,
            %gather3A_133 = tpu.vector_load_idx %arg13[%add3A_131, %add3A_119] : memref<32x128xf32, #tpu.memory_space<vmem>>[vector<16xi32>, vector<16xi32>], vector<16xf32>,
            tpu.vector_store_idx %arg19[%shift_right_logical3A_122, %add3A_132], %gather3A_133 : memref<32x128xf32, #tpu.memory_space<vmem>>[vector<16xi32>, vector<16xi32>], vector<16xf32>,
            %add3A_134 = arith.constant 16 : i32
            %add3A_135 = vector.broadcast %add3A_134 : i32 to vector<16xi32>
            %add3A_136 = arith.addi %add3A_135, %iota3A : vector<16xi32>
            %add3A_137 = arith.addi %mul3A_128, %add3A_136 : vector<16xi32>
            %gather3A_138 = tpu.vector_load_idx %arg12[%add3A_136, %add3A_119] : memref<32x128xf32, #tpu.memory_space<vmem>>[vector<16xi32>, vector<16xi32>], vector<16xf32>,
            tpu.vector_store_idx %arg18[%shift_right_logical3A_122, %add3A_137], %gather3A_138 : memref<32x128xf32, #tpu.memory_space<vmem>>[vector<16xi32>, vector<16xi32>], vector<16xf32>,
            %gather3A_139 = tpu.vector_load_idx %arg13[%add3A_136, %add3A_119] : memref<32x128xf32, #tpu.memory_space<vmem>>[vector<16xi32>, vector<16xi32>], vector<16xf32>,
            tpu.vector_store_idx %arg19[%shift_right_logical3A_122, %add3A_137], %gather3A_139 : memref<32x128xf32, #tpu.memory_space<vmem>>[vector<16xi32>, vector<16xi32>], vector<16xf32>,
            %mul3A_140 = arith.constant 4 : i32
            %mul3A_141 = arith.muli %scan3A_104, %mul3A_140 : i32
            %add3A_142 = arith.constant 1 : i32
            %add3A_143 = arith.addi %mul3A_141, %add3A_142 : i32
            %shift_right_logical3A_144 = arith.constant 4 : i32
            %shift_right_logical3A_145 = arith.shrui %add3A_143, %shift_right_logical3A_144 : i32
            %and3A_146 = arith.constant 15 : i32
            %and3A_147 = arith.andi %add3A_143, %and3A_146 : i32
            %mul3A_148 = arith.constant 16 : i32
            %mul3A_149 = arith.muli %shift_right_logical3A_145, %mul3A_148 : i32
            %add3A_150 = vector.broadcast %and3A_147 : i32 to vector<16xi32>
            %add3A_151 = arith.addi %iota3A, %add3A_150 : vector<16xi32>
            %and3A_152 = arith.constant 15 : i32
            %and3A_153 = vector.broadcast %and3A_152 : i32 to vector<16xi32>
            %and3A_154 = arith.andi %add3A_151, %and3A_153 : vector<16xi32>
            %add3A_155 = vector.broadcast %mul3A_149 : i32 to vector<16xi32>
            %add3A_156 = arith.addi %add3A_155, %and3A_154 : vector<16xi32>
            %shift_right_logical3A_157 = arith.constant 2 : i32
            %shift_right_logical3A_158 = vector.broadcast %shift_right_logical3A_157 : i32 to vector<16xi32>
            %shift_right_logical3A_159 = arith.shrui %add3A_156, %shift_right_logical3A_158 : vector<16xi32>
            %and3A_160 = arith.constant 3 : i32
            %and3A_161 = vector.broadcast %and3A_160 : i32 to vector<16xi32>
            %and3A_162 = arith.andi %add3A_156, %and3A_161 : vector<16xi32>
            %mul3A_163 = arith.constant 32 : i32
            %mul3A_164 = vector.broadcast %mul3A_163 : i32 to vector<16xi32>
            %mul3A_165 = arith.muli %and3A_162, %mul3A_164 : vector<16xi32>
            %add3A_166 = arith.constant 0 : i32
            %add3A_167 = vector.broadcast %add3A_166 : i32 to vector<16xi32>
            %add3A_168 = arith.addi %add3A_167, %iota3A : vector<16xi32>
            %add3A_169 = arith.addi %mul3A_165, %add3A_168 : vector<16xi32>
            %gather3A_170 = tpu.vector_load_idx %arg12[%add3A_168, %add3A_156] : memref<32x128xf32, #tpu.memory_space<vmem>>[vector<16xi32>, vector<16xi32>], vector<16xf32>,
            tpu.vector_store_idx %arg18[%shift_right_logical3A_159, %add3A_169], %gather3A_170 : memref<32x128xf32, #tpu.memory_space<vmem>>[vector<16xi32>, vector<16xi32>], vector<16xf32>,
            %gather3A_171 = tpu.vector_load_idx %arg13[%add3A_168, %add3A_156] : memref<32x128xf32, #tpu.memory_space<vmem>>[vector<16xi32>, vector<16xi32>], vector<16xf32>,
            tpu.vector_store_idx %arg19[%shift_right_logical3A_159, %add3A_169], %gather3A_171 : memref<32x128xf32, #tpu.memory_space<vmem>>[vector<16xi32>, vector<16xi32>], vector<16xf32>,
            %add3A_172 = arith.constant 16 : i32
            %add3A_173 = vector.broadcast %add3A_172 : i32 to vector<16xi32>
            %add3A_174 = arith.addi %add3A_173, %iota3A : vector<16xi32>
            %add3A_175 = arith.addi %mul3A_165, %add3A_174 : vector<16xi32>
            %gather3A_176 = tpu.vector_load_idx %arg12[%add3A_174, %add3A_156] : memref<32x128xf32, #tpu.memory_space<vmem>>[vector<16xi32>, vector<16xi32>], vector<16xf32>,
            tpu.vector_store_idx %arg18[%shift_right_logical3A_159, %add3A_175], %gather3A_176 : memref<32x128xf32, #tpu.memory_space<vmem>>[vector<16xi32>, vector<16xi32>], vector<16xf32>,
            %gather3A_177 = tpu.vector_load_idx %arg13[%add3A_174, %add3A_156] : memref<32x128xf32, #tpu.memory_space<vmem>>[vector<16xi32>, vector<16xi32>], vector<16xf32>,
            tpu.vector_store_idx %arg19[%shift_right_logical3A_159, %add3A_175], %gather3A_177 : memref<32x128xf32, #tpu.memory_space<vmem>>[vector<16xi32>, vector<16xi32>], vector<16xf32>,
            %mul3A_178 = arith.constant 4 : i32
            %mul3A_179 = arith.muli %scan3A_104, %mul3A_178 : i32
            %add3A_180 = arith.constant 2 : i32
            %add3A_181 = arith.addi %mul3A_179, %add3A_180 : i32
            %shift_right_logical3A_182 = arith.constant 4 : i32
            %shift_right_logical3A_183 = arith.shrui %add3A_181, %shift_right_logical3A_182 : i32
            %and3A_184 = arith.constant 15 : i32
            %and3A_185 = arith.andi %add3A_181, %and3A_184 : i32
            %mul3A_186 = arith.constant 16 : i32
            %mul3A_187 = arith.muli %shift_right_logical3A_183, %mul3A_186 : i32
            %add3A_188 = vector.broadcast %and3A_185 : i32 to vector<16xi32>
            %add3A_189 = arith.addi %iota3A, %add3A_188 : vector<16xi32>
            %and3A_190 = arith.constant 15 : i32
            %and3A_191 = vector.broadcast %and3A_190 : i32 to vector<16xi32>
            %and3A_192 = arith.andi %add3A_189, %and3A_191 : vector<16xi32>
            %add3A_193 = vector.broadcast %mul3A_187 : i32 to vector<16xi32>
            %add3A_194 = arith.addi %add3A_193, %and3A_192 : vector<16xi32>
            %shift_right_logical3A_195 = arith.constant 2 : i32
            %shift_right_logical3A_196 = vector.broadcast %shift_right_logical3A_195 : i32 to vector<16xi32>
            %shift_right_logical3A_197 = arith.shrui %add3A_194, %shift_right_logical3A_196 : vector<16xi32>
            %and3A_198 = arith.constant 3 : i32
            %and3A_199 = vector.broadcast %and3A_198 : i32 to vector<16xi32>
            %and3A_200 = arith.andi %add3A_194, %and3A_199 : vector<16xi32>
            %mul3A_201 = arith.constant 32 : i32
            %mul3A_202 = vector.broadcast %mul3A_201 : i32 to vector<16xi32>
            %mul3A_203 = arith.muli %and3A_200, %mul3A_202 : vector<16xi32>
            %add3A_204 = arith.constant 0 : i32
            %add3A_205 = vector.broadcast %add3A_204 : i32 to vector<16xi32>
            %add3A_206 = arith.addi %add3A_205, %iota3A : vector<16xi32>
            %add3A_207 = arith.addi %mul3A_203, %add3A_206 : vector<16xi32>
            %gather3A_208 = tpu.vector_load_idx %arg12[%add3A_206, %add3A_194] : memref<32x128xf32, #tpu.memory_space<vmem>>[vector<16xi32>, vector<16xi32>], vector<16xf32>,
            tpu.vector_store_idx %arg18[%shift_right_logical3A_197, %add3A_207], %gather3A_208 : memref<32x128xf32, #tpu.memory_space<vmem>>[vector<16xi32>, vector<16xi32>], vector<16xf32>,
            %gather3A_209 = tpu.vector_load_idx %arg13[%add3A_206, %add3A_194] : memref<32x128xf32, #tpu.memory_space<vmem>>[vector<16xi32>, vector<16xi32>], vector<16xf32>,
            tpu.vector_store_idx %arg19[%shift_right_logical3A_197, %add3A_207], %gather3A_209 : memref<32x128xf32, #tpu.memory_space<vmem>>[vector<16xi32>, vector<16xi32>], vector<16xf32>,
            %add3A_210 = arith.constant 16 : i32
            %add3A_211 = vector.broadcast %add3A_210 : i32 to vector<16xi32>
            %add3A_212 = arith.addi %add3A_211, %iota3A : vector<16xi32>
            %add3A_213 = arith.addi %mul3A_203, %add3A_212 : vector<16xi32>
            %gather3A_214 = tpu.vector_load_idx %arg12[%add3A_212, %add3A_194] : memref<32x128xf32, #tpu.memory_space<vmem>>[vector<16xi32>, vector<16xi32>], vector<16xf32>,
            tpu.vector_store_idx %arg18[%shift_right_logical3A_197, %add3A_213], %gather3A_214 : memref<32x128xf32, #tpu.memory_space<vmem>>[vector<16xi32>, vector<16xi32>], vector<16xf32>,
            %gather3A_215 = tpu.vector_load_idx %arg13[%add3A_212, %add3A_194] : memref<32x128xf32, #tpu.memory_space<vmem>>[vector<16xi32>, vector<16xi32>], vector<16xf32>,
            tpu.vector_store_idx %arg19[%shift_right_logical3A_197, %add3A_213], %gather3A_215 : memref<32x128xf32, #tpu.memory_space<vmem>>[vector<16xi32>, vector<16xi32>], vector<16xf32>,
            %mul3A_216 = arith.constant 4 : i32
            %mul3A_217 = arith.muli %scan3A_104, %mul3A_216 : i32
            %add3A_218 = arith.constant 3 : i32
            %add3A_219 = arith.addi %mul3A_217, %add3A_218 : i32
            %shift_right_logical3A_220 = arith.constant 4 : i32
            %shift_right_logical3A_221 = arith.shrui %add3A_219, %shift_right_logical3A_220 : i32
            %and3A_222 = arith.constant 15 : i32
            %and3A_223 = arith.andi %add3A_219, %and3A_222 : i32
            %mul3A_224 = arith.constant 16 : i32
            %mul3A_225 = arith.muli %shift_right_logical3A_221, %mul3A_224 : i32
            %add3A_226 = vector.broadcast %and3A_223 : i32 to vector<16xi32>
            %add3A_227 = arith.addi %iota3A, %add3A_226 : vector<16xi32>
            %and3A_228 = arith.constant 15 : i32
            %and3A_229 = vector.broadcast %and3A_228 : i32 to vector<16xi32>
            %and3A_230 = arith.andi %add3A_227, %and3A_229 : vector<16xi32>
            %add3A_231 = vector.broadcast %mul3A_225 : i32 to vector<16xi32>
            %add3A_232 = arith.addi %add3A_231, %and3A_230 : vector<16xi32>
            %shift_right_logical3A_233 = arith.constant 2 : i32
            %shift_right_logical3A_234 = vector.broadcast %shift_right_logical3A_233 : i32 to vector<16xi32>
            %shift_right_logical3A_235 = arith.shrui %add3A_232, %shift_right_logical3A_234 : vector<16xi32>
            %and3A_236 = arith.constant 3 : i32
            %and3A_237 = vector.broadcast %and3A_236 : i32 to vector<16xi32>
            %and3A_238 = arith.andi %add3A_232, %and3A_237 : vector<16xi32>
            %mul3A_239 = arith.constant 32 : i32
            %mul3A_240 = vector.broadcast %mul3A_239 : i32 to vector<16xi32>
            %mul3A_241 = arith.muli %and3A_238, %mul3A_240 : vector<16xi32>
            %add3A_242 = arith.constant 0 : i32
            %add3A_243 = vector.broadcast %add3A_242 : i32 to vector<16xi32>
            %add3A_244 = arith.addi %add3A_243, %iota3A : vector<16xi32>
            %add3A_245 = arith.addi %mul3A_241, %add3A_244 : vector<16xi32>
            %gather3A_246 = tpu.vector_load_idx %arg12[%add3A_244, %add3A_232] : memref<32x128xf32, #tpu.memory_space<vmem>>[vector<16xi32>, vector<16xi32>], vector<16xf32>,
            tpu.vector_store_idx %arg18[%shift_right_logical3A_235, %add3A_245], %gather3A_246 : memref<32x128xf32, #tpu.memory_space<vmem>>[vector<16xi32>, vector<16xi32>], vector<16xf32>,
            %gather3A_247 = tpu.vector_load_idx %arg13[%add3A_244, %add3A_232] : memref<32x128xf32, #tpu.memory_space<vmem>>[vector<16xi32>, vector<16xi32>], vector<16xf32>,
            tpu.vector_store_idx %arg19[%shift_right_logical3A_235, %add3A_245], %gather3A_247 : memref<32x128xf32, #tpu.memory_space<vmem>>[vector<16xi32>, vector<16xi32>], vector<16xf32>,
            %add3A_248 = arith.constant 16 : i32
            %add3A_249 = vector.broadcast %add3A_248 : i32 to vector<16xi32>
            %add3A_250 = arith.addi %add3A_249, %iota3A : vector<16xi32>
            %add3A_251 = arith.addi %mul3A_241, %add3A_250 : vector<16xi32>
            %gather3A_252 = tpu.vector_load_idx %arg12[%add3A_250, %add3A_232] : memref<32x128xf32, #tpu.memory_space<vmem>>[vector<16xi32>, vector<16xi32>], vector<16xf32>,
            tpu.vector_store_idx %arg18[%shift_right_logical3A_235, %add3A_251], %gather3A_252 : memref<32x128xf32, #tpu.memory_space<vmem>>[vector<16xi32>, vector<16xi32>], vector<16xf32>,
            %gather3A_253 = tpu.vector_load_idx %arg13[%add3A_250, %add3A_232] : memref<32x128xf32, #tpu.memory_space<vmem>>[vector<16xi32>, vector<16xi32>], vector<16xf32>,
            tpu.vector_store_idx %arg19[%shift_right_logical3A_235, %add3A_251], %gather3A_253 : memref<32x128xf32, #tpu.memory_space<vmem>>[vector<16xi32>, vector<16xi32>], vector<16xf32>,
          }
          %scan3A_95 = arith.constant 32 : i32
          %dma_start3A_96 = arith.constant 0 : i32
          %dma_start3A_97 = tpu.memref_slice %arg6[%multiple_of3A_64, %dma_start3A_96] : memref<250000x128xf32, #tpu.memory_space<hbm>> -> memref<32x128xf32, #tpu.memory_space<hbm>>
          %dma_start3A_98 = arith.constant 0 : i32
          %dma_start3A_99 = tpu.memref_slice %arg6[%multiple_of3A_64, %dma_start3A_98] : memref<250000x128xf32, #tpu.memory_space<hbm>> -> memref<32x128xf32, #tpu.memory_space<hbm>>
          tpu.enqueue_dma source(%arg18 : memref<32x128xf32, #tpu.memory_space<vmem>>) target(%dma_start3A_99 : memref<32x128xf32, #tpu.memory_space<hbm>>) target_semaphore(%arg23 : memref<!tpu.dma_semaphore, #tpu.memory_space<semaphore_mem>>)
          %dma_start3A_100 = arith.constant 0 : i32
          %dma_start3A_101 = tpu.memref_slice %arg7[%multiple_of3A_64, %dma_start3A_100] : memref<250000x128xf32, #tpu.memory_space<hbm>> -> memref<32x128xf32, #tpu.memory_space<hbm>>
          %dma_start3A_102 = arith.constant 0 : i32
          %dma_start3A_103 = tpu.memref_slice %arg7[%multiple_of3A_64, %dma_start3A_102] : memref<250000x128xf32, #tpu.memory_space<hbm>> -> memref<32x128xf32, #tpu.memory_space<hbm>>
          tpu.enqueue_dma source(%arg19 : memref<32x128xf32, #tpu.memory_space<vmem>>) target(%dma_start3A_103 : memref<32x128xf32, #tpu.memory_space<hbm>>) target_semaphore(%arg23 : memref<!tpu.dma_semaphore, #tpu.memory_space<semaphore_mem>>)
        } else {
        }
      }
      %ge3A = arith.constant 3 : i32
      %ge3A_35 = arith.cmpi sge, %sub3A, %ge3A : i32
      %convert_element_type3A_36 = arith.extui %ge3A_35 : i1 to i32
      %cond3A_37 = arith.constant 0 : i32
      %cond3A_38 = arith.cmpi ne, %convert_element_type3A_36, %cond3A_37 : i32
      scf.if %cond3A_38 {
        %dma_wait3A = arith.constant 0 : i32
        %dma_wait3A_49 = arith.constant 0 : i32
        %dma_wait3A_50 = tpu.memref_slice %arg2[%dma_wait3A, %dma_wait3A_49] : memref<32x1000000xf32, #tpu.memory_space<hbm>> -> memref<32x128xf32, #tpu.memory_space<hbm>>
        %dma_wait3A_51 = arith.constant 0 : i32
        %dma_wait3A_52 = arith.constant 0 : i32
        %dma_wait3A_53 = tpu.memref_slice %arg2[%dma_wait3A_51, %dma_wait3A_52] : memref<32x1000000xf32, #tpu.memory_space<hbm>> -> memref<32x128xf32, #tpu.memory_space<hbm>>
        tpu.wait_dma2 semaphore(%arg23 : memref<!tpu.dma_semaphore, #tpu.memory_space<semaphore_mem>>) src(%dma_wait3A_53 : memref<32x128xf32, #tpu.memory_space<hbm>>) dst(%arg14 : memref<32x128xf32, #tpu.memory_space<vmem>>)
        %dma_wait3A_54 = arith.constant 0 : i32
        %dma_wait3A_55 = arith.constant 0 : i32
        %dma_wait3A_56 = tpu.memref_slice %arg2[%dma_wait3A_54, %dma_wait3A_55] : memref<32x1000000xf32, #tpu.memory_space<hbm>> -> memref<32x128xf32, #tpu.memory_space<hbm>>
        %dma_wait3A_57 = arith.constant 0 : i32
        %dma_wait3A_58 = arith.constant 0 : i32
        %dma_wait3A_59 = tpu.memref_slice %arg2[%dma_wait3A_57, %dma_wait3A_58] : memref<32x1000000xf32, #tpu.memory_space<hbm>> -> memref<32x128xf32, #tpu.memory_space<hbm>>
        tpu.wait_dma2 semaphore(%arg23 : memref<!tpu.dma_semaphore, #tpu.memory_space<semaphore_mem>>) src(%dma_wait3A_59 : memref<32x128xf32, #tpu.memory_space<hbm>>) dst(%arg15 : memref<32x128xf32, #tpu.memory_space<vmem>>)
      } else {
      }
      %ge3A_39 = arith.constant 2 : i32
      %ge3A_40 = arith.cmpi sge, %sub3A, %ge3A_39 : i32
      %convert_element_type3A_41 = arith.extui %ge3A_40 : i1 to i32
      %cond3A_42 = arith.constant 0 : i32
      %cond3A_43 = arith.cmpi ne, %convert_element_type3A_41, %cond3A_42 : i32
      scf.if %cond3A_43 {
        %dma_wait3A = arith.constant 0 : i32
        %dma_wait3A_49 = arith.constant 0 : i32
        %dma_wait3A_50 = tpu.memref_slice %arg2[%dma_wait3A, %dma_wait3A_49] : memref<32x1000000xf32, #tpu.memory_space<hbm>> -> memref<32x128xf32, #tpu.memory_space<hbm>>
        %dma_wait3A_51 = arith.constant 0 : i32
        %dma_wait3A_52 = arith.constant 0 : i32
        %dma_wait3A_53 = tpu.memref_slice %arg2[%dma_wait3A_51, %dma_wait3A_52] : memref<32x1000000xf32, #tpu.memory_space<hbm>> -> memref<32x128xf32, #tpu.memory_space<hbm>>
        tpu.wait_dma2 semaphore(%arg23 : memref<!tpu.dma_semaphore, #tpu.memory_space<semaphore_mem>>) src(%dma_wait3A_53 : memref<32x128xf32, #tpu.memory_space<hbm>>) dst(%arg14 : memref<32x128xf32, #tpu.memory_space<vmem>>)
        %dma_wait3A_54 = arith.constant 0 : i32
        %dma_wait3A_55 = arith.constant 0 : i32
        %dma_wait3A_56 = tpu.memref_slice %arg2[%dma_wait3A_54, %dma_wait3A_55] : memref<32x1000000xf32, #tpu.memory_space<hbm>> -> memref<32x128xf32, #tpu.memory_space<hbm>>
        %dma_wait3A_57 = arith.constant 0 : i32
        %dma_wait3A_58 = arith.constant 0 : i32
        %dma_wait3A_59 = tpu.memref_slice %arg2[%dma_wait3A_57, %dma_wait3A_58] : memref<32x1000000xf32, #tpu.memory_space<hbm>> -> memref<32x128xf32, #tpu.memory_space<hbm>>
        tpu.wait_dma2 semaphore(%arg23 : memref<!tpu.dma_semaphore, #tpu.memory_space<semaphore_mem>>) src(%dma_wait3A_59 : memref<32x128xf32, #tpu.memory_space<hbm>>) dst(%arg15 : memref<32x128xf32, #tpu.memory_space<vmem>>)
      } else {
      }
      %ge3A_44 = arith.constant 1 : i32
      %ge3A_45 = arith.cmpi sge, %sub3A, %ge3A_44 : i32
      %convert_element_type3A_46 = arith.extui %ge3A_45 : i1 to i32
      %cond3A_47 = arith.constant 0 : i32
      %cond3A_48 = arith.cmpi ne, %convert_element_type3A_46, %cond3A_47 : i32
      scf.if %cond3A_48 {
        %dma_wait3A = arith.constant 0 : i32
        %dma_wait3A_49 = arith.constant 0 : i32
        %dma_wait3A_50 = tpu.memref_slice %arg2[%dma_wait3A, %dma_wait3A_49] : memref<32x1000000xf32, #tpu.memory_space<hbm>> -> memref<32x128xf32, #tpu.memory_space<hbm>>
        %dma_wait3A_51 = arith.constant 0 : i32
        %dma_wait3A_52 = arith.constant 0 : i32
        %dma_wait3A_53 = tpu.memref_slice %arg2[%dma_wait3A_51, %dma_wait3A_52] : memref<32x1000000xf32, #tpu.memory_space<hbm>> -> memref<32x128xf32, #tpu.memory_space<hbm>>
        tpu.wait_dma2 semaphore(%arg23 : memref<!tpu.dma_semaphore, #tpu.memory_space<semaphore_mem>>) src(%dma_wait3A_53 : memref<32x128xf32, #tpu.memory_space<hbm>>) dst(%arg14 : memref<32x128xf32, #tpu.memory_space<vmem>>)
        %dma_wait3A_54 = arith.constant 0 : i32
        %dma_wait3A_55 = arith.constant 0 : i32
        %dma_wait3A_56 = tpu.memref_slice %arg2[%dma_wait3A_54, %dma_wait3A_55] : memref<32x1000000xf32, #tpu.memory_space<hbm>> -> memref<32x128xf32, #tpu.memory_space<hbm>>
        %dma_wait3A_57 = arith.constant 0 : i32
        %dma_wait3A_58 = arith.constant 0 : i32
        %dma_wait3A_59 = tpu.memref_slice %arg2[%dma_wait3A_57, %dma_wait3A_58] : memref<32x1000000xf32, #tpu.memory_space<hbm>> -> memref<32x128xf32, #tpu.memory_space<hbm>>
        tpu.wait_dma2 semaphore(%arg23 : memref<!tpu.dma_semaphore, #tpu.memory_space<semaphore_mem>>) src(%dma_wait3A_59 : memref<32x128xf32, #tpu.memory_space<hbm>>) dst(%arg15 : memref<32x128xf32, #tpu.memory_space<vmem>>)
      } else {
      }
    } else {
    }
    %eq3A = arith.constant 31 : i32
    %eq3A_8 = arith.cmpi eq, %add3A, %eq3A : i32
    %convert_element_type3A_9 = arith.extui %eq3A_8 : i1 to i32
    %cond3A_10 = arith.constant 0 : i32
    %cond3A_11 = arith.cmpi ne, %convert_element_type3A_9, %cond3A_10 : i32
    scf.if %cond3A_11 {
      "tpu.region"() ({
        %run_scoped3A = tpu.sem_alloc : memref<!tpu.dma_semaphore, #tpu.memory_space<semaphore_mem>>
        %dma_start3A = arith.constant 0 : i32
        %dma_start3A_12 = arith.constant 0 : i32
        %dma_start3A_13 = tpu.memref_slice %arg8[%dma_start3A, %dma_start3A_12] : memref<32x128xf32, #tpu.memory_space<vmem>> -> memref<16x128xf32, #tpu.memory_space<vmem>>
        %dma_start3A_14 = arith.constant 0 : i32
        %dma_start3A_15 = arith.constant 0 : i32
        %dma_start3A_16 = tpu.memref_slice %arg8[%dma_start3A_14, %dma_start3A_15] : memref<32x128xf32, #tpu.memory_space<vmem>> -> memref<16x128xf32, #tpu.memory_space<vmem>>
        tpu.enqueue_dma source(%arg4 : memref<16x128xf32, #tpu.memory_space<hbm>>) target(%dma_start3A_16 : memref<16x128xf32, #tpu.memory_space<vmem>>) target_semaphore(%run_scoped3A : memref<!tpu.dma_semaphore, #tpu.memory_space<semaphore_mem>>)
        %dma_wait3A = arith.constant 0 : i32
        %dma_wait3A_17 = arith.constant 0 : i32
        %dma_wait3A_18 = tpu.memref_slice %arg8[%dma_wait3A, %dma_wait3A_17] : memref<32x128xf32, #tpu.memory_space<vmem>> -> memref<16x128xf32, #tpu.memory_space<vmem>>
        %dma_wait3A_19 = arith.constant 0 : i32
        %dma_wait3A_20 = arith.constant 0 : i32
        %dma_wait3A_21 = tpu.memref_slice %arg8[%dma_wait3A_19, %dma_wait3A_20] : memref<32x128xf32, #tpu.memory_space<vmem>> -> memref<16x128xf32, #tpu.memory_space<vmem>>
        tpu.wait_dma2 semaphore(%run_scoped3A : memref<!tpu.dma_semaphore, #tpu.memory_space<semaphore_mem>>) src(%arg4 : memref<16x128xf32, #tpu.memory_space<hbm>>) dst(%dma_wait3A_21 : memref<16x128xf32, #tpu.memory_space<vmem>>)
        tpu.yield
      }) : () -> ()
      "tpu.region"() ({
        %run_scoped3A = tpu.sem_alloc : memref<!tpu.dma_semaphore, #tpu.memory_space<semaphore_mem>>
        %dma_start3A = arith.constant 0 : i32
        %dma_start3A_12 = arith.constant 0 : i32
        %dma_start3A_13 = tpu.memref_slice %arg9[%dma_start3A, %dma_start3A_12] : memref<32x128xf32, #tpu.memory_space<vmem>> -> memref<16x128xf32, #tpu.memory_space<vmem>>
        %dma_start3A_14 = arith.constant 0 : i32
        %dma_start3A_15 = arith.constant 0 : i32
        %dma_start3A_16 = tpu.memref_slice %arg9[%dma_start3A_14, %dma_start3A_15] : memref<32x128xf32, #tpu.memory_space<vmem>> -> memref<16x128xf32, #tpu.memory_space<vmem>>
        tpu.enqueue_dma source(%arg5 : memref<16x128xf32, #tpu.memory_space<hbm>>) target(%dma_start3A_16 : memref<16x128xf32, #tpu.memory_space<vmem>>) target_semaphore(%run_scoped3A : memref<!tpu.dma_semaphore, #tpu.memory_space<semaphore_mem>>)
        %dma_wait3A = arith.constant 0 : i32
        %dma_wait3A_17 = arith.constant 0 : i32
        %dma_wait3A_18 = tpu.memref_slice %arg9[%dma_wait3A, %dma_wait3A_17] : memref<32x128xf32, #tpu.memory_space<vmem>> -> memref<16x128xf32, #tpu.memory_space<vmem>>
        %dma_wait3A_19 = arith.constant 0 : i32
        %dma_wait3A_20 = arith.constant 0 : i32
        %dma_wait3A_21 = tpu.memref_slice %arg9[%dma_wait3A_19, %dma_wait3A_20] : memref<32x128xf32, #tpu.memory_space<vmem>> -> memref<16x128xf32, #tpu.memory_space<vmem>>
        tpu.wait_dma2 semaphore(%run_scoped3A : memref<!tpu.dma_semaphore, #tpu.memory_space<semaphore_mem>>) src(%arg5 : memref<16x128xf32, #tpu.memory_space<hbm>>) dst(%dma_wait3A_21 : memref<16x128xf32, #tpu.memory_space<vmem>>)
        tpu.yield
      }) : () -> ()
      "tpu.region"() ({
        %run_scoped3A = tpu.sem_alloc : memref<!tpu.dma_semaphore, #tpu.memory_space<semaphore_mem>>
        %dma_start3A = arith.constant 0 : i32
        %dma_start3A_12 = arith.constant 0 : i32
        %dma_start3A_13 = tpu.memref_slice %arg8[%dma_start3A, %dma_start3A_12] : memref<32x128xf32, #tpu.memory_space<vmem>> -> memref<16x128xf32, #tpu.memory_space<vmem>>
        %dma_start3A_14 = arith.constant 249984 : i32
        %dma_start3A_15 = arith.constant 0 : i32
        %dma_start3A_16 = tpu.memref_slice %arg6[%dma_start3A_14, %dma_start3A_15] : memref<250000x128xf32, #tpu.memory_space<hbm>> -> memref<16x128xf32, #tpu.memory_space<hbm>>
        %dma_start3A_17 = arith.constant 249984 : i32
        %dma_start3A_18 = arith.constant 0 : i32
        %dma_start3A_19 = tpu.memref_slice %arg6[%dma_start3A_17, %dma_start3A_18] : memref<250000x128xf32, #tpu.memory_space<hbm>> -> memref<16x128xf32, #tpu.memory_space<hbm>>
        %dma_start3A_20 = arith.constant 0 : i32
        %dma_start3A_21 = arith.constant 0 : i32
        %dma_start3A_22 = tpu.memref_slice %arg8[%dma_start3A_20, %dma_start3A_21] : memref<32x128xf32, #tpu.memory_space<vmem>> -> memref<16x128xf32, #tpu.memory_space<vmem>>
        tpu.enqueue_dma source(%dma_start3A_22 : memref<16x128xf32, #tpu.memory_space<vmem>>) target(%dma_start3A_19 : memref<16x128xf32, #tpu.memory_space<hbm>>) target_semaphore(%run_scoped3A : memref<!tpu.dma_semaphore, #tpu.memory_space<semaphore_mem>>)
        %dma_wait3A = arith.constant 0 : i32
        %dma_wait3A_23 = arith.constant 0 : i32
        %dma_wait3A_24 = tpu.memref_slice %arg8[%dma_wait3A, %dma_wait3A_23] : memref<32x128xf32, #tpu.memory_space<vmem>> -> memref<16x128xf32, #tpu.memory_space<vmem>>
        %dma_wait3A_25 = arith.constant 249984 : i32
        %dma_wait3A_26 = arith.constant 0 : i32
        %dma_wait3A_27 = tpu.memref_slice %arg6[%dma_wait3A_25, %dma_wait3A_26] : memref<250000x128xf32, #tpu.memory_space<hbm>> -> memref<16x128xf32, #tpu.memory_space<hbm>>
        %dma_wait3A_28 = arith.constant 249984 : i32
        %dma_wait3A_29 = arith.constant 0 : i32
        %dma_wait3A_30 = tpu.memref_slice %arg6[%dma_wait3A_28, %dma_wait3A_29] : memref<250000x128xf32, #tpu.memory_space<hbm>> -> memref<16x128xf32, #tpu.memory_space<hbm>>
        %dma_wait3A_31 = arith.constant 0 : i32
        %dma_wait3A_32 = arith.constant 0 : i32
        %dma_wait3A_33 = tpu.memref_slice %arg8[%dma_wait3A_31, %dma_wait3A_32] : memref<32x128xf32, #tpu.memory_space<vmem>> -> memref<16x128xf32, #tpu.memory_space<vmem>>
        tpu.wait_dma2 semaphore(%run_scoped3A : memref<!tpu.dma_semaphore, #tpu.memory_space<semaphore_mem>>) src(%dma_wait3A_33 : memref<16x128xf32, #tpu.memory_space<vmem>>) dst(%dma_wait3A_30 : memref<16x128xf32, #tpu.memory_space<hbm>>)
        tpu.yield
      }) : () -> ()
      "tpu.region"() ({
        %run_scoped3A = tpu.sem_alloc : memref<!tpu.dma_semaphore, #tpu.memory_space<semaphore_mem>>
        %dma_start3A = arith.constant 0 : i32
        %dma_start3A_12 = arith.constant 0 : i32
        %dma_start3A_13 = tpu.memref_slice %arg9[%dma_start3A, %dma_start3A_12] : memref<32x128xf32, #tpu.memory_space<vmem>> -> memref<16x128xf32, #tpu.memory_space<vmem>>
        %dma_start3A_14 = arith.constant 249984 : i32
        %dma_start3A_15 = arith.constant 0 : i32
        %dma_start3A_16 = tpu.memref_slice %arg7[%dma_start3A_14, %dma_start3A_15] : memref<250000x128xf32, #tpu.memory_space<hbm>> -> memref<16x128xf32, #tpu.memory_space<hbm>>
        %dma_start3A_17 = arith.constant 249984 : i32
        %dma_start3A_18 = arith.constant 0 : i32
        %dma_start3A_19 = tpu.memref_slice %arg7[%dma_start3A_17, %dma_start3A_18] : memref<250000x128xf32, #tpu.memory_space<hbm>> -> memref<16x128xf32, #tpu.memory_space<hbm>>
        %dma_start3A_20 = arith.constant 0 : i32
        %dma_start3A_21 = arith.constant 0 : i32
        %dma_start3A_22 = tpu.memref_slice %arg9[%dma_start3A_20, %dma_start3A_21] : memref<32x128xf32, #tpu.memory_space<vmem>> -> memref<16x128xf32, #tpu.memory_space<vmem>>
        tpu.enqueue_dma source(%dma_start3A_22 : memref<16x128xf32, #tpu.memory_space<vmem>>) target(%dma_start3A_19 : memref<16x128xf32, #tpu.memory_space<hbm>>) target_semaphore(%run_scoped3A : memref<!tpu.dma_semaphore, #tpu.memory_space<semaphore_mem>>)
        %dma_wait3A = arith.constant 0 : i32
        %dma_wait3A_23 = arith.constant 0 : i32
        %dma_wait3A_24 = tpu.memref_slice %arg9[%dma_wait3A, %dma_wait3A_23] : memref<32x128xf32, #tpu.memory_space<vmem>> -> memref<16x128xf32, #tpu.memory_space<vmem>>
        %dma_wait3A_25 = arith.constant 249984 : i32
        %dma_wait3A_26 = arith.constant 0 : i32
        %dma_wait3A_27 = tpu.memref_slice %arg7[%dma_wait3A_25, %dma_wait3A_26] : memref<250000x128xf32, #tpu.memory_space<hbm>> -> memref<16x128xf32, #tpu.memory_space<hbm>>
        %dma_wait3A_28 = arith.constant 249984 : i32
        %dma_wait3A_29 = arith.constant 0 : i32
        %dma_wait3A_30 = tpu.memref_slice %arg7[%dma_wait3A_28, %dma_wait3A_29] : memref<250000x128xf32, #tpu.memory_space<hbm>> -> memref<16x128xf32, #tpu.memory_space<hbm>>
        %dma_wait3A_31 = arith.constant 0 : i32
        %dma_wait3A_32 = arith.constant 0 : i32
        %dma_wait3A_33 = tpu.memref_slice %arg9[%dma_wait3A_31, %dma_wait3A_32] : memref<32x128xf32, #tpu.memory_space<vmem>> -> memref<16x128xf32, #tpu.memory_space<vmem>>
        tpu.wait_dma2 semaphore(%run_scoped3A : memref<!tpu.dma_semaphore, #tpu.memory_space<semaphore_mem>>) src(%dma_wait3A_33 : memref<16x128xf32, #tpu.memory_space<vmem>>) dst(%dma_wait3A_30 : memref<16x128xf32, #tpu.memory_space<hbm>>)
        tpu.yield
      }) : () -> ()
    } else {
    }
    return
  }
}

#map = affine_map<(d0, d1) -> (0)>
#map1 = affine_map<(d0, d1) -> (0, 0)>
module attributes {stable_mosaic.version = 14 : i64} {
  func.func @_sc_pair_dot(%arg0: i32, %arg1: i32, %arg2: memref<16384xi32, #tpu.memory_space<hbm>>, %arg3: memref<16384xi32, #tpu.memory_space<hbm>>, %arg4: memref<250000x128xf32, #tpu.memory_space<hbm>>, %arg5: memref<250000x128xf32, #tpu.memory_space<hbm>>, %arg6: memref<16384xf32, #tpu.memory_space<hbm>>, %arg7: memref<512xi32, #tpu.memory_space<vmem>>, %arg8: memref<512xi32, #tpu.memory_space<vmem>>, %arg9: memref<256x128xf32, #tpu.memory_space<vmem>>, %arg10: memref<256x128xf32, #tpu.memory_space<vmem>>, %arg11: memref<256xi32, #tpu.memory_space<vmem>>, %arg12: memref<256xi32, #tpu.memory_space<vmem>>, %arg13: memref<512xf32, #tpu.memory_space<vmem>>, %arg14: memref<!tpu.dma_semaphore, #tpu.memory_space<semaphore_mem>>, %arg15: memref<!tpu.dma_semaphore, #tpu.memory_space<semaphore_mem>>) attributes {dimension_semantics = [#tpu.dimension_semantics<core_parallel>, #tpu.dimension_semantics<subcore_parallel>], iteration_bounds = array<i64: 2, 16>, scalar_prefetch = 0 : i64, scratch_operands = 9 : i64, tpu.core_type = #tpu.core_type<sc_vector_subcore>, window_params = [{transform_indices = #map}, {transform_indices = #map}, {transform_indices = #map1}, {transform_indices = #map1}, {transform_indices = #map}]} {
    %mul3A = arith.constant 2 : i32
    %mul3A_0 = arith.muli %arg1, %mul3A : i32
    %add3A = arith.addi %mul3A_0, %arg0 : i32
    %mul3A_1 = arith.constant 512 : i32
    %mul3A_2 = arith.muli %add3A, %mul3A_1 : i32
    "tpu.region"() ({
      %run_scoped3A = tpu.sem_alloc : memref<!tpu.dma_semaphore, #tpu.memory_space<semaphore_mem>>
      %dma_start3A_152 = tpu.memref_slice %arg2[%mul3A_2] : memref<16384xi32, #tpu.memory_space<hbm>> -> memref<512xi32, #tpu.memory_space<hbm>>
      %dma_start3A_153 = tpu.memref_slice %arg2[%mul3A_2] : memref<16384xi32, #tpu.memory_space<hbm>> -> memref<512xi32, #tpu.memory_space<hbm>>
      tpu.enqueue_dma source(%dma_start3A_153 : memref<512xi32, #tpu.memory_space<hbm>>) target(%arg7 : memref<512xi32, #tpu.memory_space<vmem>>) target_semaphore(%run_scoped3A : memref<!tpu.dma_semaphore, #tpu.memory_space<semaphore_mem>>)
      %dma_wait3A_154 = tpu.memref_slice %arg2[%mul3A_2] : memref<16384xi32, #tpu.memory_space<hbm>> -> memref<512xi32, #tpu.memory_space<hbm>>
      %dma_wait3A_155 = tpu.memref_slice %arg2[%mul3A_2] : memref<16384xi32, #tpu.memory_space<hbm>> -> memref<512xi32, #tpu.memory_space<hbm>>
      tpu.wait_dma2 semaphore(%run_scoped3A : memref<!tpu.dma_semaphore, #tpu.memory_space<semaphore_mem>>) src(%dma_wait3A_155 : memref<512xi32, #tpu.memory_space<hbm>>) dst(%arg7 : memref<512xi32, #tpu.memory_space<vmem>>)
      tpu.yield
    }) : () -> ()
    "tpu.region"() ({
      %run_scoped3A = tpu.sem_alloc : memref<!tpu.dma_semaphore, #tpu.memory_space<semaphore_mem>>
      %dma_start3A_152 = tpu.memref_slice %arg3[%mul3A_2] : memref<16384xi32, #tpu.memory_space<hbm>> -> memref<512xi32, #tpu.memory_space<hbm>>
      %dma_start3A_153 = tpu.memref_slice %arg3[%mul3A_2] : memref<16384xi32, #tpu.memory_space<hbm>> -> memref<512xi32, #tpu.memory_space<hbm>>
      tpu.enqueue_dma source(%dma_start3A_153 : memref<512xi32, #tpu.memory_space<hbm>>) target(%arg8 : memref<512xi32, #tpu.memory_space<vmem>>) target_semaphore(%run_scoped3A : memref<!tpu.dma_semaphore, #tpu.memory_space<semaphore_mem>>)
      %dma_wait3A_154 = tpu.memref_slice %arg3[%mul3A_2] : memref<16384xi32, #tpu.memory_space<hbm>> -> memref<512xi32, #tpu.memory_space<hbm>>
      %dma_wait3A_155 = tpu.memref_slice %arg3[%mul3A_2] : memref<16384xi32, #tpu.memory_space<hbm>> -> memref<512xi32, #tpu.memory_space<hbm>>
      tpu.wait_dma2 semaphore(%run_scoped3A : memref<!tpu.dma_semaphore, #tpu.memory_space<semaphore_mem>>) src(%dma_wait3A_155 : memref<512xi32, #tpu.memory_space<hbm>>) dst(%arg8 : memref<512xi32, #tpu.memory_space<vmem>>)
      tpu.yield
    }) : () -> ()
    %iota3A = tpu.iota {dimensions = array<i32: 0>} : vector<16xi32>
    %scan3A = arith.constant 0 : i32
    %scan3A_3 = arith.constant 0 : i32
    %scan3A_4 = arith.constant 16 : i32
    %scan3A_5 = arith.addi %scan3A_3, %scan3A_4 : i32
    %scan3A_6 = arith.constant 1 : i32
    scf.for %scan3A_152 = %scan3A_3 to %scan3A_5 step %scan3A_6  : i32 {
      %mul3A_153 = arith.constant 16 : i32
      %mul3A_154 = arith.muli %scan3A_152, %mul3A_153 : i32
      %mul3A_155 = arith.constant 16 : i32
      %mul3A_156 = arith.muli %scan3A_152, %mul3A_155 : i32
      %add3A_157 = arith.constant 0 : i32
      %add3A_158 = arith.addi %add3A_157, %mul3A_156 : i32
      %get3A = arith.index_cast %add3A_158 : i32 to index
      %get3A_159 = tpu.vector_load %arg7[%get3A] {strides = array<i32>} : memref<512xi32, #tpu.memory_space<vmem>>, vector<16xi32>,
      %shift_right_logical3A = arith.constant 2 : i32
      %shift_right_logical3A_160 = vector.broadcast %shift_right_logical3A : i32 to vector<16xi32>
      %shift_right_logical3A_161 = arith.shrui %get3A_159, %shift_right_logical3A_160 : vector<16xi32>
      %swap3A = arith.index_cast %mul3A_154 : i32 to index
      %swap3A_162 = tpu.vector_load %arg11[%swap3A] {strides = array<i32>} : memref<256xi32, #tpu.memory_space<vmem>>, vector<16xi32>,
      tpu.vector_store %arg11[%swap3A], %shift_right_logical3A_161 {strides = array<i32>} : memref<256xi32, #tpu.memory_space<vmem>>, vector<16xi32>,
      %mul3A_163 = arith.constant 16 : i32
      %mul3A_164 = arith.muli %scan3A_152, %mul3A_163 : i32
      %add3A_165 = arith.constant 0 : i32
      %add3A_166 = arith.addi %add3A_165, %mul3A_164 : i32
      %get3A_167 = arith.index_cast %add3A_166 : i32 to index
      %get3A_168 = tpu.vector_load %arg8[%get3A_167] {strides = array<i32>} : memref<512xi32, #tpu.memory_space<vmem>>, vector<16xi32>,
      %shift_right_logical3A_169 = arith.constant 2 : i32
      %shift_right_logical3A_170 = vector.broadcast %shift_right_logical3A_169 : i32 to vector<16xi32>
      %shift_right_logical3A_171 = arith.shrui %get3A_168, %shift_right_logical3A_170 : vector<16xi32>
      %swap3A_172 = arith.index_cast %mul3A_154 : i32 to index
      %swap3A_173 = tpu.vector_load %arg12[%swap3A_172] {strides = array<i32>} : memref<256xi32, #tpu.memory_space<vmem>>, vector<16xi32>,
      tpu.vector_store %arg12[%swap3A_172], %shift_right_logical3A_171 {strides = array<i32>} : memref<256xi32, #tpu.memory_space<vmem>>, vector<16xi32>,
    }
    %scan3A_7 = arith.constant 16 : i32
    %dma_start3A = arith.constant 0 : i32
    %dma_start3A_8 = arith.constant 0 : i32
    %dma_start3A_9 = tpu.memref_slice %arg9[%dma_start3A, %dma_start3A_8] : memref<256x128xf32, #tpu.memory_space<vmem>> -> memref<128x128xf32, #tpu.memory_space<vmem>>
    %dma_start3A_10 = arith.constant 0 : i32
    %dma_start3A_11 = tpu.memref_slice %arg11[%dma_start3A_10] : memref<256xi32, #tpu.memory_space<vmem>> -> memref<128xi32, #tpu.memory_space<vmem>>
    %dma_start3A_12 = arith.constant 0 : i32
    %dma_start3A_13 = arith.constant 0 : i32
    %dma_start3A_14 = tpu.memref_slice %arg4[%dma_start3A_12, %dma_start3A_13] : memref<250000x128xf32, #tpu.memory_space<hbm>> -> memref<250000x128xf32, #tpu.memory_space<hbm>>
    tpu.enqueue_indirect_dma source(%dma_start3A_14 : memref<250000x128xf32, #tpu.memory_space<hbm>>) target(%dma_start3A_9 : memref<128x128xf32, #tpu.memory_space<vmem>>) offsets(%dma_start3A_11 : memref<128xi32, #tpu.memory_space<vmem>>) semaphore(%arg14 : memref<!tpu.dma_semaphore, #tpu.memory_space<semaphore_mem>>)
    %dma_start3A_15 = arith.constant 0 : i32
    %dma_start3A_16 = arith.constant 0 : i32
    %dma_start3A_17 = tpu.memref_slice %arg10[%dma_start3A_15, %dma_start3A_16] : memref<256x128xf32, #tpu.memory_space<vmem>> -> memref<128x128xf32, #tpu.memory_space<vmem>>
    %dma_start3A_18 = arith.constant 0 : i32
    %dma_start3A_19 = tpu.memref_slice %arg12[%dma_start3A_18] : memref<256xi32, #tpu.memory_space<vmem>> -> memref<128xi32, #tpu.memory_space<vmem>>
    %dma_start3A_20 = arith.constant 0 : i32
    %dma_start3A_21 = arith.constant 0 : i32
    %dma_start3A_22 = tpu.memref_slice %arg5[%dma_start3A_20, %dma_start3A_21] : memref<250000x128xf32, #tpu.memory_space<hbm>> -> memref<250000x128xf32, #tpu.memory_space<hbm>>
    tpu.enqueue_indirect_dma source(%dma_start3A_22 : memref<250000x128xf32, #tpu.memory_space<hbm>>) target(%dma_start3A_17 : memref<128x128xf32, #tpu.memory_space<vmem>>) offsets(%dma_start3A_19 : memref<128xi32, #tpu.memory_space<vmem>>) semaphore(%arg15 : memref<!tpu.dma_semaphore, #tpu.memory_space<semaphore_mem>>)
    %dma_start3A_23 = arith.constant 128 : i32
    %dma_start3A_24 = arith.constant 0 : i32
    %dma_start3A_25 = tpu.memref_slice %arg9[%dma_start3A_23, %dma_start3A_24] : memref<256x128xf32, #tpu.memory_space<vmem>> -> memref<128x128xf32, #tpu.memory_space<vmem>>
    %dma_start3A_26 = arith.constant 128 : i32
    %dma_start3A_27 = tpu.memref_slice %arg11[%dma_start3A_26] : memref<256xi32, #tpu.memory_space<vmem>> -> memref<128xi32, #tpu.memory_space<vmem>>
    %dma_start3A_28 = arith.constant 0 : i32
    %dma_start3A_29 = arith.constant 0 : i32
    %dma_start3A_30 = tpu.memref_slice %arg4[%dma_start3A_28, %dma_start3A_29] : memref<250000x128xf32, #tpu.memory_space<hbm>> -> memref<250000x128xf32, #tpu.memory_space<hbm>>
    tpu.enqueue_indirect_dma source(%dma_start3A_30 : memref<250000x128xf32, #tpu.memory_space<hbm>>) target(%dma_start3A_25 : memref<128x128xf32, #tpu.memory_space<vmem>>) offsets(%dma_start3A_27 : memref<128xi32, #tpu.memory_space<vmem>>) semaphore(%arg14 : memref<!tpu.dma_semaphore, #tpu.memory_space<semaphore_mem>>)
    %dma_start3A_31 = arith.constant 128 : i32
    %dma_start3A_32 = arith.constant 0 : i32
    %dma_start3A_33 = tpu.memref_slice %arg10[%dma_start3A_31, %dma_start3A_32] : memref<256x128xf32, #tpu.memory_space<vmem>> -> memref<128x128xf32, #tpu.memory_space<vmem>>
    %dma_start3A_34 = arith.constant 128 : i32
    %dma_start3A_35 = tpu.memref_slice %arg12[%dma_start3A_34] : memref<256xi32, #tpu.memory_space<vmem>> -> memref<128xi32, #tpu.memory_space<vmem>>
    %dma_start3A_36 = arith.constant 0 : i32
    %dma_start3A_37 = arith.constant 0 : i32
    %dma_start3A_38 = tpu.memref_slice %arg5[%dma_start3A_36, %dma_start3A_37] : memref<250000x128xf32, #tpu.memory_space<hbm>> -> memref<250000x128xf32, #tpu.memory_space<hbm>>
    tpu.enqueue_indirect_dma source(%dma_start3A_38 : memref<250000x128xf32, #tpu.memory_space<hbm>>) target(%dma_start3A_33 : memref<128x128xf32, #tpu.memory_space<vmem>>) offsets(%dma_start3A_35 : memref<128xi32, #tpu.memory_space<vmem>>) semaphore(%arg15 : memref<!tpu.dma_semaphore, #tpu.memory_space<semaphore_mem>>)
    %dma_wait3A = arith.constant 0 : i32
    %dma_wait3A_39 = arith.constant 0 : i32
    %dma_wait3A_40 = tpu.memref_slice %arg9[%dma_wait3A, %dma_wait3A_39] : memref<256x128xf32, #tpu.memory_space<vmem>> -> memref<128x128xf32, #tpu.memory_space<vmem>>
    %dma_wait3A_41 = arith.constant 0 : i32
    %dma_wait3A_42 = tpu.memref_slice %arg11[%dma_wait3A_41] : memref<256xi32, #tpu.memory_space<vmem>> -> memref<128xi32, #tpu.memory_space<vmem>>
    %dma_wait3A_43 = arith.constant 0 : i32
    %dma_wait3A_44 = arith.constant 0 : i32
    %dma_wait3A_45 = tpu.memref_slice %arg4[%dma_wait3A_43, %dma_wait3A_44] : memref<250000x128xf32, #tpu.memory_space<hbm>> -> memref<250000x128xf32, #tpu.memory_space<hbm>>
    tpu.wait_indirect_dma semaphore(%arg14 : memref<!tpu.dma_semaphore, #tpu.memory_space<semaphore_mem>>) src(%dma_wait3A_45 : memref<250000x128xf32, #tpu.memory_space<hbm>>) dst(%dma_wait3A_40 : memref<128x128xf32, #tpu.memory_space<vmem>>)
    %dma_wait3A_46 = arith.constant 0 : i32
    %dma_wait3A_47 = arith.constant 0 : i32
    %dma_wait3A_48 = tpu.memref_slice %arg10[%dma_wait3A_46, %dma_wait3A_47] : memref<256x128xf32, #tpu.memory_space<vmem>> -> memref<128x128xf32, #tpu.memory_space<vmem>>
    %dma_wait3A_49 = arith.constant 0 : i32
    %dma_wait3A_50 = tpu.memref_slice %arg12[%dma_wait3A_49] : memref<256xi32, #tpu.memory_space<vmem>> -> memref<128xi32, #tpu.memory_space<vmem>>
    %dma_wait3A_51 = arith.constant 0 : i32
    %dma_wait3A_52 = arith.constant 0 : i32
    %dma_wait3A_53 = tpu.memref_slice %arg5[%dma_wait3A_51, %dma_wait3A_52] : memref<250000x128xf32, #tpu.memory_space<hbm>> -> memref<250000x128xf32, #tpu.memory_space<hbm>>
    tpu.wait_indirect_dma semaphore(%arg15 : memref<!tpu.dma_semaphore, #tpu.memory_space<semaphore_mem>>) src(%dma_wait3A_53 : memref<250000x128xf32, #tpu.memory_space<hbm>>) dst(%dma_wait3A_48 : memref<128x128xf32, #tpu.memory_space<vmem>>)
    %dma_wait3A_54 = arith.constant 128 : i32
    %dma_wait3A_55 = arith.constant 0 : i32
    %dma_wait3A_56 = tpu.memref_slice %arg9[%dma_wait3A_54, %dma_wait3A_55] : memref<256x128xf32, #tpu.memory_space<vmem>> -> memref<128x128xf32, #tpu.memory_space<vmem>>
    %dma_wait3A_57 = arith.constant 128 : i32
    %dma_wait3A_58 = tpu.memref_slice %arg11[%dma_wait3A_57] : memref<256xi32, #tpu.memory_space<vmem>> -> memref<128xi32, #tpu.memory_space<vmem>>
    %dma_wait3A_59 = arith.constant 0 : i32
    %dma_wait3A_60 = arith.constant 0 : i32
    %dma_wait3A_61 = tpu.memref_slice %arg4[%dma_wait3A_59, %dma_wait3A_60] : memref<250000x128xf32, #tpu.memory_space<hbm>> -> memref<250000x128xf32, #tpu.memory_space<hbm>>
    tpu.wait_indirect_dma semaphore(%arg14 : memref<!tpu.dma_semaphore, #tpu.memory_space<semaphore_mem>>) src(%dma_wait3A_61 : memref<250000x128xf32, #tpu.memory_space<hbm>>) dst(%dma_wait3A_56 : memref<128x128xf32, #tpu.memory_space<vmem>>)
    %dma_wait3A_62 = arith.constant 128 : i32
    %dma_wait3A_63 = arith.constant 0 : i32
    %dma_wait3A_64 = tpu.memref_slice %arg10[%dma_wait3A_62, %dma_wait3A_63] : memref<256x128xf32, #tpu.memory_space<vmem>> -> memref<128x128xf32, #tpu.memory_space<vmem>>
    %dma_wait3A_65 = arith.constant 128 : i32
    %dma_wait3A_66 = tpu.memref_slice %arg12[%dma_wait3A_65] : memref<256xi32, #tpu.memory_space<vmem>> -> memref<128xi32, #tpu.memory_space<vmem>>
    %dma_wait3A_67 = arith.constant 0 : i32
    %dma_wait3A_68 = arith.constant 0 : i32
    %dma_wait3A_69 = tpu.memref_slice %arg5[%dma_wait3A_67, %dma_wait3A_68] : memref<250000x128xf32, #tpu.memory_space<hbm>> -> memref<250000x128xf32, #tpu.memory_space<hbm>>
    tpu.wait_indirect_dma semaphore(%arg15 : memref<!tpu.dma_semaphore, #tpu.memory_space<semaphore_mem>>) src(%dma_wait3A_69 : memref<250000x128xf32, #tpu.memory_space<hbm>>) dst(%dma_wait3A_64 : memref<128x128xf32, #tpu.memory_space<vmem>>)
    %scan3A_70 = arith.constant 0 : i32
    %scan3A_71 = arith.constant 0 : i32
    %scan3A_72 = arith.constant 16 : i32
    %scan3A_73 = arith.addi %scan3A_71, %scan3A_72 : i32
    %scan3A_74 = arith.constant 1 : i32
    scf.for %scan3A_152 = %scan3A_71 to %scan3A_73 step %scan3A_74  : i32 {
      %mul3A_153 = arith.constant 16 : i32
      %mul3A_154 = arith.muli %scan3A_152, %mul3A_153 : i32
      %add3A_155 = vector.broadcast %mul3A_154 : i32 to vector<16xi32>
      %add3A_156 = arith.addi %add3A_155, %iota3A : vector<16xi32>
      %mul3A_157 = arith.constant 16 : i32
      %mul3A_158 = arith.muli %scan3A_152, %mul3A_157 : i32
      %add3A_159 = arith.constant 0 : i32
      %add3A_160 = arith.addi %add3A_159, %mul3A_158 : i32
      %get3A = arith.index_cast %add3A_160 : i32 to index
      %get3A_161 = tpu.vector_load %arg7[%get3A] {strides = array<i32>} : memref<512xi32, #tpu.memory_space<vmem>>, vector<16xi32>,
      %and3A = arith.constant 3 : i32
      %and3A_162 = vector.broadcast %and3A : i32 to vector<16xi32>
      %and3A_163 = arith.andi %get3A_161, %and3A_162 : vector<16xi32>
      %mul3A_164 = arith.constant 16 : i32
      %mul3A_165 = arith.muli %scan3A_152, %mul3A_164 : i32
      %add3A_166 = arith.constant 0 : i32
      %add3A_167 = arith.addi %add3A_166, %mul3A_165 : i32
      %get3A_168 = arith.index_cast %add3A_167 : i32 to index
      %get3A_169 = tpu.vector_load %arg8[%get3A_168] {strides = array<i32>} : memref<512xi32, #tpu.memory_space<vmem>>, vector<16xi32>,
      %and3A_170 = arith.constant 3 : i32
      %and3A_171 = vector.broadcast %and3A_170 : i32 to vector<16xi32>
      %and3A_172 = arith.andi %get3A_169, %and3A_171 : vector<16xi32>
      %mul3A_173 = arith.constant 32 : i32
      %mul3A_174 = vector.broadcast %mul3A_173 : i32 to vector<16xi32>
      %mul3A_175 = arith.muli %and3A_163, %mul3A_174 : vector<16xi32>
      %mul3A_176 = arith.constant 32 : i32
      %mul3A_177 = vector.broadcast %mul3A_176 : i32 to vector<16xi32>
      %mul3A_178 = arith.muli %and3A_172, %mul3A_177 : vector<16xi32>
      %broadcast_in_dim3A = arith.constant 0.000000e+00 : f32
      %broadcast_in_dim3A_179 = vector.broadcast %broadcast_in_dim3A : f32 to vector<16xf32>
      %add3A_180 = arith.constant 0 : i32
      %add3A_181 = vector.broadcast %add3A_180 : i32 to vector<16xi32>
      %add3A_182 = arith.addi %iota3A, %add3A_181 : vector<16xi32>
      %and3A_183 = arith.constant 31 : i32
      %and3A_184 = vector.broadcast %and3A_183 : i32 to vector<16xi32>
      %and3A_185 = arith.andi %add3A_182, %and3A_184 : vector<16xi32>
      %add3A_186 = arith.addi %mul3A_175, %and3A_185 : vector<16xi32>
      %gather3A = tpu.vector_load_idx %arg9[%add3A_156, %add3A_186] : memref<256x128xf32, #tpu.memory_space<vmem>>[vector<16xi32>, vector<16xi32>], vector<16xf32>,
      %add3A_187 = arith.addi %mul3A_178, %and3A_185 : vector<16xi32>
      %gather3A_188 = tpu.vector_load_idx %arg10[%add3A_156, %add3A_187] : memref<256x128xf32, #tpu.memory_space<vmem>>[vector<16xi32>, vector<16xi32>], vector<16xf32>,
      %mul3A_189 = arith.mulf %gather3A, %gather3A_188 : vector<16xf32>
      %add3A_190 = arith.addf %broadcast_in_dim3A_179, %mul3A_189 : vector<16xf32>
      %add3A_191 = arith.constant 1 : i32
      %add3A_192 = vector.broadcast %add3A_191 : i32 to vector<16xi32>
      %add3A_193 = arith.addi %iota3A, %add3A_192 : vector<16xi32>
      %and3A_194 = arith.constant 31 : i32
      %and3A_195 = vector.broadcast %and3A_194 : i32 to vector<16xi32>
      %and3A_196 = arith.andi %add3A_193, %and3A_195 : vector<16xi32>
      %add3A_197 = arith.addi %mul3A_175, %and3A_196 : vector<16xi32>
      %gather3A_198 = tpu.vector_load_idx %arg9[%add3A_156, %add3A_197] : memref<256x128xf32, #tpu.memory_space<vmem>>[vector<16xi32>, vector<16xi32>], vector<16xf32>,
      %add3A_199 = arith.addi %mul3A_178, %and3A_196 : vector<16xi32>
      %gather3A_200 = tpu.vector_load_idx %arg10[%add3A_156, %add3A_199] : memref<256x128xf32, #tpu.memory_space<vmem>>[vector<16xi32>, vector<16xi32>], vector<16xf32>,
      %mul3A_201 = arith.mulf %gather3A_198, %gather3A_200 : vector<16xf32>
      %add3A_202 = arith.addf %add3A_190, %mul3A_201 : vector<16xf32>
      %add3A_203 = arith.constant 2 : i32
      %add3A_204 = vector.broadcast %add3A_203 : i32 to vector<16xi32>
      %add3A_205 = arith.addi %iota3A, %add3A_204 : vector<16xi32>
      %and3A_206 = arith.constant 31 : i32
      %and3A_207 = vector.broadcast %and3A_206 : i32 to vector<16xi32>
      %and3A_208 = arith.andi %add3A_205, %and3A_207 : vector<16xi32>
      %add3A_209 = arith.addi %mul3A_175, %and3A_208 : vector<16xi32>
      %gather3A_210 = tpu.vector_load_idx %arg9[%add3A_156, %add3A_209] : memref<256x128xf32, #tpu.memory_space<vmem>>[vector<16xi32>, vector<16xi32>], vector<16xf32>,
      %add3A_211 = arith.addi %mul3A_178, %and3A_208 : vector<16xi32>
      %gather3A_212 = tpu.vector_load_idx %arg10[%add3A_156, %add3A_211] : memref<256x128xf32, #tpu.memory_space<vmem>>[vector<16xi32>, vector<16xi32>], vector<16xf32>,
      %mul3A_213 = arith.mulf %gather3A_210, %gather3A_212 : vector<16xf32>
      %add3A_214 = arith.addf %add3A_202, %mul3A_213 : vector<16xf32>
      %add3A_215 = arith.constant 3 : i32
      %add3A_216 = vector.broadcast %add3A_215 : i32 to vector<16xi32>
      %add3A_217 = arith.addi %iota3A, %add3A_216 : vector<16xi32>
      %and3A_218 = arith.constant 31 : i32
      %and3A_219 = vector.broadcast %and3A_218 : i32 to vector<16xi32>
      %and3A_220 = arith.andi %add3A_217, %and3A_219 : vector<16xi32>
      %add3A_221 = arith.addi %mul3A_175, %and3A_220 : vector<16xi32>
      %gather3A_222 = tpu.vector_load_idx %arg9[%add3A_156, %add3A_221] : memref<256x128xf32, #tpu.memory_space<vmem>>[vector<16xi32>, vector<16xi32>], vector<16xf32>,
      %add3A_223 = arith.addi %mul3A_178, %and3A_220 : vector<16xi32>
      %gather3A_224 = tpu.vector_load_idx %arg10[%add3A_156, %add3A_223] : memref<256x128xf32, #tpu.memory_space<vmem>>[vector<16xi32>, vector<16xi32>], vector<16xf32>,
      %mul3A_225 = arith.mulf %gather3A_222, %gather3A_224 : vector<16xf32>
      %add3A_226 = arith.addf %add3A_214, %mul3A_225 : vector<16xf32>
      %add3A_227 = arith.constant 4 : i32
      %add3A_228 = vector.broadcast %add3A_227 : i32 to vector<16xi32>
      %add3A_229 = arith.addi %iota3A, %add3A_228 : vector<16xi32>
      %and3A_230 = arith.constant 31 : i32
      %and3A_231 = vector.broadcast %and3A_230 : i32 to vector<16xi32>
      %and3A_232 = arith.andi %add3A_229, %and3A_231 : vector<16xi32>
      %add3A_233 = arith.addi %mul3A_175, %and3A_232 : vector<16xi32>
      %gather3A_234 = tpu.vector_load_idx %arg9[%add3A_156, %add3A_233] : memref<256x128xf32, #tpu.memory_space<vmem>>[vector<16xi32>, vector<16xi32>], vector<16xf32>,
      %add3A_235 = arith.addi %mul3A_178, %and3A_232 : vector<16xi32>
      %gather3A_236 = tpu.vector_load_idx %arg10[%add3A_156, %add3A_235] : memref<256x128xf32, #tpu.memory_space<vmem>>[vector<16xi32>, vector<16xi32>], vector<16xf32>,
      %mul3A_237 = arith.mulf %gather3A_234, %gather3A_236 : vector<16xf32>
      %add3A_238 = arith.addf %add3A_226, %mul3A_237 : vector<16xf32>
      %add3A_239 = arith.constant 5 : i32
      %add3A_240 = vector.broadcast %add3A_239 : i32 to vector<16xi32>
      %add3A_241 = arith.addi %iota3A, %add3A_240 : vector<16xi32>
      %and3A_242 = arith.constant 31 : i32
      %and3A_243 = vector.broadcast %and3A_242 : i32 to vector<16xi32>
      %and3A_244 = arith.andi %add3A_241, %and3A_243 : vector<16xi32>
      %add3A_245 = arith.addi %mul3A_175, %and3A_244 : vector<16xi32>
      %gather3A_246 = tpu.vector_load_idx %arg9[%add3A_156, %add3A_245] : memref<256x128xf32, #tpu.memory_space<vmem>>[vector<16xi32>, vector<16xi32>], vector<16xf32>,
      %add3A_247 = arith.addi %mul3A_178, %and3A_244 : vector<16xi32>
      %gather3A_248 = tpu.vector_load_idx %arg10[%add3A_156, %add3A_247] : memref<256x128xf32, #tpu.memory_space<vmem>>[vector<16xi32>, vector<16xi32>], vector<16xf32>,
      %mul3A_249 = arith.mulf %gather3A_246, %gather3A_248 : vector<16xf32>
      %add3A_250 = arith.addf %add3A_238, %mul3A_249 : vector<16xf32>
      %add3A_251 = arith.constant 6 : i32
      %add3A_252 = vector.broadcast %add3A_251 : i32 to vector<16xi32>
      %add3A_253 = arith.addi %iota3A, %add3A_252 : vector<16xi32>
      %and3A_254 = arith.constant 31 : i32
      %and3A_255 = vector.broadcast %and3A_254 : i32 to vector<16xi32>
      %and3A_256 = arith.andi %add3A_253, %and3A_255 : vector<16xi32>
      %add3A_257 = arith.addi %mul3A_175, %and3A_256 : vector<16xi32>
      %gather3A_258 = tpu.vector_load_idx %arg9[%add3A_156, %add3A_257] : memref<256x128xf32, #tpu.memory_space<vmem>>[vector<16xi32>, vector<16xi32>], vector<16xf32>,
      %add3A_259 = arith.addi %mul3A_178, %and3A_256 : vector<16xi32>
      %gather3A_260 = tpu.vector_load_idx %arg10[%add3A_156, %add3A_259] : memref<256x128xf32, #tpu.memory_space<vmem>>[vector<16xi32>, vector<16xi32>], vector<16xf32>,
      %mul3A_261 = arith.mulf %gather3A_258, %gather3A_260 : vector<16xf32>
      %add3A_262 = arith.addf %add3A_250, %mul3A_261 : vector<16xf32>
      %add3A_263 = arith.constant 7 : i32
      %add3A_264 = vector.broadcast %add3A_263 : i32 to vector<16xi32>
      %add3A_265 = arith.addi %iota3A, %add3A_264 : vector<16xi32>
      %and3A_266 = arith.constant 31 : i32
      %and3A_267 = vector.broadcast %and3A_266 : i32 to vector<16xi32>
      %and3A_268 = arith.andi %add3A_265, %and3A_267 : vector<16xi32>
      %add3A_269 = arith.addi %mul3A_175, %and3A_268 : vector<16xi32>
      %gather3A_270 = tpu.vector_load_idx %arg9[%add3A_156, %add3A_269] : memref<256x128xf32, #tpu.memory_space<vmem>>[vector<16xi32>, vector<16xi32>], vector<16xf32>,
      %add3A_271 = arith.addi %mul3A_178, %and3A_268 : vector<16xi32>
      %gather3A_272 = tpu.vector_load_idx %arg10[%add3A_156, %add3A_271] : memref<256x128xf32, #tpu.memory_space<vmem>>[vector<16xi32>, vector<16xi32>], vector<16xf32>,
      %mul3A_273 = arith.mulf %gather3A_270, %gather3A_272 : vector<16xf32>
      %add3A_274 = arith.addf %add3A_262, %mul3A_273 : vector<16xf32>
      %add3A_275 = arith.constant 8 : i32
      %add3A_276 = vector.broadcast %add3A_275 : i32 to vector<16xi32>
      %add3A_277 = arith.addi %iota3A, %add3A_276 : vector<16xi32>
      %and3A_278 = arith.constant 31 : i32
      %and3A_279 = vector.broadcast %and3A_278 : i32 to vector<16xi32>
      %and3A_280 = arith.andi %add3A_277, %and3A_279 : vector<16xi32>
      %add3A_281 = arith.addi %mul3A_175, %and3A_280 : vector<16xi32>
      %gather3A_282 = tpu.vector_load_idx %arg9[%add3A_156, %add3A_281] : memref<256x128xf32, #tpu.memory_space<vmem>>[vector<16xi32>, vector<16xi32>], vector<16xf32>,
      %add3A_283 = arith.addi %mul3A_178, %and3A_280 : vector<16xi32>
      %gather3A_284 = tpu.vector_load_idx %arg10[%add3A_156, %add3A_283] : memref<256x128xf32, #tpu.memory_space<vmem>>[vector<16xi32>, vector<16xi32>], vector<16xf32>,
      %mul3A_285 = arith.mulf %gather3A_282, %gather3A_284 : vector<16xf32>
      %add3A_286 = arith.addf %add3A_274, %mul3A_285 : vector<16xf32>
      %add3A_287 = arith.constant 9 : i32
      %add3A_288 = vector.broadcast %add3A_287 : i32 to vector<16xi32>
      %add3A_289 = arith.addi %iota3A, %add3A_288 : vector<16xi32>
      %and3A_290 = arith.constant 31 : i32
      %and3A_291 = vector.broadcast %and3A_290 : i32 to vector<16xi32>
      %and3A_292 = arith.andi %add3A_289, %and3A_291 : vector<16xi32>
      %add3A_293 = arith.addi %mul3A_175, %and3A_292 : vector<16xi32>
      %gather3A_294 = tpu.vector_load_idx %arg9[%add3A_156, %add3A_293] : memref<256x128xf32, #tpu.memory_space<vmem>>[vector<16xi32>, vector<16xi32>], vector<16xf32>,
      %add3A_295 = arith.addi %mul3A_178, %and3A_292 : vector<16xi32>
      %gather3A_296 = tpu.vector_load_idx %arg10[%add3A_156, %add3A_295] : memref<256x128xf32, #tpu.memory_space<vmem>>[vector<16xi32>, vector<16xi32>], vector<16xf32>,
      %mul3A_297 = arith.mulf %gather3A_294, %gather3A_296 : vector<16xf32>
      %add3A_298 = arith.addf %add3A_286, %mul3A_297 : vector<16xf32>
      %add3A_299 = arith.constant 10 : i32
      %add3A_300 = vector.broadcast %add3A_299 : i32 to vector<16xi32>
      %add3A_301 = arith.addi %iota3A, %add3A_300 : vector<16xi32>
      %and3A_302 = arith.constant 31 : i32
      %and3A_303 = vector.broadcast %and3A_302 : i32 to vector<16xi32>
      %and3A_304 = arith.andi %add3A_301, %and3A_303 : vector<16xi32>
      %add3A_305 = arith.addi %mul3A_175, %and3A_304 : vector<16xi32>
      %gather3A_306 = tpu.vector_load_idx %arg9[%add3A_156, %add3A_305] : memref<256x128xf32, #tpu.memory_space<vmem>>[vector<16xi32>, vector<16xi32>], vector<16xf32>,
      %add3A_307 = arith.addi %mul3A_178, %and3A_304 : vector<16xi32>
      %gather3A_308 = tpu.vector_load_idx %arg10[%add3A_156, %add3A_307] : memref<256x128xf32, #tpu.memory_space<vmem>>[vector<16xi32>, vector<16xi32>], vector<16xf32>,
      %mul3A_309 = arith.mulf %gather3A_306, %gather3A_308 : vector<16xf32>
      %add3A_310 = arith.addf %add3A_298, %mul3A_309 : vector<16xf32>
      %add3A_311 = arith.constant 11 : i32
      %add3A_312 = vector.broadcast %add3A_311 : i32 to vector<16xi32>
      %add3A_313 = arith.addi %iota3A, %add3A_312 : vector<16xi32>
      %and3A_314 = arith.constant 31 : i32
      %and3A_315 = vector.broadcast %and3A_314 : i32 to vector<16xi32>
      %and3A_316 = arith.andi %add3A_313, %and3A_315 : vector<16xi32>
      %add3A_317 = arith.addi %mul3A_175, %and3A_316 : vector<16xi32>
      %gather3A_318 = tpu.vector_load_idx %arg9[%add3A_156, %add3A_317] : memref<256x128xf32, #tpu.memory_space<vmem>>[vector<16xi32>, vector<16xi32>], vector<16xf32>,
      %add3A_319 = arith.addi %mul3A_178, %and3A_316 : vector<16xi32>
      %gather3A_320 = tpu.vector_load_idx %arg10[%add3A_156, %add3A_319] : memref<256x128xf32, #tpu.memory_space<vmem>>[vector<16xi32>, vector<16xi32>], vector<16xf32>,
      %mul3A_321 = arith.mulf %gather3A_318, %gather3A_320 : vector<16xf32>
      %add3A_322 = arith.addf %add3A_310, %mul3A_321 : vector<16xf32>
      %add3A_323 = arith.constant 12 : i32
      %add3A_324 = vector.broadcast %add3A_323 : i32 to vector<16xi32>
      %add3A_325 = arith.addi %iota3A, %add3A_324 : vector<16xi32>
      %and3A_326 = arith.constant 31 : i32
      %and3A_327 = vector.broadcast %and3A_326 : i32 to vector<16xi32>
      %and3A_328 = arith.andi %add3A_325, %and3A_327 : vector<16xi32>
      %add3A_329 = arith.addi %mul3A_175, %and3A_328 : vector<16xi32>
      %gather3A_330 = tpu.vector_load_idx %arg9[%add3A_156, %add3A_329] : memref<256x128xf32, #tpu.memory_space<vmem>>[vector<16xi32>, vector<16xi32>], vector<16xf32>,
      %add3A_331 = arith.addi %mul3A_178, %and3A_328 : vector<16xi32>
      %gather3A_332 = tpu.vector_load_idx %arg10[%add3A_156, %add3A_331] : memref<256x128xf32, #tpu.memory_space<vmem>>[vector<16xi32>, vector<16xi32>], vector<16xf32>,
      %mul3A_333 = arith.mulf %gather3A_330, %gather3A_332 : vector<16xf32>
      %add3A_334 = arith.addf %add3A_322, %mul3A_333 : vector<16xf32>
      %add3A_335 = arith.constant 13 : i32
      %add3A_336 = vector.broadcast %add3A_335 : i32 to vector<16xi32>
      %add3A_337 = arith.addi %iota3A, %add3A_336 : vector<16xi32>
      %and3A_338 = arith.constant 31 : i32
      %and3A_339 = vector.broadcast %and3A_338 : i32 to vector<16xi32>
      %and3A_340 = arith.andi %add3A_337, %and3A_339 : vector<16xi32>
      %add3A_341 = arith.addi %mul3A_175, %and3A_340 : vector<16xi32>
      %gather3A_342 = tpu.vector_load_idx %arg9[%add3A_156, %add3A_341] : memref<256x128xf32, #tpu.memory_space<vmem>>[vector<16xi32>, vector<16xi32>], vector<16xf32>,
      %add3A_343 = arith.addi %mul3A_178, %and3A_340 : vector<16xi32>
      %gather3A_344 = tpu.vector_load_idx %arg10[%add3A_156, %add3A_343] : memref<256x128xf32, #tpu.memory_space<vmem>>[vector<16xi32>, vector<16xi32>], vector<16xf32>,
      %mul3A_345 = arith.mulf %gather3A_342, %gather3A_344 : vector<16xf32>
      %add3A_346 = arith.addf %add3A_334, %mul3A_345 : vector<16xf32>
      %add3A_347 = arith.constant 14 : i32
      %add3A_348 = vector.broadcast %add3A_347 : i32 to vector<16xi32>
      %add3A_349 = arith.addi %iota3A, %add3A_348 : vector<16xi32>
      %and3A_350 = arith.constant 31 : i32
      %and3A_351 = vector.broadcast %and3A_350 : i32 to vector<16xi32>
      %and3A_352 = arith.andi %add3A_349, %and3A_351 : vector<16xi32>
      %add3A_353 = arith.addi %mul3A_175, %and3A_352 : vector<16xi32>
      %gather3A_354 = tpu.vector_load_idx %arg9[%add3A_156, %add3A_353] : memref<256x128xf32, #tpu.memory_space<vmem>>[vector<16xi32>, vector<16xi32>], vector<16xf32>,
      %add3A_355 = arith.addi %mul3A_178, %and3A_352 : vector<16xi32>
      %gather3A_356 = tpu.vector_load_idx %arg10[%add3A_156, %add3A_355] : memref<256x128xf32, #tpu.memory_space<vmem>>[vector<16xi32>, vector<16xi32>], vector<16xf32>,
      %mul3A_357 = arith.mulf %gather3A_354, %gather3A_356 : vector<16xf32>
      %add3A_358 = arith.addf %add3A_346, %mul3A_357 : vector<16xf32>
      %add3A_359 = arith.constant 15 : i32
      %add3A_360 = vector.broadcast %add3A_359 : i32 to vector<16xi32>
      %add3A_361 = arith.addi %iota3A, %add3A_360 : vector<16xi32>
      %and3A_362 = arith.constant 31 : i32
      %and3A_363 = vector.broadcast %and3A_362 : i32 to vector<16xi32>
      %and3A_364 = arith.andi %add3A_361, %and3A_363 : vector<16xi32>
      %add3A_365 = arith.addi %mul3A_175, %and3A_364 : vector<16xi32>
      %gather3A_366 = tpu.vector_load_idx %arg9[%add3A_156, %add3A_365] : memref<256x128xf32, #tpu.memory_space<vmem>>[vector<16xi32>, vector<16xi32>], vector<16xf32>,
      %add3A_367 = arith.addi %mul3A_178, %and3A_364 : vector<16xi32>
      %gather3A_368 = tpu.vector_load_idx %arg10[%add3A_156, %add3A_367] : memref<256x128xf32, #tpu.memory_space<vmem>>[vector<16xi32>, vector<16xi32>], vector<16xf32>,
      %mul3A_369 = arith.mulf %gather3A_366, %gather3A_368 : vector<16xf32>
      %add3A_370 = arith.addf %add3A_358, %mul3A_369 : vector<16xf32>
      %add3A_371 = arith.constant 16 : i32
      %add3A_372 = vector.broadcast %add3A_371 : i32 to vector<16xi32>
      %add3A_373 = arith.addi %iota3A, %add3A_372 : vector<16xi32>
      %and3A_374 = arith.constant 31 : i32
      %and3A_375 = vector.broadcast %and3A_374 : i32 to vector<16xi32>
      %and3A_376 = arith.andi %add3A_373, %and3A_375 : vector<16xi32>
      %add3A_377 = arith.addi %mul3A_175, %and3A_376 : vector<16xi32>
      %gather3A_378 = tpu.vector_load_idx %arg9[%add3A_156, %add3A_377] : memref<256x128xf32, #tpu.memory_space<vmem>>[vector<16xi32>, vector<16xi32>], vector<16xf32>,
      %add3A_379 = arith.addi %mul3A_178, %and3A_376 : vector<16xi32>
      %gather3A_380 = tpu.vector_load_idx %arg10[%add3A_156, %add3A_379] : memref<256x128xf32, #tpu.memory_space<vmem>>[vector<16xi32>, vector<16xi32>], vector<16xf32>,
      %mul3A_381 = arith.mulf %gather3A_378, %gather3A_380 : vector<16xf32>
      %add3A_382 = arith.addf %add3A_370, %mul3A_381 : vector<16xf32>
      %add3A_383 = arith.constant 17 : i32
      %add3A_384 = vector.broadcast %add3A_383 : i32 to vector<16xi32>
      %add3A_385 = arith.addi %iota3A, %add3A_384 : vector<16xi32>
      %and3A_386 = arith.constant 31 : i32
      %and3A_387 = vector.broadcast %and3A_386 : i32 to vector<16xi32>
      %and3A_388 = arith.andi %add3A_385, %and3A_387 : vector<16xi32>
      %add3A_389 = arith.addi %mul3A_175, %and3A_388 : vector<16xi32>
      %gather3A_390 = tpu.vector_load_idx %arg9[%add3A_156, %add3A_389] : memref<256x128xf32, #tpu.memory_space<vmem>>[vector<16xi32>, vector<16xi32>], vector<16xf32>,
      %add3A_391 = arith.addi %mul3A_178, %and3A_388 : vector<16xi32>
      %gather3A_392 = tpu.vector_load_idx %arg10[%add3A_156, %add3A_391] : memref<256x128xf32, #tpu.memory_space<vmem>>[vector<16xi32>, vector<16xi32>], vector<16xf32>,
      %mul3A_393 = arith.mulf %gather3A_390, %gather3A_392 : vector<16xf32>
      %add3A_394 = arith.addf %add3A_382, %mul3A_393 : vector<16xf32>
      %add3A_395 = arith.constant 18 : i32
      %add3A_396 = vector.broadcast %add3A_395 : i32 to vector<16xi32>
      %add3A_397 = arith.addi %iota3A, %add3A_396 : vector<16xi32>
      %and3A_398 = arith.constant 31 : i32
      %and3A_399 = vector.broadcast %and3A_398 : i32 to vector<16xi32>
      %and3A_400 = arith.andi %add3A_397, %and3A_399 : vector<16xi32>
      %add3A_401 = arith.addi %mul3A_175, %and3A_400 : vector<16xi32>
      %gather3A_402 = tpu.vector_load_idx %arg9[%add3A_156, %add3A_401] : memref<256x128xf32, #tpu.memory_space<vmem>>[vector<16xi32>, vector<16xi32>], vector<16xf32>,
      %add3A_403 = arith.addi %mul3A_178, %and3A_400 : vector<16xi32>
      %gather3A_404 = tpu.vector_load_idx %arg10[%add3A_156, %add3A_403] : memref<256x128xf32, #tpu.memory_space<vmem>>[vector<16xi32>, vector<16xi32>], vector<16xf32>,
      %mul3A_405 = arith.mulf %gather3A_402, %gather3A_404 : vector<16xf32>
      %add3A_406 = arith.addf %add3A_394, %mul3A_405 : vector<16xf32>
      %add3A_407 = arith.constant 19 : i32
      %add3A_408 = vector.broadcast %add3A_407 : i32 to vector<16xi32>
      %add3A_409 = arith.addi %iota3A, %add3A_408 : vector<16xi32>
      %and3A_410 = arith.constant 31 : i32
      %and3A_411 = vector.broadcast %and3A_410 : i32 to vector<16xi32>
      %and3A_412 = arith.andi %add3A_409, %and3A_411 : vector<16xi32>
      %add3A_413 = arith.addi %mul3A_175, %and3A_412 : vector<16xi32>
      %gather3A_414 = tpu.vector_load_idx %arg9[%add3A_156, %add3A_413] : memref<256x128xf32, #tpu.memory_space<vmem>>[vector<16xi32>, vector<16xi32>], vector<16xf32>,
      %add3A_415 = arith.addi %mul3A_178, %and3A_412 : vector<16xi32>
      %gather3A_416 = tpu.vector_load_idx %arg10[%add3A_156, %add3A_415] : memref<256x128xf32, #tpu.memory_space<vmem>>[vector<16xi32>, vector<16xi32>], vector<16xf32>,
      %mul3A_417 = arith.mulf %gather3A_414, %gather3A_416 : vector<16xf32>
      %add3A_418 = arith.addf %add3A_406, %mul3A_417 : vector<16xf32>
      %add3A_419 = arith.constant 20 : i32
      %add3A_420 = vector.broadcast %add3A_419 : i32 to vector<16xi32>
      %add3A_421 = arith.addi %iota3A, %add3A_420 : vector<16xi32>
      %and3A_422 = arith.constant 31 : i32
      %and3A_423 = vector.broadcast %and3A_422 : i32 to vector<16xi32>
      %and3A_424 = arith.andi %add3A_421, %and3A_423 : vector<16xi32>
      %add3A_425 = arith.addi %mul3A_175, %and3A_424 : vector<16xi32>
      %gather3A_426 = tpu.vector_load_idx %arg9[%add3A_156, %add3A_425] : memref<256x128xf32, #tpu.memory_space<vmem>>[vector<16xi32>, vector<16xi32>], vector<16xf32>,
      %add3A_427 = arith.addi %mul3A_178, %and3A_424 : vector<16xi32>
      %gather3A_428 = tpu.vector_load_idx %arg10[%add3A_156, %add3A_427] : memref<256x128xf32, #tpu.memory_space<vmem>>[vector<16xi32>, vector<16xi32>], vector<16xf32>,
      %mul3A_429 = arith.mulf %gather3A_426, %gather3A_428 : vector<16xf32>
      %add3A_430 = arith.addf %add3A_418, %mul3A_429 : vector<16xf32>
      %add3A_431 = arith.constant 21 : i32
      %add3A_432 = vector.broadcast %add3A_431 : i32 to vector<16xi32>
      %add3A_433 = arith.addi %iota3A, %add3A_432 : vector<16xi32>
      %and3A_434 = arith.constant 31 : i32
      %and3A_435 = vector.broadcast %and3A_434 : i32 to vector<16xi32>
      %and3A_436 = arith.andi %add3A_433, %and3A_435 : vector<16xi32>
      %add3A_437 = arith.addi %mul3A_175, %and3A_436 : vector<16xi32>
      %gather3A_438 = tpu.vector_load_idx %arg9[%add3A_156, %add3A_437] : memref<256x128xf32, #tpu.memory_space<vmem>>[vector<16xi32>, vector<16xi32>], vector<16xf32>,
      %add3A_439 = arith.addi %mul3A_178, %and3A_436 : vector<16xi32>
      %gather3A_440 = tpu.vector_load_idx %arg10[%add3A_156, %add3A_439] : memref<256x128xf32, #tpu.memory_space<vmem>>[vector<16xi32>, vector<16xi32>], vector<16xf32>,
      %mul3A_441 = arith.mulf %gather3A_438, %gather3A_440 : vector<16xf32>
      %add3A_442 = arith.addf %add3A_430, %mul3A_441 : vector<16xf32>
      %add3A_443 = arith.constant 22 : i32
      %add3A_444 = vector.broadcast %add3A_443 : i32 to vector<16xi32>
      %add3A_445 = arith.addi %iota3A, %add3A_444 : vector<16xi32>
      %and3A_446 = arith.constant 31 : i32
      %and3A_447 = vector.broadcast %and3A_446 : i32 to vector<16xi32>
      %and3A_448 = arith.andi %add3A_445, %and3A_447 : vector<16xi32>
      %add3A_449 = arith.addi %mul3A_175, %and3A_448 : vector<16xi32>
      %gather3A_450 = tpu.vector_load_idx %arg9[%add3A_156, %add3A_449] : memref<256x128xf32, #tpu.memory_space<vmem>>[vector<16xi32>, vector<16xi32>], vector<16xf32>,
      %add3A_451 = arith.addi %mul3A_178, %and3A_448 : vector<16xi32>
      %gather3A_452 = tpu.vector_load_idx %arg10[%add3A_156, %add3A_451] : memref<256x128xf32, #tpu.memory_space<vmem>>[vector<16xi32>, vector<16xi32>], vector<16xf32>,
      %mul3A_453 = arith.mulf %gather3A_450, %gather3A_452 : vector<16xf32>
      %add3A_454 = arith.addf %add3A_442, %mul3A_453 : vector<16xf32>
      %add3A_455 = arith.constant 23 : i32
      %add3A_456 = vector.broadcast %add3A_455 : i32 to vector<16xi32>
      %add3A_457 = arith.addi %iota3A, %add3A_456 : vector<16xi32>
      %and3A_458 = arith.constant 31 : i32
      %and3A_459 = vector.broadcast %and3A_458 : i32 to vector<16xi32>
      %and3A_460 = arith.andi %add3A_457, %and3A_459 : vector<16xi32>
      %add3A_461 = arith.addi %mul3A_175, %and3A_460 : vector<16xi32>
      %gather3A_462 = tpu.vector_load_idx %arg9[%add3A_156, %add3A_461] : memref<256x128xf32, #tpu.memory_space<vmem>>[vector<16xi32>, vector<16xi32>], vector<16xf32>,
      %add3A_463 = arith.addi %mul3A_178, %and3A_460 : vector<16xi32>
      %gather3A_464 = tpu.vector_load_idx %arg10[%add3A_156, %add3A_463] : memref<256x128xf32, #tpu.memory_space<vmem>>[vector<16xi32>, vector<16xi32>], vector<16xf32>,
      %mul3A_465 = arith.mulf %gather3A_462, %gather3A_464 : vector<16xf32>
      %add3A_466 = arith.addf %add3A_454, %mul3A_465 : vector<16xf32>
      %add3A_467 = arith.constant 24 : i32
      %add3A_468 = vector.broadcast %add3A_467 : i32 to vector<16xi32>
      %add3A_469 = arith.addi %iota3A, %add3A_468 : vector<16xi32>
      %and3A_470 = arith.constant 31 : i32
      %and3A_471 = vector.broadcast %and3A_470 : i32 to vector<16xi32>
      %and3A_472 = arith.andi %add3A_469, %and3A_471 : vector<16xi32>
      %add3A_473 = arith.addi %mul3A_175, %and3A_472 : vector<16xi32>
      %gather3A_474 = tpu.vector_load_idx %arg9[%add3A_156, %add3A_473] : memref<256x128xf32, #tpu.memory_space<vmem>>[vector<16xi32>, vector<16xi32>], vector<16xf32>,
      %add3A_475 = arith.addi %mul3A_178, %and3A_472 : vector<16xi32>
      %gather3A_476 = tpu.vector_load_idx %arg10[%add3A_156, %add3A_475] : memref<256x128xf32, #tpu.memory_space<vmem>>[vector<16xi32>, vector<16xi32>], vector<16xf32>,
      %mul3A_477 = arith.mulf %gather3A_474, %gather3A_476 : vector<16xf32>
      %add3A_478 = arith.addf %add3A_466, %mul3A_477 : vector<16xf32>
      %add3A_479 = arith.constant 25 : i32
      %add3A_480 = vector.broadcast %add3A_479 : i32 to vector<16xi32>
      %add3A_481 = arith.addi %iota3A, %add3A_480 : vector<16xi32>
      %and3A_482 = arith.constant 31 : i32
      %and3A_483 = vector.broadcast %and3A_482 : i32 to vector<16xi32>
      %and3A_484 = arith.andi %add3A_481, %and3A_483 : vector<16xi32>
      %add3A_485 = arith.addi %mul3A_175, %and3A_484 : vector<16xi32>
      %gather3A_486 = tpu.vector_load_idx %arg9[%add3A_156, %add3A_485] : memref<256x128xf32, #tpu.memory_space<vmem>>[vector<16xi32>, vector<16xi32>], vector<16xf32>,
      %add3A_487 = arith.addi %mul3A_178, %and3A_484 : vector<16xi32>
      %gather3A_488 = tpu.vector_load_idx %arg10[%add3A_156, %add3A_487] : memref<256x128xf32, #tpu.memory_space<vmem>>[vector<16xi32>, vector<16xi32>], vector<16xf32>,
      %mul3A_489 = arith.mulf %gather3A_486, %gather3A_488 : vector<16xf32>
      %add3A_490 = arith.addf %add3A_478, %mul3A_489 : vector<16xf32>
      %add3A_491 = arith.constant 26 : i32
      %add3A_492 = vector.broadcast %add3A_491 : i32 to vector<16xi32>
      %add3A_493 = arith.addi %iota3A, %add3A_492 : vector<16xi32>
      %and3A_494 = arith.constant 31 : i32
      %and3A_495 = vector.broadcast %and3A_494 : i32 to vector<16xi32>
      %and3A_496 = arith.andi %add3A_493, %and3A_495 : vector<16xi32>
      %add3A_497 = arith.addi %mul3A_175, %and3A_496 : vector<16xi32>
      %gather3A_498 = tpu.vector_load_idx %arg9[%add3A_156, %add3A_497] : memref<256x128xf32, #tpu.memory_space<vmem>>[vector<16xi32>, vector<16xi32>], vector<16xf32>,
      %add3A_499 = arith.addi %mul3A_178, %and3A_496 : vector<16xi32>
      %gather3A_500 = tpu.vector_load_idx %arg10[%add3A_156, %add3A_499] : memref<256x128xf32, #tpu.memory_space<vmem>>[vector<16xi32>, vector<16xi32>], vector<16xf32>,
      %mul3A_501 = arith.mulf %gather3A_498, %gather3A_500 : vector<16xf32>
      %add3A_502 = arith.addf %add3A_490, %mul3A_501 : vector<16xf32>
      %add3A_503 = arith.constant 27 : i32
      %add3A_504 = vector.broadcast %add3A_503 : i32 to vector<16xi32>
      %add3A_505 = arith.addi %iota3A, %add3A_504 : vector<16xi32>
      %and3A_506 = arith.constant 31 : i32
      %and3A_507 = vector.broadcast %and3A_506 : i32 to vector<16xi32>
      %and3A_508 = arith.andi %add3A_505, %and3A_507 : vector<16xi32>
      %add3A_509 = arith.addi %mul3A_175, %and3A_508 : vector<16xi32>
      %gather3A_510 = tpu.vector_load_idx %arg9[%add3A_156, %add3A_509] : memref<256x128xf32, #tpu.memory_space<vmem>>[vector<16xi32>, vector<16xi32>], vector<16xf32>,
      %add3A_511 = arith.addi %mul3A_178, %and3A_508 : vector<16xi32>
      %gather3A_512 = tpu.vector_load_idx %arg10[%add3A_156, %add3A_511] : memref<256x128xf32, #tpu.memory_space<vmem>>[vector<16xi32>, vector<16xi32>], vector<16xf32>,
      %mul3A_513 = arith.mulf %gather3A_510, %gather3A_512 : vector<16xf32>
      %add3A_514 = arith.addf %add3A_502, %mul3A_513 : vector<16xf32>
      %add3A_515 = arith.constant 28 : i32
      %add3A_516 = vector.broadcast %add3A_515 : i32 to vector<16xi32>
      %add3A_517 = arith.addi %iota3A, %add3A_516 : vector<16xi32>
      %and3A_518 = arith.constant 31 : i32
      %and3A_519 = vector.broadcast %and3A_518 : i32 to vector<16xi32>
      %and3A_520 = arith.andi %add3A_517, %and3A_519 : vector<16xi32>
      %add3A_521 = arith.addi %mul3A_175, %and3A_520 : vector<16xi32>
      %gather3A_522 = tpu.vector_load_idx %arg9[%add3A_156, %add3A_521] : memref<256x128xf32, #tpu.memory_space<vmem>>[vector<16xi32>, vector<16xi32>], vector<16xf32>,
      %add3A_523 = arith.addi %mul3A_178, %and3A_520 : vector<16xi32>
      %gather3A_524 = tpu.vector_load_idx %arg10[%add3A_156, %add3A_523] : memref<256x128xf32, #tpu.memory_space<vmem>>[vector<16xi32>, vector<16xi32>], vector<16xf32>,
      %mul3A_525 = arith.mulf %gather3A_522, %gather3A_524 : vector<16xf32>
      %add3A_526 = arith.addf %add3A_514, %mul3A_525 : vector<16xf32>
      %add3A_527 = arith.constant 29 : i32
      %add3A_528 = vector.broadcast %add3A_527 : i32 to vector<16xi32>
      %add3A_529 = arith.addi %iota3A, %add3A_528 : vector<16xi32>
      %and3A_530 = arith.constant 31 : i32
      %and3A_531 = vector.broadcast %and3A_530 : i32 to vector<16xi32>
      %and3A_532 = arith.andi %add3A_529, %and3A_531 : vector<16xi32>
      %add3A_533 = arith.addi %mul3A_175, %and3A_532 : vector<16xi32>
      %gather3A_534 = tpu.vector_load_idx %arg9[%add3A_156, %add3A_533] : memref<256x128xf32, #tpu.memory_space<vmem>>[vector<16xi32>, vector<16xi32>], vector<16xf32>,
      %add3A_535 = arith.addi %mul3A_178, %and3A_532 : vector<16xi32>
      %gather3A_536 = tpu.vector_load_idx %arg10[%add3A_156, %add3A_535] : memref<256x128xf32, #tpu.memory_space<vmem>>[vector<16xi32>, vector<16xi32>], vector<16xf32>,
      %mul3A_537 = arith.mulf %gather3A_534, %gather3A_536 : vector<16xf32>
      %add3A_538 = arith.addf %add3A_526, %mul3A_537 : vector<16xf32>
      %add3A_539 = arith.constant 30 : i32
      %add3A_540 = vector.broadcast %add3A_539 : i32 to vector<16xi32>
      %add3A_541 = arith.addi %iota3A, %add3A_540 : vector<16xi32>
      %and3A_542 = arith.constant 31 : i32
      %and3A_543 = vector.broadcast %and3A_542 : i32 to vector<16xi32>
      %and3A_544 = arith.andi %add3A_541, %and3A_543 : vector<16xi32>
      %add3A_545 = arith.addi %mul3A_175, %and3A_544 : vector<16xi32>
      %gather3A_546 = tpu.vector_load_idx %arg9[%add3A_156, %add3A_545] : memref<256x128xf32, #tpu.memory_space<vmem>>[vector<16xi32>, vector<16xi32>], vector<16xf32>,
      %add3A_547 = arith.addi %mul3A_178, %and3A_544 : vector<16xi32>
      %gather3A_548 = tpu.vector_load_idx %arg10[%add3A_156, %add3A_547] : memref<256x128xf32, #tpu.memory_space<vmem>>[vector<16xi32>, vector<16xi32>], vector<16xf32>,
      %mul3A_549 = arith.mulf %gather3A_546, %gather3A_548 : vector<16xf32>
      %add3A_550 = arith.addf %add3A_538, %mul3A_549 : vector<16xf32>
      %add3A_551 = arith.constant 31 : i32
      %add3A_552 = vector.broadcast %add3A_551 : i32 to vector<16xi32>
      %add3A_553 = arith.addi %iota3A, %add3A_552 : vector<16xi32>
      %and3A_554 = arith.constant 31 : i32
      %and3A_555 = vector.broadcast %and3A_554 : i32 to vector<16xi32>
      %and3A_556 = arith.andi %add3A_553, %and3A_555 : vector<16xi32>
      %add3A_557 = arith.addi %mul3A_175, %and3A_556 : vector<16xi32>
      %gather3A_558 = tpu.vector_load_idx %arg9[%add3A_156, %add3A_557] : memref<256x128xf32, #tpu.memory_space<vmem>>[vector<16xi32>, vector<16xi32>], vector<16xf32>,
      %add3A_559 = arith.addi %mul3A_178, %and3A_556 : vector<16xi32>
      %gather3A_560 = tpu.vector_load_idx %arg10[%add3A_156, %add3A_559] : memref<256x128xf32, #tpu.memory_space<vmem>>[vector<16xi32>, vector<16xi32>], vector<16xf32>,
      %mul3A_561 = arith.mulf %gather3A_558, %gather3A_560 : vector<16xf32>
      %add3A_562 = arith.addf %add3A_550, %mul3A_561 : vector<16xf32>
      %mul3A_563 = arith.constant 16 : i32
      %mul3A_564 = arith.muli %scan3A_152, %mul3A_563 : i32
      %add3A_565 = arith.constant 0 : i32
      %add3A_566 = arith.addi %add3A_565, %mul3A_564 : i32
      %swap3A = arith.index_cast %add3A_566 : i32 to index
      %swap3A_567 = tpu.vector_load %arg13[%swap3A] {strides = array<i32>} : memref<512xf32, #tpu.memory_space<vmem>>, vector<16xf32>,
      tpu.vector_store %arg13[%swap3A], %add3A_562 {strides = array<i32>} : memref<512xf32, #tpu.memory_space<vmem>>, vector<16xf32>,
    }
    %scan3A_75 = arith.constant 16 : i32
    %scan3A_76 = arith.constant 0 : i32
    %scan3A_77 = arith.constant 0 : i32
    %scan3A_78 = arith.constant 16 : i32
    %scan3A_79 = arith.addi %scan3A_77, %scan3A_78 : i32
    %scan3A_80 = arith.constant 1 : i32
    scf.for %scan3A_152 = %scan3A_77 to %scan3A_79 step %scan3A_80  : i32 {
      %mul3A_153 = arith.constant 16 : i32
      %mul3A_154 = arith.muli %scan3A_152, %mul3A_153 : i32
      %mul3A_155 = arith.constant 16 : i32
      %mul3A_156 = arith.muli %scan3A_152, %mul3A_155 : i32
      %add3A_157 = arith.constant 256 : i32
      %add3A_158 = arith.addi %add3A_157, %mul3A_156 : i32
      %get3A = arith.index_cast %add3A_158 : i32 to index
      %get3A_159 = tpu.vector_load %arg7[%get3A] {strides = array<i32>} : memref<512xi32, #tpu.memory_space<vmem>>, vector<16xi32>,
      %shift_right_logical3A = arith.constant 2 : i32
      %shift_right_logical3A_160 = vector.broadcast %shift_right_logical3A : i32 to vector<16xi32>
      %shift_right_logical3A_161 = arith.shrui %get3A_159, %shift_right_logical3A_160 : vector<16xi32>
      %swap3A = arith.index_cast %mul3A_154 : i32 to index
      %swap3A_162 = tpu.vector_load %arg11[%swap3A] {strides = array<i32>} : memref<256xi32, #tpu.memory_space<vmem>>, vector<16xi32>,
      tpu.vector_store %arg11[%swap3A], %shift_right_logical3A_161 {strides = array<i32>} : memref<256xi32, #tpu.memory_space<vmem>>, vector<16xi32>,
      %mul3A_163 = arith.constant 16 : i32
      %mul3A_164 = arith.muli %scan3A_152, %mul3A_163 : i32
      %add3A_165 = arith.constant 256 : i32
      %add3A_166 = arith.addi %add3A_165, %mul3A_164 : i32
      %get3A_167 = arith.index_cast %add3A_166 : i32 to index
      %get3A_168 = tpu.vector_load %arg8[%get3A_167] {strides = array<i32>} : memref<512xi32, #tpu.memory_space<vmem>>, vector<16xi32>,
      %shift_right_logical3A_169 = arith.constant 2 : i32
      %shift_right_logical3A_170 = vector.broadcast %shift_right_logical3A_169 : i32 to vector<16xi32>
      %shift_right_logical3A_171 = arith.shrui %get3A_168, %shift_right_logical3A_170 : vector<16xi32>
      %swap3A_172 = arith.index_cast %mul3A_154 : i32 to index
      %swap3A_173 = tpu.vector_load %arg12[%swap3A_172] {strides = array<i32>} : memref<256xi32, #tpu.memory_space<vmem>>, vector<16xi32>,
      tpu.vector_store %arg12[%swap3A_172], %shift_right_logical3A_171 {strides = array<i32>} : memref<256xi32, #tpu.memory_space<vmem>>, vector<16xi32>,
    }
    %scan3A_81 = arith.constant 16 : i32
    %dma_start3A_82 = arith.constant 0 : i32
    %dma_start3A_83 = arith.constant 0 : i32
    %dma_start3A_84 = tpu.memref_slice %arg9[%dma_start3A_82, %dma_start3A_83] : memref<256x128xf32, #tpu.memory_space<vmem>> -> memref<128x128xf32, #tpu.memory_space<vmem>>
    %dma_start3A_85 = arith.constant 0 : i32
    %dma_start3A_86 = tpu.memref_slice %arg11[%dma_start3A_85] : memref<256xi32, #tpu.memory_space<vmem>> -> memref<128xi32, #tpu.memory_space<vmem>>
    %dma_start3A_87 = arith.constant 0 : i32
    %dma_start3A_88 = arith.constant 0 : i32
    %dma_start3A_89 = tpu.memref_slice %arg4[%dma_start3A_87, %dma_start3A_88] : memref<250000x128xf32, #tpu.memory_space<hbm>> -> memref<250000x128xf32, #tpu.memory_space<hbm>>
    tpu.enqueue_indirect_dma source(%dma_start3A_89 : memref<250000x128xf32, #tpu.memory_space<hbm>>) target(%dma_start3A_84 : memref<128x128xf32, #tpu.memory_space<vmem>>) offsets(%dma_start3A_86 : memref<128xi32, #tpu.memory_space<vmem>>) semaphore(%arg14 : memref<!tpu.dma_semaphore, #tpu.memory_space<semaphore_mem>>)
    %dma_start3A_90 = arith.constant 0 : i32
    %dma_start3A_91 = arith.constant 0 : i32
    %dma_start3A_92 = tpu.memref_slice %arg10[%dma_start3A_90, %dma_start3A_91] : memref<256x128xf32, #tpu.memory_space<vmem>> -> memref<128x128xf32, #tpu.memory_space<vmem>>
    %dma_start3A_93 = arith.constant 0 : i32
    %dma_start3A_94 = tpu.memref_slice %arg12[%dma_start3A_93] : memref<256xi32, #tpu.memory_space<vmem>> -> memref<128xi32, #tpu.memory_space<vmem>>
    %dma_start3A_95 = arith.constant 0 : i32
    %dma_start3A_96 = arith.constant 0 : i32
    %dma_start3A_97 = tpu.memref_slice %arg5[%dma_start3A_95, %dma_start3A_96] : memref<250000x128xf32, #tpu.memory_space<hbm>> -> memref<250000x128xf32, #tpu.memory_space<hbm>>
    tpu.enqueue_indirect_dma source(%dma_start3A_97 : memref<250000x128xf32, #tpu.memory_space<hbm>>) target(%dma_start3A_92 : memref<128x128xf32, #tpu.memory_space<vmem>>) offsets(%dma_start3A_94 : memref<128xi32, #tpu.memory_space<vmem>>) semaphore(%arg15 : memref<!tpu.dma_semaphore, #tpu.memory_space<semaphore_mem>>)
    %dma_start3A_98 = arith.constant 128 : i32
    %dma_start3A_99 = arith.constant 0 : i32
    %dma_start3A_100 = tpu.memref_slice %arg9[%dma_start3A_98, %dma_start3A_99] : memref<256x128xf32, #tpu.memory_space<vmem>> -> memref<128x128xf32, #tpu.memory_space<vmem>>
    %dma_start3A_101 = arith.constant 128 : i32
    %dma_start3A_102 = tpu.memref_slice %arg11[%dma_start3A_101] : memref<256xi32, #tpu.memory_space<vmem>> -> memref<128xi32, #tpu.memory_space<vmem>>
    %dma_start3A_103 = arith.constant 0 : i32
    %dma_start3A_104 = arith.constant 0 : i32
    %dma_start3A_105 = tpu.memref_slice %arg4[%dma_start3A_103, %dma_start3A_104] : memref<250000x128xf32, #tpu.memory_space<hbm>> -> memref<250000x128xf32, #tpu.memory_space<hbm>>
    tpu.enqueue_indirect_dma source(%dma_start3A_105 : memref<250000x128xf32, #tpu.memory_space<hbm>>) target(%dma_start3A_100 : memref<128x128xf32, #tpu.memory_space<vmem>>) offsets(%dma_start3A_102 : memref<128xi32, #tpu.memory_space<vmem>>) semaphore(%arg14 : memref<!tpu.dma_semaphore, #tpu.memory_space<semaphore_mem>>)
    %dma_start3A_106 = arith.constant 128 : i32
    %dma_start3A_107 = arith.constant 0 : i32
    %dma_start3A_108 = tpu.memref_slice %arg10[%dma_start3A_106, %dma_start3A_107] : memref<256x128xf32, #tpu.memory_space<vmem>> -> memref<128x128xf32, #tpu.memory_space<vmem>>
    %dma_start3A_109 = arith.constant 128 : i32
    %dma_start3A_110 = tpu.memref_slice %arg12[%dma_start3A_109] : memref<256xi32, #tpu.memory_space<vmem>> -> memref<128xi32, #tpu.memory_space<vmem>>
    %dma_start3A_111 = arith.constant 0 : i32
    %dma_start3A_112 = arith.constant 0 : i32
    %dma_start3A_113 = tpu.memref_slice %arg5[%dma_start3A_111, %dma_start3A_112] : memref<250000x128xf32, #tpu.memory_space<hbm>> -> memref<250000x128xf32, #tpu.memory_space<hbm>>
    tpu.enqueue_indirect_dma source(%dma_start3A_113 : memref<250000x128xf32, #tpu.memory_space<hbm>>) target(%dma_start3A_108 : memref<128x128xf32, #tpu.memory_space<vmem>>) offsets(%dma_start3A_110 : memref<128xi32, #tpu.memory_space<vmem>>) semaphore(%arg15 : memref<!tpu.dma_semaphore, #tpu.memory_space<semaphore_mem>>)
    %dma_wait3A_114 = arith.constant 0 : i32
    %dma_wait3A_115 = arith.constant 0 : i32
    %dma_wait3A_116 = tpu.memref_slice %arg9[%dma_wait3A_114, %dma_wait3A_115] : memref<256x128xf32, #tpu.memory_space<vmem>> -> memref<128x128xf32, #tpu.memory_space<vmem>>
    %dma_wait3A_117 = arith.constant 0 : i32
    %dma_wait3A_118 = tpu.memref_slice %arg11[%dma_wait3A_117] : memref<256xi32, #tpu.memory_space<vmem>> -> memref<128xi32, #tpu.memory_space<vmem>>
    %dma_wait3A_119 = arith.constant 0 : i32
    %dma_wait3A_120 = arith.constant 0 : i32
    %dma_wait3A_121 = tpu.memref_slice %arg4[%dma_wait3A_119, %dma_wait3A_120] : memref<250000x128xf32, #tpu.memory_space<hbm>> -> memref<250000x128xf32, #tpu.memory_space<hbm>>
    tpu.wait_indirect_dma semaphore(%arg14 : memref<!tpu.dma_semaphore, #tpu.memory_space<semaphore_mem>>) src(%dma_wait3A_121 : memref<250000x128xf32, #tpu.memory_space<hbm>>) dst(%dma_wait3A_116 : memref<128x128xf32, #tpu.memory_space<vmem>>)
    %dma_wait3A_122 = arith.constant 0 : i32
    %dma_wait3A_123 = arith.constant 0 : i32
    %dma_wait3A_124 = tpu.memref_slice %arg10[%dma_wait3A_122, %dma_wait3A_123] : memref<256x128xf32, #tpu.memory_space<vmem>> -> memref<128x128xf32, #tpu.memory_space<vmem>>
    %dma_wait3A_125 = arith.constant 0 : i32
    %dma_wait3A_126 = tpu.memref_slice %arg12[%dma_wait3A_125] : memref<256xi32, #tpu.memory_space<vmem>> -> memref<128xi32, #tpu.memory_space<vmem>>
    %dma_wait3A_127 = arith.constant 0 : i32
    %dma_wait3A_128 = arith.constant 0 : i32
    %dma_wait3A_129 = tpu.memref_slice %arg5[%dma_wait3A_127, %dma_wait3A_128] : memref<250000x128xf32, #tpu.memory_space<hbm>> -> memref<250000x128xf32, #tpu.memory_space<hbm>>
    tpu.wait_indirect_dma semaphore(%arg15 : memref<!tpu.dma_semaphore, #tpu.memory_space<semaphore_mem>>) src(%dma_wait3A_129 : memref<250000x128xf32, #tpu.memory_space<hbm>>) dst(%dma_wait3A_124 : memref<128x128xf32, #tpu.memory_space<vmem>>)
    %dma_wait3A_130 = arith.constant 128 : i32
    %dma_wait3A_131 = arith.constant 0 : i32
    %dma_wait3A_132 = tpu.memref_slice %arg9[%dma_wait3A_130, %dma_wait3A_131] : memref<256x128xf32, #tpu.memory_space<vmem>> -> memref<128x128xf32, #tpu.memory_space<vmem>>
    %dma_wait3A_133 = arith.constant 128 : i32
    %dma_wait3A_134 = tpu.memref_slice %arg11[%dma_wait3A_133] : memref<256xi32, #tpu.memory_space<vmem>> -> memref<128xi32, #tpu.memory_space<vmem>>
    %dma_wait3A_135 = arith.constant 0 : i32
    %dma_wait3A_136 = arith.constant 0 : i32
    %dma_wait3A_137 = tpu.memref_slice %arg4[%dma_wait3A_135, %dma_wait3A_136] : memref<250000x128xf32, #tpu.memory_space<hbm>> -> memref<250000x128xf32, #tpu.memory_space<hbm>>
    tpu.wait_indirect_dma semaphore(%arg14 : memref<!tpu.dma_semaphore, #tpu.memory_space<semaphore_mem>>) src(%dma_wait3A_137 : memref<250000x128xf32, #tpu.memory_space<hbm>>) dst(%dma_wait3A_132 : memref<128x128xf32, #tpu.memory_space<vmem>>)
    %dma_wait3A_138 = arith.constant 128 : i32
    %dma_wait3A_139 = arith.constant 0 : i32
    %dma_wait3A_140 = tpu.memref_slice %arg10[%dma_wait3A_138, %dma_wait3A_139] : memref<256x128xf32, #tpu.memory_space<vmem>> -> memref<128x128xf32, #tpu.memory_space<vmem>>
    %dma_wait3A_141 = arith.constant 128 : i32
    %dma_wait3A_142 = tpu.memref_slice %arg12[%dma_wait3A_141] : memref<256xi32, #tpu.memory_space<vmem>> -> memref<128xi32, #tpu.memory_space<vmem>>
    %dma_wait3A_143 = arith.constant 0 : i32
    %dma_wait3A_144 = arith.constant 0 : i32
    %dma_wait3A_145 = tpu.memref_slice %arg5[%dma_wait3A_143, %dma_wait3A_144] : memref<250000x128xf32, #tpu.memory_space<hbm>> -> memref<250000x128xf32, #tpu.memory_space<hbm>>
    tpu.wait_indirect_dma semaphore(%arg15 : memref<!tpu.dma_semaphore, #tpu.memory_space<semaphore_mem>>) src(%dma_wait3A_145 : memref<250000x128xf32, #tpu.memory_space<hbm>>) dst(%dma_wait3A_140 : memref<128x128xf32, #tpu.memory_space<vmem>>)
    %scan3A_146 = arith.constant 0 : i32
    %scan3A_147 = arith.constant 0 : i32
    %scan3A_148 = arith.constant 16 : i32
    %scan3A_149 = arith.addi %scan3A_147, %scan3A_148 : i32
    %scan3A_150 = arith.constant 1 : i32
    scf.for %scan3A_152 = %scan3A_147 to %scan3A_149 step %scan3A_150  : i32 {
      %mul3A_153 = arith.constant 16 : i32
      %mul3A_154 = arith.muli %scan3A_152, %mul3A_153 : i32
      %add3A_155 = vector.broadcast %mul3A_154 : i32 to vector<16xi32>
      %add3A_156 = arith.addi %add3A_155, %iota3A : vector<16xi32>
      %mul3A_157 = arith.constant 16 : i32
      %mul3A_158 = arith.muli %scan3A_152, %mul3A_157 : i32
      %add3A_159 = arith.constant 256 : i32
      %add3A_160 = arith.addi %add3A_159, %mul3A_158 : i32
      %get3A = arith.index_cast %add3A_160 : i32 to index
      %get3A_161 = tpu.vector_load %arg7[%get3A] {strides = array<i32>} : memref<512xi32, #tpu.memory_space<vmem>>, vector<16xi32>,
      %and3A = arith.constant 3 : i32
      %and3A_162 = vector.broadcast %and3A : i32 to vector<16xi32>
      %and3A_163 = arith.andi %get3A_161, %and3A_162 : vector<16xi32>
      %mul3A_164 = arith.constant 16 : i32
      %mul3A_165 = arith.muli %scan3A_152, %mul3A_164 : i32
      %add3A_166 = arith.constant 256 : i32
      %add3A_167 = arith.addi %add3A_166, %mul3A_165 : i32
      %get3A_168 = arith.index_cast %add3A_167 : i32 to index
      %get3A_169 = tpu.vector_load %arg8[%get3A_168] {strides = array<i32>} : memref<512xi32, #tpu.memory_space<vmem>>, vector<16xi32>,
      %and3A_170 = arith.constant 3 : i32
      %and3A_171 = vector.broadcast %and3A_170 : i32 to vector<16xi32>
      %and3A_172 = arith.andi %get3A_169, %and3A_171 : vector<16xi32>
      %mul3A_173 = arith.constant 32 : i32
      %mul3A_174 = vector.broadcast %mul3A_173 : i32 to vector<16xi32>
      %mul3A_175 = arith.muli %and3A_163, %mul3A_174 : vector<16xi32>
      %mul3A_176 = arith.constant 32 : i32
      %mul3A_177 = vector.broadcast %mul3A_176 : i32 to vector<16xi32>
      %mul3A_178 = arith.muli %and3A_172, %mul3A_177 : vector<16xi32>
      %broadcast_in_dim3A = arith.constant 0.000000e+00 : f32
      %broadcast_in_dim3A_179 = vector.broadcast %broadcast_in_dim3A : f32 to vector<16xf32>
      %add3A_180 = arith.constant 0 : i32
      %add3A_181 = vector.broadcast %add3A_180 : i32 to vector<16xi32>
      %add3A_182 = arith.addi %iota3A, %add3A_181 : vector<16xi32>
      %and3A_183 = arith.constant 31 : i32
      %and3A_184 = vector.broadcast %and3A_183 : i32 to vector<16xi32>
      %and3A_185 = arith.andi %add3A_182, %and3A_184 : vector<16xi32>
      %add3A_186 = arith.addi %mul3A_175, %and3A_185 : vector<16xi32>
      %gather3A = tpu.vector_load_idx %arg9[%add3A_156, %add3A_186] : memref<256x128xf32, #tpu.memory_space<vmem>>[vector<16xi32>, vector<16xi32>], vector<16xf32>,
      %add3A_187 = arith.addi %mul3A_178, %and3A_185 : vector<16xi32>
      %gather3A_188 = tpu.vector_load_idx %arg10[%add3A_156, %add3A_187] : memref<256x128xf32, #tpu.memory_space<vmem>>[vector<16xi32>, vector<16xi32>], vector<16xf32>,
      %mul3A_189 = arith.mulf %gather3A, %gather3A_188 : vector<16xf32>
      %add3A_190 = arith.addf %broadcast_in_dim3A_179, %mul3A_189 : vector<16xf32>
      %add3A_191 = arith.constant 1 : i32
      %add3A_192 = vector.broadcast %add3A_191 : i32 to vector<16xi32>
      %add3A_193 = arith.addi %iota3A, %add3A_192 : vector<16xi32>
      %and3A_194 = arith.constant 31 : i32
      %and3A_195 = vector.broadcast %and3A_194 : i32 to vector<16xi32>
      %and3A_196 = arith.andi %add3A_193, %and3A_195 : vector<16xi32>
      %add3A_197 = arith.addi %mul3A_175, %and3A_196 : vector<16xi32>
      %gather3A_198 = tpu.vector_load_idx %arg9[%add3A_156, %add3A_197] : memref<256x128xf32, #tpu.memory_space<vmem>>[vector<16xi32>, vector<16xi32>], vector<16xf32>,
      %add3A_199 = arith.addi %mul3A_178, %and3A_196 : vector<16xi32>
      %gather3A_200 = tpu.vector_load_idx %arg10[%add3A_156, %add3A_199] : memref<256x128xf32, #tpu.memory_space<vmem>>[vector<16xi32>, vector<16xi32>], vector<16xf32>,
      %mul3A_201 = arith.mulf %gather3A_198, %gather3A_200 : vector<16xf32>
      %add3A_202 = arith.addf %add3A_190, %mul3A_201 : vector<16xf32>
      %add3A_203 = arith.constant 2 : i32
      %add3A_204 = vector.broadcast %add3A_203 : i32 to vector<16xi32>
      %add3A_205 = arith.addi %iota3A, %add3A_204 : vector<16xi32>
      %and3A_206 = arith.constant 31 : i32
      %and3A_207 = vector.broadcast %and3A_206 : i32 to vector<16xi32>
      %and3A_208 = arith.andi %add3A_205, %and3A_207 : vector<16xi32>
      %add3A_209 = arith.addi %mul3A_175, %and3A_208 : vector<16xi32>
      %gather3A_210 = tpu.vector_load_idx %arg9[%add3A_156, %add3A_209] : memref<256x128xf32, #tpu.memory_space<vmem>>[vector<16xi32>, vector<16xi32>], vector<16xf32>,
      %add3A_211 = arith.addi %mul3A_178, %and3A_208 : vector<16xi32>
      %gather3A_212 = tpu.vector_load_idx %arg10[%add3A_156, %add3A_211] : memref<256x128xf32, #tpu.memory_space<vmem>>[vector<16xi32>, vector<16xi32>], vector<16xf32>,
      %mul3A_213 = arith.mulf %gather3A_210, %gather3A_212 : vector<16xf32>
      %add3A_214 = arith.addf %add3A_202, %mul3A_213 : vector<16xf32>
      %add3A_215 = arith.constant 3 : i32
      %add3A_216 = vector.broadcast %add3A_215 : i32 to vector<16xi32>
      %add3A_217 = arith.addi %iota3A, %add3A_216 : vector<16xi32>
      %and3A_218 = arith.constant 31 : i32
      %and3A_219 = vector.broadcast %and3A_218 : i32 to vector<16xi32>
      %and3A_220 = arith.andi %add3A_217, %and3A_219 : vector<16xi32>
      %add3A_221 = arith.addi %mul3A_175, %and3A_220 : vector<16xi32>
      %gather3A_222 = tpu.vector_load_idx %arg9[%add3A_156, %add3A_221] : memref<256x128xf32, #tpu.memory_space<vmem>>[vector<16xi32>, vector<16xi32>], vector<16xf32>,
      %add3A_223 = arith.addi %mul3A_178, %and3A_220 : vector<16xi32>
      %gather3A_224 = tpu.vector_load_idx %arg10[%add3A_156, %add3A_223] : memref<256x128xf32, #tpu.memory_space<vmem>>[vector<16xi32>, vector<16xi32>], vector<16xf32>,
      %mul3A_225 = arith.mulf %gather3A_222, %gather3A_224 : vector<16xf32>
      %add3A_226 = arith.addf %add3A_214, %mul3A_225 : vector<16xf32>
      %add3A_227 = arith.constant 4 : i32
      %add3A_228 = vector.broadcast %add3A_227 : i32 to vector<16xi32>
      %add3A_229 = arith.addi %iota3A, %add3A_228 : vector<16xi32>
      %and3A_230 = arith.constant 31 : i32
      %and3A_231 = vector.broadcast %and3A_230 : i32 to vector<16xi32>
      %and3A_232 = arith.andi %add3A_229, %and3A_231 : vector<16xi32>
      %add3A_233 = arith.addi %mul3A_175, %and3A_232 : vector<16xi32>
      %gather3A_234 = tpu.vector_load_idx %arg9[%add3A_156, %add3A_233] : memref<256x128xf32, #tpu.memory_space<vmem>>[vector<16xi32>, vector<16xi32>], vector<16xf32>,
      %add3A_235 = arith.addi %mul3A_178, %and3A_232 : vector<16xi32>
      %gather3A_236 = tpu.vector_load_idx %arg10[%add3A_156, %add3A_235] : memref<256x128xf32, #tpu.memory_space<vmem>>[vector<16xi32>, vector<16xi32>], vector<16xf32>,
      %mul3A_237 = arith.mulf %gather3A_234, %gather3A_236 : vector<16xf32>
      %add3A_238 = arith.addf %add3A_226, %mul3A_237 : vector<16xf32>
      %add3A_239 = arith.constant 5 : i32
      %add3A_240 = vector.broadcast %add3A_239 : i32 to vector<16xi32>
      %add3A_241 = arith.addi %iota3A, %add3A_240 : vector<16xi32>
      %and3A_242 = arith.constant 31 : i32
      %and3A_243 = vector.broadcast %and3A_242 : i32 to vector<16xi32>
      %and3A_244 = arith.andi %add3A_241, %and3A_243 : vector<16xi32>
      %add3A_245 = arith.addi %mul3A_175, %and3A_244 : vector<16xi32>
      %gather3A_246 = tpu.vector_load_idx %arg9[%add3A_156, %add3A_245] : memref<256x128xf32, #tpu.memory_space<vmem>>[vector<16xi32>, vector<16xi32>], vector<16xf32>,
      %add3A_247 = arith.addi %mul3A_178, %and3A_244 : vector<16xi32>
      %gather3A_248 = tpu.vector_load_idx %arg10[%add3A_156, %add3A_247] : memref<256x128xf32, #tpu.memory_space<vmem>>[vector<16xi32>, vector<16xi32>], vector<16xf32>,
      %mul3A_249 = arith.mulf %gather3A_246, %gather3A_248 : vector<16xf32>
      %add3A_250 = arith.addf %add3A_238, %mul3A_249 : vector<16xf32>
      %add3A_251 = arith.constant 6 : i32
      %add3A_252 = vector.broadcast %add3A_251 : i32 to vector<16xi32>
      %add3A_253 = arith.addi %iota3A, %add3A_252 : vector<16xi32>
      %and3A_254 = arith.constant 31 : i32
      %and3A_255 = vector.broadcast %and3A_254 : i32 to vector<16xi32>
      %and3A_256 = arith.andi %add3A_253, %and3A_255 : vector<16xi32>
      %add3A_257 = arith.addi %mul3A_175, %and3A_256 : vector<16xi32>
      %gather3A_258 = tpu.vector_load_idx %arg9[%add3A_156, %add3A_257] : memref<256x128xf32, #tpu.memory_space<vmem>>[vector<16xi32>, vector<16xi32>], vector<16xf32>,
      %add3A_259 = arith.addi %mul3A_178, %and3A_256 : vector<16xi32>
      %gather3A_260 = tpu.vector_load_idx %arg10[%add3A_156, %add3A_259] : memref<256x128xf32, #tpu.memory_space<vmem>>[vector<16xi32>, vector<16xi32>], vector<16xf32>,
      %mul3A_261 = arith.mulf %gather3A_258, %gather3A_260 : vector<16xf32>
      %add3A_262 = arith.addf %add3A_250, %mul3A_261 : vector<16xf32>
      %add3A_263 = arith.constant 7 : i32
      %add3A_264 = vector.broadcast %add3A_263 : i32 to vector<16xi32>
      %add3A_265 = arith.addi %iota3A, %add3A_264 : vector<16xi32>
      %and3A_266 = arith.constant 31 : i32
      %and3A_267 = vector.broadcast %and3A_266 : i32 to vector<16xi32>
      %and3A_268 = arith.andi %add3A_265, %and3A_267 : vector<16xi32>
      %add3A_269 = arith.addi %mul3A_175, %and3A_268 : vector<16xi32>
      %gather3A_270 = tpu.vector_load_idx %arg9[%add3A_156, %add3A_269] : memref<256x128xf32, #tpu.memory_space<vmem>>[vector<16xi32>, vector<16xi32>], vector<16xf32>,
      %add3A_271 = arith.addi %mul3A_178, %and3A_268 : vector<16xi32>
      %gather3A_272 = tpu.vector_load_idx %arg10[%add3A_156, %add3A_271] : memref<256x128xf32, #tpu.memory_space<vmem>>[vector<16xi32>, vector<16xi32>], vector<16xf32>,
      %mul3A_273 = arith.mulf %gather3A_270, %gather3A_272 : vector<16xf32>
      %add3A_274 = arith.addf %add3A_262, %mul3A_273 : vector<16xf32>
      %add3A_275 = arith.constant 8 : i32
      %add3A_276 = vector.broadcast %add3A_275 : i32 to vector<16xi32>
      %add3A_277 = arith.addi %iota3A, %add3A_276 : vector<16xi32>
      %and3A_278 = arith.constant 31 : i32
      %and3A_279 = vector.broadcast %and3A_278 : i32 to vector<16xi32>
      %and3A_280 = arith.andi %add3A_277, %and3A_279 : vector<16xi32>
      %add3A_281 = arith.addi %mul3A_175, %and3A_280 : vector<16xi32>
      %gather3A_282 = tpu.vector_load_idx %arg9[%add3A_156, %add3A_281] : memref<256x128xf32, #tpu.memory_space<vmem>>[vector<16xi32>, vector<16xi32>], vector<16xf32>,
      %add3A_283 = arith.addi %mul3A_178, %and3A_280 : vector<16xi32>
      %gather3A_284 = tpu.vector_load_idx %arg10[%add3A_156, %add3A_283] : memref<256x128xf32, #tpu.memory_space<vmem>>[vector<16xi32>, vector<16xi32>], vector<16xf32>,
      %mul3A_285 = arith.mulf %gather3A_282, %gather3A_284 : vector<16xf32>
      %add3A_286 = arith.addf %add3A_274, %mul3A_285 : vector<16xf32>
      %add3A_287 = arith.constant 9 : i32
      %add3A_288 = vector.broadcast %add3A_287 : i32 to vector<16xi32>
      %add3A_289 = arith.addi %iota3A, %add3A_288 : vector<16xi32>
      %and3A_290 = arith.constant 31 : i32
      %and3A_291 = vector.broadcast %and3A_290 : i32 to vector<16xi32>
      %and3A_292 = arith.andi %add3A_289, %and3A_291 : vector<16xi32>
      %add3A_293 = arith.addi %mul3A_175, %and3A_292 : vector<16xi32>
      %gather3A_294 = tpu.vector_load_idx %arg9[%add3A_156, %add3A_293] : memref<256x128xf32, #tpu.memory_space<vmem>>[vector<16xi32>, vector<16xi32>], vector<16xf32>,
      %add3A_295 = arith.addi %mul3A_178, %and3A_292 : vector<16xi32>
      %gather3A_296 = tpu.vector_load_idx %arg10[%add3A_156, %add3A_295] : memref<256x128xf32, #tpu.memory_space<vmem>>[vector<16xi32>, vector<16xi32>], vector<16xf32>,
      %mul3A_297 = arith.mulf %gather3A_294, %gather3A_296 : vector<16xf32>
      %add3A_298 = arith.addf %add3A_286, %mul3A_297 : vector<16xf32>
      %add3A_299 = arith.constant 10 : i32
      %add3A_300 = vector.broadcast %add3A_299 : i32 to vector<16xi32>
      %add3A_301 = arith.addi %iota3A, %add3A_300 : vector<16xi32>
      %and3A_302 = arith.constant 31 : i32
      %and3A_303 = vector.broadcast %and3A_302 : i32 to vector<16xi32>
      %and3A_304 = arith.andi %add3A_301, %and3A_303 : vector<16xi32>
      %add3A_305 = arith.addi %mul3A_175, %and3A_304 : vector<16xi32>
      %gather3A_306 = tpu.vector_load_idx %arg9[%add3A_156, %add3A_305] : memref<256x128xf32, #tpu.memory_space<vmem>>[vector<16xi32>, vector<16xi32>], vector<16xf32>,
      %add3A_307 = arith.addi %mul3A_178, %and3A_304 : vector<16xi32>
      %gather3A_308 = tpu.vector_load_idx %arg10[%add3A_156, %add3A_307] : memref<256x128xf32, #tpu.memory_space<vmem>>[vector<16xi32>, vector<16xi32>], vector<16xf32>,
      %mul3A_309 = arith.mulf %gather3A_306, %gather3A_308 : vector<16xf32>
      %add3A_310 = arith.addf %add3A_298, %mul3A_309 : vector<16xf32>
      %add3A_311 = arith.constant 11 : i32
      %add3A_312 = vector.broadcast %add3A_311 : i32 to vector<16xi32>
      %add3A_313 = arith.addi %iota3A, %add3A_312 : vector<16xi32>
      %and3A_314 = arith.constant 31 : i32
      %and3A_315 = vector.broadcast %and3A_314 : i32 to vector<16xi32>
      %and3A_316 = arith.andi %add3A_313, %and3A_315 : vector<16xi32>
      %add3A_317 = arith.addi %mul3A_175, %and3A_316 : vector<16xi32>
      %gather3A_318 = tpu.vector_load_idx %arg9[%add3A_156, %add3A_317] : memref<256x128xf32, #tpu.memory_space<vmem>>[vector<16xi32>, vector<16xi32>], vector<16xf32>,
      %add3A_319 = arith.addi %mul3A_178, %and3A_316 : vector<16xi32>
      %gather3A_320 = tpu.vector_load_idx %arg10[%add3A_156, %add3A_319] : memref<256x128xf32, #tpu.memory_space<vmem>>[vector<16xi32>, vector<16xi32>], vector<16xf32>,
      %mul3A_321 = arith.mulf %gather3A_318, %gather3A_320 : vector<16xf32>
      %add3A_322 = arith.addf %add3A_310, %mul3A_321 : vector<16xf32>
      %add3A_323 = arith.constant 12 : i32
      %add3A_324 = vector.broadcast %add3A_323 : i32 to vector<16xi32>
      %add3A_325 = arith.addi %iota3A, %add3A_324 : vector<16xi32>
      %and3A_326 = arith.constant 31 : i32
      %and3A_327 = vector.broadcast %and3A_326 : i32 to vector<16xi32>
      %and3A_328 = arith.andi %add3A_325, %and3A_327 : vector<16xi32>
      %add3A_329 = arith.addi %mul3A_175, %and3A_328 : vector<16xi32>
      %gather3A_330 = tpu.vector_load_idx %arg9[%add3A_156, %add3A_329] : memref<256x128xf32, #tpu.memory_space<vmem>>[vector<16xi32>, vector<16xi32>], vector<16xf32>,
      %add3A_331 = arith.addi %mul3A_178, %and3A_328 : vector<16xi32>
      %gather3A_332 = tpu.vector_load_idx %arg10[%add3A_156, %add3A_331] : memref<256x128xf32, #tpu.memory_space<vmem>>[vector<16xi32>, vector<16xi32>], vector<16xf32>,
      %mul3A_333 = arith.mulf %gather3A_330, %gather3A_332 : vector<16xf32>
      %add3A_334 = arith.addf %add3A_322, %mul3A_333 : vector<16xf32>
      %add3A_335 = arith.constant 13 : i32
      %add3A_336 = vector.broadcast %add3A_335 : i32 to vector<16xi32>
      %add3A_337 = arith.addi %iota3A, %add3A_336 : vector<16xi32>
      %and3A_338 = arith.constant 31 : i32
      %and3A_339 = vector.broadcast %and3A_338 : i32 to vector<16xi32>
      %and3A_340 = arith.andi %add3A_337, %and3A_339 : vector<16xi32>
      %add3A_341 = arith.addi %mul3A_175, %and3A_340 : vector<16xi32>
      %gather3A_342 = tpu.vector_load_idx %arg9[%add3A_156, %add3A_341] : memref<256x128xf32, #tpu.memory_space<vmem>>[vector<16xi32>, vector<16xi32>], vector<16xf32>,
      %add3A_343 = arith.addi %mul3A_178, %and3A_340 : vector<16xi32>
      %gather3A_344 = tpu.vector_load_idx %arg10[%add3A_156, %add3A_343] : memref<256x128xf32, #tpu.memory_space<vmem>>[vector<16xi32>, vector<16xi32>], vector<16xf32>,
      %mul3A_345 = arith.mulf %gather3A_342, %gather3A_344 : vector<16xf32>
      %add3A_346 = arith.addf %add3A_334, %mul3A_345 : vector<16xf32>
      %add3A_347 = arith.constant 14 : i32
      %add3A_348 = vector.broadcast %add3A_347 : i32 to vector<16xi32>
      %add3A_349 = arith.addi %iota3A, %add3A_348 : vector<16xi32>
      %and3A_350 = arith.constant 31 : i32
      %and3A_351 = vector.broadcast %and3A_350 : i32 to vector<16xi32>
      %and3A_352 = arith.andi %add3A_349, %and3A_351 : vector<16xi32>
      %add3A_353 = arith.addi %mul3A_175, %and3A_352 : vector<16xi32>
      %gather3A_354 = tpu.vector_load_idx %arg9[%add3A_156, %add3A_353] : memref<256x128xf32, #tpu.memory_space<vmem>>[vector<16xi32>, vector<16xi32>], vector<16xf32>,
      %add3A_355 = arith.addi %mul3A_178, %and3A_352 : vector<16xi32>
      %gather3A_356 = tpu.vector_load_idx %arg10[%add3A_156, %add3A_355] : memref<256x128xf32, #tpu.memory_space<vmem>>[vector<16xi32>, vector<16xi32>], vector<16xf32>,
      %mul3A_357 = arith.mulf %gather3A_354, %gather3A_356 : vector<16xf32>
      %add3A_358 = arith.addf %add3A_346, %mul3A_357 : vector<16xf32>
      %add3A_359 = arith.constant 15 : i32
      %add3A_360 = vector.broadcast %add3A_359 : i32 to vector<16xi32>
      %add3A_361 = arith.addi %iota3A, %add3A_360 : vector<16xi32>
      %and3A_362 = arith.constant 31 : i32
      %and3A_363 = vector.broadcast %and3A_362 : i32 to vector<16xi32>
      %and3A_364 = arith.andi %add3A_361, %and3A_363 : vector<16xi32>
      %add3A_365 = arith.addi %mul3A_175, %and3A_364 : vector<16xi32>
      %gather3A_366 = tpu.vector_load_idx %arg9[%add3A_156, %add3A_365] : memref<256x128xf32, #tpu.memory_space<vmem>>[vector<16xi32>, vector<16xi32>], vector<16xf32>,
      %add3A_367 = arith.addi %mul3A_178, %and3A_364 : vector<16xi32>
      %gather3A_368 = tpu.vector_load_idx %arg10[%add3A_156, %add3A_367] : memref<256x128xf32, #tpu.memory_space<vmem>>[vector<16xi32>, vector<16xi32>], vector<16xf32>,
      %mul3A_369 = arith.mulf %gather3A_366, %gather3A_368 : vector<16xf32>
      %add3A_370 = arith.addf %add3A_358, %mul3A_369 : vector<16xf32>
      %add3A_371 = arith.constant 16 : i32
      %add3A_372 = vector.broadcast %add3A_371 : i32 to vector<16xi32>
      %add3A_373 = arith.addi %iota3A, %add3A_372 : vector<16xi32>
      %and3A_374 = arith.constant 31 : i32
      %and3A_375 = vector.broadcast %and3A_374 : i32 to vector<16xi32>
      %and3A_376 = arith.andi %add3A_373, %and3A_375 : vector<16xi32>
      %add3A_377 = arith.addi %mul3A_175, %and3A_376 : vector<16xi32>
      %gather3A_378 = tpu.vector_load_idx %arg9[%add3A_156, %add3A_377] : memref<256x128xf32, #tpu.memory_space<vmem>>[vector<16xi32>, vector<16xi32>], vector<16xf32>,
      %add3A_379 = arith.addi %mul3A_178, %and3A_376 : vector<16xi32>
      %gather3A_380 = tpu.vector_load_idx %arg10[%add3A_156, %add3A_379] : memref<256x128xf32, #tpu.memory_space<vmem>>[vector<16xi32>, vector<16xi32>], vector<16xf32>,
      %mul3A_381 = arith.mulf %gather3A_378, %gather3A_380 : vector<16xf32>
      %add3A_382 = arith.addf %add3A_370, %mul3A_381 : vector<16xf32>
      %add3A_383 = arith.constant 17 : i32
      %add3A_384 = vector.broadcast %add3A_383 : i32 to vector<16xi32>
      %add3A_385 = arith.addi %iota3A, %add3A_384 : vector<16xi32>
      %and3A_386 = arith.constant 31 : i32
      %and3A_387 = vector.broadcast %and3A_386 : i32 to vector<16xi32>
      %and3A_388 = arith.andi %add3A_385, %and3A_387 : vector<16xi32>
      %add3A_389 = arith.addi %mul3A_175, %and3A_388 : vector<16xi32>
      %gather3A_390 = tpu.vector_load_idx %arg9[%add3A_156, %add3A_389] : memref<256x128xf32, #tpu.memory_space<vmem>>[vector<16xi32>, vector<16xi32>], vector<16xf32>,
      %add3A_391 = arith.addi %mul3A_178, %and3A_388 : vector<16xi32>
      %gather3A_392 = tpu.vector_load_idx %arg10[%add3A_156, %add3A_391] : memref<256x128xf32, #tpu.memory_space<vmem>>[vector<16xi32>, vector<16xi32>], vector<16xf32>,
      %mul3A_393 = arith.mulf %gather3A_390, %gather3A_392 : vector<16xf32>
      %add3A_394 = arith.addf %add3A_382, %mul3A_393 : vector<16xf32>
      %add3A_395 = arith.constant 18 : i32
      %add3A_396 = vector.broadcast %add3A_395 : i32 to vector<16xi32>
      %add3A_397 = arith.addi %iota3A, %add3A_396 : vector<16xi32>
      %and3A_398 = arith.constant 31 : i32
      %and3A_399 = vector.broadcast %and3A_398 : i32 to vector<16xi32>
      %and3A_400 = arith.andi %add3A_397, %and3A_399 : vector<16xi32>
      %add3A_401 = arith.addi %mul3A_175, %and3A_400 : vector<16xi32>
      %gather3A_402 = tpu.vector_load_idx %arg9[%add3A_156, %add3A_401] : memref<256x128xf32, #tpu.memory_space<vmem>>[vector<16xi32>, vector<16xi32>], vector<16xf32>,
      %add3A_403 = arith.addi %mul3A_178, %and3A_400 : vector<16xi32>
      %gather3A_404 = tpu.vector_load_idx %arg10[%add3A_156, %add3A_403] : memref<256x128xf32, #tpu.memory_space<vmem>>[vector<16xi32>, vector<16xi32>], vector<16xf32>,
      %mul3A_405 = arith.mulf %gather3A_402, %gather3A_404 : vector<16xf32>
      %add3A_406 = arith.addf %add3A_394, %mul3A_405 : vector<16xf32>
      %add3A_407 = arith.constant 19 : i32
      %add3A_408 = vector.broadcast %add3A_407 : i32 to vector<16xi32>
      %add3A_409 = arith.addi %iota3A, %add3A_408 : vector<16xi32>
      %and3A_410 = arith.constant 31 : i32
      %and3A_411 = vector.broadcast %and3A_410 : i32 to vector<16xi32>
      %and3A_412 = arith.andi %add3A_409, %and3A_411 : vector<16xi32>
      %add3A_413 = arith.addi %mul3A_175, %and3A_412 : vector<16xi32>
      %gather3A_414 = tpu.vector_load_idx %arg9[%add3A_156, %add3A_413] : memref<256x128xf32, #tpu.memory_space<vmem>>[vector<16xi32>, vector<16xi32>], vector<16xf32>,
      %add3A_415 = arith.addi %mul3A_178, %and3A_412 : vector<16xi32>
      %gather3A_416 = tpu.vector_load_idx %arg10[%add3A_156, %add3A_415] : memref<256x128xf32, #tpu.memory_space<vmem>>[vector<16xi32>, vector<16xi32>], vector<16xf32>,
      %mul3A_417 = arith.mulf %gather3A_414, %gather3A_416 : vector<16xf32>
      %add3A_418 = arith.addf %add3A_406, %mul3A_417 : vector<16xf32>
      %add3A_419 = arith.constant 20 : i32
      %add3A_420 = vector.broadcast %add3A_419 : i32 to vector<16xi32>
      %add3A_421 = arith.addi %iota3A, %add3A_420 : vector<16xi32>
      %and3A_422 = arith.constant 31 : i32
      %and3A_423 = vector.broadcast %and3A_422 : i32 to vector<16xi32>
      %and3A_424 = arith.andi %add3A_421, %and3A_423 : vector<16xi32>
      %add3A_425 = arith.addi %mul3A_175, %and3A_424 : vector<16xi32>
      %gather3A_426 = tpu.vector_load_idx %arg9[%add3A_156, %add3A_425] : memref<256x128xf32, #tpu.memory_space<vmem>>[vector<16xi32>, vector<16xi32>], vector<16xf32>,
      %add3A_427 = arith.addi %mul3A_178, %and3A_424 : vector<16xi32>
      %gather3A_428 = tpu.vector_load_idx %arg10[%add3A_156, %add3A_427] : memref<256x128xf32, #tpu.memory_space<vmem>>[vector<16xi32>, vector<16xi32>], vector<16xf32>,
      %mul3A_429 = arith.mulf %gather3A_426, %gather3A_428 : vector<16xf32>
      %add3A_430 = arith.addf %add3A_418, %mul3A_429 : vector<16xf32>
      %add3A_431 = arith.constant 21 : i32
      %add3A_432 = vector.broadcast %add3A_431 : i32 to vector<16xi32>
      %add3A_433 = arith.addi %iota3A, %add3A_432 : vector<16xi32>
      %and3A_434 = arith.constant 31 : i32
      %and3A_435 = vector.broadcast %and3A_434 : i32 to vector<16xi32>
      %and3A_436 = arith.andi %add3A_433, %and3A_435 : vector<16xi32>
      %add3A_437 = arith.addi %mul3A_175, %and3A_436 : vector<16xi32>
      %gather3A_438 = tpu.vector_load_idx %arg9[%add3A_156, %add3A_437] : memref<256x128xf32, #tpu.memory_space<vmem>>[vector<16xi32>, vector<16xi32>], vector<16xf32>,
      %add3A_439 = arith.addi %mul3A_178, %and3A_436 : vector<16xi32>
      %gather3A_440 = tpu.vector_load_idx %arg10[%add3A_156, %add3A_439] : memref<256x128xf32, #tpu.memory_space<vmem>>[vector<16xi32>, vector<16xi32>], vector<16xf32>,
      %mul3A_441 = arith.mulf %gather3A_438, %gather3A_440 : vector<16xf32>
      %add3A_442 = arith.addf %add3A_430, %mul3A_441 : vector<16xf32>
      %add3A_443 = arith.constant 22 : i32
      %add3A_444 = vector.broadcast %add3A_443 : i32 to vector<16xi32>
      %add3A_445 = arith.addi %iota3A, %add3A_444 : vector<16xi32>
      %and3A_446 = arith.constant 31 : i32
      %and3A_447 = vector.broadcast %and3A_446 : i32 to vector<16xi32>
      %and3A_448 = arith.andi %add3A_445, %and3A_447 : vector<16xi32>
      %add3A_449 = arith.addi %mul3A_175, %and3A_448 : vector<16xi32>
      %gather3A_450 = tpu.vector_load_idx %arg9[%add3A_156, %add3A_449] : memref<256x128xf32, #tpu.memory_space<vmem>>[vector<16xi32>, vector<16xi32>], vector<16xf32>,
      %add3A_451 = arith.addi %mul3A_178, %and3A_448 : vector<16xi32>
      %gather3A_452 = tpu.vector_load_idx %arg10[%add3A_156, %add3A_451] : memref<256x128xf32, #tpu.memory_space<vmem>>[vector<16xi32>, vector<16xi32>], vector<16xf32>,
      %mul3A_453 = arith.mulf %gather3A_450, %gather3A_452 : vector<16xf32>
      %add3A_454 = arith.addf %add3A_442, %mul3A_453 : vector<16xf32>
      %add3A_455 = arith.constant 23 : i32
      %add3A_456 = vector.broadcast %add3A_455 : i32 to vector<16xi32>
      %add3A_457 = arith.addi %iota3A, %add3A_456 : vector<16xi32>
      %and3A_458 = arith.constant 31 : i32
      %and3A_459 = vector.broadcast %and3A_458 : i32 to vector<16xi32>
      %and3A_460 = arith.andi %add3A_457, %and3A_459 : vector<16xi32>
      %add3A_461 = arith.addi %mul3A_175, %and3A_460 : vector<16xi32>
      %gather3A_462 = tpu.vector_load_idx %arg9[%add3A_156, %add3A_461] : memref<256x128xf32, #tpu.memory_space<vmem>>[vector<16xi32>, vector<16xi32>], vector<16xf32>,
      %add3A_463 = arith.addi %mul3A_178, %and3A_460 : vector<16xi32>
      %gather3A_464 = tpu.vector_load_idx %arg10[%add3A_156, %add3A_463] : memref<256x128xf32, #tpu.memory_space<vmem>>[vector<16xi32>, vector<16xi32>], vector<16xf32>,
      %mul3A_465 = arith.mulf %gather3A_462, %gather3A_464 : vector<16xf32>
      %add3A_466 = arith.addf %add3A_454, %mul3A_465 : vector<16xf32>
      %add3A_467 = arith.constant 24 : i32
      %add3A_468 = vector.broadcast %add3A_467 : i32 to vector<16xi32>
      %add3A_469 = arith.addi %iota3A, %add3A_468 : vector<16xi32>
      %and3A_470 = arith.constant 31 : i32
      %and3A_471 = vector.broadcast %and3A_470 : i32 to vector<16xi32>
      %and3A_472 = arith.andi %add3A_469, %and3A_471 : vector<16xi32>
      %add3A_473 = arith.addi %mul3A_175, %and3A_472 : vector<16xi32>
      %gather3A_474 = tpu.vector_load_idx %arg9[%add3A_156, %add3A_473] : memref<256x128xf32, #tpu.memory_space<vmem>>[vector<16xi32>, vector<16xi32>], vector<16xf32>,
      %add3A_475 = arith.addi %mul3A_178, %and3A_472 : vector<16xi32>
      %gather3A_476 = tpu.vector_load_idx %arg10[%add3A_156, %add3A_475] : memref<256x128xf32, #tpu.memory_space<vmem>>[vector<16xi32>, vector<16xi32>], vector<16xf32>,
      %mul3A_477 = arith.mulf %gather3A_474, %gather3A_476 : vector<16xf32>
      %add3A_478 = arith.addf %add3A_466, %mul3A_477 : vector<16xf32>
      %add3A_479 = arith.constant 25 : i32
      %add3A_480 = vector.broadcast %add3A_479 : i32 to vector<16xi32>
      %add3A_481 = arith.addi %iota3A, %add3A_480 : vector<16xi32>
      %and3A_482 = arith.constant 31 : i32
      %and3A_483 = vector.broadcast %and3A_482 : i32 to vector<16xi32>
      %and3A_484 = arith.andi %add3A_481, %and3A_483 : vector<16xi32>
      %add3A_485 = arith.addi %mul3A_175, %and3A_484 : vector<16xi32>
      %gather3A_486 = tpu.vector_load_idx %arg9[%add3A_156, %add3A_485] : memref<256x128xf32, #tpu.memory_space<vmem>>[vector<16xi32>, vector<16xi32>], vector<16xf32>,
      %add3A_487 = arith.addi %mul3A_178, %and3A_484 : vector<16xi32>
      %gather3A_488 = tpu.vector_load_idx %arg10[%add3A_156, %add3A_487] : memref<256x128xf32, #tpu.memory_space<vmem>>[vector<16xi32>, vector<16xi32>], vector<16xf32>,
      %mul3A_489 = arith.mulf %gather3A_486, %gather3A_488 : vector<16xf32>
      %add3A_490 = arith.addf %add3A_478, %mul3A_489 : vector<16xf32>
      %add3A_491 = arith.constant 26 : i32
      %add3A_492 = vector.broadcast %add3A_491 : i32 to vector<16xi32>
      %add3A_493 = arith.addi %iota3A, %add3A_492 : vector<16xi32>
      %and3A_494 = arith.constant 31 : i32
      %and3A_495 = vector.broadcast %and3A_494 : i32 to vector<16xi32>
      %and3A_496 = arith.andi %add3A_493, %and3A_495 : vector<16xi32>
      %add3A_497 = arith.addi %mul3A_175, %and3A_496 : vector<16xi32>
      %gather3A_498 = tpu.vector_load_idx %arg9[%add3A_156, %add3A_497] : memref<256x128xf32, #tpu.memory_space<vmem>>[vector<16xi32>, vector<16xi32>], vector<16xf32>,
      %add3A_499 = arith.addi %mul3A_178, %and3A_496 : vector<16xi32>
      %gather3A_500 = tpu.vector_load_idx %arg10[%add3A_156, %add3A_499] : memref<256x128xf32, #tpu.memory_space<vmem>>[vector<16xi32>, vector<16xi32>], vector<16xf32>,
      %mul3A_501 = arith.mulf %gather3A_498, %gather3A_500 : vector<16xf32>
      %add3A_502 = arith.addf %add3A_490, %mul3A_501 : vector<16xf32>
      %add3A_503 = arith.constant 27 : i32
      %add3A_504 = vector.broadcast %add3A_503 : i32 to vector<16xi32>
      %add3A_505 = arith.addi %iota3A, %add3A_504 : vector<16xi32>
      %and3A_506 = arith.constant 31 : i32
      %and3A_507 = vector.broadcast %and3A_506 : i32 to vector<16xi32>
      %and3A_508 = arith.andi %add3A_505, %and3A_507 : vector<16xi32>
      %add3A_509 = arith.addi %mul3A_175, %and3A_508 : vector<16xi32>
      %gather3A_510 = tpu.vector_load_idx %arg9[%add3A_156, %add3A_509] : memref<256x128xf32, #tpu.memory_space<vmem>>[vector<16xi32>, vector<16xi32>], vector<16xf32>,
      %add3A_511 = arith.addi %mul3A_178, %and3A_508 : vector<16xi32>
      %gather3A_512 = tpu.vector_load_idx %arg10[%add3A_156, %add3A_511] : memref<256x128xf32, #tpu.memory_space<vmem>>[vector<16xi32>, vector<16xi32>], vector<16xf32>,
      %mul3A_513 = arith.mulf %gather3A_510, %gather3A_512 : vector<16xf32>
      %add3A_514 = arith.addf %add3A_502, %mul3A_513 : vector<16xf32>
      %add3A_515 = arith.constant 28 : i32
      %add3A_516 = vector.broadcast %add3A_515 : i32 to vector<16xi32>
      %add3A_517 = arith.addi %iota3A, %add3A_516 : vector<16xi32>
      %and3A_518 = arith.constant 31 : i32
      %and3A_519 = vector.broadcast %and3A_518 : i32 to vector<16xi32>
      %and3A_520 = arith.andi %add3A_517, %and3A_519 : vector<16xi32>
      %add3A_521 = arith.addi %mul3A_175, %and3A_520 : vector<16xi32>
      %gather3A_522 = tpu.vector_load_idx %arg9[%add3A_156, %add3A_521] : memref<256x128xf32, #tpu.memory_space<vmem>>[vector<16xi32>, vector<16xi32>], vector<16xf32>,
      %add3A_523 = arith.addi %mul3A_178, %and3A_520 : vector<16xi32>
      %gather3A_524 = tpu.vector_load_idx %arg10[%add3A_156, %add3A_523] : memref<256x128xf32, #tpu.memory_space<vmem>>[vector<16xi32>, vector<16xi32>], vector<16xf32>,
      %mul3A_525 = arith.mulf %gather3A_522, %gather3A_524 : vector<16xf32>
      %add3A_526 = arith.addf %add3A_514, %mul3A_525 : vector<16xf32>
      %add3A_527 = arith.constant 29 : i32
      %add3A_528 = vector.broadcast %add3A_527 : i32 to vector<16xi32>
      %add3A_529 = arith.addi %iota3A, %add3A_528 : vector<16xi32>
      %and3A_530 = arith.constant 31 : i32
      %and3A_531 = vector.broadcast %and3A_530 : i32 to vector<16xi32>
      %and3A_532 = arith.andi %add3A_529, %and3A_531 : vector<16xi32>
      %add3A_533 = arith.addi %mul3A_175, %and3A_532 : vector<16xi32>
      %gather3A_534 = tpu.vector_load_idx %arg9[%add3A_156, %add3A_533] : memref<256x128xf32, #tpu.memory_space<vmem>>[vector<16xi32>, vector<16xi32>], vector<16xf32>,
      %add3A_535 = arith.addi %mul3A_178, %and3A_532 : vector<16xi32>
      %gather3A_536 = tpu.vector_load_idx %arg10[%add3A_156, %add3A_535] : memref<256x128xf32, #tpu.memory_space<vmem>>[vector<16xi32>, vector<16xi32>], vector<16xf32>,
      %mul3A_537 = arith.mulf %gather3A_534, %gather3A_536 : vector<16xf32>
      %add3A_538 = arith.addf %add3A_526, %mul3A_537 : vector<16xf32>
      %add3A_539 = arith.constant 30 : i32
      %add3A_540 = vector.broadcast %add3A_539 : i32 to vector<16xi32>
      %add3A_541 = arith.addi %iota3A, %add3A_540 : vector<16xi32>
      %and3A_542 = arith.constant 31 : i32
      %and3A_543 = vector.broadcast %and3A_542 : i32 to vector<16xi32>
      %and3A_544 = arith.andi %add3A_541, %and3A_543 : vector<16xi32>
      %add3A_545 = arith.addi %mul3A_175, %and3A_544 : vector<16xi32>
      %gather3A_546 = tpu.vector_load_idx %arg9[%add3A_156, %add3A_545] : memref<256x128xf32, #tpu.memory_space<vmem>>[vector<16xi32>, vector<16xi32>], vector<16xf32>,
      %add3A_547 = arith.addi %mul3A_178, %and3A_544 : vector<16xi32>
      %gather3A_548 = tpu.vector_load_idx %arg10[%add3A_156, %add3A_547] : memref<256x128xf32, #tpu.memory_space<vmem>>[vector<16xi32>, vector<16xi32>], vector<16xf32>,
      %mul3A_549 = arith.mulf %gather3A_546, %gather3A_548 : vector<16xf32>
      %add3A_550 = arith.addf %add3A_538, %mul3A_549 : vector<16xf32>
      %add3A_551 = arith.constant 31 : i32
      %add3A_552 = vector.broadcast %add3A_551 : i32 to vector<16xi32>
      %add3A_553 = arith.addi %iota3A, %add3A_552 : vector<16xi32>
      %and3A_554 = arith.constant 31 : i32
      %and3A_555 = vector.broadcast %and3A_554 : i32 to vector<16xi32>
      %and3A_556 = arith.andi %add3A_553, %and3A_555 : vector<16xi32>
      %add3A_557 = arith.addi %mul3A_175, %and3A_556 : vector<16xi32>
      %gather3A_558 = tpu.vector_load_idx %arg9[%add3A_156, %add3A_557] : memref<256x128xf32, #tpu.memory_space<vmem>>[vector<16xi32>, vector<16xi32>], vector<16xf32>,
      %add3A_559 = arith.addi %mul3A_178, %and3A_556 : vector<16xi32>
      %gather3A_560 = tpu.vector_load_idx %arg10[%add3A_156, %add3A_559] : memref<256x128xf32, #tpu.memory_space<vmem>>[vector<16xi32>, vector<16xi32>], vector<16xf32>,
      %mul3A_561 = arith.mulf %gather3A_558, %gather3A_560 : vector<16xf32>
      %add3A_562 = arith.addf %add3A_550, %mul3A_561 : vector<16xf32>
      %mul3A_563 = arith.constant 16 : i32
      %mul3A_564 = arith.muli %scan3A_152, %mul3A_563 : i32
      %add3A_565 = arith.constant 256 : i32
      %add3A_566 = arith.addi %add3A_565, %mul3A_564 : i32
      %swap3A = arith.index_cast %add3A_566 : i32 to index
      %swap3A_567 = tpu.vector_load %arg13[%swap3A] {strides = array<i32>} : memref<512xf32, #tpu.memory_space<vmem>>, vector<16xf32>,
      tpu.vector_store %arg13[%swap3A], %add3A_562 {strides = array<i32>} : memref<512xf32, #tpu.memory_space<vmem>>, vector<16xf32>,
    }
    %scan3A_151 = arith.constant 16 : i32
    "tpu.region"() ({
      %run_scoped3A = tpu.sem_alloc : memref<!tpu.dma_semaphore, #tpu.memory_space<semaphore_mem>>
      %dma_start3A_152 = tpu.memref_slice %arg6[%mul3A_2] : memref<16384xf32, #tpu.memory_space<hbm>> -> memref<512xf32, #tpu.memory_space<hbm>>
      %dma_start3A_153 = tpu.memref_slice %arg6[%mul3A_2] : memref<16384xf32, #tpu.memory_space<hbm>> -> memref<512xf32, #tpu.memory_space<hbm>>
      tpu.enqueue_dma source(%arg13 : memref<512xf32, #tpu.memory_space<vmem>>) target(%dma_start3A_153 : memref<512xf32, #tpu.memory_space<hbm>>) target_semaphore(%run_scoped3A : memref<!tpu.dma_semaphore, #tpu.memory_space<semaphore_mem>>)
      %dma_wait3A_154 = tpu.memref_slice %arg6[%mul3A_2] : memref<16384xf32, #tpu.memory_space<hbm>> -> memref<512xf32, #tpu.memory_space<hbm>>
      %dma_wait3A_155 = tpu.memref_slice %arg6[%mul3A_2] : memref<16384xf32, #tpu.memory_space<hbm>> -> memref<512xf32, #tpu.memory_space<hbm>>
      tpu.wait_dma2 semaphore(%run_scoped3A : memref<!tpu.dma_semaphore, #tpu.memory_space<semaphore_mem>>) src(%arg13 : memref<512xf32, #tpu.memory_space<vmem>>) dst(%dma_wait3A_155 : memref<512xf32, #tpu.memory_space<hbm>>)
      tpu.yield
    }) : () -> ()
    return
  }
}

</mosaic_0001>

<sc_bundles>
// kernel: kernel.4.cloned.1.call-start
scs
__scs_entry_jumppad:
0x0: {  	(pc) =	sbr.rel $0x88, $3  }
0x1: {  	(tag) =	ssettag $0x0;
	lr =	simm.s32 $0x1  }
0x2: {  	[smem:$0x3F9E] =	sst lr;
	_ =	strace $0xD0000000  }
0x3: {  	_ = 	snop  }
0x4: {  	_ = 	snop  }
0x5: {  	_ = 	snop  }
0x6: {  	_ = 	snop  }
0x7: {  	_ = 	snop  }
__scs_overlays_trampoline_lowered:
0x8: {  	[smem:$0x3FAD] =	sst s0  }
0x9: {  	[smem:$0x3FAE] =	sst s1  }
0xa: {  	[smem:$0x3FAF] =	sst s2  }
0xb: {  	[smem:$0x3FB0] =	sst s3  }
0xc: {  	[smem:$0x3FB1] =	sst s4  }
0xd: {  	[smem:$0x3FB2] =	sst s5  }
0xe: {  	[smem:$0x3FB3] =	sst s6  }
0xf: {  	[smem:$0x3FB4] =	sst s7  }
0x10: {  	[smem:$0x3FB5] =	sst s8  }
0x11: {  	[smem:$0x3FB6] =	sst s9;
	s0 =	simm.s32 @!p0 $0x0  }
0x12: {  	s1 =	sld [smem:$0x3F9C];
	s0 =	simm.s32 @p0 $0x1  }
0x13: {  	[smem:$0x3FB7] =	sst s0;
	s0 =	simm.s32 @!p1 $0x0  }
0x14: {  	s2 =	sld [smem:$0x3F9B];
	s0 =	simm.s32 @p1 $0x1  }
0x15: {  	[smem:$0x3FB8] =	sst s0;
	s0 =	simm.s32 @!p2 $0x0  }
0x16: {  	s3 =	sld [smem:$0x3FDB];
	s0 =	simm.s32 @p2 $0x1  }
0x17: {  	s4 =	simm.s32 $0x1BF5;
	[smem:$0x3FBA] =	sst s0  }
0x18: {  	s0 =	sld [smem:$0x3F9D];
	_ =	swait.ge [sflag:s4], $0x0  }
0x19: {  	s7 =	sld [smem:$0x3F9E]  }
0x1a: {  	s8 =	sadd.s32 $0xFFFFE003, lr  }
0x1b: {  	s9 =	sadd.s32 $0xFFFFFEF7, lr;
	s5 =	simm.s32 $0xFFFFFFFF;
	p2 =	slt.u32 s8, $0xFFFFF086  }
0x1c: {  	p1 =	slt.u32 s9, $0xF7A;
	s5 =	simm.s32 @!p2 $0x0  }
0x1d: {  	s5 =	simm.s32 @p1 $0x1;
	p0 =	seq.s32 s7, s2  }
0x1e: {  	s7 =	smul.u32 @!p0 $0xF7A, s2;
	p2 =	seq.s32 @!p0 s5, $0x0  }
0x1f: {  	s9 =	smul.u32 $0xF7A, s1;
	s8 =	simm.s32 @!p0 $0x1BF5;
	p2 =	por !p2, p0  }
0x20: {  	[sflag:s8] =	ssyncset.s32 @!p0 $0xFFFFF086;
	s6 =	sadd.s32 @!p0 s3, s7;
	s7 =	simm.s32 @!p0 $0x108  }
0x21: {  	s3 =	sadd.s32 s3, s9;
	s6 =	sadd.s32 @!p0 $0x88, s6;
	s7 =	simm.s32 @p2 $0x1082  }
0x22: {  	[simem:s7], [sflag:s8] =	dma.local @!p0 [hbm:s6], $0xF7A  }
0x23: {  	s9 =	sor.u32 $0xD0000000, s2;
	s6 =	simm.s32 $0x108;
	_ =	swait.ge @!p0 [sflag:s8], $0x0  }
0x24: {  	s3 =	sadd.s32 $0x88, s3;
	s6 =	simm.s32 @!p1 $0x1082;
	[sflag:s4] =	ssyncset.s32 $0xFFFFF086  }
0x25: {  	[simem:s6], [sflag:s4] =	dma.local [hbm:s3], $0xF7A  }
0x26: {  	[smem:$0x3F9E] =	sst s1;
	(tag) =	ssettag s2;
	_ =	strace s9  }
0x27: {  	s1 =	sld [smem:$0x3FAE]  }
0x28: {  	s2 =	sld [smem:$0x3FAF]  }
0x29: {  	s4 =	sld [smem:$0x3FB1]  }
0x2a: {  	p0 =	seq.s32 s5, $0x0;
	s5 =	sld [smem:$0x3FB2]  }
0x2b: {  	s6 =	sld [smem:$0x3FB3]  }
0x2c: {  	s7 =	sld [smem:$0x3FB4]  }
0x2d: {  	s3 =	simm.s32 $0x108;
	s8 =	sld [smem:$0x3FB5]  }
0x2e: {  	s3 =	simm.s32 @!p0 $0x1082;
	s9 =	sld [smem:$0x3FB6]  }
0x2f: {  	lr =	sadd.s32 s0, s3;
	s0 =	sld [smem:$0x3FAD]  }
0x30: {  	s3 =	sld [smem:$0x3FB0]  }
0x31: {  	[smem:$0x3FB9] =	sst s10  }
0x32: {  	s10 =	sld [smem:$0x3FB7];
	_ =	sdelay $0x3  }
0x33: {  	p0 =	seq.s32 s10, $0x1;
	s10 =	sld [smem:$0x3FB9];
	_ =	sdelay $0x3  }
0x34: {  	[smem:$0x3FB9] =	sst s10  }
0x35: {  	s10 =	sld [smem:$0x3FB8];
	_ =	sdelay $0x3  }
0x36: {  	p1 =	seq.s32 s10, $0x1;
	s10 =	sld [smem:$0x3FB9];
	_ =	sdelay $0x3  }
0x37: {  	[smem:$0x3FB9] =	sst s10  }
0x38: {  	s10 =	sld [smem:$0x3FBA]  }
0x39: {  	_ = 	snop;
	(pc) =	sbr.ind lr, $3  }
0x3a: {  	_ = 	snop  }
0x3b: {  	_ = 	snop  }
0x3c: {  	p2 =	seq.s32 s10, $0x1;
	s10 =	sld [smem:$0x3FB9]  }
0x3d: {  	_ =	shalt  }
0x3e: {  	_ =	shalt  }
0x3f: {  	_ =	shalt  }
0x40: {  	_ =	shalt  }
0x41: {  	_ =	shalt  }
0x42: {  	_ =	shalt  }
0x43: {  	_ =	shalt  }
0x44: {  	_ =	shalt  }
0x45: {  	_ =	shalt  }
0x46: {  	_ =	shalt  }
0x47: {  	_ =	shalt  }
0x48: {  	_ =	shalt  }
0x49: {  	_ =	shalt  }
0x4a: {  	_ =	shalt  }
0x4b: {  	_ =	shalt  }
0x4c: {  	_ =	shalt  }
0x4d: {  	_ =	shalt  }
0x4e: {  	_ =	shalt  }
0x4f: {  	_ =	shalt  }
0x50: {  	_ =	shalt  }
0x51: {  	_ =	shalt  }
0x52: {  	_ =	shalt  }
0x53: {  	_ =	shalt  }
0x54: {  	_ =	shalt  }
0x55: {  	_ =	shalt  }
0x56: {  	_ =	shalt  }
0x57: {  	_ =	shalt  }
0x58: {  	_ =	shalt  }
0x59: {  	_ =	shalt  }
0x5a: {  	_ =	shalt  }
0x5b: {  	_ =	shalt  }
0x5c: {  	_ =	shalt  }
0x5d: {  	_ =	shalt  }
0x5e: {  	_ =	shalt  }
0x5f: {  	_ =	shalt  }
0x60: {  	_ =	shalt  }
0x61: {  	_ =	shalt  }
0x62: {  	_ =	shalt  }
0x63: {  	_ =	shalt  }
0x64: {  	_ =	shalt  }
0x65: {  	_ =	shalt  }
0x66: {  	_ =	shalt  }
0x67: {  	_ =	shalt  }
0x68: {  	_ =	shalt  }
0x69: {  	_ =	shalt  }
0x6a: {  	_ =	shalt  }
0x6b: {  	_ =	shalt  }
0x6c: {  	_ =	shalt  }
0x6d: {  	_ =	shalt  }
0x6e: {  	_ =	shalt  }
0x6f: {  	_ =	shalt  }
0x70: {  	_ =	shalt  }
0x71: {  	_ =	shalt  }
0x72: {  	_ =	shalt  }
0x73: {  	_ =	shalt  }
0x74: {  	_ =	shalt  }
0x75: {  	_ =	shalt  }
0x76: {  	_ =	shalt  }
0x77: {  	_ =	shalt  }
0x78: {  	_ =	shalt  }
0x79: {  	_ =	shalt  }
0x7a: {  	_ =	shalt  }
0x7b: {  	_ =	shalt  }
0x7c: {  	_ =	shalt  }
0x7d: {  	_ =	shalt  }
0x7e: {  	_ =	shalt  }
0x7f: {  	_ =	shalt  }
0x80: {  	_ =	shalt  }
0x81: {  	_ =	shalt  }
0x82: {  	_ =	shalt  }
0x83: {  	_ =	shalt  }
0x84: {  	_ =	shalt  }
0x85: {  	_ =	shalt  }
0x86: {  	_ =	shalt  }
0x87: {  	_ =	shalt  }
.Lfunc_end0:
.L_simem_size_0:
called_computation_lowered:
.L_overlay_start_0:
0x88: {  	s2 =	sld [smem:$0x3FD9]  }
0x89: {  	s3 =	sld [smem:$0x3FFE];
	_ =	sdelay $0x1  }
0x8a: {  	s1 =	srdreg.scid  }
0x8b: {  	s0 =	sand.u32 $0x1, s1  }
0x8c: {  	s17 =	sshll.u32 s0, $0xA;
	s2 =	sadd.s32 s3, s2  }
0x8d: {  	s2 =	sadd.s32 s2, s17  }
0x8e: {  	[smem:$0x3FC5] =	sst s2  }
0x8f: {  	_ = 	snop  }
0x90: {  	s2 =	sld [smem:$0x3FC8]  }
0x91: {  	s18 =	sld [smem:$0x3FC7]  }
0x92: {  	s4 =	sld [smem:$0x3FD0];
	(tm) =	ssettm $0x1  }
0x93: {  	s5 =	sld [smem:$0x3FFB];
	_ =	sdelay $0x3  }
0x94: {  	_ =	strace s5  }
0x95: {  	s5 =	sld [smem:$0x3FFC];
	_ =	sdelay $0x3  }
0x96: {  	_ =	strace s5  }
0x97: {  	s5 =	sld [smem:$0x3FFD];
	_ =	sdelay $0x3  }
0x98: {  	_ =	strace s5  }
0x99: {  	_ =	strace $0x8FFFFFFF  }
0x9a: {  	s19 =	sld [smem:$0x3FDB];
	_ =	sdelay $0x1  }
0x9b: {  	s6 =	simm.s32 $_scs_section_size  }
0x9c: {  	s7 =	simm.s32 $_size__tile_overlayer_lowered;
	s8 =	simm.s32 $_tile_overlayer_lowered  }
0x9d: {  	s22 =	simm.s32 $0x1BFF;
	s21 =	sshll.u32 s8, $0x1;
	s5 =	sadd.s32 s6, s19  }
0x9e: {  	s9 =	simm.s32 $0x0;
	s20 =	sshll.u32 s7, $0x1;
	s7 =	sadd.s32 s21, s5  }
0x9f: {  	[timem:s9], [sflag:s22] =	dma.local [hbm:s7], s20  }
0xa0: {  	_ =	swait.ge [sflag:s22], s20  }
0xa1: {  	s6 =	ssub.s32 $0x0, s20;
	[sflag:s22] =	ssyncset.done $0x0  }
0xa2: {  	[sflag:s22] =	ssyncadd.s32 s6;
	_ =	sdelay $0x1  }
0xa3: {  	s23 =	simm.s32 $0x1B8B  }
0xa4: {  	_ =	swait.ge [sflag:s23], $0x1  }
0xa5: {  	[sflag:s23] =	ssyncset.done $0x0  }
0xa6: {  	s25 =	simm.s32 $0x1B8E;
	s24 =	sld [smem:$0x3FFE];
	[sflag:s23] =	ssyncadd.s32 $0xFFFFFFFF  }
0xa7: {  	s26 =	simm.s32 $execute0_lowered;
	[smem:$0x3FD2] =	sst s25  }
0xa8: {  	s7 =	sshll.u32 s26, $0x1;
	_ =	strace $0x80000046;
	[dreg:$0x1] =	wrdreg $0xFFFFFFFF  }
0xa9: {  	s28 =	simm.s32 $_size_execute0_lowered;
	s5 =	sadd.s32 s5, s7;
	[dreg:$0x0] =	wrdreg $0x0  }
0xaa: {  	s7 =	sshll.u32 s28, $0x1;
	[dreg:$0x2] =	wrdreg s5  }
0xab: {  	[dreg:$0x3] =	wrdreg s7  }
0xac: {  	[dreg:$0x4] =	wrdreg $0xC0  }
0xad: {  	_ =	task [dreg:s9], $0x5FFFF  }
0xae: {  	[dreg:$0x1] =	wrdreg $0xFFFFFFFF  }
0xaf: {  	[dreg:$0x0] =	wrdreg $0x60  }
0xb0: {  	[dreg:$0x2] =	wrdreg s2  }
0xb1: {  	[dreg:$0x3] =	wrdreg s18  }
0xb2: {  	[dreg:$0x4] =	wrdreg s4  }
0xb3: {  	[dreg:$0x5] =	wrdreg s24  }
0xb4: {  	[dreg:$0x6] =	wrdreg $0x9  }
0xb5: {  	_ =	task.clear_ibuf [dreg:s9], $0x7FFFF;
	_ =	strace $0x90000046  }
0xb6: {  	s29 =	simm.s32 $0x9;
	_ =	strace $0x80000048  }
0xb7: {  	_ =	swait.ge [sflag:s29], $0x1  }
0xb8: {  	[sflag:s29] =	ssyncadd.s32 $0xFFFFFFFF  }
0xb9: {  	_ =	strace $0x90000048  }
0xba: {  	_ =	sfence  }
0xbb: {  	s30 =	sld [smem:$0x0];
	_ =	sdelay $0x2  }
0xbc: {  	s31 =	sshll.u32 s1, $0xD;
	s1 =	sshrl.u32 s1, $0x2  }
0xbd: {  	s3 =	sand.u32 $0x4000, s31;
	s1 =	sadd.s32 s1, s30  }
0xbe: {  	s0 =	sor.u32 s3, s0;
	s1 =	sshll.u32 s1, $0x11  }
0xbf: {  	s0 =	sor.u32 s1, s0  }
0xc0: {  	s0 =	sadd.s32 $0x8F2B, s0  }
0xc1: {  	[sflag:s0] =	ssyncadd.remote.s32 $0x1  }
0xc2: {  	_ =	sfence.sel $0xFFFF  }
0xc3: {  	[dreg:$0x0] =	wrdreg $0xFFFFFFFF;
	(pc) =	sbr.abs _section_cstart, $3  }
0xc4: {  	[dreg:$0x1] =	wrdreg $0xFFFFFFFF  }
0xc5: {  	_ =	task.clear_ibuf [dreg:s9], $0x2FFFF;
	_ =	strace $0x9FFFFFFF  }
0xc6: {  	(tm) =	ssettm $0x7FFFFFFF  }
0xc7: {  	_ =	shalt  }
tec
execute0_lowered:
.L_overlay_start_1:
0x0: {  	(tag) =	ssettag $0x1  }
0x1: {  	s1 =	rddreg [dreg:$0x0]  }
0x2: {  	s2 =	rddreg [dreg:$0x1]  }
0x3: {  	s0 =	rddreg [dreg:$0x3];
	s5 =	simm.s32 $0x0;
	s3 =	srdreg.scid  }
0x4: {  	s4 =	stileid.u32;
	s15 =	simm.s32 $0x400;
	s19 =	simm.s32 $0x7A1400  }
0x5: {  	s20 =	simm.s32 $0x1000;
	s21 =	simm.s32 $0x2000;
	s22 =	simm.s32 $0x3000  }
0x6: {  	s23 =	simm.s32 $0x4000;
	s28 =	simm.s32 $0x2;
	s29 =	simm.s32 $0x1  }
0x7: {  	s30 =	simm.s32 $0x0;
	[smem:$0x7FF] =	sst s5;
	s3 =	sand.u32 $0x1, s3  }
0x8: {  	s6 =	sadd.s32 $0x1000, s0;
	s7 =	sadd.s32 $0x1200, s0;
	s9 =	sadd.s32 $0x3D1C00, s0  }
0x9: {  	v1 =	vimm.s32 $0x6B4A2908;
	s4 =	sshll.u32 s4, $0x1;
	s25 =	sadd.s32 $0x3D1A00, s0;
	s0 =	sadd.s32 $0x7A2400, s0  }
0xa: {  	v2 =	vimm.s32 $0x6F4E2D0C;
	v3 =	vimm.s32 $0x63422100;
	_ =	strace $0x80000047;
	s4 =	sor.u32 s3, s4;
	[dreg:$0x5] =	wrdreg s6  }
0xb: {  	v0 =	vlaneseq.u32;
	v4 =	vimm.s32 $0x67462504;
	v5 =	vimm.s32 $0x7B5A3918;
	s3 =	ssub.s32 $0x2, s3;
	[dreg:$0x6] =	wrdreg s25;
	s8 =	smul.u32 $0xF5, s4  }
0xc: {  	vm0 =	vcmask $0x1F10;
	v6 =	vimm.s32 $0x7F5E3D1C;
	v7 =	vimm.s32 $0x73523110;
	[dreg:$0x9] =	wrdreg s0;
	s25 =	simm.s32 $0x3;
	s24 =	smul.u32 $0x7A80, s4  }
0xd: {  	v8 =	vimm.s32 $0x77563514;
	v1 =	vunpack.c.0.s8.s32 v1;
	v2 =	vunpack.c.0.s8.s32 v2;
	s10 =	sshrl.u32 s3, $0x1;
	s12 =	smul.u32 $0x3D400, s4;
	p0 =	sne.s32 s4, $0x1F  }
.Ltmp0:
0xe: {  	v3 =	vunpack.c.0.s8.s32 v3;
	v4 =	vunpack.c.0.s8.s32 v4;
	v5 =	vunpack.c.0.s8.s32 v5;
	s3 =	ssub.s32 s3, s10;
	s11 =	smax.u32 s8, $0x1D8F;
	(pc) =	sbr.rel .LBB2_1-.Ltmp0, $4  }
0xf: {  	v6 =	vunpack.c.0.s8.s32 v6;
	v7 =	vunpack.c.0.s8.s32 v7;
	v8 =	vunpack.c.0.s8.s32 v8;
	s26 =	sadd.s32 s1, s24;
	s6 =	sadd.s32 s2, s24;
	s31 =	sshrl.u32 s12, $0x3  }
0x10: {  	v2 =	vsel vm0, v2, v1;
	v3 =	vsel vm0, v4, v3;
	v1 =	vmul.u32 $0x80, v0;
	s18 =	smax.u32 s3, $0x1;
	s24 =	simm.s32 $0x5000;
	[dreg:$0x7] =	wrdreg s26  }
0x11: {  	v4 =	vsel vm0, v6, v5;
	v5 =	vsel vm0, v8, v7;
	v2 =	vcombine.low v3, v2;
	s10 =	ssub.s32 $0x1E84, s11;
	[dreg:$0x8] =	wrdreg s6;
	s6 =	sadd.s32 $0x80, s31  }
0x12: {  	v4 =	vcombine.low v5, v4;
	v5 =	vor.u32 $0x10, v0;
	v3 =	vor.u32 $0x800, v1;
	s26 =	simm.s32 $0x4;
	s16 =	sadd.s32 s1, s6;
	s17 =	sadd.s32 s2, s6  }
.LBB2_18:
0x13: {  	_ =	swait.ge [sflag:s26], $0x1000  }
0x14: {  	[sflag:s26] =	ssyncset.done $0x0  }
0x15: {  	[sflag:s26] =	ssyncadd.s32 $0xFFFFF000  }
0x16: {  	_ =	swait.ge [sflag:s26], $0x1000  }
0x17: {  	[sflag:s26] =	ssyncset.done $0x0  }
0x18: {  	[sflag:s26] =	ssyncadd.s32 $0xFFFFF000  }
0x19: {  	_ =	swait.ge [sflag:s26], $0x1000  }
0x1a: {  	[sflag:s26] =	ssyncset.done $0x0  }
0x1b: {  	[sflag:s26] =	ssyncadd.s32 $0xFFFFF000  }
0x1c: {  	_ =	swait.ge [sflag:s26], $0x1000  }
0x1d: {  	[sflag:s26] =	ssyncset.done $0x0  }
0x1e: {  	[sflag:s26] =	ssyncadd.s32 $0xFFFFF000  }
0x1f: {  	_ =	swait.ge [sflag:s26], $0x1000  }
0x20: {  	[sflag:s26] =	ssyncset.done $0x0  }
0x21: {  	[sflag:s26] =	ssyncadd.s32 $0xFFFFF000  }
0x22: {  	_ =	swait.ge [sflag:s26], $0x1000  }
0x23: {  	[sflag:s26] =	ssyncset.done $0x0  }
0x24: {  	[sflag:s26] =	ssyncadd.s32 $0xFFFFF000  }
0x25: {  	s0 =	simm.s32 @!p0 $0x0;
	s3 =	rddreg [dreg:$0x2]  }
0x26: {  	[tilespmem:s0], [sflag:$0x5] =	stream.linear.gather @!p0 [hbm4b:s3+s0], $0x800, $0x38;
	[tilespmem:$0xC000] =	vst v63  }
0x27: {  	s3 =	simm.s32 @!p0 $0x5  }
0x28: {  	_ =	swait.ge @!p0 [sflag:s3], $0x800  }
0x29: {  	[sflag:s3] =	ssyncset.done @!p0 $0x0  }
0x2a: {  	s4 =	simm.s32 @!p0 $0x1000;
	s6 =	rddreg [dreg:$0x5];
	[sflag:s3] =	ssyncadd.s32 @!p0 $0xFFFFF800  }
0x2b: {  	[tilespmem:s4], [sflag:$0x5] =	stream.linear.gather @!p0 [hbm4b:s6+s0], $0x800, $0x38;
	[tilespmem:$0xC000] =	vst v63  }
0x2c: {  	_ =	swait.ge @!p0 [sflag:s3], $0x800  }
0x2d: {  	[sflag:s3] =	ssyncset.done @!p0 $0x0  }
0x2e: {  	s6 =	rddreg [dreg:$0x6];
	[sflag:s3] =	ssyncadd.s32 @!p0 $0xFFFFF800  }
0x2f: {  	[hbm4b:s6+s0] =	stream.linear.scatter @!p0 [tilespmem:s0], [sflag:$0x5], $0x800, $0x38;
	[tilespmem:$0xC000] =	vst v63  }
0x30: {  	s30 =	sadd.s32 $0x1, s30;
	_ =	swait.ge @!p0 [sflag:s3], $0x800  }
0x31: {  	p1 =	sne.s32 s30, s18;
	[sflag:s3] =	ssyncset.done @!p0 $0x0  }
.Ltmp1:
0x32: {  	s6 =	rddreg [dreg:$0x9];
	[sflag:s3] =	ssyncadd.s32 @!p0 $0xFFFFF800;
	(pc) =	sbr.rel @!p1 .LBB2_19-.Ltmp1, $4  }
0x33: {  	[hbm4b:s6+s0] =	stream.linear.scatter @!p0 [tilespmem:s4], [sflag:$0x5], $0x800, $0x38;
	[tilespmem:$0xC000] =	vst v63  }
0x34: {  	_ =	swait.ge @!p0 [sflag:s3], $0x800  }
0x35: {  	[sflag:s3] =	ssyncset.done @!p0 $0x0  }
0x36: {  	[sflag:s3] =	ssyncadd.s32 @!p0 $0xFFFFF800  }
.LBB2_1:
0x37: {  	s0 =	rddreg [dreg:$0x7]  }
0x38: {  	[tilespmem:s5], [sflag:$0x1] =	stream.strided.gather [hbm4b:s0+s15], $0x1000, s19, s15, $0x38;
	[tilespmem:$0xC000] =	vst v63  }
0x39: {  	s14 =	rddreg [dreg:$0x8]  }
0x3a: {  	[tilespmem:s20], [sflag:$0x1] =	stream.strided.gather [hbm4b:s14+s15], $0x1000, s19, s15, $0x38;
	[tilespmem:$0xC000] =	vst v63  }
.Ltmp2:
0x3b: {  	_ = 	snop;
	(pc) =	sbr.rel .LBB2_2-.Ltmp2, $4  }
0x3c: {  	_ = 	snop  }
0x3d: {  	[tilespmem:s21], [sflag:$0x2] =	stream.strided.gather [hbm4b:s16+s15], $0x1000, s19, s15, $0x38;
	[tilespmem:$0xC000] =	vst v63  }
0x3e: {  	s31 =	simm.s32 $0x0  }
0x3f: {  	[tilespmem:s22], [sflag:$0x2] =	stream.strided.gather [hbm4b:s17+s15], $0x1000, s19, s15, $0x38;
	[tilespmem:$0xC000] =	vst v63  }
.LBB2_17:
0x40: {  	s31 =	sadd.s32 $0x1, s31  }
0x41: {  	p1 =	sne.s32 s31, s10  }
.Ltmp3:
0x42: {  	s0 =	sshll.u32 s0, $0x9;
	(pc) =	sbr.rel @!p1 .LBB2_18-.Ltmp3, $4  }
0x43: {  	s6 =	sadd.s32 s7, s0  }
0x44: {  	[hbm4b:s6+s5] =	stream.linear.scatter [tilespmem:s3], [sflag:$0x4], $0x1000, $0x38;
	[tilespmem:$0xC000] =	vst v63  }
0x45: {  	s0 =	sadd.s32 s9, s0  }
0x46: {  	[hbm4b:s0+s5] =	stream.linear.scatter [tilespmem:s4], [sflag:$0x4], $0x1000, $0x38;
	[tilespmem:$0xC000] =	vst v63  }
.LBB2_2:
0x47: {  	s14 =	sadd.s32 $0x2, s31  }
0x48: {  	s0 =	smulhi.u32 $0xAAAAAAAB, s31;
	p1 =	sge.u32 s14, s10  }
.Ltmp4:
0x49: {  	_ = 	snop;
	(pc) =	sbr.rel @p1 .LBB2_6-.Ltmp4, $3  }
0x4a: {  	s0 =	sshrl.u32 s0, $0x1  }
0x4b: {  	s3 =	smul.u32 $0x3, s0;
	_ =	sdelay $0x1  }
0x4c: {  	s0 =	sadd.s32 s8, s31;
	s3 =	ssub.s32 s31, s3  }
0x4d: {  	p1 =	seq.s32 s3, $0x2  }
.Ltmp5:
0x4e: {  	_ = 	snop;
	(pc) =	sbr.rel @p1 .LBB2_5-.Ltmp5, $4  }
0x4f: {  	s4 =	sshll.u32 s0, $0x7  }
0x50: {  	s4 =	sand.u32 $0x1FFFFF80, s4  }
0x51: {  	s4 =	sadd.s32 $0x100, s4  }
0x52: {  	s6 =	sadd.s32 s1, s4;
	s4 =	sadd.s32 s2, s4  }
0x53: {  	p1 =	seq.s32 s3, $0x1  }
0x54: {  	[tilespmem:s5], [sflag:$0x1] =	stream.strided.gather @p1 [hbm4b:s6+s15], $0x1000, s19, s15, $0x38;
	[tilespmem:$0xC000] =	vst v63  }
0x55: {  	_ = 	snop  }
0x56: {  	[tilespmem:s20], [sflag:$0x1] =	stream.strided.gather @p1 [hbm4b:s4+s15], $0x1000, s19, s15, $0x38;
	[tilespmem:$0xC000] =	vst v63  }
.Ltmp6:
0x57: {  	_ = 	snop;
	(pc) =	sbr.rel .LBB2_6-.Ltmp6, $4  }
0x58: {  	_ = 	snop  }
0x59: {  	[tilespmem:s23], [sflag:$0x3] =	stream.strided.gather @!p1 [hbm4b:s6+s15], $0x1000, s19, s15, $0x38;
	[tilespmem:$0xC000] =	vst v63  }
0x5a: {  	_ = 	snop  }
0x5b: {  	[tilespmem:s24], [sflag:$0x3] =	stream.strided.gather @!p1 [hbm4b:s4+s15], $0x1000, s19, s15, $0x38;
	[tilespmem:$0xC000] =	vst v63  }
.LBB2_5:
0x5c: {  	[tilespmem:s21], [sflag:$0x2] =	stream.strided.gather [hbm4b:s6+s15], $0x1000, s19, s15, $0x38;
	[tilespmem:$0xC000] =	vst v63  }
0x5d: {  	_ = 	snop  }
0x5e: {  	[tilespmem:s22], [sflag:$0x2] =	stream.strided.gather [hbm4b:s4+s15], $0x1000, s19, s15, $0x38;
	[tilespmem:$0xC000] =	vst v63  }
.LBB2_6:
0x5f: {  	p1 =	slt.u32 s31, $0x3  }
0x60: {  	s4 =	simm.s32 @!p1 $0x4  }
0x61: {  	p2 =	seq.s32 s3, $0x2;
	_ =	swait.ge @!p1 [sflag:s4], $0x1000  }
.Ltmp7:
0x62: {  	[sflag:s4] =	ssyncset.done @!p1 $0x0;
	(pc) =	sbr.rel @p2 .LBB2_14-.Ltmp7, $4  }
0x63: {  	[sflag:s4] =	ssyncadd.s32 @!p1 $0xFFFFF000  }
0x64: {  	_ =	swait.ge @!p1 [sflag:s4], $0x1000  }
0x65: {  	[sflag:s4] =	ssyncset.done @!p1 $0x0  }
0x66: {  	[sflag:s4] =	ssyncadd.s32 @!p1 $0xFFFFF000  }
0x67: {  	p1 =	seq.s32 s3, $0x1  }
.Ltmp8:
0x68: {  	_ = 	snop;
	(pc) =	sbr.rel @!p1 .LBB2_8-.Ltmp8, $1  }
0x69: {  	_ =	sdelay $0x3  }
0x6a: {  	s3 =	simm.s32 $0x0  }
0x6b: {  	s11 =	sand.u32 $0xC, s3  }
0x6c: {  	v6 =	vadd.s32 s11, v0  }
0x6d: {  	s6 =	sand.u32 $0x70, s3;
	v6 =	vand.u32 $0xF, v6  }
0x6e: {  	_ =	swait.ge [sflag:s28], $0x1000;
	v6 =	vor.u32 s6, v6  }
0x6f: {  	[sflag:s28] =	ssyncset.done $0x0;
	v7 =	vor.u32 v1, v6  }
0x70: {  	[sflag:s28] =	ssyncadd.s32 $0xFFFFF000  }
0x71: {  	_ =	swait.ge [sflag:s28], $0x1000  }
0x72: {  	[sflag:s28] =	ssyncset.done $0x0;
	v8 =	vshll.u32 v6, $0x5  }
0x73: {  	[sflag:s28] =	ssyncadd.s32 $0xFFFFF000;
	v8 =	vand.u32 $0xF80, v8  }
0x74: {  	v10 =	vor.u32 v2, v8;
	v9 =	vld.idx.msk [tilespmem:v7+s21+$0x0], $0xffff;
	_ =	sdelay $0x3  }
0x75: {  	s3 =	simm.s32 $0x8000  }
0x76: {  	[tilespmem:v10+s3+$0x0] =	vst.idx.msk $0xffff, v9  }
0x77: {  	v7 =	vld.idx.msk [tilespmem:v7+s22+$0x0], $0xffff  }
0x78: {  	v6 =	vor.u32 v3, v6;
	_ =	sdelay $0x2  }
0x79: {  	s4 =	simm.s32 $0x9000  }
0x7a: {  	[tilespmem:v10+s4+$0x0] =	vst.idx.msk $0xffff, v7  }
0x7b: {  	v8 =	vor.u32 v4, v8;
	v7 =	vld.idx.msk [tilespmem:v6+s21+$0x0], $0xffff;
	_ =	sdelay $0x2  }
0x7c: {  	s12 =	sor.u32 $0x1, s11  }
0x7d: {  	v9 =	vadd.s32 s12, v0  }
0x7e: {  	[tilespmem:v8+s3+$0x0] =	vst.idx.msk $0xffff, v7;
	v7 =	vand.u32 $0xF, v9  }
0x7f: {  	v6 =	vld.idx.msk [tilespmem:v6+s22+$0x0], $0xffff;
	v7 =	vor.u32 s6, v7  }
0x80: {  	v10 =	vor.u32 v1, v7;
	_ =	sdelay $0x1  }
0x81: {  	v9 =	vshll.u32 v9, $0x5;
	v11 =	vshll.u32 v7, $0x5  }
0x82: {  	v9 =	vand.u32 $0x60, v9;
	v11 =	vand.u32 $0xF80, v11  }
0x83: {  	[tilespmem:v8+s4+$0x0] =	vst.idx.msk $0xffff, v6;
	v6 =	vor.u32 v9, v11  }
0x84: {  	v8 =	vld.idx.msk [tilespmem:v10+s21+$0x0], $0xffff;
	v9 =	vor.u32 v0, v6;
	_ =	sdelay $0x4  }
0x85: {  	[tilespmem:v9+s3+$0x0] =	vst.idx.msk $0xffff, v8  }
0x86: {  	v8 =	vld.idx.msk [tilespmem:v10+s22+$0x0], $0xffff  }
0x87: {  	v7 =	vor.u32 v3, v7;
	_ =	sdelay $0x3  }
0x88: {  	[tilespmem:v9+s4+$0x0] =	vst.idx.msk $0xffff, v8  }
0x89: {  	v6 =	vor.u32 v5, v6;
	v8 =	vld.idx.msk [tilespmem:v7+s21+$0x0], $0xffff;
	_ =	sdelay $0x2  }
0x8a: {  	s14 =	sor.u32 $0x2, s11  }
0x8b: {  	v9 =	vadd.s32 s14, v0  }
0x8c: {  	[tilespmem:v6+s3+$0x0] =	vst.idx.msk $0xffff, v8;
	v8 =	vand.u32 $0xF, v9  }
0x8d: {  	v7 =	vld.idx.msk [tilespmem:v7+s22+$0x0], $0xffff;
	v8 =	vor.u32 s6, v8  }
0x8e: {  	v10 =	vor.u32 v1, v8;
	_ =	sdelay $0x1  }
0x8f: {  	v9 =	vshll.u32 v9, $0x5;
	v11 =	vshll.u32 v8, $0x5  }
0x90: {  	v9 =	vand.u32 $0x60, v9;
	v11 =	vand.u32 $0xF80, v11  }
0x91: {  	[tilespmem:v6+s4+$0x0] =	vst.idx.msk $0xffff, v7;
	v6 =	vor.u32 v9, v11  }
0x92: {  	v7 =	vld.idx.msk [tilespmem:v10+s21+$0x0], $0xffff;
	v9 =	vor.u32 v0, v6;
	_ =	sdelay $0x4  }
0x93: {  	[tilespmem:v9+s3+$0x0] =	vst.idx.msk $0xffff, v7  }
0x94: {  	v7 =	vld.idx.msk [tilespmem:v10+s22+$0x0], $0xffff  }
0x95: {  	v8 =	vor.u32 v3, v8;
	_ =	sdelay $0x3  }
0x96: {  	[tilespmem:v9+s4+$0x0] =	vst.idx.msk $0xffff, v7  }
0x97: {  	v6 =	vor.u32 v5, v6;
	v7 =	vld.idx.msk [tilespmem:v8+s21+$0x0], $0xffff;
	_ =	sdelay $0x2  }
0x98: {  	s11 =	sor.u32 $0x3, s11  }
0x99: {  	v9 =	vadd.s32 s11, v0  }
0x9a: {  	[tilespmem:v6+s3+$0x0] =	vst.idx.msk $0xffff, v7;
	v7 =	vand.u32 $0xF, v9  }
0x9b: {  	v8 =	vld.idx.msk [tilespmem:v8+s22+$0x0], $0xffff;
	v7 =	vor.u32 s6, v7  }
0x9c: {  	v10 =	vor.u32 v1, v7;
	_ =	sdelay $0x1  }
0x9d: {  	v9 =	vshll.u32 v9, $0x5;
	v11 =	vshll.u32 v7, $0x5  }
0x9e: {  	v9 =	vand.u32 $0x60, v9;
	v11 =	vand.u32 $0xF80, v11  }
0x9f: {  	[tilespmem:v6+s4+$0x0] =	vst.idx.msk $0xffff, v8;
	v6 =	vor.u32 v9, v11  }
0xa0: {  	v8 =	vld.idx.msk [tilespmem:v10+s21+$0x0], $0xffff;
	v9 =	vor.u32 v0, v6;
	_ =	sdelay $0x4  }
0xa1: {  	[tilespmem:v9+s3+$0x0] =	vst.idx.msk $0xffff, v8  }
0xa2: {  	v8 =	vld.idx.msk [tilespmem:v10+s22+$0x0], $0xffff  }
0xa3: {  	v7 =	vor.u32 v3, v7;
	_ =	sdelay $0x3  }
0xa4: {  	[tilespmem:v9+s4+$0x0] =	vst.idx.msk $0xffff, v8  }
0xa5: {  	v6 =	vor.u32 v5, v6;
	v8 =	vld.idx.msk [tilespmem:v7+s21+$0x0], $0xffff;
	_ =	sdelay $0x2  }
0xa6: {  	s11 =	simm.s32 $0x4  }
0xa7: {  	s12 =	simm.s32 $0x8;
	s6 =	sand.u32 $0xC, s11  }
.LBB2_12:
0xa8: {  	p1 =	seq.s32 s12, $0x7C;
	v9 =	vadd.s32 s6, v0;
	[tilespmem:v6+s3+$0x0] =	vst.idx.msk $0xffff, v8  }
0xa9: {  	s13 =	sand.u32 $0x70, s11;
	s11 =	smov.u32 s12;
	v8 =	vand.u32 $0xF, v9;
	v7 =	vld.idx.msk [tilespmem:v7+s22+$0x0], $0xffff  }
0xaa: {  	v8 =	vor.u32 s13, v8  }
0xab: {  	v9 =	vor.u32 v1, v8;
	_ =	sdelay $0x3  }
0xac: {  	v10 =	vshll.u32 v8, $0x5;
	[tilespmem:v6+s4+$0x0] =	vst.idx.msk $0xffff, v7  }
0xad: {  	v7 =	vand.u32 $0xF80, v10;
	v6 =	vld.idx.msk [tilespmem:v9+s21+$0x0], $0xffff  }
0xae: {  	v10 =	vor.u32 v2, v7;
	_ =	sdelay $0x4  }
0xaf: {  	[tilespmem:v10+s3+$0x0] =	vst.idx.msk $0xffff, v6  }
0xb0: {  	v6 =	vld.idx.msk [tilespmem:v9+s22+$0x0], $0xffff;
	_ =	sdelay $0x1  }
0xb1: {  	v8 =	vor.u32 v3, v8;
	_ =	sdelay $0x3  }
0xb2: {  	[tilespmem:v10+s4+$0x0] =	vst.idx.msk $0xffff, v6  }
0xb3: {  	v6 =	vld.idx.msk [tilespmem:v8+s21+$0x0], $0xffff  }
0xb4: {  	v7 =	vor.u32 v4, v7;
	_ =	sdelay $0x3  }
0xb5: {  	s14 =	sor.u32 $0x1, s6  }
0xb6: {  	[tilespmem:v7+s3+$0x0] =	vst.idx.msk $0xffff, v6;
	v6 =	vadd.s32 s14, v0  }
0xb7: {  	v8 =	vld.idx.msk [tilespmem:v8+s22+$0x0], $0xffff;
	v9 =	vand.u32 $0xF, v6  }
0xb8: {  	v9 =	vor.u32 s13, v9  }
0xb9: {  	v10 =	vor.u32 v1, v9;
	_ =	sdelay $0x2  }
0xba: {  	v6 =	vshll.u32 v6, $0x5;
	v11 =	vshll.u32 v9, $0x5  }
0xbb: {  	v6 =	vand.u32 $0x60, v6;
	[tilespmem:v7+s4+$0x0] =	vst.idx.msk $0xffff, v8;
	v7 =	vand.u32 $0xF80, v11  }
0xbc: {  	v8 =	vld.idx.msk [tilespmem:v10+s21+$0x0], $0xffff;
	v6 =	vor.u32 v6, v7  }
0xbd: {  	v7 =	vor.u32 v0, v6;
	_ =	sdelay $0x4  }
0xbe: {  	[tilespmem:v7+s3+$0x0] =	vst.idx.msk $0xffff, v8  }
0xbf: {  	v8 =	vld.idx.msk [tilespmem:v10+s22+$0x0], $0xffff;
	_ =	sdelay $0x1  }
0xc0: {  	v9 =	vor.u32 v3, v9;
	_ =	sdelay $0x3  }
0xc1: {  	[tilespmem:v7+s4+$0x0] =	vst.idx.msk $0xffff, v8  }
0xc2: {  	v7 =	vld.idx.msk [tilespmem:v9+s21+$0x0], $0xffff  }
0xc3: {  	v6 =	vor.u32 v5, v6;
	_ =	sdelay $0x3  }
0xc4: {  	s14 =	sor.u32 $0x2, s6  }
0xc5: {  	[tilespmem:v6+s3+$0x0] =	vst.idx.msk $0xffff, v7;
	v7 =	vadd.s32 s14, v0  }
0xc6: {  	v8 =	vld.idx.msk [tilespmem:v9+s22+$0x0], $0xffff;
	v9 =	vand.u32 $0xF, v7  }
0xc7: {  	v9 =	vor.u32 s13, v9  }
0xc8: {  	v10 =	vor.u32 v1, v9;
	_ =	sdelay $0x2  }
0xc9: {  	v7 =	vshll.u32 v7, $0x5;
	v11 =	vshll.u32 v9, $0x5  }
0xca: {  	[tilespmem:v6+s4+$0x0] =	vst.idx.msk $0xffff, v8;
	v6 =	vand.u32 $0x60, v7;
	v7 =	vand.u32 $0xF80, v11  }
0xcb: {  	v8 =	vld.idx.msk [tilespmem:v10+s21+$0x0], $0xffff;
	v6 =	vor.u32 v6, v7  }
0xcc: {  	v7 =	vor.u32 v0, v6;
	_ =	sdelay $0x4  }
0xcd: {  	[tilespmem:v7+s3+$0x0] =	vst.idx.msk $0xffff, v8  }
0xce: {  	v8 =	vld.idx.msk [tilespmem:v10+s22+$0x0], $0xffff;
	_ =	sdelay $0x1  }
0xcf: {  	v9 =	vor.u32 v3, v9;
	_ =	sdelay $0x3  }
0xd0: {  	[tilespmem:v7+s4+$0x0] =	vst.idx.msk $0xffff, v8  }
0xd1: {  	v7 =	vld.idx.msk [tilespmem:v9+s21+$0x0], $0xffff  }
0xd2: {  	v6 =	vor.u32 v5, v6;
	_ =	sdelay $0x3  }
0xd3: {  	s6 =	sor.u32 $0x3, s6  }
0xd4: {  	[tilespmem:v6+s3+$0x0] =	vst.idx.msk $0xffff, v7;
	v7 =	vadd.s32 s6, v0  }
0xd5: {  	v8 =	vld.idx.msk [tilespmem:v9+s22+$0x0], $0xffff;
	v9 =	vand.u32 $0xF, v7  }
0xd6: {  	v9 =	vor.u32 s13, v9  }
0xd7: {  	v10 =	vor.u32 v1, v9;
	_ =	sdelay $0x2  }
0xd8: {  	v7 =	vshll.u32 v7, $0x5;
	v11 =	vshll.u32 v9, $0x5  }
0xd9: {  	[tilespmem:v6+s4+$0x0] =	vst.idx.msk $0xffff, v8;
	v6 =	vand.u32 $0x60, v7;
	v7 =	vand.u32 $0xF80, v11  }
0xda: {  	v8 =	vld.idx.msk [tilespmem:v10+s21+$0x0], $0xffff;
	v6 =	vor.u32 v6, v7  }
0xdb: {  	v11 =	vor.u32 v0, v6;
	_ =	sdelay $0x4  }
0xdc: {  	[tilespmem:v11+s3+$0x0] =	vst.idx.msk $0xffff, v8  }
0xdd: {  	v8 =	vld.idx.msk [tilespmem:v10+s22+$0x0], $0xffff;
	_ =	sdelay $0x1  }
0xde: {  	v7 =	vor.u32 v3, v9;
	_ =	sdelay $0x3  }
0xdf: {  	[tilespmem:v11+s4+$0x0] =	vst.idx.msk $0xffff, v8  }
0xe0: {  	v8 =	vld.idx.msk [tilespmem:v7+s21+$0x0], $0xffff  }
.Ltmp9:
0xe1: {  	v6 =	vor.u32 v5, v6;
	(pc) =	sbr.rel @!p1 .LBB2_12-.Ltmp9, $2  }
0xe2: {  	_ =	sdelay $0x2  }
0xe3: {  	s12 =	sadd.s32 $0x4, s12;
	s6 =	sand.u32 $0xC, s11  }
0xe4: {  	_ =	sdelay $0x2  }
0xe5: {  	v9 =	vadd.s32 s6, v0  }
0xe6: {  	[tilespmem:v6+s3+$0x0] =	vst.idx.msk $0xffff, v8;
	s11 =	sand.u32 $0x70, s11;
	v53 =	vand.u32 $0xF, v9  }
0xe7: {  	v7 =	vld.idx.msk [tilespmem:v7+s22+$0x0], $0xffff;
	v8 =	vor.u32 s11, v53  }
0xe8: {  	v54 =	vor.u32 v1, v8;
	_ =	sdelay $0x2  }
0xe9: {  	v10 =	vshll.u32 v8, $0x5  }
0xea: {  	[tilespmem:v6+s4+$0x0] =	vst.idx.msk $0xffff, v7;
	v6 =	vand.u32 $0xF80, v10  }
0xeb: {  	v10 =	vor.u32 v2, v6;
	v7 =	vld.idx.msk [tilespmem:v54+s21+$0x0], $0xffff;
	_ =	sdelay $0x3  }
0xec: {  	s3 =	simm.s32 $0x8000  }
0xed: {  	[tilespmem:v10+s3+$0x0] =	vst.idx.msk $0xffff, v7  }
0xee: {  	v7 =	vld.idx.msk [tilespmem:v54+s22+$0x0], $0xffff  }
0xef: {  	v8 =	vor.u32 v3, v8;
	_ =	sdelay $0x2  }
0xf0: {  	s4 =	simm.s32 $0x9000  }
0xf1: {  	[tilespmem:v10+s4+$0x0] =	vst.idx.msk $0xffff, v7  }
0xf2: {  	v6 =	vor.u32 v4, v6;
	v7 =	vld.idx.msk [tilespmem:v8+s21+$0x0], $0xffff;
	_ =	sdelay $0x2  }
0xf3: {  	s12 =	sor.u32 $0x1, s6  }
0xf4: {  	v55 =	vadd.s32 s12, v0  }
0xf5: {  	[tilespmem:v6+s3+$0x0] =	vst.idx.msk $0xffff, v7;
	v7 =	vand.u32 $0xF, v55  }
0xf6: {  	v8 =	vld.idx.msk [tilespmem:v8+s22+$0x0], $0xffff;
	v7 =	vor.u32 s11, v7  }
0xf7: {  	v56 =	vor.u32 v1, v7;
	_ =	sdelay $0x1  }
0xf8: {  	v9 =	vshll.u32 v55, $0x5;
	v11 =	vshll.u32 v7, $0x5  }
0xf9: {  	v9 =	vand.u32 $0x60, v9;
	v11 =	vand.u32 $0xF80, v11  }
0xfa: {  	[tilespmem:v6+s4+$0x0] =	vst.idx.msk $0xffff, v8;
	v6 =	vor.u32 v9, v11  }
0xfb: {  	v8 =	vld.idx.msk [tilespmem:v56+s21+$0x0], $0xffff;
	v9 =	vor.u32 v0, v6;
	_ =	sdelay $0x4  }
0xfc: {  	[tilespmem:v9+s3+$0x0] =	vst.idx.msk $0xffff, v8  }
0xfd: {  	v8 =	vld.idx.msk [tilespmem:v56+s22+$0x0], $0xffff  }
0xfe: {  	v7 =	vor.u32 v3, v7;
	_ =	sdelay $0x3  }
0xff: {  	[tilespmem:v9+s4+$0x0] =	vst.idx.msk $0xffff, v8  }
0x100: {  	v6 =	vor.u32 v5, v6;
	v8 =	vld.idx.msk [tilespmem:v7+s21+$0x0], $0xffff;
	_ =	sdelay $0x2  }
0x101: {  	s13 =	sor.u32 $0x2, s6  }
0x102: {  	v57 =	vadd.s32 s13, v0  }
0x103: {  	v58 =	vand.u32 $0xF, v57;
	[tilespmem:v6+s3+$0x0] =	vst.idx.msk $0xffff, v8  }
0x104: {  	v8 =	vor.u32 s11, v58;
	v7 =	vld.idx.msk [tilespmem:v7+s22+$0x0], $0xffff  }
0x105: {  	v59 =	vor.u32 v1, v8;
	_ =	sdelay $0x1  }
0x106: {  	v9 =	vshll.u32 v57, $0x5;
	v60 =	vshll.u32 v8, $0x5  }
0x107: {  	v9 =	vand.u32 $0x60, v9;
	v11 =	vand.u32 $0xF80, v60  }
0x108: {  	[tilespmem:v6+s4+$0x0] =	vst.idx.msk $0xffff, v7;
	v6 =	vor.u32 v9, v11  }
0x109: {  	v7 =	vld.idx.msk [tilespmem:v59+s21+$0x0], $0xffff;
	v9 =	vor.u32 v0, v6;
	_ =	sdelay $0x4  }
0x10a: {  	[tilespmem:v9+s3+$0x0] =	vst.idx.msk $0xffff, v7  }
0x10b: {  	v7 =	vld.idx.msk [tilespmem:v59+s22+$0x0], $0xffff  }
0x10c: {  	v8 =	vor.u32 v3, v8;
	_ =	sdelay $0x3  }
0x10d: {  	[tilespmem:v9+s4+$0x0] =	vst.idx.msk $0xffff, v7  }
0x10e: {  	v6 =	vor.u32 v5, v6;
	v7 =	vld.idx.msk [tilespmem:v8+s21+$0x0], $0xffff;
	_ =	sdelay $0x2  }
0x10f: {  	s14 =	sor.u32 $0x3, s6  }
0x110: {  	v61 =	vadd.s32 s14, v0  }
0x111: {  	[tilespmem:v6+s3+$0x0] =	vst.idx.msk $0xffff, v7;
	v7 =	vand.u32 $0xF, v61  }
0x112: {  	v8 =	vld.idx.msk [tilespmem:v8+s22+$0x0], $0xffff;
	v7 =	vor.u32 s11, v7  }
0x113: {  	v62 =	vor.u32 v1, v7;
	_ =	sdelay $0x1  }
0x114: {  	v9 =	vshll.u32 v61, $0x5;
	v63 =	vshll.u32 v7, $0x5  }
0x115: {  	v9 =	vand.u32 $0x60, v9;
	v11 =	vand.u32 $0xF80, v63  }
0x116: {  	[tilespmem:v6+s4+$0x0] =	vst.idx.msk $0xffff, v8;
	v6 =	vor.u32 v9, v11  }
0x117: {  	v8 =	vld.idx.msk [tilespmem:v62+s21+$0x0], $0xffff;
	v9 =	vor.u32 v0, v6;
	_ =	sdelay $0x4  }
0x118: {  	[tilespmem:v9+s3+$0x0] =	vst.idx.msk $0xffff, v8  }
0x119: {  	v8 =	vld.idx.msk [tilespmem:v62+s22+$0x0], $0xffff  }
0x11a: {  	v7 =	vor.u32 v3, v7;
	_ =	sdelay $0x3  }
0x11b: {  	[tilespmem:v9+s4+$0x0] =	vst.idx.msk $0xffff, v8  }
0x11c: {  	v6 =	vor.u32 v5, v6;
	v8 =	vld.idx.msk [tilespmem:v7+s21+$0x0], $0xffff;
	_ =	sdelay $0x4  }
0x11d: {  	[tilespmem:v6+s3+$0x0] =	vst.idx.msk $0xffff, v8  }
0x11e: {  	v7 =	vld.idx.msk [tilespmem:v7+s22+$0x0], $0xffff  }
.Ltmp10:
0x11f: {  	_ = 	snop;
	(pc) =	sbr.rel .LBB2_17-.Ltmp10, $2  }
0x120: {  	_ =	sdelay $0x2  }
0x121: {  	[tilespmem:v6+s4+$0x0] =	vst.idx.msk $0xffff, v7  }
.LBB2_14:
0x122: {  	s3 =	simm.s32 $0x0  }
0x123: {  	s11 =	sand.u32 $0xC, s3  }
0x124: {  	v6 =	vadd.s32 s11, v0  }
0x125: {  	s6 =	sand.u32 $0x70, s3;
	v6 =	vand.u32 $0xF, v6  }
0x126: {  	_ =	swait.ge [sflag:s25], $0x1000;
	v6 =	vor.u32 s6, v6  }
0x127: {  	[sflag:s25] =	ssyncset.done $0x0;
	v7 =	vor.u32 v1, v6  }
0x128: {  	[sflag:s25] =	ssyncadd.s32 $0xFFFFF000  }
0x129: {  	_ =	swait.ge [sflag:s25], $0x1000  }
0x12a: {  	[sflag:s25] =	ssyncset.done $0x0;
	v8 =	vshll.u32 v6, $0x5  }
0x12b: {  	[sflag:s25] =	ssyncadd.s32 $0xFFFFF000;
	v8 =	vand.u32 $0xF80, v8  }
0x12c: {  	v10 =	vor.u32 v2, v8;
	v9 =	vld.idx.msk [tilespmem:v7+s23+$0x0], $0xffff;
	_ =	sdelay $0x3  }
0x12d: {  	s3 =	simm.s32 $0xA000  }
0x12e: {  	[tilespmem:v10+s3+$0x0] =	vst.idx.msk $0xffff, v9  }
0x12f: {  	v7 =	vld.idx.msk [tilespmem:v7+s24+$0x0], $0xffff  }
0x130: {  	v6 =	vor.u32 v3, v6;
	_ =	sdelay $0x2  }
0x131: {  	s4 =	simm.s32 $0xB000  }
0x132: {  	[tilespmem:v10+s4+$0x0] =	vst.idx.msk $0xffff, v7  }
0x133: {  	v8 =	vor.u32 v4, v8;
	v7 =	vld.idx.msk [tilespmem:v6+s23+$0x0], $0xffff;
	_ =	sdelay $0x2  }
0x134: {  	s12 =	sor.u32 $0x1, s11  }
0x135: {  	v9 =	vadd.s32 s12, v0  }
0x136: {  	[tilespmem:v8+s3+$0x0] =	vst.idx.msk $0xffff, v7;
	v7 =	vand.u32 $0xF, v9  }
0x137: {  	v6 =	vld.idx.msk [tilespmem:v6+s24+$0x0], $0xffff;
	v7 =	vor.u32 s6, v7  }
0x138: {  	v10 =	vor.u32 v1, v7;
	_ =	sdelay $0x1  }
0x139: {  	v9 =	vshll.u32 v9, $0x5;
	v11 =	vshll.u32 v7, $0x5  }
0x13a: {  	v9 =	vand.u32 $0x60, v9;
	v11 =	vand.u32 $0xF80, v11  }
0x13b: {  	[tilespmem:v8+s4+$0x0] =	vst.idx.msk $0xffff, v6;
	v6 =	vor.u32 v9, v11  }
0x13c: {  	v8 =	vld.idx.msk [tilespmem:v10+s23+$0x0], $0xffff;
	v9 =	vor.u32 v0, v6;
	_ =	sdelay $0x4  }
0x13d: {  	[tilespmem:v9+s3+$0x0] =	vst.idx.msk $0xffff, v8  }
0x13e: {  	v8 =	vld.idx.msk [tilespmem:v10+s24+$0x0], $0xffff  }
0x13f: {  	v7 =	vor.u32 v3, v7;
	_ =	sdelay $0x3  }
0x140: {  	[tilespmem:v9+s4+$0x0] =	vst.idx.msk $0xffff, v8  }
0x141: {  	v6 =	vor.u32 v5, v6;
	v8 =	vld.idx.msk [tilespmem:v7+s23+$0x0], $0xffff;
	_ =	sdelay $0x2  }
0x142: {  	s14 =	sor.u32 $0x2, s11  }
0x143: {  	v9 =	vadd.s32 s14, v0  }
0x144: {  	[tilespmem:v6+s3+$0x0] =	vst.idx.msk $0xffff, v8;
	v8 =	vand.u32 $0xF, v9  }
0x145: {  	v7 =	vld.idx.msk [tilespmem:v7+s24+$0x0], $0xffff;
	v8 =	vor.u32 s6, v8  }
0x146: {  	v10 =	vor.u32 v1, v8;
	_ =	sdelay $0x1  }
0x147: {  	v9 =	vshll.u32 v9, $0x5;
	v11 =	vshll.u32 v8, $0x5  }
0x148: {  	v9 =	vand.u32 $0x60, v9;
	v11 =	vand.u32 $0xF80, v11  }
0x149: {  	[tilespmem:v6+s4+$0x0] =	vst.idx.msk $0xffff, v7;
	v6 =	vor.u32 v9, v11  }
0x14a: {  	v7 =	vld.idx.msk [tilespmem:v10+s23+$0x0], $0xffff;
	v9 =	vor.u32 v0, v6;
	_ =	sdelay $0x4  }
0x14b: {  	[tilespmem:v9+s3+$0x0] =	vst.idx.msk $0xffff, v7  }
0x14c: {  	v7 =	vld.idx.msk [tilespmem:v10+s24+$0x0], $0xffff  }
0x14d: {  	v8 =	vor.u32 v3, v8;
	_ =	sdelay $0x3  }
0x14e: {  	[tilespmem:v9+s4+$0x0] =	vst.idx.msk $0xffff, v7  }
0x14f: {  	v6 =	vor.u32 v5, v6;
	v7 =	vld.idx.msk [tilespmem:v8+s23+$0x0], $0xffff;
	_ =	sdelay $0x2  }
0x150: {  	s11 =	sor.u32 $0x3, s11  }
0x151: {  	v9 =	vadd.s32 s11, v0  }
0x152: {  	[tilespmem:v6+s3+$0x0] =	vst.idx.msk $0xffff, v7;
	v7 =	vand.u32 $0xF, v9  }
0x153: {  	v8 =	vld.idx.msk [tilespmem:v8+s24+$0x0], $0xffff;
	v7 =	vor.u32 s6, v7  }
0x154: {  	v10 =	vor.u32 v1, v7;
	_ =	sdelay $0x1  }
0x155: {  	v9 =	vshll.u32 v9, $0x5;
	v11 =	vshll.u32 v7, $0x5  }
0x156: {  	v9 =	vand.u32 $0x60, v9;
	v11 =	vand.u32 $0xF80, v11  }
0x157: {  	[tilespmem:v6+s4+$0x0] =	vst.idx.msk $0xffff, v8;
	v6 =	vor.u32 v9, v11  }
0x158: {  	v8 =	vld.idx.msk [tilespmem:v10+s23+$0x0], $0xffff;
	v9 =	vor.u32 v0, v6;
	_ =	sdelay $0x4  }
0x159: {  	[tilespmem:v9+s3+$0x0] =	vst.idx.msk $0xffff, v8  }
0x15a: {  	v8 =	vld.idx.msk [tilespmem:v10+s24+$0x0], $0xffff  }
0x15b: {  	v7 =	vor.u32 v3, v7;
	_ =	sdelay $0x3  }
0x15c: {  	[tilespmem:v9+s4+$0x0] =	vst.idx.msk $0xffff, v8  }
0x15d: {  	v6 =	vor.u32 v5, v6;
	v8 =	vld.idx.msk [tilespmem:v7+s23+$0x0], $0xffff;
	_ =	sdelay $0x2  }
0x15e: {  	s11 =	simm.s32 $0x4  }
0x15f: {  	s12 =	simm.s32 $0x8;
	s6 =	sand.u32 $0xC, s11  }
.LBB2_15:
0x160: {  	p1 =	sne.s32 s12, $0x7C;
	v9 =	vadd.s32 s6, v0;
	[tilespmem:v6+s3+$0x0] =	vst.idx.msk $0xffff, v8  }
0x161: {  	s13 =	sand.u32 $0x70, s11;
	s11 =	smov.u32 s12;
	v8 =	vand.u32 $0xF, v9;
	v7 =	vld.idx.msk [tilespmem:v7+s24+$0x0], $0xffff  }
0x162: {  	v8 =	vor.u32 s13, v8  }
0x163: {  	v9 =	vor.u32 v1, v8;
	_ =	sdelay $0x3  }
0x164: {  	v10 =	vshll.u32 v8, $0x5;
	[tilespmem:v6+s4+$0x0] =	vst.idx.msk $0xffff, v7  }
0x165: {  	v7 =	vand.u32 $0xF80, v10;
	v6 =	vld.idx.msk [tilespmem:v9+s23+$0x0], $0xffff  }
0x166: {  	v10 =	vor.u32 v2, v7;
	_ =	sdelay $0x4  }
0x167: {  	[tilespmem:v10+s3+$0x0] =	vst.idx.msk $0xffff, v6  }
0x168: {  	v6 =	vld.idx.msk [tilespmem:v9+s24+$0x0], $0xffff;
	_ =	sdelay $0x1  }
0x169: {  	v8 =	vor.u32 v3, v8;
	_ =	sdelay $0x3  }
0x16a: {  	[tilespmem:v10+s4+$0x0] =	vst.idx.msk $0xffff, v6  }
0x16b: {  	v6 =	vld.idx.msk [tilespmem:v8+s23+$0x0], $0xffff  }
0x16c: {  	v7 =	vor.u32 v4, v7;
	_ =	sdelay $0x3  }
0x16d: {  	s14 =	sor.u32 $0x1, s6  }
0x16e: {  	[tilespmem:v7+s3+$0x0] =	vst.idx.msk $0xffff, v6;
	v6 =	vadd.s32 s14, v0  }
0x16f: {  	v8 =	vld.idx.msk [tilespmem:v8+s24+$0x0], $0xffff;
	v9 =	vand.u32 $0xF, v6  }
0x170: {  	v9 =	vor.u32 s13, v9  }
0x171: {  	v10 =	vor.u32 v1, v9;
	_ =	sdelay $0x2  }
0x172: {  	v6 =	vshll.u32 v6, $0x5;
	v11 =	vshll.u32 v9, $0x5  }
0x173: {  	v6 =	vand.u32 $0x60, v6;
	[tilespmem:v7+s4+$0x0] =	vst.idx.msk $0xffff, v8;
	v7 =	vand.u32 $0xF80, v11  }
0x174: {  	v8 =	vld.idx.msk [tilespmem:v10+s23+$0x0], $0xffff;
	v6 =	vor.u32 v6, v7  }
0x175: {  	v7 =	vor.u32 v0, v6;
	_ =	sdelay $0x4  }
0x176: {  	[tilespmem:v7+s3+$0x0] =	vst.idx.msk $0xffff, v8  }
0x177: {  	v8 =	vld.idx.msk [tilespmem:v10+s24+$0x0], $0xffff;
	_ =	sdelay $0x1  }
0x178: {  	v9 =	vor.u32 v3, v9;
	_ =	sdelay $0x3  }
0x179: {  	[tilespmem:v7+s4+$0x0] =	vst.idx.msk $0xffff, v8  }
0x17a: {  	v7 =	vld.idx.msk [tilespmem:v9+s23+$0x0], $0xffff  }
0x17b: {  	v6 =	vor.u32 v5, v6;
	_ =	sdelay $0x3  }
0x17c: {  	s14 =	sor.u32 $0x2, s6  }
0x17d: {  	[tilespmem:v6+s3+$0x0] =	vst.idx.msk $0xffff, v7;
	v7 =	vadd.s32 s14, v0  }
0x17e: {  	v8 =	vld.idx.msk [tilespmem:v9+s24+$0x0], $0xffff;
	v9 =	vand.u32 $0xF, v7  }
0x17f: {  	v9 =	vor.u32 s13, v9  }
0x180: {  	v10 =	vor.u32 v1, v9;
	_ =	sdelay $0x2  }
0x181: {  	v7 =	vshll.u32 v7, $0x5;
	v11 =	vshll.u32 v9, $0x5  }
0x182: {  	[tilespmem:v6+s4+$0x0] =	vst.idx.msk $0xffff, v8;
	v6 =	vand.u32 $0x60, v7;
	v7 =	vand.u32 $0xF80, v11  }
0x183: {  	v8 =	vld.idx.msk [tilespmem:v10+s23+$0x0], $0xffff;
	v6 =	vor.u32 v6, v7  }
0x184: {  	v7 =	vor.u32 v0, v6;
	_ =	sdelay $0x4  }
0x185: {  	[tilespmem:v7+s3+$0x0] =	vst.idx.msk $0xffff, v8  }
0x186: {  	v8 =	vld.idx.msk [tilespmem:v10+s24+$0x0], $0xffff;
	_ =	sdelay $0x1  }
0x187: {  	v9 =	vor.u32 v3, v9;
	_ =	sdelay $0x3  }
0x188: {  	[tilespmem:v7+s4+$0x0] =	vst.idx.msk $0xffff, v8  }
0x189: {  	v7 =	vld.idx.msk [tilespmem:v9+s23+$0x0], $0xffff  }
0x18a: {  	v6 =	vor.u32 v5, v6;
	_ =	sdelay $0x3  }
0x18b: {  	s6 =	sor.u32 $0x3, s6  }
0x18c: {  	[tilespmem:v6+s3+$0x0] =	vst.idx.msk $0xffff, v7;
	v7 =	vadd.s32 s6, v0  }
0x18d: {  	v8 =	vld.idx.msk [tilespmem:v9+s24+$0x0], $0xffff;
	v9 =	vand.u32 $0xF, v7  }
0x18e: {  	v9 =	vor.u32 s13, v9  }
0x18f: {  	v10 =	vor.u32 v1, v9;
	_ =	sdelay $0x2  }
0x190: {  	v7 =	vshll.u32 v7, $0x5;
	v11 =	vshll.u32 v9, $0x5  }
0x191: {  	[tilespmem:v6+s4+$0x0] =	vst.idx.msk $0xffff, v8;
	v6 =	vand.u32 $0x60, v7;
	v7 =	vand.u32 $0xF80, v11  }
0x192: {  	v8 =	vld.idx.msk [tilespmem:v10+s23+$0x0], $0xffff;
	v6 =	vor.u32 v6, v7  }
0x193: {  	v11 =	vor.u32 v0, v6;
	_ =	sdelay $0x4  }
0x194: {  	[tilespmem:v11+s3+$0x0] =	vst.idx.msk $0xffff, v8  }
0x195: {  	v8 =	vld.idx.msk [tilespmem:v10+s24+$0x0], $0xffff;
	_ =	sdelay $0x1  }
0x196: {  	v7 =	vor.u32 v3, v9;
	_ =	sdelay $0x3  }
0x197: {  	[tilespmem:v11+s4+$0x0] =	vst.idx.msk $0xffff, v8  }
0x198: {  	v8 =	vld.idx.msk [tilespmem:v7+s23+$0x0], $0xffff  }
.Ltmp11:
0x199: {  	v6 =	vor.u32 v5, v6;
	(pc) =	sbr.rel @p1 .LBB2_15-.Ltmp11, $2  }
0x19a: {  	_ =	sdelay $0x2  }
0x19b: {  	s12 =	sadd.s32 $0x4, s12;
	s6 =	sand.u32 $0xC, s11  }
0x19c: {  	_ =	sdelay $0x2  }
0x19d: {  	v9 =	vadd.s32 s6, v0  }
0x19e: {  	[tilespmem:v6+s3+$0x0] =	vst.idx.msk $0xffff, v8;
	s11 =	sand.u32 $0x70, s11;
	v53 =	vand.u32 $0xF, v9  }
0x19f: {  	v7 =	vld.idx.msk [tilespmem:v7+s24+$0x0], $0xffff;
	v8 =	vor.u32 s11, v53  }
0x1a0: {  	v54 =	vor.u32 v1, v8;
	_ =	sdelay $0x2  }
0x1a1: {  	v10 =	vshll.u32 v8, $0x5  }
0x1a2: {  	[tilespmem:v6+s4+$0x0] =	vst.idx.msk $0xffff, v7;
	v6 =	vand.u32 $0xF80, v10  }
0x1a3: {  	v10 =	vor.u32 v2, v6;
	v7 =	vld.idx.msk [tilespmem:v54+s23+$0x0], $0xffff;
	_ =	sdelay $0x3  }
0x1a4: {  	s3 =	simm.s32 $0xA000  }
0x1a5: {  	[tilespmem:v10+s3+$0x0] =	vst.idx.msk $0xffff, v7  }
0x1a6: {  	v7 =	vld.idx.msk [tilespmem:v54+s24+$0x0], $0xffff  }
0x1a7: {  	v8 =	vor.u32 v3, v8;
	_ =	sdelay $0x2  }
0x1a8: {  	s4 =	simm.s32 $0xB000  }
0x1a9: {  	[tilespmem:v10+s4+$0x0] =	vst.idx.msk $0xffff, v7  }
0x1aa: {  	v6 =	vor.u32 v4, v6;
	v7 =	vld.idx.msk [tilespmem:v8+s23+$0x0], $0xffff;
	_ =	sdelay $0x2  }
0x1ab: {  	s12 =	sor.u32 $0x1, s6  }
0x1ac: {  	v55 =	vadd.s32 s12, v0  }
0x1ad: {  	[tilespmem:v6+s3+$0x0] =	vst.idx.msk $0xffff, v7;
	v7 =	vand.u32 $0xF, v55  }
0x1ae: {  	v8 =	vld.idx.msk [tilespmem:v8+s24+$0x0], $0xffff;
	v7 =	vor.u32 s11, v7  }
0x1af: {  	v56 =	vor.u32 v1, v7;
	_ =	sdelay $0x1  }
0x1b0: {  	v9 =	vshll.u32 v55, $0x5;
	v11 =	vshll.u32 v7, $0x5  }
0x1b1: {  	v9 =	vand.u32 $0x60, v9;
	v11 =	vand.u32 $0xF80, v11  }
0x1b2: {  	[tilespmem:v6+s4+$0x0] =	vst.idx.msk $0xffff, v8;
	v6 =	vor.u32 v9, v11  }
0x1b3: {  	v8 =	vld.idx.msk [tilespmem:v56+s23+$0x0], $0xffff;
	v9 =	vor.u32 v0, v6;
	_ =	sdelay $0x4  }
0x1b4: {  	[tilespmem:v9+s3+$0x0] =	vst.idx.msk $0xffff, v8  }
0x1b5: {  	v8 =	vld.idx.msk [tilespmem:v56+s24+$0x0], $0xffff  }
0x1b6: {  	v7 =	vor.u32 v3, v7;
	_ =	sdelay $0x3  }
0x1b7: {  	[tilespmem:v9+s4+$0x0] =	vst.idx.msk $0xffff, v8  }
0x1b8: {  	v6 =	vor.u32 v5, v6;
	v8 =	vld.idx.msk [tilespmem:v7+s23+$0x0], $0xffff;
	_ =	sdelay $0x2  }
0x1b9: {  	s13 =	sor.u32 $0x2, s6  }
0x1ba: {  	v57 =	vadd.s32 s13, v0  }
0x1bb: {  	v58 =	vand.u32 $0xF, v57;
	[tilespmem:v6+s3+$0x0] =	vst.idx.msk $0xffff, v8  }
0x1bc: {  	v8 =	vor.u32 s11, v58;
	v7 =	vld.idx.msk [tilespmem:v7+s24+$0x0], $0xffff  }
0x1bd: {  	v59 =	vor.u32 v1, v8;
	_ =	sdelay $0x1  }
0x1be: {  	v9 =	vshll.u32 v57, $0x5;
	v60 =	vshll.u32 v8, $0x5  }
0x1bf: {  	v9 =	vand.u32 $0x60, v9;
	v11 =	vand.u32 $0xF80, v60  }
0x1c0: {  	[tilespmem:v6+s4+$0x0] =	vst.idx.msk $0xffff, v7;
	v6 =	vor.u32 v9, v11  }
0x1c1: {  	v7 =	vld.idx.msk [tilespmem:v59+s23+$0x0], $0xffff;
	v9 =	vor.u32 v0, v6;
	_ =	sdelay $0x4  }
0x1c2: {  	[tilespmem:v9+s3+$0x0] =	vst.idx.msk $0xffff, v7  }
0x1c3: {  	v7 =	vld.idx.msk [tilespmem:v59+s24+$0x0], $0xffff  }
0x1c4: {  	v8 =	vor.u32 v3, v8;
	_ =	sdelay $0x3  }
0x1c5: {  	[tilespmem:v9+s4+$0x0] =	vst.idx.msk $0xffff, v7  }
0x1c6: {  	v6 =	vor.u32 v5, v6;
	v7 =	vld.idx.msk [tilespmem:v8+s23+$0x0], $0xffff;
	_ =	sdelay $0x2  }
0x1c7: {  	s14 =	sor.u32 $0x3, s6  }
0x1c8: {  	v61 =	vadd.s32 s14, v0  }
0x1c9: {  	[tilespmem:v6+s3+$0x0] =	vst.idx.msk $0xffff, v7;
	v7 =	vand.u32 $0xF, v61  }
0x1ca: {  	v8 =	vld.idx.msk [tilespmem:v8+s24+$0x0], $0xffff;
	v7 =	vor.u32 s11, v7  }
0x1cb: {  	v62 =	vor.u32 v1, v7;
	_ =	sdelay $0x1  }
0x1cc: {  	v9 =	vshll.u32 v61, $0x5;
	v63 =	vshll.u32 v7, $0x5  }
0x1cd: {  	v9 =	vand.u32 $0x60, v9;
	v11 =	vand.u32 $0xF80, v63  }
0x1ce: {  	[tilespmem:v6+s4+$0x0] =	vst.idx.msk $0xffff, v8;
	v6 =	vor.u32 v9, v11  }
0x1cf: {  	v8 =	vld.idx.msk [tilespmem:v62+s23+$0x0], $0xffff;
	v9 =	vor.u32 v0, v6;
	_ =	sdelay $0x4  }
0x1d0: {  	[tilespmem:v9+s3+$0x0] =	vst.idx.msk $0xffff, v8  }
0x1d1: {  	v8 =	vld.idx.msk [tilespmem:v62+s24+$0x0], $0xffff  }
0x1d2: {  	v7 =	vor.u32 v3, v7;
	_ =	sdelay $0x3  }
0x1d3: {  	[tilespmem:v9+s4+$0x0] =	vst.idx.msk $0xffff, v8  }
0x1d4: {  	v6 =	vor.u32 v5, v6;
	v8 =	vld.idx.msk [tilespmem:v7+s23+$0x0], $0xffff;
	_ =	sdelay $0x4  }
0x1d5: {  	[tilespmem:v6+s3+$0x0] =	vst.idx.msk $0xffff, v8  }
0x1d6: {  	v7 =	vld.idx.msk [tilespmem:v7+s24+$0x0], $0xffff  }
.Ltmp12:
0x1d7: {  	_ = 	snop;
	(pc) =	sbr.rel .LBB2_17-.Ltmp12, $2  }
0x1d8: {  	_ =	sdelay $0x2  }
0x1d9: {  	[tilespmem:v6+s4+$0x0] =	vst.idx.msk $0xffff, v7  }
.LBB2_8:
0x1da: {  	s3 =	simm.s32 $0x0  }
0x1db: {  	s11 =	sand.u32 $0xC, s3  }
0x1dc: {  	v6 =	vadd.s32 s11, v0  }
0x1dd: {  	s6 =	sand.u32 $0x70, s3;
	v6 =	vand.u32 $0xF, v6  }
0x1de: {  	_ =	swait.ge [sflag:s29], $0x1000;
	v6 =	vor.u32 s6, v6  }
0x1df: {  	[sflag:s29] =	ssyncset.done $0x0;
	v7 =	vor.u32 v1, v6  }
0x1e0: {  	[sflag:s29] =	ssyncadd.s32 $0xFFFFF000  }
0x1e1: {  	_ =	swait.ge [sflag:s29], $0x1000  }
0x1e2: {  	[sflag:s29] =	ssyncset.done $0x0;
	v8 =	vshll.u32 v6, $0x5  }
0x1e3: {  	[sflag:s29] =	ssyncadd.s32 $0xFFFFF000;
	v8 =	vand.u32 $0xF80, v8  }
0x1e4: {  	v10 =	vor.u32 v2, v8;
	v9 =	vld.idx.msk [tilespmem:v7+s5+$0x0], $0xffff;
	_ =	sdelay $0x3  }
0x1e5: {  	s3 =	simm.s32 $0x6000  }
0x1e6: {  	[tilespmem:v10+s3+$0x0] =	vst.idx.msk $0xffff, v9  }
0x1e7: {  	v7 =	vld.idx.msk [tilespmem:v7+s20+$0x0], $0xffff  }
0x1e8: {  	v6 =	vor.u32 v3, v6;
	_ =	sdelay $0x2  }
0x1e9: {  	s4 =	simm.s32 $0x7000  }
0x1ea: {  	[tilespmem:v10+s4+$0x0] =	vst.idx.msk $0xffff, v7  }
0x1eb: {  	v8 =	vor.u32 v4, v8;
	v7 =	vld.idx.msk [tilespmem:v6+s5+$0x0], $0xffff;
	_ =	sdelay $0x2  }
0x1ec: {  	s12 =	sor.u32 $0x1, s11  }
0x1ed: {  	v9 =	vadd.s32 s12, v0  }
0x1ee: {  	[tilespmem:v8+s3+$0x0] =	vst.idx.msk $0xffff, v7;
	v7 =	vand.u32 $0xF, v9  }
0x1ef: {  	v6 =	vld.idx.msk [tilespmem:v6+s20+$0x0], $0xffff;
	v7 =	vor.u32 s6, v7  }
0x1f0: {  	v10 =	vor.u32 v1, v7;
	_ =	sdelay $0x1  }
0x1f1: {  	v9 =	vshll.u32 v9, $0x5;
	v11 =	vshll.u32 v7, $0x5  }
0x1f2: {  	v9 =	vand.u32 $0x60, v9;
	v11 =	vand.u32 $0xF80, v11  }
0x1f3: {  	[tilespmem:v8+s4+$0x0] =	vst.idx.msk $0xffff, v6;
	v6 =	vor.u32 v9, v11  }
0x1f4: {  	v8 =	vld.idx.msk [tilespmem:v10+s5+$0x0], $0xffff;
	v9 =	vor.u32 v0, v6;
	_ =	sdelay $0x4  }
0x1f5: {  	[tilespmem:v9+s3+$0x0] =	vst.idx.msk $0xffff, v8  }
0x1f6: {  	v8 =	vld.idx.msk [tilespmem:v10+s20+$0x0], $0xffff  }
0x1f7: {  	v7 =	vor.u32 v3, v7;
	_ =	sdelay $0x3  }
0x1f8: {  	[tilespmem:v9+s4+$0x0] =	vst.idx.msk $0xffff, v8  }
0x1f9: {  	v6 =	vor.u32 v5, v6;
	v8 =	vld.idx.msk [tilespmem:v7+s5+$0x0], $0xffff;
	_ =	sdelay $0x2  }
0x1fa: {  	s14 =	sor.u32 $0x2, s11  }
0x1fb: {  	v9 =	vadd.s32 s14, v0  }
0x1fc: {  	[tilespmem:v6+s3+$0x0] =	vst.idx.msk $0xffff, v8;
	v8 =	vand.u32 $0xF, v9  }
0x1fd: {  	v7 =	vld.idx.msk [tilespmem:v7+s20+$0x0], $0xffff;
	v8 =	vor.u32 s6, v8  }
0x1fe: {  	v10 =	vor.u32 v1, v8;
	_ =	sdelay $0x1  }
0x1ff: {  	v9 =	vshll.u32 v9, $0x5;
	v11 =	vshll.u32 v8, $0x5  }
0x200: {  	v9 =	vand.u32 $0x60, v9;
	v11 =	vand.u32 $0xF80, v11  }
0x201: {  	[tilespmem:v6+s4+$0x0] =	vst.idx.msk $0xffff, v7;
	v6 =	vor.u32 v9, v11  }
0x202: {  	v7 =	vld.idx.msk [tilespmem:v10+s5+$0x0], $0xffff;
	v9 =	vor.u32 v0, v6;
	_ =	sdelay $0x4  }
0x203: {  	[tilespmem:v9+s3+$0x0] =	vst.idx.msk $0xffff, v7  }
0x204: {  	v7 =	vld.idx.msk [tilespmem:v10+s20+$0x0], $0xffff  }
0x205: {  	v8 =	vor.u32 v3, v8;
	_ =	sdelay $0x3  }
0x206: {  	[tilespmem:v9+s4+$0x0] =	vst.idx.msk $0xffff, v7  }
0x207: {  	v6 =	vor.u32 v5, v6;
	v7 =	vld.idx.msk [tilespmem:v8+s5+$0x0], $0xffff;
	_ =	sdelay $0x2  }
0x208: {  	s11 =	sor.u32 $0x3, s11  }
0x209: {  	v9 =	vadd.s32 s11, v0  }
0x20a: {  	[tilespmem:v6+s3+$0x0] =	vst.idx.msk $0xffff, v7;
	v7 =	vand.u32 $0xF, v9  }
0x20b: {  	v8 =	vld.idx.msk [tilespmem:v8+s20+$0x0], $0xffff;
	v7 =	vor.u32 s6, v7  }
0x20c: {  	v10 =	vor.u32 v1, v7;
	_ =	sdelay $0x1  }
0x20d: {  	v9 =	vshll.u32 v9, $0x5;
	v11 =	vshll.u32 v7, $0x5  }
0x20e: {  	v9 =	vand.u32 $0x60, v9;
	v11 =	vand.u32 $0xF80, v11  }
0x20f: {  	[tilespmem:v6+s4+$0x0] =	vst.idx.msk $0xffff, v8;
	v6 =	vor.u32 v9, v11  }
0x210: {  	v8 =	vld.idx.msk [tilespmem:v10+s5+$0x0], $0xffff;
	v9 =	vor.u32 v0, v6;
	_ =	sdelay $0x4  }
0x211: {  	[tilespmem:v9+s3+$0x0] =	vst.idx.msk $0xffff, v8  }
0x212: {  	v8 =	vld.idx.msk [tilespmem:v10+s20+$0x0], $0xffff  }
0x213: {  	v7 =	vor.u32 v3, v7;
	_ =	sdelay $0x3  }
0x214: {  	[tilespmem:v9+s4+$0x0] =	vst.idx.msk $0xffff, v8  }
0x215: {  	v6 =	vor.u32 v5, v6;
	v8 =	vld.idx.msk [tilespmem:v7+s5+$0x0], $0xffff;
	_ =	sdelay $0x2  }
0x216: {  	s11 =	simm.s32 $0x4  }
0x217: {  	s12 =	simm.s32 $0x8;
	s6 =	sand.u32 $0xC, s11  }
.LBB2_9:
0x218: {  	p1 =	seq.s32 s12, $0x7C;
	v9 =	vadd.s32 s6, v0;
	[tilespmem:v6+s3+$0x0] =	vst.idx.msk $0xffff, v8  }
0x219: {  	s13 =	sand.u32 $0x70, s11;
	s11 =	smov.u32 s12;
	v8 =	vand.u32 $0xF, v9;
	v7 =	vld.idx.msk [tilespmem:v7+s20+$0x0], $0xffff  }
0x21a: {  	v8 =	vor.u32 s13, v8  }
0x21b: {  	v9 =	vor.u32 v1, v8;
	_ =	sdelay $0x3  }
0x21c: {  	v10 =	vshll.u32 v8, $0x5;
	[tilespmem:v6+s4+$0x0] =	vst.idx.msk $0xffff, v7  }
0x21d: {  	v7 =	vand.u32 $0xF80, v10;
	v6 =	vld.idx.msk [tilespmem:v9+s5+$0x0], $0xffff  }
0x21e: {  	v10 =	vor.u32 v2, v7;
	_ =	sdelay $0x4  }
0x21f: {  	[tilespmem:v10+s3+$0x0] =	vst.idx.msk $0xffff, v6  }
0x220: {  	v6 =	vld.idx.msk [tilespmem:v9+s20+$0x0], $0xffff;
	_ =	sdelay $0x1  }
0x221: {  	v8 =	vor.u32 v3, v8;
	_ =	sdelay $0x3  }
0x222: {  	[tilespmem:v10+s4+$0x0] =	vst.idx.msk $0xffff, v6  }
0x223: {  	v6 =	vld.idx.msk [tilespmem:v8+s5+$0x0], $0xffff  }
0x224: {  	v7 =	vor.u32 v4, v7;
	_ =	sdelay $0x3  }
0x225: {  	s14 =	sor.u32 $0x1, s6  }
0x226: {  	[tilespmem:v7+s3+$0x0] =	vst.idx.msk $0xffff, v6;
	v6 =	vadd.s32 s14, v0  }
0x227: {  	v8 =	vld.idx.msk [tilespmem:v8+s20+$0x0], $0xffff;
	v9 =	vand.u32 $0xF, v6  }
0x228: {  	v9 =	vor.u32 s13, v9  }
0x229: {  	v10 =	vor.u32 v1, v9;
	_ =	sdelay $0x2  }
0x22a: {  	v6 =	vshll.u32 v6, $0x5;
	v11 =	vshll.u32 v9, $0x5  }
0x22b: {  	v6 =	vand.u32 $0x60, v6;
	[tilespmem:v7+s4+$0x0] =	vst.idx.msk $0xffff, v8;
	v7 =	vand.u32 $0xF80, v11  }
0x22c: {  	v8 =	vld.idx.msk [tilespmem:v10+s5+$0x0], $0xffff;
	v6 =	vor.u32 v6, v7  }
0x22d: {  	v7 =	vor.u32 v0, v6;
	_ =	sdelay $0x4  }
0x22e: {  	[tilespmem:v7+s3+$0x0] =	vst.idx.msk $0xffff, v8  }
0x22f: {  	v8 =	vld.idx.msk [tilespmem:v10+s20+$0x0], $0xffff;
	_ =	sdelay $0x1  }
0x230: {  	v9 =	vor.u32 v3, v9;
	_ =	sdelay $0x3  }
0x231: {  	[tilespmem:v7+s4+$0x0] =	vst.idx.msk $0xffff, v8  }
0x232: {  	v7 =	vld.idx.msk [tilespmem:v9+s5+$0x0], $0xffff  }
0x233: {  	v6 =	vor.u32 v5, v6;
	_ =	sdelay $0x3  }
0x234: {  	s14 =	sor.u32 $0x2, s6  }
0x235: {  	[tilespmem:v6+s3+$0x0] =	vst.idx.msk $0xffff, v7;
	v7 =	vadd.s32 s14, v0  }
0x236: {  	v8 =	vld.idx.msk [tilespmem:v9+s20+$0x0], $0xffff;
	v9 =	vand.u32 $0xF, v7  }
0x237: {  	v9 =	vor.u32 s13, v9  }
0x238: {  	v10 =	vor.u32 v1, v9;
	_ =	sdelay $0x2  }
0x239: {  	v7 =	vshll.u32 v7, $0x5;
	v11 =	vshll.u32 v9, $0x5  }
0x23a: {  	[tilespmem:v6+s4+$0x0] =	vst.idx.msk $0xffff, v8;
	v6 =	vand.u32 $0x60, v7;
	v7 =	vand.u32 $0xF80, v11  }
0x23b: {  	v8 =	vld.idx.msk [tilespmem:v10+s5+$0x0], $0xffff;
	v6 =	vor.u32 v6, v7  }
0x23c: {  	v7 =	vor.u32 v0, v6;
	_ =	sdelay $0x4  }
0x23d: {  	[tilespmem:v7+s3+$0x0] =	vst.idx.msk $0xffff, v8  }
0x23e: {  	v8 =	vld.idx.msk [tilespmem:v10+s20+$0x0], $0xffff;
	_ =	sdelay $0x1  }
0x23f: {  	v9 =	vor.u32 v3, v9;
	_ =	sdelay $0x3  }
0x240: {  	[tilespmem:v7+s4+$0x0] =	vst.idx.msk $0xffff, v8  }
0x241: {  	v7 =	vld.idx.msk [tilespmem:v9+s5+$0x0], $0xffff  }
0x242: {  	v6 =	vor.u32 v5, v6;
	_ =	sdelay $0x3  }
0x243: {  	s6 =	sor.u32 $0x3, s6  }
0x244: {  	[tilespmem:v6+s3+$0x0] =	vst.idx.msk $0xffff, v7;
	v7 =	vadd.s32 s6, v0  }
0x245: {  	v8 =	vld.idx.msk [tilespmem:v9+s20+$0x0], $0xffff;
	v9 =	vand.u32 $0xF, v7  }
0x246: {  	v9 =	vor.u32 s13, v9  }
0x247: {  	v10 =	vor.u32 v1, v9;
	_ =	sdelay $0x2  }
0x248: {  	v7 =	vshll.u32 v7, $0x5;
	v11 =	vshll.u32 v9, $0x5  }
0x249: {  	[tilespmem:v6+s4+$0x0] =	vst.idx.msk $0xffff, v8;
	v6 =	vand.u32 $0x60, v7;
	v7 =	vand.u32 $0xF80, v11  }
0x24a: {  	v8 =	vld.idx.msk [tilespmem:v10+s5+$0x0], $0xffff;
	v6 =	vor.u32 v6, v7  }
0x24b: {  	v11 =	vor.u32 v0, v6;
	_ =	sdelay $0x4  }
0x24c: {  	[tilespmem:v11+s3+$0x0] =	vst.idx.msk $0xffff, v8  }
0x24d: {  	v8 =	vld.idx.msk [tilespmem:v10+s20+$0x0], $0xffff;
	_ =	sdelay $0x1  }
0x24e: {  	v7 =	vor.u32 v3, v9;
	_ =	sdelay $0x3  }
0x24f: {  	[tilespmem:v11+s4+$0x0] =	vst.idx.msk $0xffff, v8  }
0x250: {  	v8 =	vld.idx.msk [tilespmem:v7+s5+$0x0], $0xffff  }
.Ltmp13:
0x251: {  	v6 =	vor.u32 v5, v6;
	(pc) =	sbr.rel @!p1 .LBB2_9-.Ltmp13, $2  }
0x252: {  	_ =	sdelay $0x2  }
0x253: {  	s12 =	sadd.s32 $0x4, s12;
	s6 =	sand.u32 $0xC, s11  }
0x254: {  	_ =	sdelay $0x2  }
0x255: {  	v9 =	vadd.s32 s6, v0  }
0x256: {  	[tilespmem:v6+s3+$0x0] =	vst.idx.msk $0xffff, v8;
	s11 =	sand.u32 $0x70, s11;
	v53 =	vand.u32 $0xF, v9  }
0x257: {  	v7 =	vld.idx.msk [tilespmem:v7+s20+$0x0], $0xffff;
	v8 =	vor.u32 s11, v53  }
0x258: {  	v54 =	vor.u32 v1, v8;
	_ =	sdelay $0x2  }
0x259: {  	v10 =	vshll.u32 v8, $0x5  }
0x25a: {  	[tilespmem:v6+s4+$0x0] =	vst.idx.msk $0xffff, v7;
	v6 =	vand.u32 $0xF80, v10  }
0x25b: {  	v10 =	vor.u32 v2, v6;
	v7 =	vld.idx.msk [tilespmem:v54+s5+$0x0], $0xffff;
	_ =	sdelay $0x3  }
0x25c: {  	s3 =	simm.s32 $0x6000  }
0x25d: {  	[tilespmem:v10+s3+$0x0] =	vst.idx.msk $0xffff, v7  }
0x25e: {  	v7 =	vld.idx.msk [tilespmem:v54+s20+$0x0], $0xffff  }
0x25f: {  	v8 =	vor.u32 v3, v8;
	_ =	sdelay $0x2  }
0x260: {  	s4 =	simm.s32 $0x7000  }
0x261: {  	[tilespmem:v10+s4+$0x0] =	vst.idx.msk $0xffff, v7  }
0x262: {  	v6 =	vor.u32 v4, v6;
	v7 =	vld.idx.msk [tilespmem:v8+s5+$0x0], $0xffff;
	_ =	sdelay $0x2  }
0x263: {  	s12 =	sor.u32 $0x1, s6  }
0x264: {  	v55 =	vadd.s32 s12, v0  }
0x265: {  	[tilespmem:v6+s3+$0x0] =	vst.idx.msk $0xffff, v7;
	v7 =	vand.u32 $0xF, v55  }
0x266: {  	v8 =	vld.idx.msk [tilespmem:v8+s20+$0x0], $0xffff;
	v7 =	vor.u32 s11, v7  }
0x267: {  	v56 =	vor.u32 v1, v7;
	_ =	sdelay $0x1  }
0x268: {  	v9 =	vshll.u32 v55, $0x5;
	v11 =	vshll.u32 v7, $0x5  }
0x269: {  	v9 =	vand.u32 $0x60, v9;
	v11 =	vand.u32 $0xF80, v11  }
0x26a: {  	[tilespmem:v6+s4+$0x0] =	vst.idx.msk $0xffff, v8;
	v6 =	vor.u32 v9, v11  }
0x26b: {  	v8 =	vld.idx.msk [tilespmem:v56+s5+$0x0], $0xffff;
	v9 =	vor.u32 v0, v6;
	_ =	sdelay $0x4  }
0x26c: {  	[tilespmem:v9+s3+$0x0] =	vst.idx.msk $0xffff, v8  }
0x26d: {  	v8 =	vld.idx.msk [tilespmem:v56+s20+$0x0], $0xffff  }
0x26e: {  	v7 =	vor.u32 v3, v7;
	_ =	sdelay $0x3  }
0x26f: {  	[tilespmem:v9+s4+$0x0] =	vst.idx.msk $0xffff, v8  }
0x270: {  	v6 =	vor.u32 v5, v6;
	v8 =	vld.idx.msk [tilespmem:v7+s5+$0x0], $0xffff;
	_ =	sdelay $0x2  }
0x271: {  	s13 =	sor.u32 $0x2, s6  }
0x272: {  	v57 =	vadd.s32 s13, v0  }
0x273: {  	v58 =	vand.u32 $0xF, v57;
	[tilespmem:v6+s3+$0x0] =	vst.idx.msk $0xffff, v8  }
0x274: {  	v8 =	vor.u32 s11, v58;
	v7 =	vld.idx.msk [tilespmem:v7+s20+$0x0], $0xffff  }
0x275: {  	v59 =	vor.u32 v1, v8;
	_ =	sdelay $0x1  }
0x276: {  	v9 =	vshll.u32 v57, $0x5;
	v60 =	vshll.u32 v8, $0x5  }
0x277: {  	v9 =	vand.u32 $0x60, v9;
	v11 =	vand.u32 $0xF80, v60  }
0x278: {  	[tilespmem:v6+s4+$0x0] =	vst.idx.msk $0xffff, v7;
	v6 =	vor.u32 v9, v11  }
0x279: {  	v7 =	vld.idx.msk [tilespmem:v59+s5+$0x0], $0xffff;
	v9 =	vor.u32 v0, v6;
	_ =	sdelay $0x4  }
0x27a: {  	[tilespmem:v9+s3+$0x0] =	vst.idx.msk $0xffff, v7  }
0x27b: {  	v7 =	vld.idx.msk [tilespmem:v59+s20+$0x0], $0xffff  }
0x27c: {  	v8 =	vor.u32 v3, v8;
	_ =	sdelay $0x3  }
0x27d: {  	[tilespmem:v9+s4+$0x0] =	vst.idx.msk $0xffff, v7  }
0x27e: {  	v6 =	vor.u32 v5, v6;
	v7 =	vld.idx.msk [tilespmem:v8+s5+$0x0], $0xffff;
	_ =	sdelay $0x2  }
0x27f: {  	s14 =	sor.u32 $0x3, s6  }
0x280: {  	v61 =	vadd.s32 s14, v0  }
0x281: {  	[tilespmem:v6+s3+$0x0] =	vst.idx.msk $0xffff, v7;
	v7 =	vand.u32 $0xF, v61  }
0x282: {  	v8 =	vld.idx.msk [tilespmem:v8+s20+$0x0], $0xffff;
	v7 =	vor.u32 s11, v7  }
0x283: {  	v62 =	vor.u32 v1, v7;
	_ =	sdelay $0x1  }
0x284: {  	v9 =	vshll.u32 v61, $0x5;
	v63 =	vshll.u32 v7, $0x5  }
0x285: {  	v9 =	vand.u32 $0x60, v9;
	v11 =	vand.u32 $0xF80, v63  }
0x286: {  	[tilespmem:v6+s4+$0x0] =	vst.idx.msk $0xffff, v8;
	v6 =	vor.u32 v9, v11  }
0x287: {  	v8 =	vld.idx.msk [tilespmem:v62+s5+$0x0], $0xffff;
	v9 =	vor.u32 v0, v6;
	_ =	sdelay $0x4  }
0x288: {  	[tilespmem:v9+s3+$0x0] =	vst.idx.msk $0xffff, v8  }
0x289: {  	v8 =	vld.idx.msk [tilespmem:v62+s20+$0x0], $0xffff  }
0x28a: {  	v7 =	vor.u32 v3, v7;
	_ =	sdelay $0x3  }
0x28b: {  	[tilespmem:v9+s4+$0x0] =	vst.idx.msk $0xffff, v8  }
0x28c: {  	v6 =	vor.u32 v5, v6;
	v8 =	vld.idx.msk [tilespmem:v7+s5+$0x0], $0xffff;
	_ =	sdelay $0x4  }
0x28d: {  	[tilespmem:v6+s3+$0x0] =	vst.idx.msk $0xffff, v8  }
0x28e: {  	v7 =	vld.idx.msk [tilespmem:v7+s20+$0x0], $0xffff  }
.Ltmp14:
0x28f: {  	_ = 	snop;
	(pc) =	sbr.rel .LBB2_17-.Ltmp14, $2  }
0x290: {  	_ =	sdelay $0x2  }
0x291: {  	[tilespmem:v6+s4+$0x0] =	vst.idx.msk $0xffff, v7  }
.LBB2_19:
0x292: {  	_ =	sfence.sel $0x180000  }
0x293: {  	[bflag:$0x0] =	sbarrier.arrive $0xFFFF  }
0x294: {  	_ =	strace $0x90000047  }
0x295: {  	s0 =	stileid.u32;
	[bflag:$0x2] =	sbarrier.arrive $0xFFFF  }
0x296: {  	p0 =	sne.s32 s0, $0x0;
	s0 =	rddreg [dreg:$0x4]  }
0x297: {  	s0 =	sadd.s32 @!p0 $0x100000, s0  }
0x298: {  	[sflag:s0] =	ssyncadd.tile.s32 @!p0 $0x1;
	_ =	shalt  }
.Lfunc_end2:
_tile_overlayer_lowered:
.L_overlay_start_2:
0x299: {  	(tag) =	ssettag $0x2  }
0x29a: {  	s0 =	rddreg [dreg:$0x0];
	s2 =	stileid.u32  }
0x29b: {  	s1 =	rddreg [dreg:$0x1];
	p0 =	sne.s32 s2, $0x0  }
0x29c: {  	s3 =	rddreg [dreg:$0x2];
	[bflag:$0x3] =	sbarrier.arrive $0xFFFF;
	s2 =	simm.s32 @!p0 $0x1C05  }
0x29d: {  	[timem:s3], [sflag:s2] =	dma.local @!p0 [hbm:s0], s1  }
0x29e: {  	s0 =	simm.s32 @!p0 $0x5  }
0x29f: {  	_ =	swait.ge @!p0 [sflag:s0], s1  }
0x2a0: {  	s1 =	ssub.s32 @!p0 $0x0, s1;
	[sflag:s0] =	ssyncset.done @!p0 $0x0  }
0x2a1: {  	[sflag:s0] =	ssyncadd.s32 @!p0 s1  }
0x2a2: {  	[bflag:$0x3] =	sbarrier.arrive $0xFFFF  }
0x2a3: {  	_ =	shalt  }

// kernel: kernel.7.cloned.1.call-start
scs
__scs_entry_jumppad:
0x0: {  	(pc) =	sbr.rel $0x88, $3  }
0x1: {  	(tag) =	ssettag $0x0;
	lr =	simm.s32 $0x1  }
0x2: {  	[smem:$0x3F9E] =	sst lr;
	_ =	strace $0xD0000000  }
0x3: {  	_ = 	snop  }
0x4: {  	_ = 	snop  }
0x5: {  	_ = 	snop  }
0x6: {  	_ = 	snop  }
0x7: {  	_ = 	snop  }
__scs_overlays_trampoline_lowered:
0x8: {  	[smem:$0x3FAD] =	sst s0  }
0x9: {  	[smem:$0x3FAE] =	sst s1  }
0xa: {  	[smem:$0x3FAF] =	sst s2  }
0xb: {  	[smem:$0x3FB0] =	sst s3  }
0xc: {  	[smem:$0x3FB1] =	sst s4  }
0xd: {  	[smem:$0x3FB2] =	sst s5  }
0xe: {  	[smem:$0x3FB3] =	sst s6  }
0xf: {  	[smem:$0x3FB4] =	sst s7  }
0x10: {  	[smem:$0x3FB5] =	sst s8  }
0x11: {  	[smem:$0x3FB6] =	sst s9;
	s0 =	simm.s32 @!p0 $0x0  }
0x12: {  	s1 =	sld [smem:$0x3F9C];
	s0 =	simm.s32 @p0 $0x1  }
0x13: {  	[smem:$0x3FB7] =	sst s0;
	s0 =	simm.s32 @!p1 $0x0  }
0x14: {  	s2 =	sld [smem:$0x3F9B];
	s0 =	simm.s32 @p1 $0x1  }
0x15: {  	[smem:$0x3FB8] =	sst s0;
	s0 =	simm.s32 @!p2 $0x0  }
0x16: {  	s3 =	sld [smem:$0x3FDB];
	s0 =	simm.s32 @p2 $0x1  }
0x17: {  	s4 =	simm.s32 $0x1BF5;
	[smem:$0x3FBA] =	sst s0  }
0x18: {  	s0 =	sld [smem:$0x3F9D];
	_ =	swait.ge [sflag:s4], $0x0  }
0x19: {  	s7 =	sld [smem:$0x3F9E]  }
0x1a: {  	s8 =	sadd.s32 $0xFFFFE003, lr  }
0x1b: {  	s9 =	sadd.s32 $0xFFFFFEF7, lr;
	s5 =	simm.s32 $0xFFFFFFFF;
	p2 =	slt.u32 s8, $0xFFFFF086  }
0x1c: {  	p1 =	slt.u32 s9, $0xF7A;
	s5 =	simm.s32 @!p2 $0x0  }
0x1d: {  	s5 =	simm.s32 @p1 $0x1;
	p0 =	seq.s32 s7, s2  }
0x1e: {  	s7 =	smul.u32 @!p0 $0xF7A, s2;
	p2 =	seq.s32 @!p0 s5, $0x0  }
0x1f: {  	s9 =	smul.u32 $0xF7A, s1;
	s8 =	simm.s32 @!p0 $0x1BF5;
	p2 =	por !p2, p0  }
0x20: {  	[sflag:s8] =	ssyncset.s32 @!p0 $0xFFFFF086;
	s6 =	sadd.s32 @!p0 s3, s7;
	s7 =	simm.s32 @!p0 $0x108  }
0x21: {  	s3 =	sadd.s32 s3, s9;
	s6 =	sadd.s32 @!p0 $0x88, s6;
	s7 =	simm.s32 @p2 $0x1082  }
0x22: {  	[simem:s7], [sflag:s8] =	dma.local @!p0 [hbm:s6], $0xF7A  }
0x23: {  	s9 =	sor.u32 $0xD0000000, s2;
	s6 =	simm.s32 $0x108;
	_ =	swait.ge @!p0 [sflag:s8], $0x0  }
0x24: {  	s3 =	sadd.s32 $0x88, s3;
	s6 =	simm.s32 @!p1 $0x1082;
	[sflag:s4] =	ssyncset.s32 $0xFFFFF086  }
0x25: {  	[simem:s6], [sflag:s4] =	dma.local [hbm:s3], $0xF7A  }
0x26: {  	[smem:$0x3F9E] =	sst s1;
	(tag) =	ssettag s2;
	_ =	strace s9  }
0x27: {  	s1 =	sld [smem:$0x3FAE]  }
0x28: {  	s2 =	sld [smem:$0x3FAF]  }
0x29: {  	s4 =	sld [smem:$0x3FB1]  }
0x2a: {  	p0 =	seq.s32 s5, $0x0;
	s5 =	sld [smem:$0x3FB2]  }
0x2b: {  	s6 =	sld [smem:$0x3FB3]  }
0x2c: {  	s7 =	sld [smem:$0x3FB4]  }
0x2d: {  	s3 =	simm.s32 $0x108;
	s8 =	sld [smem:$0x3FB5]  }
0x2e: {  	s3 =	simm.s32 @!p0 $0x1082;
	s9 =	sld [smem:$0x3FB6]  }
0x2f: {  	lr =	sadd.s32 s0, s3;
	s0 =	sld [smem:$0x3FAD]  }
0x30: {  	s3 =	sld [smem:$0x3FB0]  }
0x31: {  	[smem:$0x3FB9] =	sst s10  }
0x32: {  	s10 =	sld [smem:$0x3FB7];
	_ =	sdelay $0x3  }
0x33: {  	p0 =	seq.s32 s10, $0x1;
	s10 =	sld [smem:$0x3FB9];
	_ =	sdelay $0x3  }
0x34: {  	[smem:$0x3FB9] =	sst s10  }
0x35: {  	s10 =	sld [smem:$0x3FB8];
	_ =	sdelay $0x3  }
0x36: {  	p1 =	seq.s32 s10, $0x1;
	s10 =	sld [smem:$0x3FB9];
	_ =	sdelay $0x3  }
0x37: {  	[smem:$0x3FB9] =	sst s10  }
0x38: {  	s10 =	sld [smem:$0x3FBA]  }
0x39: {  	_ = 	snop;
	(pc) =	sbr.ind lr, $3  }
0x3a: {  	_ = 	snop  }
0x3b: {  	_ = 	snop  }
0x3c: {  	p2 =	seq.s32 s10, $0x1;
	s10 =	sld [smem:$0x3FB9]  }
0x3d: {  	_ =	shalt  }
0x3e: {  	_ =	shalt  }
0x3f: {  	_ =	shalt  }
0x40: {  	_ =	shalt  }
0x41: {  	_ =	shalt  }
0x42: {  	_ =	shalt  }
0x43: {  	_ =	shalt  }
0x44: {  	_ =	shalt  }
0x45: {  	_ =	shalt  }
0x46: {  	_ =	shalt  }
0x47: {  	_ =	shalt  }
0x48: {  	_ =	shalt  }
0x49: {  	_ =	shalt  }
0x4a: {  	_ =	shalt  }
0x4b: {  	_ =	shalt  }
0x4c: {  	_ =	shalt  }
0x4d: {  	_ =	shalt  }
0x4e: {  	_ =	shalt  }
0x4f: {  	_ =	shalt  }
0x50: {  	_ =	shalt  }
0x51: {  	_ =	shalt  }
0x52: {  	_ =	shalt  }
0x53: {  	_ =	shalt  }
0x54: {  	_ =	shalt  }
0x55: {  	_ =	shalt  }
0x56: {  	_ =	shalt  }
0x57: {  	_ =	shalt  }
0x58: {  	_ =	shalt  }
0x59: {  	_ =	shalt  }
0x5a: {  	_ =	shalt  }
0x5b: {  	_ =	shalt  }
0x5c: {  	_ =	shalt  }
0x5d: {  	_ =	shalt  }
0x5e: {  	_ =	shalt  }
0x5f: {  	_ =	shalt  }
0x60: {  	_ =	shalt  }
0x61: {  	_ =	shalt  }
0x62: {  	_ =	shalt  }
0x63: {  	_ =	shalt  }
0x64: {  	_ =	shalt  }
0x65: {  	_ =	shalt  }
0x66: {  	_ =	shalt  }
0x67: {  	_ =	shalt  }
0x68: {  	_ =	shalt  }
0x69: {  	_ =	shalt  }
0x6a: {  	_ =	shalt  }
0x6b: {  	_ =	shalt  }
0x6c: {  	_ =	shalt  }
0x6d: {  	_ =	shalt  }
0x6e: {  	_ =	shalt  }
0x6f: {  	_ =	shalt  }
0x70: {  	_ =	shalt  }
0x71: {  	_ =	shalt  }
0x72: {  	_ =	shalt  }
0x73: {  	_ =	shalt  }
0x74: {  	_ =	shalt  }
0x75: {  	_ =	shalt  }
0x76: {  	_ =	shalt  }
0x77: {  	_ =	shalt  }
0x78: {  	_ =	shalt  }
0x79: {  	_ =	shalt  }
0x7a: {  	_ =	shalt  }
0x7b: {  	_ =	shalt  }
0x7c: {  	_ =	shalt  }
0x7d: {  	_ =	shalt  }
0x7e: {  	_ =	shalt  }
0x7f: {  	_ =	shalt  }
0x80: {  	_ =	shalt  }
0x81: {  	_ =	shalt  }
0x82: {  	_ =	shalt  }
0x83: {  	_ =	shalt  }
0x84: {  	_ =	shalt  }
0x85: {  	_ =	shalt  }
0x86: {  	_ =	shalt  }
0x87: {  	_ =	shalt  }
.Lfunc_end0:
.L_simem_size_0:
called_computation.1_lowered:
.L_overlay_start_0:
0x88: {  	s2 =	sld [smem:$0x3FD9]  }
0x89: {  	s3 =	sld [smem:$0x3FFE];
	_ =	sdelay $0x1  }
0x8a: {  	s1 =	srdreg.scid  }
0x8b: {  	s0 =	sand.u32 $0x1, s1  }
0x8c: {  	s17 =	sshll.u32 s0, $0xA;
	s2 =	sadd.s32 s3, s2  }
0x8d: {  	s2 =	sadd.s32 s2, s17  }
0x8e: {  	[smem:$0x3FC5] =	sst s2  }
0x8f: {  	_ = 	snop  }
0x90: {  	s2 =	sld [smem:$0x3FD0];
	(tm) =	ssettm $0x1  }
0x91: {  	s18 =	sld [smem:$0x3FFB];
	_ =	sdelay $0x3  }
0x92: {  	_ =	strace s18  }
0x93: {  	s3 =	sld [smem:$0x3FFC];
	_ =	sdelay $0x3  }
0x94: {  	_ =	strace s3  }
0x95: {  	s3 =	sld [smem:$0x3FFD];
	_ =	sdelay $0x3  }
0x96: {  	_ =	strace s3  }
0x97: {  	_ =	strace $0x8FFFFFFF  }
0x98: {  	s19 =	sld [smem:$0x3FDB];
	_ =	sdelay $0x1  }
0x99: {  	s4 =	simm.s32 $_scs_section_size  }
0x9a: {  	s5 =	simm.s32 $_size__tile_overlayer_lowered;
	s6 =	simm.s32 $_tile_overlayer_lowered  }
0x9b: {  	s22 =	simm.s32 $0x1BFF;
	s21 =	sshll.u32 s6, $0x1;
	s3 =	sadd.s32 s4, s19  }
0x9c: {  	s7 =	simm.s32 $0x0;
	s20 =	sshll.u32 s5, $0x1;
	s5 =	sadd.s32 s21, s3  }
0x9d: {  	[timem:s7], [sflag:s22] =	dma.local [hbm:s5], s20  }
0x9e: {  	_ =	swait.ge [sflag:s22], s20  }
0x9f: {  	s4 =	ssub.s32 $0x0, s20;
	[sflag:s22] =	ssyncset.done $0x0  }
0xa0: {  	[sflag:s22] =	ssyncadd.s32 s4;
	_ =	sdelay $0x1  }
0xa1: {  	s23 =	simm.s32 $0x1B8B  }
0xa2: {  	_ =	swait.ge [sflag:s23], $0x1  }
0xa3: {  	[sflag:s23] =	ssyncset.done $0x0  }
0xa4: {  	s25 =	simm.s32 $0x1B8E;
	s24 =	sld [smem:$0x3FFE];
	[sflag:s23] =	ssyncadd.s32 $0xFFFFFFFF  }
0xa5: {  	s26 =	simm.s32 $execute0_lowered;
	[smem:$0x3FD2] =	sst s25  }
0xa6: {  	s5 =	sshll.u32 s26, $0x1;
	_ =	strace $0x80000049;
	[dreg:$0x1] =	wrdreg $0xFFFFFFFF  }
0xa7: {  	s28 =	simm.s32 $_size_execute0_lowered;
	s3 =	sadd.s32 s3, s5;
	[dreg:$0x0] =	wrdreg $0x0  }
0xa8: {  	s5 =	sshll.u32 s28, $0x1;
	[dreg:$0x2] =	wrdreg s3  }
0xa9: {  	[dreg:$0x3] =	wrdreg s5  }
0xaa: {  	[dreg:$0x4] =	wrdreg $0xC0  }
0xab: {  	_ =	task [dreg:s7], $0x5FFFF  }
0xac: {  	[dreg:$0x1] =	wrdreg $0xFFFFFFFF  }
0xad: {  	[dreg:$0x0] =	wrdreg $0x60  }
0xae: {  	[dreg:$0x2] =	wrdreg s24  }
0xaf: {  	[dreg:$0x3] =	wrdreg s2  }
0xb0: {  	[dreg:$0x4] =	wrdreg $0x9  }
0xb1: {  	_ =	task.clear_ibuf [dreg:s7], $0x5FFFF;
	_ =	strace $0x90000049  }
0xb2: {  	s29 =	simm.s32 $0x9;
	_ =	strace $0x8000004B  }
0xb3: {  	_ =	swait.ge [sflag:s29], $0x1  }
0xb4: {  	[sflag:s29] =	ssyncadd.s32 $0xFFFFFFFF  }
0xb5: {  	_ =	strace $0x9000004B  }
0xb6: {  	_ =	sfence  }
0xb7: {  	s30 =	sld [smem:$0x0];
	_ =	sdelay $0x2  }
0xb8: {  	s31 =	sshll.u32 s1, $0xD;
	s1 =	sshrl.u32 s1, $0x2  }
0xb9: {  	s3 =	sand.u32 $0x4000, s31;
	s1 =	sadd.s32 s1, s30  }
0xba: {  	s0 =	sor.u32 s3, s0;
	s1 =	sshll.u32 s1, $0x11  }
0xbb: {  	s0 =	sor.u32 s1, s0  }
0xbc: {  	s0 =	sadd.s32 $0x8F2B, s0  }
0xbd: {  	[sflag:s0] =	ssyncadd.remote.s32 $0x1  }
0xbe: {  	_ =	sfence.sel $0xFFFF  }
0xbf: {  	[dreg:$0x0] =	wrdreg $0xFFFFFFFF;
	(pc) =	sbr.abs _section_cstart, $3  }
0xc0: {  	[dreg:$0x1] =	wrdreg $0xFFFFFFFF  }
0xc1: {  	_ =	task.clear_ibuf [dreg:s7], $0x2FFFF;
	_ =	strace $0x9FFFFFFF  }
0xc2: {  	(tm) =	ssettm $0x7FFFFFFF  }
0xc3: {  	_ =	shalt  }
tec
execute0_lowered:
.L_overlay_start_1:
0x0: {  	(tag) =	ssettag $0x1  }
0x1: {  	v0 =	vlaneseq.u32;
	v17 =	vimm.s32 $0x14131211;
	v18 =	vimm.s32 $0x18171615  }
0x2: {  	v19 =	vimm.s32 $0x1C1B1A19;
	v21 =	vimm.s32 $0x19181716;
	vm0 =	vcmask $0x1F10  }
0x3: {  	v22 =	vimm.s32 $0x1D1C1B1A;
	v24 =	vimm.s32 $0x16151413;
	v26 =	vimm.s32 $0x1A191817  }
0x4: {  	v29 =	vimm.s32 $0x201001F;
	v30 =	vimm.s32 $0x3020100;
	v31 =	vimm.s32 $0x1F1E1D1C  }
0x5: {  	v32 =	vimm.s32 $0x17161514;
	v33 =	vimm.s32 $0x1B1A1918;
	v53 =	vimm.s32 $0x4030201  }
0x6: {  	v54 =	vimm.s32 $0x5040302;
	v38 =	vimm.s32 $0x6050403;
	v55 =	vimm.s32 $0x98765432  }
0x7: {  	v56 =	vimm.s32 $0xA9876543;
	v57 =	vimm.s32 $0x32107654;
	v59 =	vimm.s32 $0x43218765  }
0x8: {  	v60 =	vimm.s32 $0x54329876;
	v61 =	vimm.s32 $0x6543A987;
	vm15 =	vcmask $0x2F10  }
0x9: {  	vm1 =	vcmask $0x3F30;
	v1 =	vmul.u32 $0x80, v0;
	v2 =	vadd.s32 $0x1, v0  }
0xa: {  	v3 =	vadd.s32 $0x2, v0;
	v4 =	vadd.s32 $0x3, v0;
	v5 =	vadd.s32 $0x4, v0  }
0xb: {  	v6 =	vadd.s32 $0x5, v0;
	v7 =	vadd.s32 $0x6, v0;
	v8 =	vadd.s32 $0x7, v0  }
0xc: {  	v9 =	vadd.s32 $0x8, v0;
	v10 =	vadd.s32 $0x9, v0;
	v11 =	vadd.s32 $0xA, v0  }
0xd: {  	v12 =	vadd.s32 $0xB, v0;
	v13 =	vadd.s32 $0xC, v0;
	v14 =	vadd.s32 $0xD, v0  }
0xe: {  	v15 =	vadd.s32 $0xE, v0;
	v17 =	vunpack.c.0.s8.s32 v17;
	v20 =	vunpack.c.0.s8.s32 v18  }
0xf: {  	v19 =	vunpack.c.0.s8.s32 v19;
	v18 =	vimm.s32 $0x1F1E1D;
	v21 =	vunpack.c.0.s8.s32 v21  }
0x10: {  	v22 =	vunpack.c.0.s8.s32 v22;
	v27 =	vunpack.c.0.s8.s32 v18;
	v18 =	vimm.s32 $0x15141312  }
0x11: {  	v29 =	vunpack.c.0.s8.s32 v29;
	v30 =	vunpack.c.0.s8.s32 v30;
	v18 =	vunpack.c.0.s8.s32 v18  }
0x12: {  	v31 =	vunpack.c.0.s8.s32 v31;
	v32 =	vunpack.c.0.s8.s32 v32;
	v33 =	vunpack.c.0.s8.s32 v33  }
0x13: {  	v17 =	vsel vm0, v20, v17;
	v23 =	vsel vm0, v21, v18;
	v18 =	vimm.s32 $0x1001F1E  }
0x14: {  	v37 =	vsel vm0, v19, v20;
	v25 =	vsel vm0, v27, v19;
	v28 =	vunpack.c.0.s8.s32 v18  }
0x15: {  	v18 =	vunpack.c.0.s8.s32 v24;
	v24 =	vunpack.c.0.s8.s32 v26;
	v26 =	vimm.s32 $0x1E1D1C1B  }
0x16: {  	v17 =	vcombine.low v17, v25;
	v26 =	vunpack.c.0.s8.s32 v26;
	v34 =	vsel vm0, v28, v22  }
0x17: {  	v35 =	vsel vm0, v24, v18;
	v18 =	vsel vm0, v30, v31;
	v30 =	vsel vm0, v33, v32  }
0x18: {  	v32 =	vunpack.c.0.s8.s32 v54;
	v22 =	vsel vm0, v22, v21;
	v36 =	vsel vm0, v29, v26  }
0x19: {  	v18 =	vcombine.low v30, v18;
	v30 =	vunpack.c.0.s8.s32 v53;
	v19 =	vcombine.low v23, v34  }
0x1a: {  	v23 =	vunpack.c.0.s8.s32 v38;
	v24 =	vsel vm0, v26, v24;
	v26 =	vimm.s32 $0x76543210  }
0x1b: {  	v20 =	vcombine.low v35, v36;
	v32 =	vsel vm0, v32, v28;
	v30 =	vsel vm0, v30, v27  }
0x1c: {  	v26 =	vunpack.c.l.s4.s8 v26;
	v21 =	vcombine.low v37, v30;
	v30 =	vimm.s32 $0x87654321  }
0x1d: {  	v22 =	vcombine.low v22, v32;
	v23 =	vsel vm0, v23, v29;
	v30 =	vunpack.c.l.s4.s8 v30  }
0x1e: {  	v32 =	vunpack.c.l.s4.s8 v55;
	v23 =	vcombine.low v24, v23;
	v26 =	vunpack.c.0.s8.s32 v26  }
0x1f: {  	s4 =	rddreg [dreg:$0x0];
	v24 =	vsel vm0, v31, v33;
	v33 =	vunpack.c.l.s4.s8 v56;
	v30 =	vunpack.c.0.s8.s32 v30  }
0x20: {  	s7 =	rddreg [dreg:$0x1];
	v35 =	vunpack.c.l.s4.s8 v61;
	v32 =	vunpack.c.0.s8.s32 v32;
	v24 =	vcombine.low v24, v26  }
0x21: {  	s0 =	rddreg [dreg:$0x2];
	s3 =	srdreg.scid;
	v58 =	vunpack.c.0.s8.s32 v33;
	v26 =	vand.u32 $0xF, v30;
	v30 =	vunpack.c.l.s4.s8 v57  }
0x22: {  	s2 =	simm.s32 $0x0;
	s1 =	stileid.u32;
	s10 =	simm.s32 $0x200;
	v33 =	vunpack.c.l.s4.s8 v59;
	v25 =	vcombine.low v25, v26;
	v26 =	vand.u32 $0xF, v32  }
0x23: {  	s11 =	simm.s32 $0x10400;
	s12 =	simm.s32 $0x80;
	s13 =	simm.s32 $0x400;
	v26 =	vcombine.low v34, v26;
	v30 =	vunpack.c.0.s8.s32 v30;
	v34 =	vunpack.c.l.s4.s8 v60  }
0x24: {  	s14 =	simm.s32 $0x10500;
	s15 =	simm.s32 $0x8400;
	s16 =	simm.s32 $0x10480;
	v16 =	vadd.s32 $0xF, v0;
	v35 =	vunpack.c.0.s8.s32 v35;
	v33 =	vunpack.c.0.s8.s32 v33  }
0x25: {  	s17 =	simm.s32 $0x4400;
	s18 =	simm.s32 $0x10580;
	s19 =	simm.s32 $0xC400;
	v32 =	vand.u32 $0xF, v58;
	v30 =	vand.u32 $0xF, v30;
	v34 =	vunpack.c.0.s8.s32 v34  }
0x26: {  	s20 =	simm.s32 $0x1;
	s21 =	simm.s32 $0x2;
	s22 =	simm.s32 $0x10600;
	v33 =	vand.u32 $0xF, v33;
	v30 =	vsel vm15, v30, v31;
	v31 =	vimm.s32 $0xB0A0908  }
0x27: {  	s23 =	simm.s32 $0x0;
	s3 =	sand.u32 $0x1, s3;
	[smem:$0x7FF] =	sst s2;
	v33 =	vsel vm15, v33, v27;
	v31 =	vunpack.c.0.s8.s32 v31;
	v27 =	vand.u32 $0xF, v34  }
0x28: {  	s5 =	sshll.u32 s1, $0x7;
	s6 =	sshll.u32 s3, $0x6;
	_ =	strace $0x8000004A;
	v34 =	vsel vm15, v27, v28;
	v27 =	vimm.s32 $0xC0B0A09;
	v28 =	vand.u32 $0xF, v35  }
0x29: {  	s31 =	ssub.s32 $0x2, s3;
	s3 =	sadd.s32 $0x1200, s4;
	s8 =	sor.u32 s6, s5;
	v35 =	vsel vm15, v28, v29;
	v28 =	vimm.s32 $0xD0C0B0A;
	v29 =	vimm.s32 $0xE0D0C0B  }
0x2a: {  	s9 =	sshrl.u32 s31, $0x1;
	s6 =	sadd.s32 s8, s4;
	s4 =	sadd.s32 $0x3D1C00, s4;
	v62 =	vunpack.c.0.s8.s32 v27;
	v63 =	vunpack.c.0.s8.s32 v28;
	v39 =	vunpack.c.0.s8.s32 v29  }
0x2b: {  	s9 =	ssub.s32 s31, s9;
	s7 =	sadd.s32 s7, s8;
	s5 =	sadd.s32 $0x7A2E00, s6;
	v27 =	vcombine.low v36, v32;
	v28 =	vor.u32 $0x10, v0;
	v29 =	vsel vm1, v31, v30  }
0x2c: {  	s6 =	sadd.s32 $0x7A2600, s6;
	s8 =	smax.u32 s9, $0x1;
	s9 =	simm.s32 $0x3;
	v30 =	vsel vm1, v62, v33;
	v31 =	vsel vm1, v63, v34;
	v32 =	vsel vm1, v39, v35  }
.LBB2_1:
0x2d: {  	[tilespmem:s2], [sflag:$0x3] =	stream.linear.gather [hbm4b:s5+s2], $0x200, $0x38;
	[tilespmem:$0x10800] =	vst v63  }
0x2e: {  	_ =	swait.ge [sflag:s9], $0x200  }
0x2f: {  	[sflag:s9] =	ssyncset.done $0x0  }
0x30: {  	[sflag:s9] =	ssyncadd.s32 $0xFFFFFE00  }
0x31: {  	[tilespmem:s10], [sflag:$0x3] =	stream.linear.gather [hbm4b:s6+s2], $0x200, $0x38;
	[tilespmem:$0x10800] =	vst v63  }
0x32: {  	_ =	swait.ge [sflag:s9], $0x200  }
0x33: {  	[sflag:s9] =	ssyncset.done $0x0  }
0x34: {  	s24 =	simm.s32 $0x0;
	[sflag:s9] =	ssyncadd.s32 $0xFFFFFE00  }
0x35: {  	v33 =	vld [tilespmem:s24+$0x200]  }
0x36: {  	s25 =	simm.s32 $0x40;
	v34 =	vld [tilespmem:s24+$0x0]  }
.LBB2_2:
0x37: {  	p0 =	sne.s32 s25, $0x3C0  }
.Ltmp0:
0x38: {  	_ = 	snop;
	(pc) =	sbr.rel @p0 .LBB2_2-.Ltmp0, $4  }
0x39: {  	_ = 	snop  }
0x3a: {  	s26 =	sshra.s32 s25, $0x2;
	s25 =	sadd.s32 $0x40, s25;
	v35 =	vshrl.u32 v33, $0x2  }
0x3b: {  	v33 =	vld [tilespmem:s26+$0x200];
	v36 =	vshrl.u32 v34, $0x2;
	[tilespmem:s24+$0x10500] =	vst v35  }
0x3c: {  	v34 =	vld [tilespmem:s26+$0x0];
	[tilespmem:s24+$0x10400] =	vst v36;
	s24 =	smov.u32 s26  }
0x3d: {  	_ =	sdelay $0x2  }
0x3e: {  	v33 =	vshrl.u32 v33, $0x2  }
0x3f: {  	v34 =	vshrl.u32 v34, $0x2;
	[tilespmem:s24+$0x10500] =	vst v33  }
0x40: {  	[tilespmem:s24+$0x10400] =	vst v34  }
0x41: {  	[tilespmem:s13], [sflag:$0x1] =	stream.indirect.gather [hbm4b:s3+s12], $0x80, s11, s12, $0xb8;
	[tilespmem:$0x10800] =	vst v63  }
0x42: {  	_ = 	snop  }
0x43: {  	[tilespmem:s15], [sflag:$0x2] =	stream.indirect.gather [hbm4b:s4+s12], $0x80, s14, s12, $0xb8;
	[tilespmem:$0x10800] =	vst v63  }
0x44: {  	_ = 	snop  }
0x45: {  	[tilespmem:s17], [sflag:$0x1] =	stream.indirect.gather [hbm4b:s3+s12], $0x80, s16, s12, $0xb8;
	[tilespmem:$0x10800] =	vst v63  }
0x46: {  	_ = 	snop  }
0x47: {  	[tilespmem:s19], [sflag:$0x2] =	stream.indirect.gather [hbm4b:s4+s12], $0x80, s18, s12, $0xb8;
	[tilespmem:$0x10800] =	vst v63  }
0x48: {  	_ =	swait.ge [sflag:s20], $0x4000  }
0x49: {  	[sflag:s20] =	ssyncset.done $0x0  }
0x4a: {  	[sflag:s20] =	ssyncadd.s32 $0xFFFFC000  }
0x4b: {  	_ =	swait.ge [sflag:s21], $0x4000  }
0x4c: {  	[sflag:s21] =	ssyncset.done $0x0  }
0x4d: {  	[sflag:s21] =	ssyncadd.s32 $0xFFFFC000  }
0x4e: {  	_ =	swait.ge [sflag:s20], $0x4000  }
0x4f: {  	[sflag:s20] =	ssyncset.done $0x0  }
0x50: {  	[sflag:s20] =	ssyncadd.s32 $0xFFFFC000  }
0x51: {  	_ =	swait.ge [sflag:s21], $0x4000  }
0x52: {  	[sflag:s21] =	ssyncset.done $0x0  }
0x53: {  	s31 =	simm.s32 $0x0;
	[sflag:s21] =	ssyncadd.s32 $0xFFFFC000  }
0x54: {  	s25 =	simm.s32 $0x200;
	v56 =	vld [tilespmem:s31+$0x0]  }
0x55: {  	v57 =	vld [tilespmem:s25+$0x0];
	_ =	sdelay $0x2  }
0x56: {  	v35 =	vmov s31  }
0x57: {  	v35 =	vshll.u32 v35, $0x7;
	v33 =	vshll.u32 v56, $0x5  }
0x58: {  	v35 =	vor.u32 v1, v35;
	v34 =	vshll.u32 v57, $0x5;
	v33 =	vand.u32 $0x60, v33  }
0x59: {  	v34 =	vand.u32 $0x60, v34;
	v33 =	vor.u32 v35, v33  }
0x5a: {  	v34 =	vor.u32 v35, v34;
	v36 =	vor.u32 v0, v33  }
0x5b: {  	v35 =	vor.u32 v0, v34  }
0x5c: {  	v37 =	vor.u32 v2, v33  }
0x5d: {  	v38 =	vor.u32 v2, v34  }
0x5e: {  	v39 =	vor.u32 v3, v33  }
0x5f: {  	v40 =	vor.u32 v3, v34;
	v36 =	vld.idx.msk [tilespmem:v36+s13+$0x0], $0xffff  }
0x60: {  	v41 =	vor.u32 v4, v33;
	v35 =	vld.idx.msk [tilespmem:v35+s15+$0x0], $0xffff  }
0x61: {  	v42 =	vor.u32 v4, v34;
	v37 =	vld.idx.msk [tilespmem:v37+s13+$0x0], $0xffff  }
0x62: {  	v43 =	vor.u32 v5, v33;
	v38 =	vld.idx.msk [tilespmem:v38+s15+$0x0], $0xffff  }
0x63: {  	v44 =	vor.u32 v5, v34;
	v39 =	vld.idx.msk [tilespmem:v39+s13+$0x0], $0xffff  }
0x64: {  	v45 =	vor.u32 v6, v33;
	v40 =	vld.idx.msk [tilespmem:v40+s15+$0x0], $0xffff  }
0x65: {  	v46 =	vor.u32 v6, v34;
	v41 =	vld.idx.msk [tilespmem:v41+s13+$0x0], $0xffff;
	v35 =	vmul.f32 v35, v36  }
0x66: {  	v59 =	vor.u32 v7, v33;
	v58 =	vld.idx.msk [tilespmem:v42+s15+$0x0], $0xffff  }
0x67: {  	v47 =	vor.u32 v7, v34;
	v43 =	vld.idx.msk [tilespmem:v43+s13+$0x0], $0xffff;
	v37 =	vmul.f32 v38, v37;
	v35 =	vadd.f32 $0.0e+00, v35  }
0x68: {  	v61 =	vor.u32 v8, v33;
	v60 =	vld.idx.msk [tilespmem:v44+s15+$0x0], $0xffff  }
0x69: {  	v48 =	vor.u32 v8, v34;
	v45 =	vld.idx.msk [tilespmem:v45+s13+$0x0], $0xffff;
	v62 =	vmul.f32 v40, v39;
	v35 =	vadd.f32 v37, v35  }
0x6a: {  	v52 =	vor.u32 v9, v34;
	v63 =	vld.idx.msk [tilespmem:v46+s15+$0x0], $0xffff  }
0x6b: {  	v51 =	vor.u32 v9, v33;
	v42 =	vld.idx.msk [tilespmem:v59+s13+$0x0], $0xffff;
	v36 =	vmul.f32 v58, v41;
	v35 =	vadd.f32 v62, v35  }
0x6c: {  	v54 =	vor.u32 v10, v33;
	v53 =	vld.idx.msk [tilespmem:v47+s15+$0x0], $0xffff  }
0x6d: {  	v55 =	vor.u32 v10, v34;
	v44 =	vld.idx.msk [tilespmem:v61+s13+$0x0], $0xffff;
	v56 =	vmul.f32 v60, v43;
	v35 =	vadd.f32 v36, v35  }
0x6e: {  	v57 =	vld.idx.msk [tilespmem:v48+s15+$0x0], $0xffff;
	v58 =	vor.u32 v11, v33  }
0x6f: {  	v59 =	vor.u32 v11, v34;
	v61 =	vld.idx.msk [tilespmem:v52+s15+$0x0], $0xffff;
	v60 =	vmul.f32 v63, v45;
	v35 =	vadd.f32 v56, v35  }
0x70: {  	v40 =	vld.idx.msk [tilespmem:v51+s13+$0x0], $0xffff;
	v62 =	vor.u32 v12, v33  }
0x71: {  	v41 =	vld.idx.msk [tilespmem:v54+s13+$0x0], $0xffff;
	v63 =	vor.u32 v12, v34;
	v52 =	vmul.f32 v53, v42;
	v35 =	vadd.f32 v60, v35  }
0x72: {  	v53 =	vld.idx.msk [tilespmem:v55+s15+$0x0], $0xffff;
	v54 =	vor.u32 v13, v33  }
0x73: {  	v55 =	vor.u32 v13, v34;
	v43 =	vld.idx.msk [tilespmem:v58+s13+$0x0], $0xffff;
	v56 =	vmul.f32 v57, v44;
	v35 =	vadd.f32 v52, v35  }
0x74: {  	v58 =	vor.u32 v14, v33;
	v57 =	vld.idx.msk [tilespmem:v59+s15+$0x0], $0xffff  }
0x75: {  	v59 =	vor.u32 v14, v34;
	v45 =	vld.idx.msk [tilespmem:v62+s13+$0x0], $0xffff;
	v60 =	vmul.f32 v61, v40;
	v35 =	vadd.f32 v56, v35  }
0x76: {  	v62 =	vor.u32 v15, v33;
	v61 =	vld.idx.msk [tilespmem:v63+s15+$0x0], $0xffff  }
0x77: {  	v42 =	vld.idx.msk [tilespmem:v54+s13+$0x0], $0xffff;
	v63 =	vor.u32 v15, v34;
	v52 =	vmul.f32 v53, v41;
	v35 =	vadd.f32 v60, v35  }
0x78: {  	v54 =	vor.u32 v16, v33;
	v53 =	vld.idx.msk [tilespmem:v55+s15+$0x0], $0xffff  }
0x79: {  	v44 =	vld.idx.msk [tilespmem:v58+s13+$0x0], $0xffff;
	v55 =	vor.u32 v16, v34;
	v56 =	vmul.f32 v57, v43;
	v35 =	vadd.f32 v52, v35  }
0x7a: {  	v58 =	vor.u32 v28, v33;
	v57 =	vld.idx.msk [tilespmem:v59+s15+$0x0], $0xffff  }
0x7b: {  	v40 =	vld.idx.msk [tilespmem:v62+s13+$0x0], $0xffff;
	v59 =	vor.u32 v28, v34;
	v60 =	vmul.f32 v61, v45;
	v35 =	vadd.f32 v56, v35  }
0x7c: {  	v62 =	vor.u32 v17, v33;
	v61 =	vld.idx.msk [tilespmem:v63+s15+$0x0], $0xffff  }
0x7d: {  	v41 =	vld.idx.msk [tilespmem:v54+s13+$0x0], $0xffff;
	v63 =	vor.u32 v17, v34;
	v52 =	vmul.f32 v53, v42;
	v35 =	vadd.f32 v60, v35  }
0x7e: {  	v54 =	vor.u32 v19, v33;
	v53 =	vld.idx.msk [tilespmem:v55+s15+$0x0], $0xffff  }
0x7f: {  	v43 =	vld.idx.msk [tilespmem:v58+s13+$0x0], $0xffff;
	v55 =	vor.u32 v19, v34;
	v56 =	vmul.f32 v57, v44;
	v35 =	vadd.f32 v52, v35  }
0x80: {  	v58 =	vor.u32 v20, v33;
	v57 =	vld.idx.msk [tilespmem:v59+s15+$0x0], $0xffff  }
0x81: {  	v45 =	vld.idx.msk [tilespmem:v62+s13+$0x0], $0xffff;
	v59 =	vor.u32 v20, v34;
	v60 =	vmul.f32 v61, v40;
	v35 =	vadd.f32 v56, v35  }
0x82: {  	v62 =	vor.u32 v18, v33;
	v61 =	vld.idx.msk [tilespmem:v63+s15+$0x0], $0xffff  }
0x83: {  	v42 =	vld.idx.msk [tilespmem:v54+s13+$0x0], $0xffff;
	v63 =	vor.u32 v18, v34;
	v52 =	vmul.f32 v53, v41;
	v35 =	vadd.f32 v60, v35  }
0x84: {  	v54 =	vor.u32 v21, v33;
	v53 =	vld.idx.msk [tilespmem:v55+s15+$0x0], $0xffff  }
0x85: {  	v44 =	vld.idx.msk [tilespmem:v58+s13+$0x0], $0xffff;
	v55 =	vor.u32 v21, v34;
	v56 =	vmul.f32 v57, v43;
	v35 =	vadd.f32 v52, v35  }
0x86: {  	v58 =	vor.u32 v22, v33;
	v57 =	vld.idx.msk [tilespmem:v59+s15+$0x0], $0xffff  }
0x87: {  	v40 =	vld.idx.msk [tilespmem:v62+s13+$0x0], $0xffff;
	v59 =	vor.u32 v22, v34;
	v60 =	vmul.f32 v61, v45;
	v35 =	vadd.f32 v56, v35  }
0x88: {  	v62 =	vor.u32 v23, v33;
	v61 =	vld.idx.msk [tilespmem:v63+s15+$0x0], $0xffff  }
0x89: {  	v41 =	vld.idx.msk [tilespmem:v54+s13+$0x0], $0xffff;
	v63 =	vor.u32 v23, v34;
	v52 =	vmul.f32 v53, v42;
	v35 =	vadd.f32 v60, v35  }
0x8a: {  	v54 =	vor.u32 v24, v33;
	v53 =	vld.idx.msk [tilespmem:v55+s15+$0x0], $0xffff  }
0x8b: {  	v43 =	vld.idx.msk [tilespmem:v58+s13+$0x0], $0xffff;
	v55 =	vor.u32 v24, v34;
	v56 =	vmul.f32 v57, v44;
	v35 =	vadd.f32 v52, v35  }
0x8c: {  	v58 =	vor.u32 v25, v33;
	v57 =	vld.idx.msk [tilespmem:v59+s15+$0x0], $0xffff  }
0x8d: {  	v45 =	vld.idx.msk [tilespmem:v62+s13+$0x0], $0xffff;
	v59 =	vor.u32 v25, v34;
	v60 =	vmul.f32 v61, v40;
	v35 =	vadd.f32 v56, v35  }
0x8e: {  	v62 =	vor.u32 v26, v33;
	v61 =	vld.idx.msk [tilespmem:v63+s15+$0x0], $0xffff  }
0x8f: {  	v42 =	vld.idx.msk [tilespmem:v54+s13+$0x0], $0xffff;
	v63 =	vor.u32 v26, v34;
	v52 =	vmul.f32 v53, v41;
	v35 =	vadd.f32 v60, v35  }
0x90: {  	v54 =	vor.u32 v27, v33;
	v53 =	vld.idx.msk [tilespmem:v55+s15+$0x0], $0xffff  }
0x91: {  	v44 =	vld.idx.msk [tilespmem:v58+s13+$0x0], $0xffff;
	v55 =	vor.u32 v27, v34;
	v56 =	vmul.f32 v57, v43;
	v35 =	vadd.f32 v52, v35  }
0x92: {  	v58 =	vor.u32 v29, v33;
	v57 =	vld.idx.msk [tilespmem:v59+s15+$0x0], $0xffff  }
0x93: {  	v40 =	vld.idx.msk [tilespmem:v62+s13+$0x0], $0xffff;
	v59 =	vor.u32 v29, v34;
	v60 =	vmul.f32 v61, v45;
	v35 =	vadd.f32 v56, v35  }
0x94: {  	v62 =	vor.u32 v30, v33;
	v61 =	vld.idx.msk [tilespmem:v63+s15+$0x0], $0xffff  }
0x95: {  	v41 =	vld.idx.msk [tilespmem:v54+s13+$0x0], $0xffff;
	v63 =	vor.u32 v30, v34;
	v49 =	vmul.f32 v53, v42;
	v35 =	vadd.f32 v60, v35  }
0x96: {  	v51 =	vor.u32 v31, v33;
	v50 =	vld.idx.msk [tilespmem:v55+s15+$0x0], $0xffff  }
0x97: {  	v43 =	vld.idx.msk [tilespmem:v58+s13+$0x0], $0xffff;
	v52 =	vor.u32 v31, v34;
	v53 =	vmul.f32 v57, v44;
	v35 =	vadd.f32 v49, v35  }
0x98: {  	v33 =	vor.u32 v32, v33;
	v54 =	vld.idx.msk [tilespmem:v59+s15+$0x0], $0xffff  }
0x99: {  	v55 =	vld.idx.msk [tilespmem:v62+s13+$0x0], $0xffff;
	v34 =	vor.u32 v32, v34;
	v56 =	vmul.f32 v61, v40;
	v35 =	vadd.f32 v53, v35  }
0x9a: {  	v57 =	vld.idx.msk [tilespmem:v63+s15+$0x0], $0xffff  }
0x9b: {  	v58 =	vld.idx.msk [tilespmem:v51+s13+$0x0], $0xffff;
	v59 =	vmul.f32 v50, v41;
	v35 =	vadd.f32 v56, v35  }
0x9c: {  	v60 =	vld.idx.msk [tilespmem:v52+s15+$0x0], $0xffff  }
0x9d: {  	v33 =	vld.idx.msk [tilespmem:v33+s13+$0x0], $0xffff;
	v61 =	vmul.f32 v54, v43;
	v35 =	vadd.f32 v59, v35  }
0x9e: {  	v34 =	vld.idx.msk [tilespmem:v34+s15+$0x0], $0xffff  }
0x9f: {  	v62 =	vmul.f32 v57, v55;
	v35 =	vadd.f32 v61, v35;
	_ =	sdelay $0x1  }
0xa0: {  	v63 =	vmul.f32 v60, v58;
	v35 =	vadd.f32 v62, v35;
	_ =	sdelay $0x1  }
0xa1: {  	v33 =	vmul.f32 v34, v33;
	v35 =	vadd.f32 v63, v35;
	_ =	sdelay $0x1  }
0xa2: {  	v33 =	vadd.f32 v33, v35  }
0xa3: {  	s24 =	simm.s32 $0x10600  }
0xa4: {  	s25 =	simm.s32 $0x10;
	[tilespmem:s24+$0x0] =	vst v33  }
0xa5: {  	s26 =	simm.s32 $0x210;
	v33 =	vld [tilespmem:s25+$0x0]  }
0xa6: {  	s28 =	simm.s32 $0x20;
	s29 =	simm.s32 $0x10;
	v34 =	vld [tilespmem:s26+$0x0]  }
.LBB2_4:
0xa7: {  	p0 =	sne.s32 s28, $0xF0;
	_ =	sdelay $0x1  }
0xa8: {  	v35 =	vmov s25;
	s25 =	smov.u32 s28  }
0xa9: {  	v35 =	vshll.u32 v35, $0x7;
	v33 =	vshll.u32 v33, $0x5  }
0xaa: {  	v35 =	vor.u32 v1, v35;
	v33 =	vand.u32 $0x60, v33;
	v34 =	vshll.u32 v34, $0x5  }
0xab: {  	v34 =	vand.u32 $0x60, v34;
	v33 =	vor.u32 v35, v33  }
0xac: {  	v36 =	vor.u32 v0, v33;
	v34 =	vor.u32 v35, v34  }
0xad: {  	v35 =	vor.u32 v0, v34  }
0xae: {  	v37 =	vor.u32 v2, v33  }
0xaf: {  	v38 =	vor.u32 v2, v34  }
0xb0: {  	v39 =	vor.u32 v3, v33  }
0xb1: {  	v40 =	vor.u32 v3, v34;
	v36 =	vld.idx.msk [tilespmem:v36+s13+$0x0], $0xffff  }
0xb2: {  	v41 =	vor.u32 v4, v33;
	v35 =	vld.idx.msk [tilespmem:v35+s15+$0x0], $0xffff  }
0xb3: {  	v42 =	vor.u32 v4, v34;
	v37 =	vld.idx.msk [tilespmem:v37+s13+$0x0], $0xffff  }
0xb4: {  	v43 =	vor.u32 v5, v33;
	v38 =	vld.idx.msk [tilespmem:v38+s15+$0x0], $0xffff  }
0xb5: {  	v44 =	vor.u32 v5, v34;
	v39 =	vld.idx.msk [tilespmem:v39+s13+$0x0], $0xffff  }
0xb6: {  	v45 =	vor.u32 v6, v33;
	v40 =	vld.idx.msk [tilespmem:v40+s15+$0x0], $0xffff  }
0xb7: {  	v46 =	vor.u32 v6, v34;
	v41 =	vld.idx.msk [tilespmem:v41+s13+$0x0], $0xffff  }
0xb8: {  	v35 =	vmul.f32 v35, v36;
	v36 =	vld.idx.msk [tilespmem:v42+s15+$0x0], $0xffff;
	v42 =	vor.u32 v7, v33  }
0xb9: {  	v47 =	vor.u32 v7, v34;
	v43 =	vld.idx.msk [tilespmem:v43+s13+$0x0], $0xffff  }
0xba: {  	v35 =	vadd.f32 $0.0e+00, v35;
	v37 =	vmul.f32 v38, v37;
	v38 =	vld.idx.msk [tilespmem:v44+s15+$0x0], $0xffff;
	v44 =	vor.u32 v8, v33  }
0xbb: {  	v48 =	vor.u32 v8, v34;
	v45 =	vld.idx.msk [tilespmem:v45+s13+$0x0], $0xffff  }
0xbc: {  	v35 =	vadd.f32 v37, v35;
	v37 =	vmul.f32 v40, v39;
	v40 =	vor.u32 v9, v33;
	v39 =	vld.idx.msk [tilespmem:v46+s15+$0x0], $0xffff  }
0xbd: {  	v46 =	vor.u32 v9, v34;
	v42 =	vld.idx.msk [tilespmem:v42+s13+$0x0], $0xffff  }
0xbe: {  	v35 =	vadd.f32 v37, v35;
	v36 =	vmul.f32 v36, v41;
	v41 =	vor.u32 v10, v33;
	v37 =	vld.idx.msk [tilespmem:v47+s15+$0x0], $0xffff  }
0xbf: {  	v47 =	vor.u32 v10, v34;
	v44 =	vld.idx.msk [tilespmem:v44+s13+$0x0], $0xffff  }
0xc0: {  	v35 =	vadd.f32 v36, v35;
	v36 =	vmul.f32 v38, v43;
	v43 =	vor.u32 v11, v33;
	v38 =	vld.idx.msk [tilespmem:v48+s15+$0x0], $0xffff  }
0xc1: {  	v48 =	vor.u32 v11, v34;
	v40 =	vld.idx.msk [tilespmem:v40+s13+$0x0], $0xffff  }
0xc2: {  	v35 =	vadd.f32 v36, v35;
	v36 =	vmul.f32 v39, v45;
	v45 =	vor.u32 v12, v33;
	v39 =	vld.idx.msk [tilespmem:v46+s15+$0x0], $0xffff  }
0xc3: {  	v46 =	vor.u32 v12, v34;
	v41 =	vld.idx.msk [tilespmem:v41+s13+$0x0], $0xffff  }
0xc4: {  	v35 =	vadd.f32 v36, v35;
	v36 =	vmul.f32 v37, v42;
	v42 =	vor.u32 v13, v33;
	v37 =	vld.idx.msk [tilespmem:v47+s15+$0x0], $0xffff  }
0xc5: {  	v47 =	vor.u32 v13, v34;
	v43 =	vld.idx.msk [tilespmem:v43+s13+$0x0], $0xffff  }
0xc6: {  	v35 =	vadd.f32 v36, v35;
	v36 =	vmul.f32 v38, v44;
	v44 =	vor.u32 v14, v33;
	v38 =	vld.idx.msk [tilespmem:v48+s15+$0x0], $0xffff  }
0xc7: {  	v48 =	vor.u32 v14, v34;
	v45 =	vld.idx.msk [tilespmem:v45+s13+$0x0], $0xffff  }
0xc8: {  	v35 =	vadd.f32 v36, v35;
	v36 =	vmul.f32 v39, v40;
	v40 =	vor.u32 v15, v33;
	v39 =	vld.idx.msk [tilespmem:v46+s15+$0x0], $0xffff  }
0xc9: {  	v46 =	vor.u32 v15, v34;
	v42 =	vld.idx.msk [tilespmem:v42+s13+$0x0], $0xffff  }
0xca: {  	v35 =	vadd.f32 v36, v35;
	v36 =	vmul.f32 v37, v41;
	v41 =	vor.u32 v16, v33;
	v37 =	vld.idx.msk [tilespmem:v47+s15+$0x0], $0xffff  }
0xcb: {  	v47 =	vor.u32 v16, v34;
	v44 =	vld.idx.msk [tilespmem:v44+s13+$0x0], $0xffff  }
0xcc: {  	v35 =	vadd.f32 v36, v35;
	v36 =	vmul.f32 v38, v43;
	v43 =	vor.u32 v28, v33;
	v38 =	vld.idx.msk [tilespmem:v48+s15+$0x0], $0xffff  }
0xcd: {  	v48 =	vor.u32 v28, v34;
	v40 =	vld.idx.msk [tilespmem:v40+s13+$0x0], $0xffff  }
0xce: {  	v35 =	vadd.f32 v36, v35;
	v36 =	vmul.f32 v39, v45;
	v45 =	vor.u32 v17, v33;
	v39 =	vld.idx.msk [tilespmem:v46+s15+$0x0], $0xffff  }
0xcf: {  	v46 =	vor.u32 v17, v34;
	v41 =	vld.idx.msk [tilespmem:v41+s13+$0x0], $0xffff  }
0xd0: {  	v35 =	vadd.f32 v36, v35;
	v36 =	vmul.f32 v37, v42;
	v42 =	vor.u32 v19, v33;
	v37 =	vld.idx.msk [tilespmem:v47+s15+$0x0], $0xffff  }
0xd1: {  	v47 =	vor.u32 v19, v34;
	v43 =	vld.idx.msk [tilespmem:v43+s13+$0x0], $0xffff  }
0xd2: {  	v35 =	vadd.f32 v36, v35;
	v36 =	vmul.f32 v38, v44;
	v44 =	vor.u32 v20, v33;
	v38 =	vld.idx.msk [tilespmem:v48+s15+$0x0], $0xffff  }
0xd3: {  	v48 =	vor.u32 v20, v34;
	v45 =	vld.idx.msk [tilespmem:v45+s13+$0x0], $0xffff  }
0xd4: {  	v35 =	vadd.f32 v36, v35;
	v36 =	vmul.f32 v39, v40;
	v40 =	vor.u32 v18, v33;
	v39 =	vld.idx.msk [tilespmem:v46+s15+$0x0], $0xffff  }
0xd5: {  	v46 =	vor.u32 v18, v34;
	v42 =	vld.idx.msk [tilespmem:v42+s13+$0x0], $0xffff  }
0xd6: {  	v35 =	vadd.f32 v36, v35;
	v36 =	vmul.f32 v37, v41;
	v41 =	vor.u32 v21, v33;
	v37 =	vld.idx.msk [tilespmem:v47+s15+$0x0], $0xffff  }
0xd7: {  	v47 =	vor.u32 v21, v34;
	v44 =	vld.idx.msk [tilespmem:v44+s13+$0x0], $0xffff  }
0xd8: {  	v35 =	vadd.f32 v36, v35;
	v36 =	vmul.f32 v38, v43;
	v43 =	vor.u32 v22, v33;
	v38 =	vld.idx.msk [tilespmem:v48+s15+$0x0], $0xffff  }
0xd9: {  	v48 =	vor.u32 v22, v34;
	v40 =	vld.idx.msk [tilespmem:v40+s13+$0x0], $0xffff  }
0xda: {  	v35 =	vadd.f32 v36, v35;
	v36 =	vmul.f32 v39, v45;
	v45 =	vor.u32 v23, v33;
	v39 =	vld.idx.msk [tilespmem:v46+s15+$0x0], $0xffff  }
0xdb: {  	v46 =	vor.u32 v23, v34;
	v41 =	vld.idx.msk [tilespmem:v41+s13+$0x0], $0xffff  }
0xdc: {  	v35 =	vadd.f32 v36, v35;
	v36 =	vmul.f32 v37, v42;
	v42 =	vor.u32 v24, v33;
	v37 =	vld.idx.msk [tilespmem:v47+s15+$0x0], $0xffff  }
0xdd: {  	v47 =	vor.u32 v24, v34;
	v43 =	vld.idx.msk [tilespmem:v43+s13+$0x0], $0xffff  }
0xde: {  	v35 =	vadd.f32 v36, v35;
	v36 =	vmul.f32 v38, v44;
	v44 =	vor.u32 v25, v33;
	v38 =	vld.idx.msk [tilespmem:v48+s15+$0x0], $0xffff  }
0xdf: {  	v48 =	vor.u32 v25, v34;
	v45 =	vld.idx.msk [tilespmem:v45+s13+$0x0], $0xffff  }
0xe0: {  	v35 =	vadd.f32 v36, v35;
	v36 =	vmul.f32 v39, v40;
	v40 =	vor.u32 v26, v33;
	v39 =	vld.idx.msk [tilespmem:v46+s15+$0x0], $0xffff  }
0xe1: {  	v46 =	vor.u32 v26, v34;
	v42 =	vld.idx.msk [tilespmem:v42+s13+$0x0], $0xffff  }
0xe2: {  	v35 =	vadd.f32 v36, v35;
	v36 =	vmul.f32 v37, v41;
	v41 =	vor.u32 v27, v33;
	v37 =	vld.idx.msk [tilespmem:v47+s15+$0x0], $0xffff  }
0xe3: {  	v47 =	vor.u32 v27, v34;
	v44 =	vld.idx.msk [tilespmem:v44+s13+$0x0], $0xffff  }
0xe4: {  	v35 =	vadd.f32 v36, v35;
	v36 =	vmul.f32 v38, v43;
	v43 =	vor.u32 v29, v33;
	v38 =	vld.idx.msk [tilespmem:v48+s15+$0x0], $0xffff  }
0xe5: {  	v48 =	vor.u32 v29, v34;
	v40 =	vld.idx.msk [tilespmem:v40+s13+$0x0], $0xffff  }
0xe6: {  	v35 =	vadd.f32 v36, v35;
	v36 =	vmul.f32 v39, v45;
	v45 =	vor.u32 v30, v33;
	v39 =	vld.idx.msk [tilespmem:v46+s15+$0x0], $0xffff  }
0xe7: {  	v46 =	vor.u32 v30, v34;
	v41 =	vld.idx.msk [tilespmem:v41+s13+$0x0], $0xffff  }
0xe8: {  	v35 =	vadd.f32 v36, v35;
	v36 =	vmul.f32 v37, v42;
	v42 =	vor.u32 v31, v33;
	v37 =	vld.idx.msk [tilespmem:v47+s15+$0x0], $0xffff  }
0xe9: {  	v47 =	vor.u32 v31, v34;
	v43 =	vld.idx.msk [tilespmem:v43+s13+$0x0], $0xffff  }
0xea: {  	v33 =	vor.u32 v32, v33;
	v35 =	vadd.f32 v36, v35;
	v36 =	vmul.f32 v38, v44;
	v38 =	vld.idx.msk [tilespmem:v48+s15+$0x0], $0xffff  }
0xeb: {  	v34 =	vor.u32 v32, v34;
	v44 =	vld.idx.msk [tilespmem:v45+s13+$0x0], $0xffff  }
0xec: {  	v35 =	vadd.f32 v36, v35;
	v36 =	vmul.f32 v39, v40;
	v39 =	vld.idx.msk [tilespmem:v46+s15+$0x0], $0xffff  }
0xed: {  	v40 =	vld.idx.msk [tilespmem:v42+s13+$0x0], $0xffff  }
0xee: {  	v35 =	vadd.f32 v36, v35;
	v36 =	vmul.f32 v37, v41;
	v37 =	vld.idx.msk [tilespmem:v47+s15+$0x0], $0xffff  }
0xef: {  	v33 =	vld.idx.msk [tilespmem:v33+s13+$0x0], $0xffff  }
0xf0: {  	v35 =	vadd.f32 v36, v35;
	v36 =	vmul.f32 v38, v43;
	v34 =	vld.idx.msk [tilespmem:v34+s15+$0x0], $0xffff;
	_ =	sdelay $0x1  }
0xf1: {  	v35 =	vadd.f32 v36, v35;
	v36 =	vmul.f32 v39, v44;
	_ =	sdelay $0x1  }
0xf2: {  	v35 =	vadd.f32 v36, v35;
	v36 =	vmul.f32 v37, v40;
	_ =	sdelay $0x1  }
0xf3: {  	v35 =	vadd.f32 v36, v35;
	v33 =	vmul.f32 v34, v33;
	_ =	sdelay $0x1  }
.Ltmp1:
0xf4: {  	v33 =	vadd.f32 v33, v35;
	(pc) =	sbr.rel @p0 .LBB2_4-.Ltmp1, $4  }
0xf5: {  	s24 =	sadd.s32 $0x10, s24  }
0xf6: {  	s29 =	sadd.s32 $0x10, s29;
	[tilespmem:s24+$0x0] =	vst v33  }
0xf7: {  	s26 =	sadd.s32 $0x10, s26;
	v33 =	vld [tilespmem:s29+$0x0]  }
0xf8: {  	s28 =	sadd.s32 $0x10, s28;
	v34 =	vld [tilespmem:s26+$0x0]  }
0xf9: {  	_ =	sdelay $0x1  }
0xfa: {  	v35 =	vmov s25  }
0xfb: {  	v35 =	vshll.u32 v35, $0x7;
	v33 =	vshll.u32 v33, $0x5  }
0xfc: {  	v35 =	vor.u32 v1, v35;
	v33 =	vand.u32 $0x60, v33;
	v34 =	vshll.u32 v34, $0x5  }
0xfd: {  	v34 =	vand.u32 $0x60, v34;
	v33 =	vor.u32 v35, v33  }
0xfe: {  	v36 =	vor.u32 v0, v33;
	v34 =	vor.u32 v35, v34  }
0xff: {  	v35 =	vor.u32 v0, v34  }
0x100: {  	v37 =	vor.u32 v2, v33  }
0x101: {  	v38 =	vor.u32 v2, v34  }
0x102: {  	v39 =	vor.u32 v3, v33  }
0x103: {  	v40 =	vor.u32 v3, v34;
	v36 =	vld.idx.msk [tilespmem:v36+s13+$0x0], $0xffff  }
0x104: {  	v41 =	vor.u32 v4, v33;
	v35 =	vld.idx.msk [tilespmem:v35+s15+$0x0], $0xffff  }
0x105: {  	v42 =	vor.u32 v4, v34;
	v37 =	vld.idx.msk [tilespmem:v37+s13+$0x0], $0xffff  }
0x106: {  	v43 =	vor.u32 v5, v33;
	v38 =	vld.idx.msk [tilespmem:v38+s15+$0x0], $0xffff  }
0x107: {  	v44 =	vor.u32 v5, v34;
	v39 =	vld.idx.msk [tilespmem:v39+s13+$0x0], $0xffff  }
0x108: {  	v45 =	vor.u32 v6, v33;
	v40 =	vld.idx.msk [tilespmem:v40+s15+$0x0], $0xffff  }
0x109: {  	v46 =	vor.u32 v6, v34;
	v41 =	vld.idx.msk [tilespmem:v41+s13+$0x0], $0xffff;
	v35 =	vmul.f32 v35, v36  }
0x10a: {  	v59 =	vor.u32 v7, v33;
	v58 =	vld.idx.msk [tilespmem:v42+s15+$0x0], $0xffff  }
0x10b: {  	v47 =	vor.u32 v7, v34;
	v43 =	vld.idx.msk [tilespmem:v43+s13+$0x0], $0xffff;
	v37 =	vmul.f32 v38, v37;
	v35 =	vadd.f32 $0.0e+00, v35  }
0x10c: {  	v61 =	vor.u32 v8, v33;
	v60 =	vld.idx.msk [tilespmem:v44+s15+$0x0], $0xffff  }
0x10d: {  	v48 =	vor.u32 v8, v34;
	v45 =	vld.idx.msk [tilespmem:v45+s13+$0x0], $0xffff;
	v62 =	vmul.f32 v40, v39;
	v35 =	vadd.f32 v37, v35  }
0x10e: {  	v52 =	vor.u32 v9, v34;
	v63 =	vld.idx.msk [tilespmem:v46+s15+$0x0], $0xffff  }
0x10f: {  	v51 =	vor.u32 v9, v33;
	v42 =	vld.idx.msk [tilespmem:v59+s13+$0x0], $0xffff;
	v36 =	vmul.f32 v58, v41;
	v35 =	vadd.f32 v62, v35  }
0x110: {  	v54 =	vor.u32 v10, v33;
	v53 =	vld.idx.msk [tilespmem:v47+s15+$0x0], $0xffff  }
0x111: {  	v55 =	vor.u32 v10, v34;
	v44 =	vld.idx.msk [tilespmem:v61+s13+$0x0], $0xffff;
	v56 =	vmul.f32 v60, v43;
	v35 =	vadd.f32 v36, v35  }
0x112: {  	v57 =	vld.idx.msk [tilespmem:v48+s15+$0x0], $0xffff;
	v58 =	vor.u32 v11, v33  }
0x113: {  	v59 =	vor.u32 v11, v34;
	v61 =	vld.idx.msk [tilespmem:v52+s15+$0x0], $0xffff;
	v60 =	vmul.f32 v63, v45;
	v35 =	vadd.f32 v56, v35  }
0x114: {  	v40 =	vld.idx.msk [tilespmem:v51+s13+$0x0], $0xffff;
	v62 =	vor.u32 v12, v33  }
0x115: {  	v41 =	vld.idx.msk [tilespmem:v54+s13+$0x0], $0xffff;
	v63 =	vor.u32 v12, v34;
	v52 =	vmul.f32 v53, v42;
	v35 =	vadd.f32 v60, v35  }
0x116: {  	v53 =	vld.idx.msk [tilespmem:v55+s15+$0x0], $0xffff;
	v54 =	vor.u32 v13, v33  }
0x117: {  	v55 =	vor.u32 v13, v34;
	v43 =	vld.idx.msk [tilespmem:v58+s13+$0x0], $0xffff;
	v56 =	vmul.f32 v57, v44;
	v35 =	vadd.f32 v52, v35  }
0x118: {  	v58 =	vor.u32 v14, v33;
	v57 =	vld.idx.msk [tilespmem:v59+s15+$0x0], $0xffff  }
0x119: {  	v59 =	vor.u32 v14, v34;
	v45 =	vld.idx.msk [tilespmem:v62+s13+$0x0], $0xffff;
	v60 =	vmul.f32 v61, v40;
	v35 =	vadd.f32 v56, v35  }
0x11a: {  	v62 =	vor.u32 v15, v33;
	v61 =	vld.idx.msk [tilespmem:v63+s15+$0x0], $0xffff  }
0x11b: {  	v42 =	vld.idx.msk [tilespmem:v54+s13+$0x0], $0xffff;
	v63 =	vor.u32 v15, v34;
	v52 =	vmul.f32 v53, v41;
	v35 =	vadd.f32 v60, v35  }
0x11c: {  	v54 =	vor.u32 v16, v33;
	v53 =	vld.idx.msk [tilespmem:v55+s15+$0x0], $0xffff  }
0x11d: {  	v44 =	vld.idx.msk [tilespmem:v58+s13+$0x0], $0xffff;
	v55 =	vor.u32 v16, v34;
	v56 =	vmul.f32 v57, v43;
	v35 =	vadd.f32 v52, v35  }
0x11e: {  	v58 =	vor.u32 v28, v33;
	v57 =	vld.idx.msk [tilespmem:v59+s15+$0x0], $0xffff  }
0x11f: {  	v40 =	vld.idx.msk [tilespmem:v62+s13+$0x0], $0xffff;
	v59 =	vor.u32 v28, v34;
	v60 =	vmul.f32 v61, v45;
	v35 =	vadd.f32 v56, v35  }
0x120: {  	v62 =	vor.u32 v17, v33;
	v61 =	vld.idx.msk [tilespmem:v63+s15+$0x0], $0xffff  }
0x121: {  	v41 =	vld.idx.msk [tilespmem:v54+s13+$0x0], $0xffff;
	v63 =	vor.u32 v17, v34;
	v52 =	vmul.f32 v53, v42;
	v35 =	vadd.f32 v60, v35  }
0x122: {  	v54 =	vor.u32 v19, v33;
	v53 =	vld.idx.msk [tilespmem:v55+s15+$0x0], $0xffff  }
0x123: {  	v43 =	vld.idx.msk [tilespmem:v58+s13+$0x0], $0xffff;
	v55 =	vor.u32 v19, v34;
	v56 =	vmul.f32 v57, v44;
	v35 =	vadd.f32 v52, v35  }
0x124: {  	v58 =	vor.u32 v20, v33;
	v57 =	vld.idx.msk [tilespmem:v59+s15+$0x0], $0xffff  }
0x125: {  	v45 =	vld.idx.msk [tilespmem:v62+s13+$0x0], $0xffff;
	v59 =	vor.u32 v20, v34;
	v60 =	vmul.f32 v61, v40;
	v35 =	vadd.f32 v56, v35  }
0x126: {  	v62 =	vor.u32 v18, v33;
	v61 =	vld.idx.msk [tilespmem:v63+s15+$0x0], $0xffff  }
0x127: {  	v42 =	vld.idx.msk [tilespmem:v54+s13+$0x0], $0xffff;
	v63 =	vor.u32 v18, v34;
	v52 =	vmul.f32 v53, v41;
	v35 =	vadd.f32 v60, v35  }
0x128: {  	v54 =	vor.u32 v21, v33;
	v53 =	vld.idx.msk [tilespmem:v55+s15+$0x0], $0xffff  }
0x129: {  	v44 =	vld.idx.msk [tilespmem:v58+s13+$0x0], $0xffff;
	v55 =	vor.u32 v21, v34;
	v56 =	vmul.f32 v57, v43;
	v35 =	vadd.f32 v52, v35  }
0x12a: {  	v58 =	vor.u32 v22, v33;
	v57 =	vld.idx.msk [tilespmem:v59+s15+$0x0], $0xffff  }
0x12b: {  	v40 =	vld.idx.msk [tilespmem:v62+s13+$0x0], $0xffff;
	v59 =	vor.u32 v22, v34;
	v60 =	vmul.f32 v61, v45;
	v35 =	vadd.f32 v56, v35  }
0x12c: {  	v62 =	vor.u32 v23, v33;
	v61 =	vld.idx.msk [tilespmem:v63+s15+$0x0], $0xffff  }
0x12d: {  	v41 =	vld.idx.msk [tilespmem:v54+s13+$0x0], $0xffff;
	v63 =	vor.u32 v23, v34;
	v52 =	vmul.f32 v53, v42;
	v35 =	vadd.f32 v60, v35  }
0x12e: {  	v54 =	vor.u32 v24, v33;
	v53 =	vld.idx.msk [tilespmem:v55+s15+$0x0], $0xffff  }
0x12f: {  	v43 =	vld.idx.msk [tilespmem:v58+s13+$0x0], $0xffff;
	v55 =	vor.u32 v24, v34;
	v56 =	vmul.f32 v57, v44;
	v35 =	vadd.f32 v52, v35  }
0x130: {  	v58 =	vor.u32 v25, v33;
	v57 =	vld.idx.msk [tilespmem:v59+s15+$0x0], $0xffff  }
0x131: {  	v45 =	vld.idx.msk [tilespmem:v62+s13+$0x0], $0xffff;
	v59 =	vor.u32 v25, v34;
	v60 =	vmul.f32 v61, v40;
	v35 =	vadd.f32 v56, v35  }
0x132: {  	v62 =	vor.u32 v26, v33;
	v61 =	vld.idx.msk [tilespmem:v63+s15+$0x0], $0xffff  }
0x133: {  	v42 =	vld.idx.msk [tilespmem:v54+s13+$0x0], $0xffff;
	v63 =	vor.u32 v26, v34;
	v52 =	vmul.f32 v53, v41;
	v35 =	vadd.f32 v60, v35  }
0x134: {  	v54 =	vor.u32 v27, v33;
	v53 =	vld.idx.msk [tilespmem:v55+s15+$0x0], $0xffff  }
0x135: {  	v44 =	vld.idx.msk [tilespmem:v58+s13+$0x0], $0xffff;
	v55 =	vor.u32 v27, v34;
	v56 =	vmul.f32 v57, v43;
	v35 =	vadd.f32 v52, v35  }
0x136: {  	v58 =	vor.u32 v29, v33;
	v57 =	vld.idx.msk [tilespmem:v59+s15+$0x0], $0xffff  }
0x137: {  	v40 =	vld.idx.msk [tilespmem:v62+s13+$0x0], $0xffff;
	v59 =	vor.u32 v29, v34;
	v60 =	vmul.f32 v61, v45;
	v35 =	vadd.f32 v56, v35  }
0x138: {  	v62 =	vor.u32 v30, v33;
	v61 =	vld.idx.msk [tilespmem:v63+s15+$0x0], $0xffff  }
0x139: {  	v41 =	vld.idx.msk [tilespmem:v54+s13+$0x0], $0xffff;
	v63 =	vor.u32 v30, v34;
	v49 =	vmul.f32 v53, v42;
	v35 =	vadd.f32 v60, v35  }
0x13a: {  	v51 =	vor.u32 v31, v33;
	v50 =	vld.idx.msk [tilespmem:v55+s15+$0x0], $0xffff  }
0x13b: {  	v43 =	vld.idx.msk [tilespmem:v58+s13+$0x0], $0xffff;
	v52 =	vor.u32 v31, v34;
	v53 =	vmul.f32 v57, v44;
	v35 =	vadd.f32 v49, v35  }
0x13c: {  	v33 =	vor.u32 v32, v33;
	v54 =	vld.idx.msk [tilespmem:v59+s15+$0x0], $0xffff  }
0x13d: {  	v55 =	vld.idx.msk [tilespmem:v62+s13+$0x0], $0xffff;
	v34 =	vor.u32 v32, v34;
	v56 =	vmul.f32 v61, v40;
	v35 =	vadd.f32 v53, v35  }
0x13e: {  	v57 =	vld.idx.msk [tilespmem:v63+s15+$0x0], $0xffff  }
0x13f: {  	v58 =	vld.idx.msk [tilespmem:v51+s13+$0x0], $0xffff;
	v59 =	vmul.f32 v50, v41;
	v35 =	vadd.f32 v56, v35  }
0x140: {  	v60 =	vld.idx.msk [tilespmem:v52+s15+$0x0], $0xffff  }
0x141: {  	v33 =	vld.idx.msk [tilespmem:v33+s13+$0x0], $0xffff;
	v61 =	vmul.f32 v54, v43;
	v35 =	vadd.f32 v59, v35  }
0x142: {  	v34 =	vld.idx.msk [tilespmem:v34+s15+$0x0], $0xffff  }
0x143: {  	v62 =	vmul.f32 v57, v55;
	v35 =	vadd.f32 v61, v35;
	_ =	sdelay $0x1  }
0x144: {  	v63 =	vmul.f32 v60, v58;
	v35 =	vadd.f32 v62, v35;
	_ =	sdelay $0x1  }
0x145: {  	v33 =	vmul.f32 v34, v33;
	v35 =	vadd.f32 v63, v35;
	_ =	sdelay $0x1  }
0x146: {  	v33 =	vadd.f32 v33, v35  }
0x147: {  	s24 =	sadd.s32 $0x10, s24  }
0x148: {  	[tilespmem:s24+$0x0] =	vst v33;
	s24 =	simm.s32 $0x0  }
0x149: {  	v33 =	vld [tilespmem:s24+$0x300]  }
0x14a: {  	s25 =	simm.s32 $0x40;
	v34 =	vld [tilespmem:s24+$0x100]  }
.LBB2_6:
0x14b: {  	p0 =	sne.s32 s25, $0x3C0  }
.Ltmp2:
0x14c: {  	_ = 	snop;
	(pc) =	sbr.rel @p0 .LBB2_6-.Ltmp2, $4  }
0x14d: {  	_ = 	snop  }
0x14e: {  	s26 =	sshra.s32 s25, $0x2;
	s25 =	sadd.s32 $0x40, s25;
	v35 =	vshrl.u32 v33, $0x2  }
0x14f: {  	v33 =	vld [tilespmem:s26+$0x300];
	v36 =	vshrl.u32 v34, $0x2;
	[tilespmem:s24+$0x10500] =	vst v35  }
0x150: {  	v34 =	vld [tilespmem:s26+$0x100];
	[tilespmem:s24+$0x10400] =	vst v36;
	s24 =	smov.u32 s26  }
0x151: {  	_ =	sdelay $0x2  }
0x152: {  	v33 =	vshrl.u32 v33, $0x2  }
0x153: {  	v34 =	vshrl.u32 v34, $0x2;
	[tilespmem:s24+$0x10500] =	vst v33  }
0x154: {  	[tilespmem:s24+$0x10400] =	vst v34  }
0x155: {  	[tilespmem:s13], [sflag:$0x1] =	stream.indirect.gather [hbm4b:s3+s12], $0x80, s11, s12, $0xb8;
	[tilespmem:$0x10800] =	vst v63  }
0x156: {  	_ = 	snop  }
0x157: {  	[tilespmem:s15], [sflag:$0x2] =	stream.indirect.gather [hbm4b:s4+s12], $0x80, s14, s12, $0xb8;
	[tilespmem:$0x10800] =	vst v63  }
0x158: {  	_ = 	snop  }
0x159: {  	[tilespmem:s17], [sflag:$0x1] =	stream.indirect.gather [hbm4b:s3+s12], $0x80, s16, s12, $0xb8;
	[tilespmem:$0x10800] =	vst v63  }
0x15a: {  	_ = 	snop  }
0x15b: {  	[tilespmem:s19], [sflag:$0x2] =	stream.indirect.gather [hbm4b:s4+s12], $0x80, s18, s12, $0xb8;
	[tilespmem:$0x10800] =	vst v63  }
0x15c: {  	_ =	swait.ge [sflag:s20], $0x4000  }
0x15d: {  	[sflag:s20] =	ssyncset.done $0x0  }
0x15e: {  	[sflag:s20] =	ssyncadd.s32 $0xFFFFC000  }
0x15f: {  	_ =	swait.ge [sflag:s21], $0x4000  }
0x160: {  	[sflag:s21] =	ssyncset.done $0x0  }
0x161: {  	[sflag:s21] =	ssyncadd.s32 $0xFFFFC000  }
0x162: {  	_ =	swait.ge [sflag:s20], $0x4000  }
0x163: {  	[sflag:s20] =	ssyncset.done $0x0  }
0x164: {  	[sflag:s20] =	ssyncadd.s32 $0xFFFFC000  }
0x165: {  	_ =	swait.ge [sflag:s21], $0x4000  }
0x166: {  	[sflag:s21] =	ssyncset.done $0x0  }
0x167: {  	s30 =	simm.s32 $0x100;
	[sflag:s21] =	ssyncadd.s32 $0xFFFFC000  }
0x168: {  	s25 =	simm.s32 $0x300;
	v56 =	vld [tilespmem:s30+$0x0]  }
0x169: {  	v57 =	vld [tilespmem:s25+$0x0];
	_ =	sdelay $0x1  }
0x16a: {  	s31 =	simm.s32 $0x0  }
0x16b: {  	v35 =	vmov s31  }
0x16c: {  	v35 =	vshll.u32 v35, $0x7;
	v33 =	vshll.u32 v56, $0x5  }
0x16d: {  	v35 =	vor.u32 v1, v35;
	v34 =	vshll.u32 v57, $0x5;
	v33 =	vand.u32 $0x60, v33  }
0x16e: {  	v34 =	vand.u32 $0x60, v34;
	v33 =	vor.u32 v35, v33  }
0x16f: {  	v34 =	vor.u32 v35, v34;
	v36 =	vor.u32 v0, v33  }
0x170: {  	v35 =	vor.u32 v0, v34  }
0x171: {  	v37 =	vor.u32 v2, v33  }
0x172: {  	v38 =	vor.u32 v2, v34  }
0x173: {  	v39 =	vor.u32 v3, v33  }
0x174: {  	v40 =	vor.u32 v3, v34;
	v36 =	vld.idx.msk [tilespmem:v36+s13+$0x0], $0xffff  }
0x175: {  	v41 =	vor.u32 v4, v33;
	v35 =	vld.idx.msk [tilespmem:v35+s15+$0x0], $0xffff  }
0x176: {  	v42 =	vor.u32 v4, v34;
	v37 =	vld.idx.msk [tilespmem:v37+s13+$0x0], $0xffff  }
0x177: {  	v43 =	vor.u32 v5, v33;
	v38 =	vld.idx.msk [tilespmem:v38+s15+$0x0], $0xffff  }
0x178: {  	v44 =	vor.u32 v5, v34;
	v39 =	vld.idx.msk [tilespmem:v39+s13+$0x0], $0xffff  }
0x179: {  	v45 =	vor.u32 v6, v33;
	v40 =	vld.idx.msk [tilespmem:v40+s15+$0x0], $0xffff  }
0x17a: {  	v46 =	vor.u32 v6, v34;
	v41 =	vld.idx.msk [tilespmem:v41+s13+$0x0], $0xffff;
	v35 =	vmul.f32 v35, v36  }
0x17b: {  	v59 =	vor.u32 v7, v33;
	v58 =	vld.idx.msk [tilespmem:v42+s15+$0x0], $0xffff  }
0x17c: {  	v47 =	vor.u32 v7, v34;
	v43 =	vld.idx.msk [tilespmem:v43+s13+$0x0], $0xffff;
	v37 =	vmul.f32 v38, v37;
	v35 =	vadd.f32 $0.0e+00, v35  }
0x17d: {  	v61 =	vor.u32 v8, v33;
	v60 =	vld.idx.msk [tilespmem:v44+s15+$0x0], $0xffff  }
0x17e: {  	v48 =	vor.u32 v8, v34;
	v45 =	vld.idx.msk [tilespmem:v45+s13+$0x0], $0xffff;
	v62 =	vmul.f32 v40, v39;
	v35 =	vadd.f32 v37, v35  }
0x17f: {  	v52 =	vor.u32 v9, v34;
	v63 =	vld.idx.msk [tilespmem:v46+s15+$0x0], $0xffff  }
0x180: {  	v51 =	vor.u32 v9, v33;
	v42 =	vld.idx.msk [tilespmem:v59+s13+$0x0], $0xffff;
	v36 =	vmul.f32 v58, v41;
	v35 =	vadd.f32 v62, v35  }
0x181: {  	v54 =	vor.u32 v10, v33;
	v53 =	vld.idx.msk [tilespmem:v47+s15+$0x0], $0xffff  }
0x182: {  	v55 =	vor.u32 v10, v34;
	v44 =	vld.idx.msk [tilespmem:v61+s13+$0x0], $0xffff;
	v56 =	vmul.f32 v60, v43;
	v35 =	vadd.f32 v36, v35  }
0x183: {  	v57 =	vld.idx.msk [tilespmem:v48+s15+$0x0], $0xffff;
	v58 =	vor.u32 v11, v33  }
0x184: {  	v59 =	vor.u32 v11, v34;
	v61 =	vld.idx.msk [tilespmem:v52+s15+$0x0], $0xffff;
	v60 =	vmul.f32 v63, v45;
	v35 =	vadd.f32 v56, v35  }
0x185: {  	v40 =	vld.idx.msk [tilespmem:v51+s13+$0x0], $0xffff;
	v62 =	vor.u32 v12, v33  }
0x186: {  	v41 =	vld.idx.msk [tilespmem:v54+s13+$0x0], $0xffff;
	v63 =	vor.u32 v12, v34;
	v52 =	vmul.f32 v53, v42;
	v35 =	vadd.f32 v60, v35  }
0x187: {  	v53 =	vld.idx.msk [tilespmem:v55+s15+$0x0], $0xffff;
	v54 =	vor.u32 v13, v33  }
0x188: {  	v55 =	vor.u32 v13, v34;
	v43 =	vld.idx.msk [tilespmem:v58+s13+$0x0], $0xffff;
	v56 =	vmul.f32 v57, v44;
	v35 =	vadd.f32 v52, v35  }
0x189: {  	v58 =	vor.u32 v14, v33;
	v57 =	vld.idx.msk [tilespmem:v59+s15+$0x0], $0xffff  }
0x18a: {  	v59 =	vor.u32 v14, v34;
	v45 =	vld.idx.msk [tilespmem:v62+s13+$0x0], $0xffff;
	v60 =	vmul.f32 v61, v40;
	v35 =	vadd.f32 v56, v35  }
0x18b: {  	v62 =	vor.u32 v15, v33;
	v61 =	vld.idx.msk [tilespmem:v63+s15+$0x0], $0xffff  }
0x18c: {  	v42 =	vld.idx.msk [tilespmem:v54+s13+$0x0], $0xffff;
	v63 =	vor.u32 v15, v34;
	v52 =	vmul.f32 v53, v41;
	v35 =	vadd.f32 v60, v35  }
0x18d: {  	v54 =	vor.u32 v16, v33;
	v53 =	vld.idx.msk [tilespmem:v55+s15+$0x0], $0xffff  }
0x18e: {  	v44 =	vld.idx.msk [tilespmem:v58+s13+$0x0], $0xffff;
	v55 =	vor.u32 v16, v34;
	v56 =	vmul.f32 v57, v43;
	v35 =	vadd.f32 v52, v35  }
0x18f: {  	v58 =	vor.u32 v28, v33;
	v57 =	vld.idx.msk [tilespmem:v59+s15+$0x0], $0xffff  }
0x190: {  	v40 =	vld.idx.msk [tilespmem:v62+s13+$0x0], $0xffff;
	v59 =	vor.u32 v28, v34;
	v60 =	vmul.f32 v61, v45;
	v35 =	vadd.f32 v56, v35  }
0x191: {  	v62 =	vor.u32 v17, v33;
	v61 =	vld.idx.msk [tilespmem:v63+s15+$0x0], $0xffff  }
0x192: {  	v41 =	vld.idx.msk [tilespmem:v54+s13+$0x0], $0xffff;
	v63 =	vor.u32 v17, v34;
	v52 =	vmul.f32 v53, v42;
	v35 =	vadd.f32 v60, v35  }
0x193: {  	v54 =	vor.u32 v19, v33;
	v53 =	vld.idx.msk [tilespmem:v55+s15+$0x0], $0xffff  }
0x194: {  	v43 =	vld.idx.msk [tilespmem:v58+s13+$0x0], $0xffff;
	v55 =	vor.u32 v19, v34;
	v56 =	vmul.f32 v57, v44;
	v35 =	vadd.f32 v52, v35  }
0x195: {  	v58 =	vor.u32 v20, v33;
	v57 =	vld.idx.msk [tilespmem:v59+s15+$0x0], $0xffff  }
0x196: {  	v45 =	vld.idx.msk [tilespmem:v62+s13+$0x0], $0xffff;
	v59 =	vor.u32 v20, v34;
	v60 =	vmul.f32 v61, v40;
	v35 =	vadd.f32 v56, v35  }
0x197: {  	v62 =	vor.u32 v18, v33;
	v61 =	vld.idx.msk [tilespmem:v63+s15+$0x0], $0xffff  }
0x198: {  	v42 =	vld.idx.msk [tilespmem:v54+s13+$0x0], $0xffff;
	v63 =	vor.u32 v18, v34;
	v52 =	vmul.f32 v53, v41;
	v35 =	vadd.f32 v60, v35  }
0x199: {  	v54 =	vor.u32 v21, v33;
	v53 =	vld.idx.msk [tilespmem:v55+s15+$0x0], $0xffff  }
0x19a: {  	v44 =	vld.idx.msk [tilespmem:v58+s13+$0x0], $0xffff;
	v55 =	vor.u32 v21, v34;
	v56 =	vmul.f32 v57, v43;
	v35 =	vadd.f32 v52, v35  }
0x19b: {  	v58 =	vor.u32 v22, v33;
	v57 =	vld.idx.msk [tilespmem:v59+s15+$0x0], $0xffff  }
0x19c: {  	v40 =	vld.idx.msk [tilespmem:v62+s13+$0x0], $0xffff;
	v59 =	vor.u32 v22, v34;
	v60 =	vmul.f32 v61, v45;
	v35 =	vadd.f32 v56, v35  }
0x19d: {  	v62 =	vor.u32 v23, v33;
	v61 =	vld.idx.msk [tilespmem:v63+s15+$0x0], $0xffff  }
0x19e: {  	v41 =	vld.idx.msk [tilespmem:v54+s13+$0x0], $0xffff;
	v63 =	vor.u32 v23, v34;
	v52 =	vmul.f32 v53, v42;
	v35 =	vadd.f32 v60, v35  }
0x19f: {  	v54 =	vor.u32 v24, v33;
	v53 =	vld.idx.msk [tilespmem:v55+s15+$0x0], $0xffff  }
0x1a0: {  	v43 =	vld.idx.msk [tilespmem:v58+s13+$0x0], $0xffff;
	v55 =	vor.u32 v24, v34;
	v56 =	vmul.f32 v57, v44;
	v35 =	vadd.f32 v52, v35  }
0x1a1: {  	v58 =	vor.u32 v25, v33;
	v57 =	vld.idx.msk [tilespmem:v59+s15+$0x0], $0xffff  }
0x1a2: {  	v45 =	vld.idx.msk [tilespmem:v62+s13+$0x0], $0xffff;
	v59 =	vor.u32 v25, v34;
	v60 =	vmul.f32 v61, v40;
	v35 =	vadd.f32 v56, v35  }
0x1a3: {  	v62 =	vor.u32 v26, v33;
	v61 =	vld.idx.msk [tilespmem:v63+s15+$0x0], $0xffff  }
0x1a4: {  	v42 =	vld.idx.msk [tilespmem:v54+s13+$0x0], $0xffff;
	v63 =	vor.u32 v26, v34;
	v52 =	vmul.f32 v53, v41;
	v35 =	vadd.f32 v60, v35  }
0x1a5: {  	v54 =	vor.u32 v27, v33;
	v53 =	vld.idx.msk [tilespmem:v55+s15+$0x0], $0xffff  }
0x1a6: {  	v44 =	vld.idx.msk [tilespmem:v58+s13+$0x0], $0xffff;
	v55 =	vor.u32 v27, v34;
	v56 =	vmul.f32 v57, v43;
	v35 =	vadd.f32 v52, v35  }
0x1a7: {  	v58 =	vor.u32 v29, v33;
	v57 =	vld.idx.msk [tilespmem:v59+s15+$0x0], $0xffff  }
0x1a8: {  	v40 =	vld.idx.msk [tilespmem:v62+s13+$0x0], $0xffff;
	v59 =	vor.u32 v29, v34;
	v60 =	vmul.f32 v61, v45;
	v35 =	vadd.f32 v56, v35  }
0x1a9: {  	v62 =	vor.u32 v30, v33;
	v61 =	vld.idx.msk [tilespmem:v63+s15+$0x0], $0xffff  }
0x1aa: {  	v41 =	vld.idx.msk [tilespmem:v54+s13+$0x0], $0xffff;
	v63 =	vor.u32 v30, v34;
	v49 =	vmul.f32 v53, v42;
	v35 =	vadd.f32 v60, v35  }
0x1ab: {  	v51 =	vor.u32 v31, v33;
	v50 =	vld.idx.msk [tilespmem:v55+s15+$0x0], $0xffff  }
0x1ac: {  	v43 =	vld.idx.msk [tilespmem:v58+s13+$0x0], $0xffff;
	v52 =	vor.u32 v31, v34;
	v53 =	vmul.f32 v57, v44;
	v35 =	vadd.f32 v49, v35  }
0x1ad: {  	v33 =	vor.u32 v32, v33;
	v54 =	vld.idx.msk [tilespmem:v59+s15+$0x0], $0xffff  }
0x1ae: {  	v55 =	vld.idx.msk [tilespmem:v62+s13+$0x0], $0xffff;
	v34 =	vor.u32 v32, v34;
	v56 =	vmul.f32 v61, v40;
	v35 =	vadd.f32 v53, v35  }
0x1af: {  	v57 =	vld.idx.msk [tilespmem:v63+s15+$0x0], $0xffff  }
0x1b0: {  	v58 =	vld.idx.msk [tilespmem:v51+s13+$0x0], $0xffff;
	v59 =	vmul.f32 v50, v41;
	v35 =	vadd.f32 v56, v35  }
0x1b1: {  	v60 =	vld.idx.msk [tilespmem:v52+s15+$0x0], $0xffff  }
0x1b2: {  	v33 =	vld.idx.msk [tilespmem:v33+s13+$0x0], $0xffff;
	v61 =	vmul.f32 v54, v43;
	v35 =	vadd.f32 v59, v35  }
0x1b3: {  	v34 =	vld.idx.msk [tilespmem:v34+s15+$0x0], $0xffff  }
0x1b4: {  	v62 =	vmul.f32 v57, v55;
	v35 =	vadd.f32 v61, v35;
	_ =	sdelay $0x1  }
0x1b5: {  	v63 =	vmul.f32 v60, v58;
	v35 =	vadd.f32 v62, v35;
	_ =	sdelay $0x1  }
0x1b6: {  	v33 =	vmul.f32 v34, v33;
	v35 =	vadd.f32 v63, v35;
	_ =	sdelay $0x1  }
0x1b7: {  	v33 =	vadd.f32 v33, v35  }
0x1b8: {  	s24 =	simm.s32 $0x10700  }
0x1b9: {  	s25 =	simm.s32 $0x110;
	[tilespmem:s24+$0x0] =	vst v33  }
0x1ba: {  	s26 =	simm.s32 $0x310;
	v33 =	vld [tilespmem:s25+$0x0]  }
0x1bb: {  	s28 =	simm.s32 $0x10;
	s29 =	simm.s32 $0x20;
	v34 =	vld [tilespmem:s26+$0x0]  }
.LBB2_8:
0x1bc: {  	p0 =	sne.s32 s29, $0xF0;
	_ =	sdelay $0x1  }
0x1bd: {  	v35 =	vmov s28;
	s28 =	smov.u32 s29  }
0x1be: {  	v35 =	vshll.u32 v35, $0x7;
	v33 =	vshll.u32 v33, $0x5  }
0x1bf: {  	v35 =	vor.u32 v1, v35;
	v33 =	vand.u32 $0x60, v33;
	v34 =	vshll.u32 v34, $0x5  }
0x1c0: {  	v34 =	vand.u32 $0x60, v34;
	v33 =	vor.u32 v35, v33  }
0x1c1: {  	v36 =	vor.u32 v0, v33;
	v34 =	vor.u32 v35, v34  }
0x1c2: {  	v35 =	vor.u32 v0, v34  }
0x1c3: {  	v37 =	vor.u32 v2, v33  }
0x1c4: {  	v38 =	vor.u32 v2, v34  }
0x1c5: {  	v39 =	vor.u32 v3, v33  }
0x1c6: {  	v40 =	vor.u32 v3, v34;
	v36 =	vld.idx.msk [tilespmem:v36+s13+$0x0], $0xffff  }
0x1c7: {  	v41 =	vor.u32 v4, v33;
	v35 =	vld.idx.msk [tilespmem:v35+s15+$0x0], $0xffff  }
0x1c8: {  	v42 =	vor.u32 v4, v34;
	v37 =	vld.idx.msk [tilespmem:v37+s13+$0x0], $0xffff  }
0x1c9: {  	v43 =	vor.u32 v5, v33;
	v38 =	vld.idx.msk [tilespmem:v38+s15+$0x0], $0xffff  }
0x1ca: {  	v44 =	vor.u32 v5, v34;
	v39 =	vld.idx.msk [tilespmem:v39+s13+$0x0], $0xffff  }
0x1cb: {  	v45 =	vor.u32 v6, v33;
	v40 =	vld.idx.msk [tilespmem:v40+s15+$0x0], $0xffff  }
0x1cc: {  	v46 =	vor.u32 v6, v34;
	v41 =	vld.idx.msk [tilespmem:v41+s13+$0x0], $0xffff  }
0x1cd: {  	v35 =	vmul.f32 v35, v36;
	v36 =	vld.idx.msk [tilespmem:v42+s15+$0x0], $0xffff;
	v42 =	vor.u32 v7, v33  }
0x1ce: {  	v47 =	vor.u32 v7, v34;
	v43 =	vld.idx.msk [tilespmem:v43+s13+$0x0], $0xffff  }
0x1cf: {  	v35 =	vadd.f32 $0.0e+00, v35;
	v37 =	vmul.f32 v38, v37;
	v38 =	vld.idx.msk [tilespmem:v44+s15+$0x0], $0xffff;
	v44 =	vor.u32 v8, v33  }
0x1d0: {  	v48 =	vor.u32 v8, v34;
	v45 =	vld.idx.msk [tilespmem:v45+s13+$0x0], $0xffff  }
0x1d1: {  	v35 =	vadd.f32 v37, v35;
	v37 =	vmul.f32 v40, v39;
	v40 =	vor.u32 v9, v33;
	v39 =	vld.idx.msk [tilespmem:v46+s15+$0x0], $0xffff  }
0x1d2: {  	v46 =	vor.u32 v9, v34;
	v42 =	vld.idx.msk [tilespmem:v42+s13+$0x0], $0xffff  }
0x1d3: {  	v35 =	vadd.f32 v37, v35;
	v36 =	vmul.f32 v36, v41;
	v41 =	vor.u32 v10, v33;
	v37 =	vld.idx.msk [tilespmem:v47+s15+$0x0], $0xffff  }
0x1d4: {  	v47 =	vor.u32 v10, v34;
	v44 =	vld.idx.msk [tilespmem:v44+s13+$0x0], $0xffff  }
0x1d5: {  	v35 =	vadd.f32 v36, v35;
	v36 =	vmul.f32 v38, v43;
	v43 =	vor.u32 v11, v33;
	v38 =	vld.idx.msk [tilespmem:v48+s15+$0x0], $0xffff  }
0x1d6: {  	v48 =	vor.u32 v11, v34;
	v40 =	vld.idx.msk [tilespmem:v40+s13+$0x0], $0xffff  }
0x1d7: {  	v35 =	vadd.f32 v36, v35;
	v36 =	vmul.f32 v39, v45;
	v45 =	vor.u32 v12, v33;
	v39 =	vld.idx.msk [tilespmem:v46+s15+$0x0], $0xffff  }
0x1d8: {  	v46 =	vor.u32 v12, v34;
	v41 =	vld.idx.msk [tilespmem:v41+s13+$0x0], $0xffff  }
0x1d9: {  	v35 =	vadd.f32 v36, v35;
	v36 =	vmul.f32 v37, v42;
	v42 =	vor.u32 v13, v33;
	v37 =	vld.idx.msk [tilespmem:v47+s15+$0x0], $0xffff  }
0x1da: {  	v47 =	vor.u32 v13, v34;
	v43 =	vld.idx.msk [tilespmem:v43+s13+$0x0], $0xffff  }
0x1db: {  	v35 =	vadd.f32 v36, v35;
	v36 =	vmul.f32 v38, v44;
	v44 =	vor.u32 v14, v33;
	v38 =	vld.idx.msk [tilespmem:v48+s15+$0x0], $0xffff  }
0x1dc: {  	v48 =	vor.u32 v14, v34;
	v45 =	vld.idx.msk [tilespmem:v45+s13+$0x0], $0xffff  }
0x1dd: {  	v35 =	vadd.f32 v36, v35;
	v36 =	vmul.f32 v39, v40;
	v40 =	vor.u32 v15, v33;
	v39 =	vld.idx.msk [tilespmem:v46+s15+$0x0], $0xffff  }
0x1de: {  	v46 =	vor.u32 v15, v34;
	v42 =	vld.idx.msk [tilespmem:v42+s13+$0x0], $0xffff  }
0x1df: {  	v35 =	vadd.f32 v36, v35;
	v36 =	vmul.f32 v37, v41;
	v41 =	vor.u32 v16, v33;
	v37 =	vld.idx.msk [tilespmem:v47+s15+$0x0], $0xffff  }
0x1e0: {  	v47 =	vor.u32 v16, v34;
	v44 =	vld.idx.msk [tilespmem:v44+s13+$0x0], $0xffff  }
0x1e1: {  	v35 =	vadd.f32 v36, v35;
	v36 =	vmul.f32 v38, v43;
	v43 =	vor.u32 v28, v33;
	v38 =	vld.idx.msk [tilespmem:v48+s15+$0x0], $0xffff  }
0x1e2: {  	v48 =	vor.u32 v28, v34;
	v40 =	vld.idx.msk [tilespmem:v40+s13+$0x0], $0xffff  }
0x1e3: {  	v35 =	vadd.f32 v36, v35;
	v36 =	vmul.f32 v39, v45;
	v45 =	vor.u32 v17, v33;
	v39 =	vld.idx.msk [tilespmem:v46+s15+$0x0], $0xffff  }
0x1e4: {  	v46 =	vor.u32 v17, v34;
	v41 =	vld.idx.msk [tilespmem:v41+s13+$0x0], $0xffff  }
0x1e5: {  	v35 =	vadd.f32 v36, v35;
	v36 =	vmul.f32 v37, v42;
	v42 =	vor.u32 v19, v33;
	v37 =	vld.idx.msk [tilespmem:v47+s15+$0x0], $0xffff  }
0x1e6: {  	v47 =	vor.u32 v19, v34;
	v43 =	vld.idx.msk [tilespmem:v43+s13+$0x0], $0xffff  }
0x1e7: {  	v35 =	vadd.f32 v36, v35;
	v36 =	vmul.f32 v38, v44;
	v44 =	vor.u32 v20, v33;
	v38 =	vld.idx.msk [tilespmem:v48+s15+$0x0], $0xffff  }
0x1e8: {  	v48 =	vor.u32 v20, v34;
	v45 =	vld.idx.msk [tilespmem:v45+s13+$0x0], $0xffff  }
0x1e9: {  	v35 =	vadd.f32 v36, v35;
	v36 =	vmul.f32 v39, v40;
	v40 =	vor.u32 v18, v33;
	v39 =	vld.idx.msk [tilespmem:v46+s15+$0x0], $0xffff  }
0x1ea: {  	v46 =	vor.u32 v18, v34;
	v42 =	vld.idx.msk [tilespmem:v42+s13+$0x0], $0xffff  }
0x1eb: {  	v35 =	vadd.f32 v36, v35;
	v36 =	vmul.f32 v37, v41;
	v41 =	vor.u32 v21, v33;
	v37 =	vld.idx.msk [tilespmem:v47+s15+$0x0], $0xffff  }
0x1ec: {  	v47 =	vor.u32 v21, v34;
	v44 =	vld.idx.msk [tilespmem:v44+s13+$0x0], $0xffff  }
0x1ed: {  	v35 =	vadd.f32 v36, v35;
	v36 =	vmul.f32 v38, v43;
	v43 =	vor.u32 v22, v33;
	v38 =	vld.idx.msk [tilespmem:v48+s15+$0x0], $0xffff  }
0x1ee: {  	v48 =	vor.u32 v22, v34;
	v40 =	vld.idx.msk [tilespmem:v40+s13+$0x0], $0xffff  }
0x1ef: {  	v35 =	vadd.f32 v36, v35;
	v36 =	vmul.f32 v39, v45;
	v45 =	vor.u32 v23, v33;
	v39 =	vld.idx.msk [tilespmem:v46+s15+$0x0], $0xffff  }
0x1f0: {  	v46 =	vor.u32 v23, v34;
	v41 =	vld.idx.msk [tilespmem:v41+s13+$0x0], $0xffff  }
0x1f1: {  	v35 =	vadd.f32 v36, v35;
	v36 =	vmul.f32 v37, v42;
	v42 =	vor.u32 v24, v33;
	v37 =	vld.idx.msk [tilespmem:v47+s15+$0x0], $0xffff  }
0x1f2: {  	v47 =	vor.u32 v24, v34;
	v43 =	vld.idx.msk [tilespmem:v43+s13+$0x0], $0xffff  }
0x1f3: {  	v35 =	vadd.f32 v36, v35;
	v36 =	vmul.f32 v38, v44;
	v44 =	vor.u32 v25, v33;
	v38 =	vld.idx.msk [tilespmem:v48+s15+$0x0], $0xffff  }
0x1f4: {  	v48 =	vor.u32 v25, v34;
	v45 =	vld.idx.msk [tilespmem:v45+s13+$0x0], $0xffff  }
0x1f5: {  	v35 =	vadd.f32 v36, v35;
	v36 =	vmul.f32 v39, v40;
	v40 =	vor.u32 v26, v33;
	v39 =	vld.idx.msk [tilespmem:v46+s15+$0x0], $0xffff  }
0x1f6: {  	v46 =	vor.u32 v26, v34;
	v42 =	vld.idx.msk [tilespmem:v42+s13+$0x0], $0xffff  }
0x1f7: {  	v35 =	vadd.f32 v36, v35;
	v36 =	vmul.f32 v37, v41;
	v41 =	vor.u32 v27, v33;
	v37 =	vld.idx.msk [tilespmem:v47+s15+$0x0], $0xffff  }
0x1f8: {  	v47 =	vor.u32 v27, v34;
	v44 =	vld.idx.msk [tilespmem:v44+s13+$0x0], $0xffff  }
0x1f9: {  	v35 =	vadd.f32 v36, v35;
	v36 =	vmul.f32 v38, v43;
	v43 =	vor.u32 v29, v33;
	v38 =	vld.idx.msk [tilespmem:v48+s15+$0x0], $0xffff  }
0x1fa: {  	v48 =	vor.u32 v29, v34;
	v40 =	vld.idx.msk [tilespmem:v40+s13+$0x0], $0xffff  }
0x1fb: {  	v35 =	vadd.f32 v36, v35;
	v36 =	vmul.f32 v39, v45;
	v45 =	vor.u32 v30, v33;
	v39 =	vld.idx.msk [tilespmem:v46+s15+$0x0], $0xffff  }
0x1fc: {  	v46 =	vor.u32 v30, v34;
	v41 =	vld.idx.msk [tilespmem:v41+s13+$0x0], $0xffff  }
0x1fd: {  	v35 =	vadd.f32 v36, v35;
	v36 =	vmul.f32 v37, v42;
	v42 =	vor.u32 v31, v33;
	v37 =	vld.idx.msk [tilespmem:v47+s15+$0x0], $0xffff  }
0x1fe: {  	v47 =	vor.u32 v31, v34;
	v43 =	vld.idx.msk [tilespmem:v43+s13+$0x0], $0xffff  }
0x1ff: {  	v33 =	vor.u32 v32, v33;
	v35 =	vadd.f32 v36, v35;
	v36 =	vmul.f32 v38, v44;
	v38 =	vld.idx.msk [tilespmem:v48+s15+$0x0], $0xffff  }
0x200: {  	v34 =	vor.u32 v32, v34;
	v44 =	vld.idx.msk [tilespmem:v45+s13+$0x0], $0xffff  }
0x201: {  	v35 =	vadd.f32 v36, v35;
	v36 =	vmul.f32 v39, v40;
	v39 =	vld.idx.msk [tilespmem:v46+s15+$0x0], $0xffff  }
0x202: {  	v40 =	vld.idx.msk [tilespmem:v42+s13+$0x0], $0xffff  }
0x203: {  	v35 =	vadd.f32 v36, v35;
	v36 =	vmul.f32 v37, v41;
	v37 =	vld.idx.msk [tilespmem:v47+s15+$0x0], $0xffff  }
0x204: {  	v33 =	vld.idx.msk [tilespmem:v33+s13+$0x0], $0xffff  }
0x205: {  	v35 =	vadd.f32 v36, v35;
	v36 =	vmul.f32 v38, v43;
	v34 =	vld.idx.msk [tilespmem:v34+s15+$0x0], $0xffff;
	_ =	sdelay $0x1  }
0x206: {  	v35 =	vadd.f32 v36, v35;
	v36 =	vmul.f32 v39, v44;
	_ =	sdelay $0x1  }
0x207: {  	v35 =	vadd.f32 v36, v35;
	v36 =	vmul.f32 v37, v40;
	_ =	sdelay $0x1  }
0x208: {  	v35 =	vadd.f32 v36, v35;
	v33 =	vmul.f32 v34, v33;
	_ =	sdelay $0x1  }
.Ltmp3:
0x209: {  	v33 =	vadd.f32 v33, v35;
	(pc) =	sbr.rel @p0 .LBB2_8-.Ltmp3, $4  }
0x20a: {  	s24 =	sadd.s32 $0x10, s24  }
0x20b: {  	s25 =	sadd.s32 $0x10, s25;
	[tilespmem:s24+$0x0] =	vst v33  }
0x20c: {  	s26 =	sadd.s32 $0x10, s26;
	v33 =	vld [tilespmem:s25+$0x0]  }
0x20d: {  	s29 =	sadd.s32 $0x10, s29;
	v34 =	vld [tilespmem:s26+$0x0]  }
0x20e: {  	_ =	sdelay $0x1  }
0x20f: {  	v35 =	vmov s28  }
0x210: {  	v35 =	vshll.u32 v35, $0x7;
	v33 =	vshll.u32 v33, $0x5  }
0x211: {  	v35 =	vor.u32 v1, v35;
	v33 =	vand.u32 $0x60, v33;
	v34 =	vshll.u32 v34, $0x5  }
0x212: {  	v34 =	vand.u32 $0x60, v34;
	v33 =	vor.u32 v35, v33  }
0x213: {  	v36 =	vor.u32 v0, v33;
	v34 =	vor.u32 v35, v34  }
0x214: {  	v35 =	vor.u32 v0, v34  }
0x215: {  	v37 =	vor.u32 v2, v33  }
0x216: {  	v38 =	vor.u32 v2, v34  }
0x217: {  	v39 =	vor.u32 v3, v33  }
0x218: {  	v40 =	vor.u32 v3, v34;
	v36 =	vld.idx.msk [tilespmem:v36+s13+$0x0], $0xffff  }
0x219: {  	v41 =	vor.u32 v4, v33;
	v35 =	vld.idx.msk [tilespmem:v35+s15+$0x0], $0xffff  }
0x21a: {  	v42 =	vor.u32 v4, v34;
	v37 =	vld.idx.msk [tilespmem:v37+s13+$0x0], $0xffff  }
0x21b: {  	v43 =	vor.u32 v5, v33;
	v38 =	vld.idx.msk [tilespmem:v38+s15+$0x0], $0xffff  }
0x21c: {  	v44 =	vor.u32 v5, v34;
	v39 =	vld.idx.msk [tilespmem:v39+s13+$0x0], $0xffff  }
0x21d: {  	v45 =	vor.u32 v6, v33;
	v40 =	vld.idx.msk [tilespmem:v40+s15+$0x0], $0xffff  }
0x21e: {  	v46 =	vor.u32 v6, v34;
	v41 =	vld.idx.msk [tilespmem:v41+s13+$0x0], $0xffff;
	v35 =	vmul.f32 v35, v36  }
0x21f: {  	v59 =	vor.u32 v7, v33;
	v58 =	vld.idx.msk [tilespmem:v42+s15+$0x0], $0xffff  }
0x220: {  	v47 =	vor.u32 v7, v34;
	v43 =	vld.idx.msk [tilespmem:v43+s13+$0x0], $0xffff;
	v37 =	vmul.f32 v38, v37;
	v35 =	vadd.f32 $0.0e+00, v35  }
0x221: {  	v61 =	vor.u32 v8, v33;
	v60 =	vld.idx.msk [tilespmem:v44+s15+$0x0], $0xffff  }
0x222: {  	v48 =	vor.u32 v8, v34;
	v45 =	vld.idx.msk [tilespmem:v45+s13+$0x0], $0xffff;
	v62 =	vmul.f32 v40, v39;
	v35 =	vadd.f32 v37, v35  }
0x223: {  	v52 =	vor.u32 v9, v34;
	v63 =	vld.idx.msk [tilespmem:v46+s15+$0x0], $0xffff  }
0x224: {  	v51 =	vor.u32 v9, v33;
	v42 =	vld.idx.msk [tilespmem:v59+s13+$0x0], $0xffff;
	v36 =	vmul.f32 v58, v41;
	v35 =	vadd.f32 v62, v35  }
0x225: {  	v54 =	vor.u32 v10, v33;
	v53 =	vld.idx.msk [tilespmem:v47+s15+$0x0], $0xffff  }
0x226: {  	v55 =	vor.u32 v10, v34;
	v44 =	vld.idx.msk [tilespmem:v61+s13+$0x0], $0xffff;
	v56 =	vmul.f32 v60, v43;
	v35 =	vadd.f32 v36, v35  }
0x227: {  	v57 =	vld.idx.msk [tilespmem:v48+s15+$0x0], $0xffff;
	v58 =	vor.u32 v11, v33  }
0x228: {  	v59 =	vor.u32 v11, v34;
	v61 =	vld.idx.msk [tilespmem:v52+s15+$0x0], $0xffff;
	v60 =	vmul.f32 v63, v45;
	v35 =	vadd.f32 v56, v35  }
0x229: {  	v40 =	vld.idx.msk [tilespmem:v51+s13+$0x0], $0xffff;
	v62 =	vor.u32 v12, v33  }
0x22a: {  	v41 =	vld.idx.msk [tilespmem:v54+s13+$0x0], $0xffff;
	v63 =	vor.u32 v12, v34;
	v52 =	vmul.f32 v53, v42;
	v35 =	vadd.f32 v60, v35  }
0x22b: {  	v53 =	vld.idx.msk [tilespmem:v55+s15+$0x0], $0xffff;
	v54 =	vor.u32 v13, v33  }
0x22c: {  	v55 =	vor.u32 v13, v34;
	v43 =	vld.idx.msk [tilespmem:v58+s13+$0x0], $0xffff;
	v56 =	vmul.f32 v57, v44;
	v35 =	vadd.f32 v52, v35  }
0x22d: {  	v58 =	vor.u32 v14, v33;
	v57 =	vld.idx.msk [tilespmem:v59+s15+$0x0], $0xffff  }
0x22e: {  	v59 =	vor.u32 v14, v34;
	v45 =	vld.idx.msk [tilespmem:v62+s13+$0x0], $0xffff;
	v60 =	vmul.f32 v61, v40;
	v35 =	vadd.f32 v56, v35  }
0x22f: {  	v62 =	vor.u32 v15, v33;
	v61 =	vld.idx.msk [tilespmem:v63+s15+$0x0], $0xffff  }
0x230: {  	v42 =	vld.idx.msk [tilespmem:v54+s13+$0x0], $0xffff;
	v63 =	vor.u32 v15, v34;
	v52 =	vmul.f32 v53, v41;
	v35 =	vadd.f32 v60, v35  }
0x231: {  	v54 =	vor.u32 v16, v33;
	v53 =	vld.idx.msk [tilespmem:v55+s15+$0x0], $0xffff  }
0x232: {  	v44 =	vld.idx.msk [tilespmem:v58+s13+$0x0], $0xffff;
	v55 =	vor.u32 v16, v34;
	v56 =	vmul.f32 v57, v43;
	v35 =	vadd.f32 v52, v35  }
0x233: {  	v58 =	vor.u32 v28, v33;
	v57 =	vld.idx.msk [tilespmem:v59+s15+$0x0], $0xffff  }
0x234: {  	v40 =	vld.idx.msk [tilespmem:v62+s13+$0x0], $0xffff;
	v59 =	vor.u32 v28, v34;
	v60 =	vmul.f32 v61, v45;
	v35 =	vadd.f32 v56, v35  }
0x235: {  	v62 =	vor.u32 v17, v33;
	v61 =	vld.idx.msk [tilespmem:v63+s15+$0x0], $0xffff  }
0x236: {  	v41 =	vld.idx.msk [tilespmem:v54+s13+$0x0], $0xffff;
	v63 =	vor.u32 v17, v34;
	v52 =	vmul.f32 v53, v42;
	v35 =	vadd.f32 v60, v35  }
0x237: {  	v54 =	vor.u32 v19, v33;
	v53 =	vld.idx.msk [tilespmem:v55+s15+$0x0], $0xffff  }
0x238: {  	v43 =	vld.idx.msk [tilespmem:v58+s13+$0x0], $0xffff;
	v55 =	vor.u32 v19, v34;
	v56 =	vmul.f32 v57, v44;
	v35 =	vadd.f32 v52, v35  }
0x239: {  	v58 =	vor.u32 v20, v33;
	v57 =	vld.idx.msk [tilespmem:v59+s15+$0x0], $0xffff  }
0x23a: {  	v45 =	vld.idx.msk [tilespmem:v62+s13+$0x0], $0xffff;
	v59 =	vor.u32 v20, v34;
	v60 =	vmul.f32 v61, v40;
	v35 =	vadd.f32 v56, v35  }
0x23b: {  	v62 =	vor.u32 v18, v33;
	v61 =	vld.idx.msk [tilespmem:v63+s15+$0x0], $0xffff  }
0x23c: {  	v42 =	vld.idx.msk [tilespmem:v54+s13+$0x0], $0xffff;
	v63 =	vor.u32 v18, v34;
	v52 =	vmul.f32 v53, v41;
	v35 =	vadd.f32 v60, v35  }
0x23d: {  	v54 =	vor.u32 v21, v33;
	v53 =	vld.idx.msk [tilespmem:v55+s15+$0x0], $0xffff  }
0x23e: {  	v44 =	vld.idx.msk [tilespmem:v58+s13+$0x0], $0xffff;
	v55 =	vor.u32 v21, v34;
	v56 =	vmul.f32 v57, v43;
	v35 =	vadd.f32 v52, v35  }
0x23f: {  	v58 =	vor.u32 v22, v33;
	v57 =	vld.idx.msk [tilespmem:v59+s15+$0x0], $0xffff  }
0x240: {  	v40 =	vld.idx.msk [tilespmem:v62+s13+$0x0], $0xffff;
	v59 =	vor.u32 v22, v34;
	v60 =	vmul.f32 v61, v45;
	v35 =	vadd.f32 v56, v35  }
0x241: {  	v62 =	vor.u32 v23, v33;
	v61 =	vld.idx.msk [tilespmem:v63+s15+$0x0], $0xffff  }
0x242: {  	v41 =	vld.idx.msk [tilespmem:v54+s13+$0x0], $0xffff;
	v63 =	vor.u32 v23, v34;
	v52 =	vmul.f32 v53, v42;
	v35 =	vadd.f32 v60, v35  }
0x243: {  	v54 =	vor.u32 v24, v33;
	v53 =	vld.idx.msk [tilespmem:v55+s15+$0x0], $0xffff  }
0x244: {  	v43 =	vld.idx.msk [tilespmem:v58+s13+$0x0], $0xffff;
	v55 =	vor.u32 v24, v34;
	v56 =	vmul.f32 v57, v44;
	v35 =	vadd.f32 v52, v35  }
0x245: {  	v58 =	vor.u32 v25, v33;
	v57 =	vld.idx.msk [tilespmem:v59+s15+$0x0], $0xffff  }
0x246: {  	v45 =	vld.idx.msk [tilespmem:v62+s13+$0x0], $0xffff;
	v59 =	vor.u32 v25, v34;
	v60 =	vmul.f32 v61, v40;
	v35 =	vadd.f32 v56, v35  }
0x247: {  	v62 =	vor.u32 v26, v33;
	v61 =	vld.idx.msk [tilespmem:v63+s15+$0x0], $0xffff  }
0x248: {  	v42 =	vld.idx.msk [tilespmem:v54+s13+$0x0], $0xffff;
	v63 =	vor.u32 v26, v34;
	v52 =	vmul.f32 v53, v41;
	v35 =	vadd.f32 v60, v35  }
0x249: {  	v54 =	vor.u32 v27, v33;
	v53 =	vld.idx.msk [tilespmem:v55+s15+$0x0], $0xffff  }
0x24a: {  	v44 =	vld.idx.msk [tilespmem:v58+s13+$0x0], $0xffff;
	v55 =	vor.u32 v27, v34;
	v56 =	vmul.f32 v57, v43;
	v35 =	vadd.f32 v52, v35  }
0x24b: {  	v58 =	vor.u32 v29, v33;
	v57 =	vld.idx.msk [tilespmem:v59+s15+$0x0], $0xffff  }
0x24c: {  	v40 =	vld.idx.msk [tilespmem:v62+s13+$0x0], $0xffff;
	v59 =	vor.u32 v29, v34;
	v60 =	vmul.f32 v61, v45;
	v35 =	vadd.f32 v56, v35  }
0x24d: {  	v62 =	vor.u32 v30, v33;
	v61 =	vld.idx.msk [tilespmem:v63+s15+$0x0], $0xffff  }
0x24e: {  	v41 =	vld.idx.msk [tilespmem:v54+s13+$0x0], $0xffff;
	v63 =	vor.u32 v30, v34;
	v49 =	vmul.f32 v53, v42;
	v35 =	vadd.f32 v60, v35  }
0x24f: {  	v51 =	vor.u32 v31, v33;
	v50 =	vld.idx.msk [tilespmem:v55+s15+$0x0], $0xffff  }
0x250: {  	v43 =	vld.idx.msk [tilespmem:v58+s13+$0x0], $0xffff;
	v52 =	vor.u32 v31, v34;
	v53 =	vmul.f32 v57, v44;
	v35 =	vadd.f32 v49, v35  }
0x251: {  	v33 =	vor.u32 v32, v33;
	v54 =	vld.idx.msk [tilespmem:v59+s15+$0x0], $0xffff  }
0x252: {  	v55 =	vld.idx.msk [tilespmem:v62+s13+$0x0], $0xffff;
	v34 =	vor.u32 v32, v34;
	v56 =	vmul.f32 v61, v40;
	v35 =	vadd.f32 v53, v35  }
0x253: {  	v57 =	vld.idx.msk [tilespmem:v63+s15+$0x0], $0xffff  }
0x254: {  	v58 =	vld.idx.msk [tilespmem:v51+s13+$0x0], $0xffff;
	v59 =	vmul.f32 v50, v41;
	v35 =	vadd.f32 v56, v35  }
0x255: {  	v60 =	vld.idx.msk [tilespmem:v52+s15+$0x0], $0xffff  }
0x256: {  	v33 =	vld.idx.msk [tilespmem:v33+s13+$0x0], $0xffff;
	v61 =	vmul.f32 v54, v43;
	v35 =	vadd.f32 v59, v35  }
0x257: {  	v34 =	vld.idx.msk [tilespmem:v34+s15+$0x0], $0xffff  }
0x258: {  	v62 =	vmul.f32 v57, v55;
	v35 =	vadd.f32 v61, v35;
	_ =	sdelay $0x1  }
0x259: {  	v63 =	vmul.f32 v60, v58;
	v35 =	vadd.f32 v62, v35;
	_ =	sdelay $0x1  }
0x25a: {  	v33 =	vmul.f32 v34, v33;
	v35 =	vadd.f32 v63, v35;
	_ =	sdelay $0x1  }
0x25b: {  	s23 =	sadd.s32 $0x1, s23;
	v33 =	vadd.f32 v33, v35  }
0x25c: {  	s24 =	sadd.s32 $0x10, s24;
	p0 =	sne.s32 s23, s8  }
.Ltmp4:
0x25d: {  	[tilespmem:s24+$0x0] =	vst v33;
	(pc) =	sbr.rel @p0 .LBB2_1-.Ltmp4, $4  }
0x25e: {  	[hbm4b:s7+s2] =	stream.linear.scatter [tilespmem:s22], [sflag:$0x3], $0x200, $0x38;
	[tilespmem:$0x10800] =	vst v63  }
0x25f: {  	_ =	swait.ge [sflag:s9], $0x200  }
0x260: {  	[sflag:s9] =	ssyncset.done $0x0  }
0x261: {  	[sflag:s9] =	ssyncadd.s32 $0xFFFFFE00  }
0x262: {  	_ =	sfence.sel $0x180000  }
0x263: {  	[bflag:$0x0] =	sbarrier.arrive $0xFFFF  }
0x264: {  	p0 =	sne.s32 s1, $0x0;
	_ =	strace $0x9000004A  }
0x265: {  	s0 =	sadd.s32 @!p0 $0x100000, s0;
	[bflag:$0x2] =	sbarrier.arrive $0xFFFF  }
0x266: {  	[sflag:s0] =	ssyncadd.tile.s32 @!p0 $0x1;
	_ =	shalt  }
.Lfunc_end2:
_tile_overlayer_lowered:
.L_overlay_start_2:
0x267: {  	(tag) =	ssettag $0x2  }
0x268: {  	s0 =	rddreg [dreg:$0x0];
	s2 =	stileid.u32  }
0x269: {  	s1 =	rddreg [dreg:$0x1];
	p0 =	sne.s32 s2, $0x0  }
0x26a: {  	s3 =	rddreg [dreg:$0x2];
	[bflag:$0x3] =	sbarrier.arrive $0xFFFF;
	s2 =	simm.s32 @!p0 $0x1C03  }
0x26b: {  	[timem:s3], [sflag:s2] =	dma.local @!p0 [hbm:s0], s1  }
0x26c: {  	s0 =	simm.s32 @!p0 $0x3  }
0x26d: {  	_ =	swait.ge @!p0 [sflag:s0], s1  }
0x26e: {  	s1 =	ssub.s32 @!p0 $0x0, s1;
	[sflag:s0] =	ssyncset.done @!p0 $0x0  }
0x26f: {  	[sflag:s0] =	ssyncadd.s32 @!p0 s1  }
0x270: {  	[bflag:$0x3] =	sbarrier.arrive $0xFFFF  }
0x271: {  	_ =	shalt  }

</sc_bundles>
